<compile_context>
chip_gen: v7x
topology: tpu7x:2x2x1
jax: 0.10.2.dev20260603
libtpu: 0.0.44.dev20260713+nightly
codegen_flags: <defaults>
</compile_context>

<pallas_src>
import jax
import jax.numpy as jnp
from jax import lax
from jax.experimental import pallas as pl
from jax.experimental.pallas import tpu as pltpu
from jax.experimental.pallas import tpu_sc as plsc

N = 10000
E = 320000
D_IN = 256
D_H = 256
D_OUT = 64

NC = 2
NS = 16
CH = 64
DCH = 64

NPAD = 10240
HALF = NPAD // NC
DUMP = HALF
ACC_ROWS = HALF + 128
ROWS_PER_TILE = HALF // NS
ZROWS_PER_TILE = ACC_ROWS // NS

EPAD = 321536
CHUNKS_PER_TILE = EPAD // (NS * CH)
PAIRS_PER_TILE = CHUNKS_PER_TILE // 2
DCHUNKS_PER_TILE = EPAD // (NS * DCH)
DPAIRS_PER_TILE = DCHUNKS_PER_TILE // 2


def _zero_rows(buf, nrows, width):
  zero16 = jnp.zeros((16,), jnp.float32)
  def zrow(i, _):
    for j in range(width // 16):
      buf[i, pl.ds(j * 16, 16)] = zero16
    return 0
  lax.fori_loop(0, nrows, zrow, 0)


def _zero_acc_slice(zbuf, nrows, acc_s, zbase):
  full, rem = ZROWS_PER_TILE // nrows, ZROWS_PER_TILE % nrows
  for k in range(full):
    pltpu.sync_copy(zbuf, acc_s.at[pl.ds(zbase + k * nrows, nrows)])
  if rem:
    pltpu.sync_copy(zbuf.at[pl.ds(0, rem)],
                    acc_s.at[pl.ds(zbase + full * nrows, rem)])


def _lidx_from_dst(dst_v, lidx_v, node_base, dump, n):
  for j in range(n // 16):
    dd = dst_v[pl.ds(j * 16, 16)]
    inr = (dd >= node_base) & (dd < node_base + HALF)
    lidx_v[pl.ds(j * 16, 16)] = jnp.where(inr, dd - node_base, dump)


def _agg_body(pl_hbm, pr_hbm, src_hbm, dst_hbm, al_hbm, ar_hbm,
              src0, dst0, lidx0, src1, dst1, lidx1,
              rl0, rr0, rl1, rr1, accl_s, accr_s,
              gl0, gr0, gl1, gr1, sl0, sr0, sl1, sr1, isS, isD):
  cid = lax.axis_index("c")
  sid = lax.axis_index("s")
  node_base = cid * HALF
  dump = DUMP + sid

  _zero_rows(rl0, CH, 128)
  zbase = sid * ZROWS_PER_TILE
  _zero_acc_slice(rl0, CH, accl_s, zbase)
  _zero_acc_slice(rl0, CH, accr_s, zbase)
  plsc.subcore_barrier()

  ebase = sid * CHUNKS_PER_TILE * CH

  def load_idx(g, sv, dv):
    eb = ebase + g * CH
    pltpu.async_copy(src_hbm.at[pl.ds(eb, CH)], sv, isS)
    pltpu.async_copy(dst_hbm.at[pl.ds(eb, CH)], dv, isD)

  def wait_idx(sv, dv):
    pltpu.make_async_copy(src_hbm.at[pl.ds(0, CH)], sv, isS).wait()
    pltpu.make_async_copy(dst_hbm.at[pl.ds(0, CH)], dv, isD).wait()

  def fire_gathers(sv, rl, rr, semL, semR):
    pltpu.async_copy(pl_hbm.at[sv], rl, semL)
    pltpu.async_copy(pr_hbm.at[sv], rr, semR)

  def wait_gathers(rl, rr, semL, semR):
    pltpu.make_async_copy(pl_hbm.at[pl.ds(0, CH)], rl, semL).wait()
    pltpu.make_async_copy(pr_hbm.at[pl.ds(0, CH)], rr, semR).wait()

  def fire_scatters(rl, rr, lidx, semL, semR):
    pltpu.async_copy(rl, accl_s.at[lidx], semL, add=True)
    pltpu.async_copy(rr, accr_s.at[lidx], semR, add=True)

  def wait_scatters(rl, rr, semL, semR):
    pltpu.make_async_copy(pl_hbm.at[pl.ds(0, CH)], rl, semL).wait()
    pltpu.make_async_copy(pr_hbm.at[pl.ds(0, CH)], rr, semR).wait()

  load_idx(0, src0, dst0)
  wait_idx(src0, dst0)
  _lidx_from_dst(dst0, lidx0, node_base, dump, CH)
  fire_gathers(src0, rl0, rr0, gl0, gr0)

  def pair(g2, _):
    a = 2 * g2
    wait_gathers(rl0, rr0, gl0, gr0)
    fire_scatters(rl0, rr0, lidx0, sl0, sr0)

    @pl.when(g2 > 0)
    def _():
      wait_scatters(rl1, rr1, sl1, sr1)
    load_idx(a + 1, src1, dst1)
    wait_idx(src1, dst1)
    _lidx_from_dst(dst1, lidx1, node_base, dump, CH)
    fire_gathers(src1, rl1, rr1, gl1, gr1)

    wait_gathers(rl1, rr1, gl1, gr1)
    fire_scatters(rl1, rr1, lidx1, sl1, sr1)

    wait_scatters(rl0, rr0, sl0, sr0)
    @pl.when(g2 < PAIRS_PER_TILE - 1)
    def _():
      load_idx(a + 2, src0, dst0)
      wait_idx(src0, dst0)
      _lidx_from_dst(dst0, lidx0, node_base, dump, CH)
      fire_gathers(src0, rl0, rr0, gl0, gr0)
    return 0
  lax.fori_loop(0, PAIRS_PER_TILE, pair, 0)
  wait_scatters(rl1, rr1, sl1, sr1)
  plsc.subcore_barrier()

  ob = sid * ROWS_PER_TILE
  pltpu.sync_copy(accl_s.at[pl.ds(ob, ROWS_PER_TILE)],
                  al_hbm.at[pl.ds(node_base + ob, ROWS_PER_TILE)])
  pltpu.sync_copy(accr_s.at[pl.ds(ob, ROWS_PER_TILE)],
                  ar_hbm.at[pl.ds(node_base + ob, ROWS_PER_TILE)])


_agg = pl.kernel(
    _agg_body,
    out_type=(jax.ShapeDtypeStruct((NPAD, 128), jnp.float32),
              jax.ShapeDtypeStruct((NPAD, 128), jnp.float32)),
    mesh=plsc.VectorSubcoreMesh(core_axis_name="c", subcore_axis_name="s"),
    scratch_types=[
        pltpu.VMEM((CH,), jnp.int32),
        pltpu.VMEM((CH,), jnp.int32),
        pltpu.VMEM((CH,), jnp.int32),
        pltpu.VMEM((CH,), jnp.int32),
        pltpu.VMEM((CH,), jnp.int32),
        pltpu.VMEM((CH,), jnp.int32),
        pltpu.VMEM((CH, 128), jnp.float32),
        pltpu.VMEM((CH, 128), jnp.float32),
        pltpu.VMEM((CH, 128), jnp.float32),
        pltpu.VMEM((CH, 128), jnp.float32),
        pltpu.VMEM_SHARED((ACC_ROWS, 128), jnp.float32),
        pltpu.VMEM_SHARED((ACC_ROWS, 128), jnp.float32),
        pltpu.SemaphoreType.DMA,
        pltpu.SemaphoreType.DMA,
        pltpu.SemaphoreType.DMA,
        pltpu.SemaphoreType.DMA,
        pltpu.SemaphoreType.DMA,
        pltpu.SemaphoreType.DMA,
        pltpu.SemaphoreType.DMA,
        pltpu.SemaphoreType.DMA,
        pltpu.SemaphoreType.DMA,
        pltpu.SemaphoreType.DMA,
    ])


def _deg_body(dst_hbm, deg_hbm, dst0, dst1, lidx0, lidx1, ones_v, dacc_s,
              isD, ss0, ss1):
  cid = lax.axis_index("c")
  sid = lax.axis_index("s")
  node_base = cid * HALF
  dump = DUMP + sid

  _zero_rows(ones_v, DCH, 128)
  zbase = sid * ZROWS_PER_TILE
  _zero_acc_slice(ones_v, DCH, dacc_s, zbase)
  ones16 = jnp.ones((16,), jnp.float32)
  def orow(i, _):
    for j in range(8):
      ones_v[i, pl.ds(j * 16, 16)] = ones16
    return 0
  lax.fori_loop(0, DCH, orow, 0)
  plsc.subcore_barrier()

  ebase = sid * DCHUNKS_PER_TILE * DCH

  def load_idx(g, dv):
    pltpu.async_copy(dst_hbm.at[pl.ds(ebase + g * DCH, DCH)], dv, isD)

  def wait_idx(dv):
    pltpu.make_async_copy(dst_hbm.at[pl.ds(0, DCH)], dv, isD).wait()

  def fire_scatter(lidx, sem):
    pltpu.async_copy(ones_v, dacc_s.at[lidx], sem, add=True)

  def wait_scatter(sem):
    pltpu.make_async_copy(deg_hbm.at[pl.ds(0, DCH)], ones_v, sem).wait()

  load_idx(0, dst0)
  wait_idx(dst0)
  _lidx_from_dst(dst0, lidx0, node_base, dump, DCH)

  def pair(g2, _):
    a = 2 * g2
    fire_scatter(lidx0, ss0)
    @pl.when(g2 > 0)
    def _():
      wait_scatter(ss1)
    load_idx(a + 1, dst1)
    wait_idx(dst1)
    _lidx_from_dst(dst1, lidx1, node_base, dump, DCH)
    fire_scatter(lidx1, ss1)
    wait_scatter(ss0)
    @pl.when(g2 < DPAIRS_PER_TILE - 1)
    def _():
      load_idx(a + 2, dst0)
      wait_idx(dst0)
      _lidx_from_dst(dst0, lidx0, node_base, dump, DCH)
    return 0
  lax.fori_loop(0, DPAIRS_PER_TILE, pair, 0)
  wait_scatter(ss1)
  plsc.subcore_barrier()

  ob = sid * ROWS_PER_TILE
  pltpu.sync_copy(dacc_s.at[pl.ds(ob, ROWS_PER_TILE)],
                  deg_hbm.at[pl.ds(node_base + ob, ROWS_PER_TILE)])


_deg_sc = pl.kernel(
    _deg_body,
    out_type=(jax.ShapeDtypeStruct((NPAD, 128), jnp.float32),),
    mesh=plsc.VectorSubcoreMesh(core_axis_name="c", subcore_axis_name="s"),
    scratch_types=[
        pltpu.VMEM((DCH,), jnp.int32),
        pltpu.VMEM((DCH,), jnp.int32),
        pltpu.VMEM((DCH,), jnp.int32),
        pltpu.VMEM((DCH,), jnp.int32),
        pltpu.VMEM((DCH, 128), jnp.float32),
        pltpu.VMEM_SHARED((ACC_ROWS, 128), jnp.float32),
        pltpu.SemaphoreType.DMA,
        pltpu.SemaphoreType.DMA,
        pltpu.SemaphoreType.DMA,
    ])


BM = 256


def _proj0_body(x_ref, ws_ref, wn_ref, b_ref, s_ref, pl_ref, pr_ref):
  x = x_ref[...]
  s_ref[...] = jnp.dot(x, ws_ref[...],
                       preferred_element_type=jnp.float32) + b_ref[...]
  p = jnp.dot(x, wn_ref[...], preferred_element_type=jnp.float32)
  pl_ref[...] = p[:, :128]
  pr_ref[...] = p[:, 128:]


def _combine_body(s_ref, al_ref, ar_ref, deg_ref, ws_ref, wn_ref, b_ref,
                  so_ref, pl_ref, pr_ref):
  dinv = 1.0 / jnp.maximum(deg_ref[...], 1.0)
  a = jnp.concatenate([al_ref[...], ar_ref[...]], axis=1)
  h = jnp.maximum(s_ref[...] + a * dinv, 0.0)
  so_ref[...] = jnp.dot(h, ws_ref[...],
                        preferred_element_type=jnp.float32) + b_ref[...]
  p = jnp.dot(h, wn_ref[...], preferred_element_type=jnp.float32)
  pl_ref[...] = p[:, :128]
  pr_ref[...] = p[:, 128:]


def _combine_h_body(s_ref, al_ref, ar_ref, deg_ref, ws_ref, b_ref,
                    so_ref, hl_ref, hr_ref):
  dinv = 1.0 / jnp.maximum(deg_ref[...], 1.0)
  a = jnp.concatenate([al_ref[...], ar_ref[...]], axis=1)
  h = jnp.maximum(s_ref[...] + a * dinv, 0.0)
  so_ref[...] = jnp.dot(h, ws_ref[...],
                        preferred_element_type=jnp.float32) + b_ref[...]
  hl_ref[...] = h[:, :128]
  hr_ref[...] = h[:, 128:]


def _final_body(s_ref, al_ref, ar_ref, deg_ref, wn_ref, o_ref):
  dinv = 1.0 / jnp.maximum(deg_ref[...], 1.0)
  a = jnp.concatenate([al_ref[...], ar_ref[...]], axis=1)
  o_ref[...] = s_ref[...] + jnp.dot(a * dinv, wn_ref[...],
                                    preferred_element_type=jnp.float32)


def _row_spec(w):
  return pl.BlockSpec((BM, w), lambda i: (i, 0))


def _full_specs(shapes):
  return [pl.BlockSpec(s, lambda i: (0, 0)) for s in shapes]


def _proj0(x, ws, wn, b):
  return pl.pallas_call(
      _proj0_body,
      grid=(NPAD // BM,),
      in_specs=[_row_spec(D_IN)] + _full_specs([(D_IN, D_H), (D_IN, D_H),
                                                (1, D_H)]),
      out_specs=[_row_spec(D_H), _row_spec(128), _row_spec(128)],
      out_shape=[jax.ShapeDtypeStruct((NPAD, D_H), jnp.float32),
                 jax.ShapeDtypeStruct((NPAD, 128), jnp.float32),
                 jax.ShapeDtypeStruct((NPAD, 128), jnp.float32)],
  )(x, ws, wn, b.reshape(1, -1))


def _combine(s, al, ar, deg, ws, wn, b):
  return pl.pallas_call(
      _combine_body,
      grid=(NPAD // BM,),
      in_specs=[_row_spec(D_H), _row_spec(128), _row_spec(128),
                _row_spec(1)] +
               _full_specs([(D_H, D_H), (D_H, D_H), (1, D_H)]),
      out_specs=[_row_spec(D_H), _row_spec(128), _row_spec(128)],
      out_shape=[jax.ShapeDtypeStruct((NPAD, D_H), jnp.float32),
                 jax.ShapeDtypeStruct((NPAD, 128), jnp.float32),
                 jax.ShapeDtypeStruct((NPAD, 128), jnp.float32)],
  )(s, al, ar, deg, ws, wn, b.reshape(1, -1))


def _combine_h(s, al, ar, deg, ws, b):
  return pl.pallas_call(
      _combine_h_body,
      grid=(NPAD // BM,),
      in_specs=[_row_spec(D_H), _row_spec(128), _row_spec(128),
                _row_spec(1)] +
               _full_specs([(D_H, D_OUT), (1, D_OUT)]),
      out_specs=[_row_spec(D_OUT), _row_spec(128), _row_spec(128)],
      out_shape=[jax.ShapeDtypeStruct((NPAD, D_OUT), jnp.float32),
                 jax.ShapeDtypeStruct((NPAD, 128), jnp.float32),
                 jax.ShapeDtypeStruct((NPAD, 128), jnp.float32)],
  )(s, al, ar, deg, ws, b.reshape(1, -1))


def _final(s, al, ar, deg, wn):
  return pl.pallas_call(
      _final_body,
      grid=(NPAD // BM,),
      in_specs=[_row_spec(D_OUT), _row_spec(128), _row_spec(128),
                _row_spec(1)] + _full_specs([(D_H, D_OUT)]),
      out_specs=_row_spec(D_OUT),
      out_shape=jax.ShapeDtypeStruct((NPAD, D_OUT), jnp.float32),
  )(s, al, ar, deg, wn)


def kernel(features, edge_index, Ws0, Wn0, b0, Ws1, Wn1, b1, Ws2, Wn2, b2):
  x = jnp.zeros((NPAD, D_IN), jnp.float32).at[:N].set(features)
  src = jnp.zeros((EPAD,), jnp.int32).at[:E].set(edge_index[0])
  dst = jnp.full((EPAD,), NPAD, jnp.int32).at[:E].set(edge_index[1])

  deg = _deg_sc(dst)[0][:, :1]
  s0, p0l, p0r = _proj0(x, Ws0, Wn0, b0)
  a0l, a0r = _agg(p0l, p0r, src, dst)
  s1, p1l, p1r = _combine(s0, a0l, a0r, deg, Ws1, Wn1, b1)
  a1l, a1r = _agg(p1l, p1r, src, dst)
  s2, h2l, h2r = _combine_h(s1, a1l, a1r, deg, Ws2, b2)
  a2l, a2r = _agg(h2l, h2r, src, dst)
  out = _final(s2, a2l, a2r, deg, Wn2)
  return out[:N]

# --- scband reference (transcript-rebuilt; emitter-appended) ---
"""Pipeline reference for scband-graph-sage-60060822667346 (READ-ONLY COPY).

The authoritative reference and input builder live on the scoring server;
editing this copy changes nothing except your own understanding.
"""

import jax, jax.numpy as jnp
import numpy as np

N = 10000
E = 320000
D_IN = 256
D_H = 256
D_OUT = 64


def _xavier(key, fan_in, fan_out):
    gain = float(np.sqrt(2.0))  # relu gain, matching nn.init.calculate_gain('relu')
    scale = gain * float(np.sqrt(6.0 / (fan_in + fan_out)))
    return jax.random.uniform(key, (fan_in, fan_out), dtype=jnp.float32, minval=-scale, maxval=scale)


def setup_inputs(seed: int = 0) -> dict:
    key = jax.random.key(seed)
    ks = jax.random.split(key, 12)
    x = jax.random.normal(ks[0], (N, D_IN), dtype=jnp.float32)
    edge_index = jax.random.randint(ks[1], (2, E), 0, N, dtype=jnp.int32)
    dims = [(D_IN, D_H), (D_H, D_H), (D_H, D_OUT)]
    inp = {"features": x, "edge_index": edge_index}
    for i, (din, dout) in enumerate(dims):
        inp[f"Ws{i}"] = _xavier(ks[2 + 3 * i], din, dout)
        inp[f"Wn{i}"] = _xavier(ks[3 + 3 * i], din, dout)
        inp[f"b{i}"] = jnp.zeros((dout,), dtype=jnp.float32)
    return inp


def _sage_layer(h, src, dst, Ws, Wn, b, act):
    # DGL-style SAGEConv with 'mean' aggregator:
    # h_neigh = mean_{u in N(v)} h_u ; out = fc_self(h_v) + fc_neigh(h_neigh) + b
    msg = jnp.take(h, src, axis=0)                      # gather over edges
    agg = jax.ops.segment_sum(msg, dst, num_segments=N)  # scatter-add to dst nodes
    deg = jax.ops.segment_sum(jnp.ones((src.shape[0], 1), dtype=h.dtype), dst, num_segments=N)
    h_neigh = agg / jnp.maximum(deg, 1.0)
    out = h @ Ws + h_neigh @ Wn + b
    if act:
        out = jax.nn.relu(out)
    return out


def reference(features, edge_index, Ws0, Wn0, b0, Ws1, Wn1, b1, Ws2, Wn2, b2):
    # bw == "" -> no edge-weight branches; dropout = 0 (eval); n_layers = 2 hidden convs + final conv
    src = edge_index[0]
    dst = edge_index[1]
    h = _sage_layer(features, src, dst, Ws0, Wn0, b0, True)
    h = _sage_layer(h, src, dst, Ws1, Wn1, b1, True)
    logits = _sage_layer(h, src, dst, Ws2, Wn2, b2, False)
    return logits

if __name__ == "__main__":
    import jax
    _d = setup_inputs()
    print(jax.jit(kernel)(*tuple(_d.values())))

</pallas_src>

<mosaic_0001>
#map = affine_map<(d0, d1) -> (0, 0)>
#map1 = affine_map<(d0, d1) -> (0)>
module attributes {stable_mosaic.version = 14 : i64} {
  func.func @_agg_body(%arg0: i32, %arg1: i32, %arg2: memref<10240x128xf32, #tpu.memory_space<hbm>>, %arg3: memref<10240x128xf32, #tpu.memory_space<hbm>>, %arg4: memref<321536xi32, #tpu.memory_space<hbm>>, %arg5: memref<321536xi32, #tpu.memory_space<hbm>>, %arg6: memref<10240x128xf32, #tpu.memory_space<hbm>>, %arg7: memref<10240x128xf32, #tpu.memory_space<hbm>>, %arg8: memref<64xi32, #tpu.memory_space<vmem>>, %arg9: memref<64xi32, #tpu.memory_space<vmem>>, %arg10: memref<64xi32, #tpu.memory_space<vmem>>, %arg11: memref<64xi32, #tpu.memory_space<vmem>>, %arg12: memref<64xi32, #tpu.memory_space<vmem>>, %arg13: memref<64xi32, #tpu.memory_space<vmem>>, %arg14: memref<64x128xf32, #tpu.memory_space<vmem>>, %arg15: memref<64x128xf32, #tpu.memory_space<vmem>>, %arg16: memref<64x128xf32, #tpu.memory_space<vmem>>, %arg17: memref<64x128xf32, #tpu.memory_space<vmem>>, %arg18: memref<5248x128xf32, #tpu.memory_space<vmem_shared>>, %arg19: memref<5248x128xf32, #tpu.memory_space<vmem_shared>>, %arg20: memref<!tpu.dma_semaphore, #tpu.memory_space<semaphore_mem>>, %arg21: memref<!tpu.dma_semaphore, #tpu.memory_space<semaphore_mem>>, %arg22: memref<!tpu.dma_semaphore, #tpu.memory_space<semaphore_mem>>, %arg23: memref<!tpu.dma_semaphore, #tpu.memory_space<semaphore_mem>>, %arg24: memref<!tpu.dma_semaphore, #tpu.memory_space<semaphore_mem>>, %arg25: memref<!tpu.dma_semaphore, #tpu.memory_space<semaphore_mem>>, %arg26: memref<!tpu.dma_semaphore, #tpu.memory_space<semaphore_mem>>, %arg27: memref<!tpu.dma_semaphore, #tpu.memory_space<semaphore_mem>>, %arg28: memref<!tpu.dma_semaphore, #tpu.memory_space<semaphore_mem>>, %arg29: memref<!tpu.dma_semaphore, #tpu.memory_space<semaphore_mem>>) attributes {dimension_semantics = [#tpu.dimension_semantics<core_parallel>, #tpu.dimension_semantics<subcore_parallel>], iteration_bounds = array<i64: 2, 16>, scalar_prefetch = 0 : i64, scratch_operands = 22 : i64, tpu.core_type = #tpu.core_type<sc_vector_subcore>, window_params = [{transform_indices = #map}, {transform_indices = #map}, {transform_indices = #map1}, {transform_indices = #map1}, {transform_indices = #map}, {transform_indices = #map}]} {
    %mul3A = arith.constant 5120 : i32
    %mul3A_0 = arith.muli %arg0, %mul3A : i32
    %add3A = arith.constant 5120 : i32
    %add3A_1 = arith.addi %add3A, %arg1 : i32
    %broadcast_in_dim3A = arith.constant 0.000000e+00 : f32
    %broadcast_in_dim3A_2 = vector.broadcast %broadcast_in_dim3A : f32 to vector<16xf32>
    %scan3A = arith.constant 0 : i32
    %scan3A_3 = arith.constant 0 : i32
    %scan3A_4 = arith.constant 64 : i32
    %scan3A_5 = arith.addi %scan3A_3, %scan3A_4 : i32
    %scan3A_6 = arith.constant 1 : i32
    %scan3A_7 = scf.for %scan3A_146 = %scan3A_3 to %scan3A_5 step %scan3A_6 iter_args(%scan3A_147 = %scan3A) -> (i32)  : i32 {
      %swap3A_148 = arith.index_cast %scan3A_146 : i32 to index
      %swap3A_149 = arith.constant 0 : index
      %swap3A_150 = tpu.vector_load %arg14[%swap3A_148, %swap3A_149] {strides = array<i32>} : memref<64x128xf32, #tpu.memory_space<vmem>>, vector<1x16xf32>,
      %swap3A_151 = vector.shape_cast %swap3A_150 : vector<1x16xf32> to vector<16xf32>
      %swap3A_152 = vector.shape_cast %broadcast_in_dim3A_2 : vector<16xf32> to vector<1x16xf32>
      tpu.vector_store %arg14[%swap3A_148, %swap3A_149], %swap3A_152 {strides = array<i32>} : memref<64x128xf32, #tpu.memory_space<vmem>>, vector<1x16xf32>,
      %swap3A_153 = arith.index_cast %scan3A_146 : i32 to index
      %swap3A_154 = arith.constant 16 : index
      %swap3A_155 = tpu.vector_load %arg14[%swap3A_153, %swap3A_154] {strides = array<i32>} : memref<64x128xf32, #tpu.memory_space<vmem>>, vector<1x16xf32>,
      %swap3A_156 = vector.shape_cast %swap3A_155 : vector<1x16xf32> to vector<16xf32>
      %swap3A_157 = vector.shape_cast %broadcast_in_dim3A_2 : vector<16xf32> to vector<1x16xf32>
      tpu.vector_store %arg14[%swap3A_153, %swap3A_154], %swap3A_157 {strides = array<i32>} : memref<64x128xf32, #tpu.memory_space<vmem>>, vector<1x16xf32>,
      %swap3A_158 = arith.index_cast %scan3A_146 : i32 to index
      %swap3A_159 = arith.constant 32 : index
      %swap3A_160 = tpu.vector_load %arg14[%swap3A_158, %swap3A_159] {strides = array<i32>} : memref<64x128xf32, #tpu.memory_space<vmem>>, vector<1x16xf32>,
      %swap3A_161 = vector.shape_cast %swap3A_160 : vector<1x16xf32> to vector<16xf32>
      %swap3A_162 = vector.shape_cast %broadcast_in_dim3A_2 : vector<16xf32> to vector<1x16xf32>
      tpu.vector_store %arg14[%swap3A_158, %swap3A_159], %swap3A_162 {strides = array<i32>} : memref<64x128xf32, #tpu.memory_space<vmem>>, vector<1x16xf32>,
      %swap3A_163 = arith.index_cast %scan3A_146 : i32 to index
      %swap3A_164 = arith.constant 48 : index
      %swap3A_165 = tpu.vector_load %arg14[%swap3A_163, %swap3A_164] {strides = array<i32>} : memref<64x128xf32, #tpu.memory_space<vmem>>, vector<1x16xf32>,
      %swap3A_166 = vector.shape_cast %swap3A_165 : vector<1x16xf32> to vector<16xf32>
      %swap3A_167 = vector.shape_cast %broadcast_in_dim3A_2 : vector<16xf32> to vector<1x16xf32>
      tpu.vector_store %arg14[%swap3A_163, %swap3A_164], %swap3A_167 {strides = array<i32>} : memref<64x128xf32, #tpu.memory_space<vmem>>, vector<1x16xf32>,
      %swap3A_168 = arith.index_cast %scan3A_146 : i32 to index
      %swap3A_169 = arith.constant 64 : index
      %swap3A_170 = tpu.vector_load %arg14[%swap3A_168, %swap3A_169] {strides = array<i32>} : memref<64x128xf32, #tpu.memory_space<vmem>>, vector<1x16xf32>,
      %swap3A_171 = vector.shape_cast %swap3A_170 : vector<1x16xf32> to vector<16xf32>
      %swap3A_172 = vector.shape_cast %broadcast_in_dim3A_2 : vector<16xf32> to vector<1x16xf32>
      tpu.vector_store %arg14[%swap3A_168, %swap3A_169], %swap3A_172 {strides = array<i32>} : memref<64x128xf32, #tpu.memory_space<vmem>>, vector<1x16xf32>,
      %swap3A_173 = arith.index_cast %scan3A_146 : i32 to index
      %swap3A_174 = arith.constant 80 : index
      %swap3A_175 = tpu.vector_load %arg14[%swap3A_173, %swap3A_174] {strides = array<i32>} : memref<64x128xf32, #tpu.memory_space<vmem>>, vector<1x16xf32>,
      %swap3A_176 = vector.shape_cast %swap3A_175 : vector<1x16xf32> to vector<16xf32>
      %swap3A_177 = vector.shape_cast %broadcast_in_dim3A_2 : vector<16xf32> to vector<1x16xf32>
      tpu.vector_store %arg14[%swap3A_173, %swap3A_174], %swap3A_177 {strides = array<i32>} : memref<64x128xf32, #tpu.memory_space<vmem>>, vector<1x16xf32>,
      %swap3A_178 = arith.index_cast %scan3A_146 : i32 to index
      %swap3A_179 = arith.constant 96 : index
      %swap3A_180 = tpu.vector_load %arg14[%swap3A_178, %swap3A_179] {strides = array<i32>} : memref<64x128xf32, #tpu.memory_space<vmem>>, vector<1x16xf32>,
      %swap3A_181 = vector.shape_cast %swap3A_180 : vector<1x16xf32> to vector<16xf32>
      %swap3A_182 = vector.shape_cast %broadcast_in_dim3A_2 : vector<16xf32> to vector<1x16xf32>
      tpu.vector_store %arg14[%swap3A_178, %swap3A_179], %swap3A_182 {strides = array<i32>} : memref<64x128xf32, #tpu.memory_space<vmem>>, vector<1x16xf32>,
      %swap3A_183 = arith.index_cast %scan3A_146 : i32 to index
      %swap3A_184 = arith.constant 112 : index
      %swap3A_185 = tpu.vector_load %arg14[%swap3A_183, %swap3A_184] {strides = array<i32>} : memref<64x128xf32, #tpu.memory_space<vmem>>, vector<1x16xf32>,
      %swap3A_186 = vector.shape_cast %swap3A_185 : vector<1x16xf32> to vector<16xf32>
      %swap3A_187 = vector.shape_cast %broadcast_in_dim3A_2 : vector<16xf32> to vector<1x16xf32>
      tpu.vector_store %arg14[%swap3A_183, %swap3A_184], %swap3A_187 {strides = array<i32>} : memref<64x128xf32, #tpu.memory_space<vmem>>, vector<1x16xf32>,
      %scan3A_188 = arith.constant 0 : i32
      scf.yield %scan3A_188 : i32
    }
    %scan3A_8 = arith.constant 64 : i32
    %mul3A_9 = arith.constant 328 : i32
    %mul3A_10 = arith.muli %arg1, %mul3A_9 : i32
    %add3A_11 = arith.constant 0 : i32
    %add3A_12 = arith.addi %mul3A_10, %add3A_11 : i32
    "tpu.region"() ({
      %run_scoped3A = tpu.sem_alloc : memref<!tpu.dma_semaphore, #tpu.memory_space<semaphore_mem>>
      %dma_start3A_146 = arith.constant 0 : i32
      %dma_start3A_147 = tpu.memref_slice %arg18[%add3A_12, %dma_start3A_146] : memref<5248x128xf32, #tpu.memory_space<vmem_shared>> -> memref<64x128xf32, #tpu.memory_space<vmem_shared>>
      %dma_start3A_148 = arith.constant 0 : i32
      %dma_start3A_149 = tpu.memref_slice %arg18[%add3A_12, %dma_start3A_148] : memref<5248x128xf32, #tpu.memory_space<vmem_shared>> -> memref<64x128xf32, #tpu.memory_space<vmem_shared>>
      tpu.enqueue_dma source(%arg14 : memref<64x128xf32, #tpu.memory_space<vmem>>) target(%dma_start3A_149 : memref<64x128xf32, #tpu.memory_space<vmem_shared>>) target_semaphore(%run_scoped3A : memref<!tpu.dma_semaphore, #tpu.memory_space<semaphore_mem>>)
      %dma_wait3A_150 = arith.constant 0 : i32
      %dma_wait3A_151 = tpu.memref_slice %arg18[%add3A_12, %dma_wait3A_150] : memref<5248x128xf32, #tpu.memory_space<vmem_shared>> -> memref<64x128xf32, #tpu.memory_space<vmem_shared>>
      %dma_wait3A_152 = arith.constant 0 : i32
      %dma_wait3A_153 = tpu.memref_slice %arg18[%add3A_12, %dma_wait3A_152] : memref<5248x128xf32, #tpu.memory_space<vmem_shared>> -> memref<64x128xf32, #tpu.memory_space<vmem_shared>>
      tpu.wait_dma2 semaphore(%run_scoped3A : memref<!tpu.dma_semaphore, #tpu.memory_space<semaphore_mem>>) src(%arg14 : memref<64x128xf32, #tpu.memory_space<vmem>>) dst(%dma_wait3A_153 : memref<64x128xf32, #tpu.memory_space<vmem_shared>>)
      tpu.yield
    }) : () -> ()
    %add3A_13 = arith.constant 64 : i32
    %add3A_14 = arith.addi %mul3A_10, %add3A_13 : i32
    "tpu.region"() ({
      %run_scoped3A = tpu.sem_alloc : memref<!tpu.dma_semaphore, #tpu.memory_space<semaphore_mem>>
      %dma_start3A_146 = arith.constant 0 : i32
      %dma_start3A_147 = tpu.memref_slice %arg18[%add3A_14, %dma_start3A_146] : memref<5248x128xf32, #tpu.memory_space<vmem_shared>> -> memref<64x128xf32, #tpu.memory_space<vmem_shared>>
      %dma_start3A_148 = arith.constant 0 : i32
      %dma_start3A_149 = tpu.memref_slice %arg18[%add3A_14, %dma_start3A_148] : memref<5248x128xf32, #tpu.memory_space<vmem_shared>> -> memref<64x128xf32, #tpu.memory_space<vmem_shared>>
      tpu.enqueue_dma source(%arg14 : memref<64x128xf32, #tpu.memory_space<vmem>>) target(%dma_start3A_149 : memref<64x128xf32, #tpu.memory_space<vmem_shared>>) target_semaphore(%run_scoped3A : memref<!tpu.dma_semaphore, #tpu.memory_space<semaphore_mem>>)
      %dma_wait3A_150 = arith.constant 0 : i32
      %dma_wait3A_151 = tpu.memref_slice %arg18[%add3A_14, %dma_wait3A_150] : memref<5248x128xf32, #tpu.memory_space<vmem_shared>> -> memref<64x128xf32, #tpu.memory_space<vmem_shared>>
      %dma_wait3A_152 = arith.constant 0 : i32
      %dma_wait3A_153 = tpu.memref_slice %arg18[%add3A_14, %dma_wait3A_152] : memref<5248x128xf32, #tpu.memory_space<vmem_shared>> -> memref<64x128xf32, #tpu.memory_space<vmem_shared>>
      tpu.wait_dma2 semaphore(%run_scoped3A : memref<!tpu.dma_semaphore, #tpu.memory_space<semaphore_mem>>) src(%arg14 : memref<64x128xf32, #tpu.memory_space<vmem>>) dst(%dma_wait3A_153 : memref<64x128xf32, #tpu.memory_space<vmem_shared>>)
      tpu.yield
    }) : () -> ()
    %add3A_15 = arith.constant 128 : i32
    %add3A_16 = arith.addi %mul3A_10, %add3A_15 : i32
    "tpu.region"() ({
      %run_scoped3A = tpu.sem_alloc : memref<!tpu.dma_semaphore, #tpu.memory_space<semaphore_mem>>
      %dma_start3A_146 = arith.constant 0 : i32
      %dma_start3A_147 = tpu.memref_slice %arg18[%add3A_16, %dma_start3A_146] : memref<5248x128xf32, #tpu.memory_space<vmem_shared>> -> memref<64x128xf32, #tpu.memory_space<vmem_shared>>
      %dma_start3A_148 = arith.constant 0 : i32
      %dma_start3A_149 = tpu.memref_slice %arg18[%add3A_16, %dma_start3A_148] : memref<5248x128xf32, #tpu.memory_space<vmem_shared>> -> memref<64x128xf32, #tpu.memory_space<vmem_shared>>
      tpu.enqueue_dma source(%arg14 : memref<64x128xf32, #tpu.memory_space<vmem>>) target(%dma_start3A_149 : memref<64x128xf32, #tpu.memory_space<vmem_shared>>) target_semaphore(%run_scoped3A : memref<!tpu.dma_semaphore, #tpu.memory_space<semaphore_mem>>)
      %dma_wait3A_150 = arith.constant 0 : i32
      %dma_wait3A_151 = tpu.memref_slice %arg18[%add3A_16, %dma_wait3A_150] : memref<5248x128xf32, #tpu.memory_space<vmem_shared>> -> memref<64x128xf32, #tpu.memory_space<vmem_shared>>
      %dma_wait3A_152 = arith.constant 0 : i32
      %dma_wait3A_153 = tpu.memref_slice %arg18[%add3A_16, %dma_wait3A_152] : memref<5248x128xf32, #tpu.memory_space<vmem_shared>> -> memref<64x128xf32, #tpu.memory_space<vmem_shared>>
      tpu.wait_dma2 semaphore(%run_scoped3A : memref<!tpu.dma_semaphore, #tpu.memory_space<semaphore_mem>>) src(%arg14 : memref<64x128xf32, #tpu.memory_space<vmem>>) dst(%dma_wait3A_153 : memref<64x128xf32, #tpu.memory_space<vmem_shared>>)
      tpu.yield
    }) : () -> ()
    %add3A_17 = arith.constant 192 : i32
    %add3A_18 = arith.addi %mul3A_10, %add3A_17 : i32
    "tpu.region"() ({
      %run_scoped3A = tpu.sem_alloc : memref<!tpu.dma_semaphore, #tpu.memory_space<semaphore_mem>>
      %dma_start3A_146 = arith.constant 0 : i32
      %dma_start3A_147 = tpu.memref_slice %arg18[%add3A_18, %dma_start3A_146] : memref<5248x128xf32, #tpu.memory_space<vmem_shared>> -> memref<64x128xf32, #tpu.memory_space<vmem_shared>>
      %dma_start3A_148 = arith.constant 0 : i32
      %dma_start3A_149 = tpu.memref_slice %arg18[%add3A_18, %dma_start3A_148] : memref<5248x128xf32, #tpu.memory_space<vmem_shared>> -> memref<64x128xf32, #tpu.memory_space<vmem_shared>>
      tpu.enqueue_dma source(%arg14 : memref<64x128xf32, #tpu.memory_space<vmem>>) target(%dma_start3A_149 : memref<64x128xf32, #tpu.memory_space<vmem_shared>>) target_semaphore(%run_scoped3A : memref<!tpu.dma_semaphore, #tpu.memory_space<semaphore_mem>>)
      %dma_wait3A_150 = arith.constant 0 : i32
      %dma_wait3A_151 = tpu.memref_slice %arg18[%add3A_18, %dma_wait3A_150] : memref<5248x128xf32, #tpu.memory_space<vmem_shared>> -> memref<64x128xf32, #tpu.memory_space<vmem_shared>>
      %dma_wait3A_152 = arith.constant 0 : i32
      %dma_wait3A_153 = tpu.memref_slice %arg18[%add3A_18, %dma_wait3A_152] : memref<5248x128xf32, #tpu.memory_space<vmem_shared>> -> memref<64x128xf32, #tpu.memory_space<vmem_shared>>
      tpu.wait_dma2 semaphore(%run_scoped3A : memref<!tpu.dma_semaphore, #tpu.memory_space<semaphore_mem>>) src(%arg14 : memref<64x128xf32, #tpu.memory_space<vmem>>) dst(%dma_wait3A_153 : memref<64x128xf32, #tpu.memory_space<vmem_shared>>)
      tpu.yield
    }) : () -> ()
    %add3A_19 = arith.constant 256 : i32
    %add3A_20 = arith.addi %mul3A_10, %add3A_19 : i32
    "tpu.region"() ({
      %run_scoped3A = tpu.sem_alloc : memref<!tpu.dma_semaphore, #tpu.memory_space<semaphore_mem>>
      %dma_start3A_146 = arith.constant 0 : i32
      %dma_start3A_147 = tpu.memref_slice %arg18[%add3A_20, %dma_start3A_146] : memref<5248x128xf32, #tpu.memory_space<vmem_shared>> -> memref<64x128xf32, #tpu.memory_space<vmem_shared>>
      %dma_start3A_148 = arith.constant 0 : i32
      %dma_start3A_149 = tpu.memref_slice %arg18[%add3A_20, %dma_start3A_148] : memref<5248x128xf32, #tpu.memory_space<vmem_shared>> -> memref<64x128xf32, #tpu.memory_space<vmem_shared>>
      tpu.enqueue_dma source(%arg14 : memref<64x128xf32, #tpu.memory_space<vmem>>) target(%dma_start3A_149 : memref<64x128xf32, #tpu.memory_space<vmem_shared>>) target_semaphore(%run_scoped3A : memref<!tpu.dma_semaphore, #tpu.memory_space<semaphore_mem>>)
      %dma_wait3A_150 = arith.constant 0 : i32
      %dma_wait3A_151 = tpu.memref_slice %arg18[%add3A_20, %dma_wait3A_150] : memref<5248x128xf32, #tpu.memory_space<vmem_shared>> -> memref<64x128xf32, #tpu.memory_space<vmem_shared>>
      %dma_wait3A_152 = arith.constant 0 : i32
      %dma_wait3A_153 = tpu.memref_slice %arg18[%add3A_20, %dma_wait3A_152] : memref<5248x128xf32, #tpu.memory_space<vmem_shared>> -> memref<64x128xf32, #tpu.memory_space<vmem_shared>>
      tpu.wait_dma2 semaphore(%run_scoped3A : memref<!tpu.dma_semaphore, #tpu.memory_space<semaphore_mem>>) src(%arg14 : memref<64x128xf32, #tpu.memory_space<vmem>>) dst(%dma_wait3A_153 : memref<64x128xf32, #tpu.memory_space<vmem_shared>>)
      tpu.yield
    }) : () -> ()
    %add3A_21 = arith.constant 320 : i32
    %add3A_22 = arith.addi %mul3A_10, %add3A_21 : i32
    "tpu.region"() ({
      %run_scoped3A = tpu.sem_alloc : memref<!tpu.dma_semaphore, #tpu.memory_space<semaphore_mem>>
      %dma_start3A_146 = arith.constant 0 : i32
      %dma_start3A_147 = arith.constant 0 : i32
      %dma_start3A_148 = tpu.memref_slice %arg14[%dma_start3A_146, %dma_start3A_147] : memref<64x128xf32, #tpu.memory_space<vmem>> -> memref<8x128xf32, #tpu.memory_space<vmem>>
      %dma_start3A_149 = arith.constant 0 : i32
      %dma_start3A_150 = tpu.memref_slice %arg18[%add3A_22, %dma_start3A_149] : memref<5248x128xf32, #tpu.memory_space<vmem_shared>> -> memref<8x128xf32, #tpu.memory_space<vmem_shared>>
      %dma_start3A_151 = arith.constant 0 : i32
      %dma_start3A_152 = tpu.memref_slice %arg18[%add3A_22, %dma_start3A_151] : memref<5248x128xf32, #tpu.memory_space<vmem_shared>> -> memref<8x128xf32, #tpu.memory_space<vmem_shared>>
      %dma_start3A_153 = arith.constant 0 : i32
      %dma_start3A_154 = arith.constant 0 : i32
      %dma_start3A_155 = tpu.memref_slice %arg14[%dma_start3A_153, %dma_start3A_154] : memref<64x128xf32, #tpu.memory_space<vmem>> -> memref<8x128xf32, #tpu.memory_space<vmem>>
      tpu.enqueue_dma source(%dma_start3A_155 : memref<8x128xf32, #tpu.memory_space<vmem>>) target(%dma_start3A_152 : memref<8x128xf32, #tpu.memory_space<vmem_shared>>) target_semaphore(%run_scoped3A : memref<!tpu.dma_semaphore, #tpu.memory_space<semaphore_mem>>)
      %dma_wait3A_156 = arith.constant 0 : i32
      %dma_wait3A_157 = arith.constant 0 : i32
      %dma_wait3A_158 = tpu.memref_slice %arg14[%dma_wait3A_156, %dma_wait3A_157] : memref<64x128xf32, #tpu.memory_space<vmem>> -> memref<8x128xf32, #tpu.memory_space<vmem>>
      %dma_wait3A_159 = arith.constant 0 : i32
      %dma_wait3A_160 = tpu.memref_slice %arg18[%add3A_22, %dma_wait3A_159] : memref<5248x128xf32, #tpu.memory_space<vmem_shared>> -> memref<8x128xf32, #tpu.memory_space<vmem_shared>>
      %dma_wait3A_161 = arith.constant 0 : i32
      %dma_wait3A_162 = tpu.memref_slice %arg18[%add3A_22, %dma_wait3A_161] : memref<5248x128xf32, #tpu.memory_space<vmem_shared>> -> memref<8x128xf32, #tpu.memory_space<vmem_shared>>
      %dma_wait3A_163 = arith.constant 0 : i32
      %dma_wait3A_164 = arith.constant 0 : i32
      %dma_wait3A_165 = tpu.memref_slice %arg14[%dma_wait3A_163, %dma_wait3A_164] : memref<64x128xf32, #tpu.memory_space<vmem>> -> memref<8x128xf32, #tpu.memory_space<vmem>>
      tpu.wait_dma2 semaphore(%run_scoped3A : memref<!tpu.dma_semaphore, #tpu.memory_space<semaphore_mem>>) src(%dma_wait3A_165 : memref<8x128xf32, #tpu.memory_space<vmem>>) dst(%dma_wait3A_162 : memref<8x128xf32, #tpu.memory_space<vmem_shared>>)
      tpu.yield
    }) : () -> ()
    %add3A_23 = arith.constant 0 : i32
    %add3A_24 = arith.addi %mul3A_10, %add3A_23 : i32
    "tpu.region"() ({
      %run_scoped3A = tpu.sem_alloc : memref<!tpu.dma_semaphore, #tpu.memory_space<semaphore_mem>>
      %dma_start3A_146 = arith.constant 0 : i32
      %dma_start3A_147 = tpu.memref_slice %arg19[%add3A_24, %dma_start3A_146] : memref<5248x128xf32, #tpu.memory_space<vmem_shared>> -> memref<64x128xf32, #tpu.memory_space<vmem_shared>>
      %dma_start3A_148 = arith.constant 0 : i32
      %dma_start3A_149 = tpu.memref_slice %arg19[%add3A_24, %dma_start3A_148] : memref<5248x128xf32, #tpu.memory_space<vmem_shared>> -> memref<64x128xf32, #tpu.memory_space<vmem_shared>>
      tpu.enqueue_dma source(%arg14 : memref<64x128xf32, #tpu.memory_space<vmem>>) target(%dma_start3A_149 : memref<64x128xf32, #tpu.memory_space<vmem_shared>>) target_semaphore(%run_scoped3A : memref<!tpu.dma_semaphore, #tpu.memory_space<semaphore_mem>>)
      %dma_wait3A_150 = arith.constant 0 : i32
      %dma_wait3A_151 = tpu.memref_slice %arg19[%add3A_24, %dma_wait3A_150] : memref<5248x128xf32, #tpu.memory_space<vmem_shared>> -> memref<64x128xf32, #tpu.memory_space<vmem_shared>>
      %dma_wait3A_152 = arith.constant 0 : i32
      %dma_wait3A_153 = tpu.memref_slice %arg19[%add3A_24, %dma_wait3A_152] : memref<5248x128xf32, #tpu.memory_space<vmem_shared>> -> memref<64x128xf32, #tpu.memory_space<vmem_shared>>
      tpu.wait_dma2 semaphore(%run_scoped3A : memref<!tpu.dma_semaphore, #tpu.memory_space<semaphore_mem>>) src(%arg14 : memref<64x128xf32, #tpu.memory_space<vmem>>) dst(%dma_wait3A_153 : memref<64x128xf32, #tpu.memory_space<vmem_shared>>)
      tpu.yield
    }) : () -> ()
    %add3A_25 = arith.constant 64 : i32
    %add3A_26 = arith.addi %mul3A_10, %add3A_25 : i32
    "tpu.region"() ({
      %run_scoped3A = tpu.sem_alloc : memref<!tpu.dma_semaphore, #tpu.memory_space<semaphore_mem>>
      %dma_start3A_146 = arith.constant 0 : i32
      %dma_start3A_147 = tpu.memref_slice %arg19[%add3A_26, %dma_start3A_146] : memref<5248x128xf32, #tpu.memory_space<vmem_shared>> -> memref<64x128xf32, #tpu.memory_space<vmem_shared>>
      %dma_start3A_148 = arith.constant 0 : i32
      %dma_start3A_149 = tpu.memref_slice %arg19[%add3A_26, %dma_start3A_148] : memref<5248x128xf32, #tpu.memory_space<vmem_shared>> -> memref<64x128xf32, #tpu.memory_space<vmem_shared>>
      tpu.enqueue_dma source(%arg14 : memref<64x128xf32, #tpu.memory_space<vmem>>) target(%dma_start3A_149 : memref<64x128xf32, #tpu.memory_space<vmem_shared>>) target_semaphore(%run_scoped3A : memref<!tpu.dma_semaphore, #tpu.memory_space<semaphore_mem>>)
      %dma_wait3A_150 = arith.constant 0 : i32
      %dma_wait3A_151 = tpu.memref_slice %arg19[%add3A_26, %dma_wait3A_150] : memref<5248x128xf32, #tpu.memory_space<vmem_shared>> -> memref<64x128xf32, #tpu.memory_space<vmem_shared>>
      %dma_wait3A_152 = arith.constant 0 : i32
      %dma_wait3A_153 = tpu.memref_slice %arg19[%add3A_26, %dma_wait3A_152] : memref<5248x128xf32, #tpu.memory_space<vmem_shared>> -> memref<64x128xf32, #tpu.memory_space<vmem_shared>>
      tpu.wait_dma2 semaphore(%run_scoped3A : memref<!tpu.dma_semaphore, #tpu.memory_space<semaphore_mem>>) src(%arg14 : memref<64x128xf32, #tpu.memory_space<vmem>>) dst(%dma_wait3A_153 : memref<64x128xf32, #tpu.memory_space<vmem_shared>>)
      tpu.yield
    }) : () -> ()
    %add3A_27 = arith.constant 128 : i32
    %add3A_28 = arith.addi %mul3A_10, %add3A_27 : i32
    "tpu.region"() ({
      %run_scoped3A = tpu.sem_alloc : memref<!tpu.dma_semaphore, #tpu.memory_space<semaphore_mem>>
      %dma_start3A_146 = arith.constant 0 : i32
      %dma_start3A_147 = tpu.memref_slice %arg19[%add3A_28, %dma_start3A_146] : memref<5248x128xf32, #tpu.memory_space<vmem_shared>> -> memref<64x128xf32, #tpu.memory_space<vmem_shared>>
      %dma_start3A_148 = arith.constant 0 : i32
      %dma_start3A_149 = tpu.memref_slice %arg19[%add3A_28, %dma_start3A_148] : memref<5248x128xf32, #tpu.memory_space<vmem_shared>> -> memref<64x128xf32, #tpu.memory_space<vmem_shared>>
      tpu.enqueue_dma source(%arg14 : memref<64x128xf32, #tpu.memory_space<vmem>>) target(%dma_start3A_149 : memref<64x128xf32, #tpu.memory_space<vmem_shared>>) target_semaphore(%run_scoped3A : memref<!tpu.dma_semaphore, #tpu.memory_space<semaphore_mem>>)
      %dma_wait3A_150 = arith.constant 0 : i32
      %dma_wait3A_151 = tpu.memref_slice %arg19[%add3A_28, %dma_wait3A_150] : memref<5248x128xf32, #tpu.memory_space<vmem_shared>> -> memref<64x128xf32, #tpu.memory_space<vmem_shared>>
      %dma_wait3A_152 = arith.constant 0 : i32
      %dma_wait3A_153 = tpu.memref_slice %arg19[%add3A_28, %dma_wait3A_152] : memref<5248x128xf32, #tpu.memory_space<vmem_shared>> -> memref<64x128xf32, #tpu.memory_space<vmem_shared>>
      tpu.wait_dma2 semaphore(%run_scoped3A : memref<!tpu.dma_semaphore, #tpu.memory_space<semaphore_mem>>) src(%arg14 : memref<64x128xf32, #tpu.memory_space<vmem>>) dst(%dma_wait3A_153 : memref<64x128xf32, #tpu.memory_space<vmem_shared>>)
      tpu.yield
    }) : () -> ()
    %add3A_29 = arith.constant 192 : i32
    %add3A_30 = arith.addi %mul3A_10, %add3A_29 : i32
    "tpu.region"() ({
      %run_scoped3A = tpu.sem_alloc : memref<!tpu.dma_semaphore, #tpu.memory_space<semaphore_mem>>
      %dma_start3A_146 = arith.constant 0 : i32
      %dma_start3A_147 = tpu.memref_slice %arg19[%add3A_30, %dma_start3A_146] : memref<5248x128xf32, #tpu.memory_space<vmem_shared>> -> memref<64x128xf32, #tpu.memory_space<vmem_shared>>
      %dma_start3A_148 = arith.constant 0 : i32
      %dma_start3A_149 = tpu.memref_slice %arg19[%add3A_30, %dma_start3A_148] : memref<5248x128xf32, #tpu.memory_space<vmem_shared>> -> memref<64x128xf32, #tpu.memory_space<vmem_shared>>
      tpu.enqueue_dma source(%arg14 : memref<64x128xf32, #tpu.memory_space<vmem>>) target(%dma_start3A_149 : memref<64x128xf32, #tpu.memory_space<vmem_shared>>) target_semaphore(%run_scoped3A : memref<!tpu.dma_semaphore, #tpu.memory_space<semaphore_mem>>)
      %dma_wait3A_150 = arith.constant 0 : i32
      %dma_wait3A_151 = tpu.memref_slice %arg19[%add3A_30, %dma_wait3A_150] : memref<5248x128xf32, #tpu.memory_space<vmem_shared>> -> memref<64x128xf32, #tpu.memory_space<vmem_shared>>
      %dma_wait3A_152 = arith.constant 0 : i32
      %dma_wait3A_153 = tpu.memref_slice %arg19[%add3A_30, %dma_wait3A_152] : memref<5248x128xf32, #tpu.memory_space<vmem_shared>> -> memref<64x128xf32, #tpu.memory_space<vmem_shared>>
      tpu.wait_dma2 semaphore(%run_scoped3A : memref<!tpu.dma_semaphore, #tpu.memory_space<semaphore_mem>>) src(%arg14 : memref<64x128xf32, #tpu.memory_space<vmem>>) dst(%dma_wait3A_153 : memref<64x128xf32, #tpu.memory_space<vmem_shared>>)
      tpu.yield
    }) : () -> ()
    %add3A_31 = arith.constant 256 : i32
    %add3A_32 = arith.addi %mul3A_10, %add3A_31 : i32
    "tpu.region"() ({
      %run_scoped3A = tpu.sem_alloc : memref<!tpu.dma_semaphore, #tpu.memory_space<semaphore_mem>>
      %dma_start3A_146 = arith.constant 0 : i32
      %dma_start3A_147 = tpu.memref_slice %arg19[%add3A_32, %dma_start3A_146] : memref<5248x128xf32, #tpu.memory_space<vmem_shared>> -> memref<64x128xf32, #tpu.memory_space<vmem_shared>>
      %dma_start3A_148 = arith.constant 0 : i32
      %dma_start3A_149 = tpu.memref_slice %arg19[%add3A_32, %dma_start3A_148] : memref<5248x128xf32, #tpu.memory_space<vmem_shared>> -> memref<64x128xf32, #tpu.memory_space<vmem_shared>>
      tpu.enqueue_dma source(%arg14 : memref<64x128xf32, #tpu.memory_space<vmem>>) target(%dma_start3A_149 : memref<64x128xf32, #tpu.memory_space<vmem_shared>>) target_semaphore(%run_scoped3A : memref<!tpu.dma_semaphore, #tpu.memory_space<semaphore_mem>>)
      %dma_wait3A_150 = arith.constant 0 : i32
      %dma_wait3A_151 = tpu.memref_slice %arg19[%add3A_32, %dma_wait3A_150] : memref<5248x128xf32, #tpu.memory_space<vmem_shared>> -> memref<64x128xf32, #tpu.memory_space<vmem_shared>>
      %dma_wait3A_152 = arith.constant 0 : i32
      %dma_wait3A_153 = tpu.memref_slice %arg19[%add3A_32, %dma_wait3A_152] : memref<5248x128xf32, #tpu.memory_space<vmem_shared>> -> memref<64x128xf32, #tpu.memory_space<vmem_shared>>
      tpu.wait_dma2 semaphore(%run_scoped3A : memref<!tpu.dma_semaphore, #tpu.memory_space<semaphore_mem>>) src(%arg14 : memref<64x128xf32, #tpu.memory_space<vmem>>) dst(%dma_wait3A_153 : memref<64x128xf32, #tpu.memory_space<vmem_shared>>)
      tpu.yield
    }) : () -> ()
    %add3A_33 = arith.constant 320 : i32
    %add3A_34 = arith.addi %mul3A_10, %add3A_33 : i32
    "tpu.region"() ({
      %run_scoped3A = tpu.sem_alloc : memref<!tpu.dma_semaphore, #tpu.memory_space<semaphore_mem>>
      %dma_start3A_146 = arith.constant 0 : i32
      %dma_start3A_147 = arith.constant 0 : i32
      %dma_start3A_148 = tpu.memref_slice %arg14[%dma_start3A_146, %dma_start3A_147] : memref<64x128xf32, #tpu.memory_space<vmem>> -> memref<8x128xf32, #tpu.memory_space<vmem>>
      %dma_start3A_149 = arith.constant 0 : i32
      %dma_start3A_150 = tpu.memref_slice %arg19[%add3A_34, %dma_start3A_149] : memref<5248x128xf32, #tpu.memory_space<vmem_shared>> -> memref<8x128xf32, #tpu.memory_space<vmem_shared>>
      %dma_start3A_151 = arith.constant 0 : i32
      %dma_start3A_152 = tpu.memref_slice %arg19[%add3A_34, %dma_start3A_151] : memref<5248x128xf32, #tpu.memory_space<vmem_shared>> -> memref<8x128xf32, #tpu.memory_space<vmem_shared>>
      %dma_start3A_153 = arith.constant 0 : i32
      %dma_start3A_154 = arith.constant 0 : i32
      %dma_start3A_155 = tpu.memref_slice %arg14[%dma_start3A_153, %dma_start3A_154] : memref<64x128xf32, #tpu.memory_space<vmem>> -> memref<8x128xf32, #tpu.memory_space<vmem>>
      tpu.enqueue_dma source(%dma_start3A_155 : memref<8x128xf32, #tpu.memory_space<vmem>>) target(%dma_start3A_152 : memref<8x128xf32, #tpu.memory_space<vmem_shared>>) target_semaphore(%run_scoped3A : memref<!tpu.dma_semaphore, #tpu.memory_space<semaphore_mem>>)
      %dma_wait3A_156 = arith.constant 0 : i32
      %dma_wait3A_157 = arith.constant 0 : i32
      %dma_wait3A_158 = tpu.memref_slice %arg14[%dma_wait3A_156, %dma_wait3A_157] : memref<64x128xf32, #tpu.memory_space<vmem>> -> memref<8x128xf32, #tpu.memory_space<vmem>>
      %dma_wait3A_159 = arith.constant 0 : i32
      %dma_wait3A_160 = tpu.memref_slice %arg19[%add3A_34, %dma_wait3A_159] : memref<5248x128xf32, #tpu.memory_space<vmem_shared>> -> memref<8x128xf32, #tpu.memory_space<vmem_shared>>
      %dma_wait3A_161 = arith.constant 0 : i32
      %dma_wait3A_162 = tpu.memref_slice %arg19[%add3A_34, %dma_wait3A_161] : memref<5248x128xf32, #tpu.memory_space<vmem_shared>> -> memref<8x128xf32, #tpu.memory_space<vmem_shared>>
      %dma_wait3A_163 = arith.constant 0 : i32
      %dma_wait3A_164 = arith.constant 0 : i32
      %dma_wait3A_165 = tpu.memref_slice %arg14[%dma_wait3A_163, %dma_wait3A_164] : memref<64x128xf32, #tpu.memory_space<vmem>> -> memref<8x128xf32, #tpu.memory_space<vmem>>
      tpu.wait_dma2 semaphore(%run_scoped3A : memref<!tpu.dma_semaphore, #tpu.memory_space<semaphore_mem>>) src(%dma_wait3A_165 : memref<8x128xf32, #tpu.memory_space<vmem>>) dst(%dma_wait3A_162 : memref<8x128xf32, #tpu.memory_space<vmem_shared>>)
      tpu.yield
    }) : () -> ()
    %barrier3A = arith.constant 0 : index
    tpu.barrier barrier_id(%barrier3A)
    %mul3A_35 = arith.constant 314 : i32
    %mul3A_36 = arith.muli %arg1, %mul3A_35 : i32
    %mul3A_37 = arith.constant 64 : i32
    %mul3A_38 = arith.muli %mul3A_36, %mul3A_37 : i32
    %add3A_39 = arith.constant 0 : i32
    %add3A_40 = arith.addi %mul3A_38, %add3A_39 : i32
    %dma_start3A = tpu.memref_slice %arg4[%add3A_40] : memref<321536xi32, #tpu.memory_space<hbm>> -> memref<64xi32, #tpu.memory_space<hbm>>
    %dma_start3A_41 = tpu.memref_slice %arg4[%add3A_40] : memref<321536xi32, #tpu.memory_space<hbm>> -> memref<64xi32, #tpu.memory_space<hbm>>
    tpu.enqueue_dma source(%dma_start3A_41 : memref<64xi32, #tpu.memory_space<hbm>>) target(%arg8 : memref<64xi32, #tpu.memory_space<vmem>>) target_semaphore(%arg28 : memref<!tpu.dma_semaphore, #tpu.memory_space<semaphore_mem>>)
    %dma_start3A_42 = tpu.memref_slice %arg5[%add3A_40] : memref<321536xi32, #tpu.memory_space<hbm>> -> memref<64xi32, #tpu.memory_space<hbm>>
    %dma_start3A_43 = tpu.memref_slice %arg5[%add3A_40] : memref<321536xi32, #tpu.memory_space<hbm>> -> memref<64xi32, #tpu.memory_space<hbm>>
    tpu.enqueue_dma source(%dma_start3A_43 : memref<64xi32, #tpu.memory_space<hbm>>) target(%arg9 : memref<64xi32, #tpu.memory_space<vmem>>) target_semaphore(%arg29 : memref<!tpu.dma_semaphore, #tpu.memory_space<semaphore_mem>>)
    %dma_wait3A = arith.constant 0 : i32
    %dma_wait3A_44 = tpu.memref_slice %arg4[%dma_wait3A] : memref<321536xi32, #tpu.memory_space<hbm>> -> memref<64xi32, #tpu.memory_space<hbm>>
    %dma_wait3A_45 = arith.constant 0 : i32
    %dma_wait3A_46 = tpu.memref_slice %arg4[%dma_wait3A_45] : memref<321536xi32, #tpu.memory_space<hbm>> -> memref<64xi32, #tpu.memory_space<hbm>>
    tpu.wait_dma2 semaphore(%arg28 : memref<!tpu.dma_semaphore, #tpu.memory_space<semaphore_mem>>) src(%dma_wait3A_46 : memref<64xi32, #tpu.memory_space<hbm>>) dst(%arg8 : memref<64xi32, #tpu.memory_space<vmem>>)
    %dma_wait3A_47 = arith.constant 0 : i32
    %dma_wait3A_48 = tpu.memref_slice %arg5[%dma_wait3A_47] : memref<321536xi32, #tpu.memory_space<hbm>> -> memref<64xi32, #tpu.memory_space<hbm>>
    %dma_wait3A_49 = arith.constant 0 : i32
    %dma_wait3A_50 = tpu.memref_slice %arg5[%dma_wait3A_49] : memref<321536xi32, #tpu.memory_space<hbm>> -> memref<64xi32, #tpu.memory_space<hbm>>
    tpu.wait_dma2 semaphore(%arg29 : memref<!tpu.dma_semaphore, #tpu.memory_space<semaphore_mem>>) src(%dma_wait3A_50 : memref<64xi32, #tpu.memory_space<hbm>>) dst(%arg9 : memref<64xi32, #tpu.memory_space<vmem>>)
    %get3A = arith.constant 0 : index
    %get3A_51 = tpu.vector_load %arg9[%get3A] {strides = array<i32>} : memref<64xi32, #tpu.memory_space<vmem>>, vector<16xi32>,
    %get3A_52 = vector.shape_cast %get3A_51 : vector<16xi32> to vector<16xi32>
    %ge3A = vector.broadcast %mul3A_0 : i32 to vector<16xi32>
    %ge3A_53 = arith.cmpi sge, %get3A_52, %ge3A : vector<16xi32>
    %add3A_54 = arith.constant 5120 : i32
    %add3A_55 = arith.addi %mul3A_0, %add3A_54 : i32
    %lt3A = vector.broadcast %add3A_55 : i32 to vector<16xi32>
    %lt3A_56 = arith.cmpi slt, %get3A_52, %lt3A : vector<16xi32>
    %and3A = arith.andi %ge3A_53, %lt3A_56 : vector<16xi1>
    %sub3A = vector.broadcast %mul3A_0 : i32 to vector<16xi32>
    %sub3A_57 = arith.subi %get3A_52, %sub3A : vector<16xi32>
    %broadcast_in_dim3A_58 = vector.broadcast %add3A_1 : i32 to vector<16xi32>
    %select_n3A = arith.select %and3A, %sub3A_57, %broadcast_in_dim3A_58 : vector<16xi1>, vector<16xi32>
    %swap3A = arith.constant 0 : index
    %swap3A_59 = tpu.vector_load %arg10[%swap3A] {strides = array<i32>} : memref<64xi32, #tpu.memory_space<vmem>>, vector<16xi32>,
    %swap3A_60 = vector.shape_cast %swap3A_59 : vector<16xi32> to vector<16xi32>
    %swap3A_61 = vector.shape_cast %select_n3A : vector<16xi32> to vector<16xi32>
    tpu.vector_store %arg10[%swap3A], %swap3A_61 {strides = array<i32>} : memref<64xi32, #tpu.memory_space<vmem>>, vector<16xi32>,
    %get3A_62 = arith.constant 16 : index
    %get3A_63 = tpu.vector_load %arg9[%get3A_62] {strides = array<i32>} : memref<64xi32, #tpu.memory_space<vmem>>, vector<16xi32>,
    %get3A_64 = vector.shape_cast %get3A_63 : vector<16xi32> to vector<16xi32>
    %ge3A_65 = vector.broadcast %mul3A_0 : i32 to vector<16xi32>
    %ge3A_66 = arith.cmpi sge, %get3A_64, %ge3A_65 : vector<16xi32>
    %add3A_67 = arith.constant 5120 : i32
    %add3A_68 = arith.addi %mul3A_0, %add3A_67 : i32
    %lt3A_69 = vector.broadcast %add3A_68 : i32 to vector<16xi32>
    %lt3A_70 = arith.cmpi slt, %get3A_64, %lt3A_69 : vector<16xi32>
    %and3A_71 = arith.andi %ge3A_66, %lt3A_70 : vector<16xi1>
    %sub3A_72 = vector.broadcast %mul3A_0 : i32 to vector<16xi32>
    %sub3A_73 = arith.subi %get3A_64, %sub3A_72 : vector<16xi32>
    %broadcast_in_dim3A_74 = vector.broadcast %add3A_1 : i32 to vector<16xi32>
    %select_n3A_75 = arith.select %and3A_71, %sub3A_73, %broadcast_in_dim3A_74 : vector<16xi1>, vector<16xi32>
    %swap3A_76 = arith.constant 16 : index
    %swap3A_77 = tpu.vector_load %arg10[%swap3A_76] {strides = array<i32>} : memref<64xi32, #tpu.memory_space<vmem>>, vector<16xi32>,
    %swap3A_78 = vector.shape_cast %swap3A_77 : vector<16xi32> to vector<16xi32>
    %swap3A_79 = vector.shape_cast %select_n3A_75 : vector<16xi32> to vector<16xi32>
    tpu.vector_store %arg10[%swap3A_76], %swap3A_79 {strides = array<i32>} : memref<64xi32, #tpu.memory_space<vmem>>, vector<16xi32>,
    %get3A_80 = arith.constant 32 : index
    %get3A_81 = tpu.vector_load %arg9[%get3A_80] {strides = array<i32>} : memref<64xi32, #tpu.memory_space<vmem>>, vector<16xi32>,
    %get3A_82 = vector.shape_cast %get3A_81 : vector<16xi32> to vector<16xi32>
    %ge3A_83 = vector.broadcast %mul3A_0 : i32 to vector<16xi32>
    %ge3A_84 = arith.cmpi sge, %get3A_82, %ge3A_83 : vector<16xi32>
    %add3A_85 = arith.constant 5120 : i32
    %add3A_86 = arith.addi %mul3A_0, %add3A_85 : i32
    %lt3A_87 = vector.broadcast %add3A_86 : i32 to vector<16xi32>
    %lt3A_88 = arith.cmpi slt, %get3A_82, %lt3A_87 : vector<16xi32>
    %and3A_89 = arith.andi %ge3A_84, %lt3A_88 : vector<16xi1>
    %sub3A_90 = vector.broadcast %mul3A_0 : i32 to vector<16xi32>
    %sub3A_91 = arith.subi %get3A_82, %sub3A_90 : vector<16xi32>
    %broadcast_in_dim3A_92 = vector.broadcast %add3A_1 : i32 to vector<16xi32>
    %select_n3A_93 = arith.select %and3A_89, %sub3A_91, %broadcast_in_dim3A_92 : vector<16xi1>, vector<16xi32>
    %swap3A_94 = arith.constant 32 : index
    %swap3A_95 = tpu.vector_load %arg10[%swap3A_94] {strides = array<i32>} : memref<64xi32, #tpu.memory_space<vmem>>, vector<16xi32>,
    %swap3A_96 = vector.shape_cast %swap3A_95 : vector<16xi32> to vector<16xi32>
    %swap3A_97 = vector.shape_cast %select_n3A_93 : vector<16xi32> to vector<16xi32>
    tpu.vector_store %arg10[%swap3A_94], %swap3A_97 {strides = array<i32>} : memref<64xi32, #tpu.memory_space<vmem>>, vector<16xi32>,
    %get3A_98 = arith.constant 48 : index
    %get3A_99 = tpu.vector_load %arg9[%get3A_98] {strides = array<i32>} : memref<64xi32, #tpu.memory_space<vmem>>, vector<16xi32>,
    %get3A_100 = vector.shape_cast %get3A_99 : vector<16xi32> to vector<16xi32>
    %ge3A_101 = vector.broadcast %mul3A_0 : i32 to vector<16xi32>
    %ge3A_102 = arith.cmpi sge, %get3A_100, %ge3A_101 : vector<16xi32>
    %add3A_103 = arith.constant 5120 : i32
    %add3A_104 = arith.addi %mul3A_0, %add3A_103 : i32
    %lt3A_105 = vector.broadcast %add3A_104 : i32 to vector<16xi32>
    %lt3A_106 = arith.cmpi slt, %get3A_100, %lt3A_105 : vector<16xi32>
    %and3A_107 = arith.andi %ge3A_102, %lt3A_106 : vector<16xi1>
    %sub3A_108 = vector.broadcast %mul3A_0 : i32 to vector<16xi32>
    %sub3A_109 = arith.subi %get3A_100, %sub3A_108 : vector<16xi32>
    %broadcast_in_dim3A_110 = vector.broadcast %add3A_1 : i32 to vector<16xi32>
    %select_n3A_111 = arith.select %and3A_107, %sub3A_109, %broadcast_in_dim3A_110 : vector<16xi1>, vector<16xi32>
    %swap3A_112 = arith.constant 48 : index
    %swap3A_113 = tpu.vector_load %arg10[%swap3A_112] {strides = array<i32>} : memref<64xi32, #tpu.memory_space<vmem>>, vector<16xi32>,
    %swap3A_114 = vector.shape_cast %swap3A_113 : vector<16xi32> to vector<16xi32>
    %swap3A_115 = vector.shape_cast %select_n3A_111 : vector<16xi32> to vector<16xi32>
    tpu.vector_store %arg10[%swap3A_112], %swap3A_115 {strides = array<i32>} : memref<64xi32, #tpu.memory_space<vmem>>, vector<16xi32>,
    %dma_start3A_116 = arith.constant 0 : i32
    %dma_start3A_117 = arith.constant 0 : i32
    %dma_start3A_118 = tpu.memref_slice %arg2[%dma_start3A_116, %dma_start3A_117] : memref<10240x128xf32, #tpu.memory_space<hbm>> -> memref<10240x128xf32, #tpu.memory_space<hbm>>
    tpu.enqueue_indirect_dma source(%dma_start3A_118 : memref<10240x128xf32, #tpu.memory_space<hbm>>) target(%arg14 : memref<64x128xf32, #tpu.memory_space<vmem>>) offsets(%arg8 : memref<64xi32, #tpu.memory_space<vmem>>) semaphore(%arg20 : memref<!tpu.dma_semaphore, #tpu.memory_space<semaphore_mem>>)
    %dma_start3A_119 = arith.constant 0 : i32
    %dma_start3A_120 = arith.constant 0 : i32
    %dma_start3A_121 = tpu.memref_slice %arg3[%dma_start3A_119, %dma_start3A_120] : memref<10240x128xf32, #tpu.memory_space<hbm>> -> memref<10240x128xf32, #tpu.memory_space<hbm>>
    tpu.enqueue_indirect_dma source(%dma_start3A_121 : memref<10240x128xf32, #tpu.memory_space<hbm>>) target(%arg15 : memref<64x128xf32, #tpu.memory_space<vmem>>) offsets(%arg8 : memref<64xi32, #tpu.memory_space<vmem>>) semaphore(%arg21 : memref<!tpu.dma_semaphore, #tpu.memory_space<semaphore_mem>>)
    %scan3A_122 = arith.constant 0 : i32
    %scan3A_123 = arith.constant 0 : i32
    %scan3A_124 = arith.constant 157 : i32
    %scan3A_125 = arith.addi %scan3A_123, %scan3A_124 : i32
    %scan3A_126 = arith.constant 1 : i32
    %scan3A_127 = scf.for %scan3A_146 = %scan3A_123 to %scan3A_125 step %scan3A_126 iter_args(%scan3A_147 = %scan3A_122) -> (i32)  : i32 {
      %mul3A_148 = arith.constant 2 : i32
      %mul3A_149 = arith.muli %mul3A_148, %scan3A_146 : i32
      %dma_wait3A_150 = arith.constant 0 : i32
      %dma_wait3A_151 = arith.constant 0 : i32
      %dma_wait3A_152 = tpu.memref_slice %arg2[%dma_wait3A_150, %dma_wait3A_151] : memref<10240x128xf32, #tpu.memory_space<hbm>> -> memref<64x128xf32, #tpu.memory_space<hbm>>
      %dma_wait3A_153 = arith.constant 0 : i32
      %dma_wait3A_154 = arith.constant 0 : i32
      %dma_wait3A_155 = tpu.memref_slice %arg2[%dma_wait3A_153, %dma_wait3A_154] : memref<10240x128xf32, #tpu.memory_space<hbm>> -> memref<64x128xf32, #tpu.memory_space<hbm>>
      tpu.wait_dma2 semaphore(%arg20 : memref<!tpu.dma_semaphore, #tpu.memory_space<semaphore_mem>>) src(%dma_wait3A_155 : memref<64x128xf32, #tpu.memory_space<hbm>>) dst(%arg14 : memref<64x128xf32, #tpu.memory_space<vmem>>)
      %dma_wait3A_156 = arith.constant 0 : i32
      %dma_wait3A_157 = arith.constant 0 : i32
      %dma_wait3A_158 = tpu.memref_slice %arg3[%dma_wait3A_156, %dma_wait3A_157] : memref<10240x128xf32, #tpu.memory_space<hbm>> -> memref<64x128xf32, #tpu.memory_space<hbm>>
      %dma_wait3A_159 = arith.constant 0 : i32
      %dma_wait3A_160 = arith.constant 0 : i32
      %dma_wait3A_161 = tpu.memref_slice %arg3[%dma_wait3A_159, %dma_wait3A_160] : memref<10240x128xf32, #tpu.memory_space<hbm>> -> memref<64x128xf32, #tpu.memory_space<hbm>>
      tpu.wait_dma2 semaphore(%arg21 : memref<!tpu.dma_semaphore, #tpu.memory_space<semaphore_mem>>) src(%dma_wait3A_161 : memref<64x128xf32, #tpu.memory_space<hbm>>) dst(%arg15 : memref<64x128xf32, #tpu.memory_space<vmem>>)
      %dma_start3A_162 = arith.constant 0 : i32
      %dma_start3A_163 = arith.constant 0 : i32
      %dma_start3A_164 = tpu.memref_slice %arg18[%dma_start3A_162, %dma_start3A_163] : memref<5248x128xf32, #tpu.memory_space<vmem_shared>> -> memref<5248x128xf32, #tpu.memory_space<vmem_shared>>
      tpu.enqueue_indirect_dma source(%arg14 : memref<64x128xf32, #tpu.memory_space<vmem>>) target(%dma_start3A_164 : memref<5248x128xf32, #tpu.memory_space<vmem_shared>>) offsets(%arg10 : memref<64xi32, #tpu.memory_space<vmem>>) semaphore(%arg24 : memref<!tpu.dma_semaphore, #tpu.memory_space<semaphore_mem>>) {add = true}
      %dma_start3A_165 = arith.constant 0 : i32
      %dma_start3A_166 = arith.constant 0 : i32
      %dma_start3A_167 = tpu.memref_slice %arg19[%dma_start3A_165, %dma_start3A_166] : memref<5248x128xf32, #tpu.memory_space<vmem_shared>> -> memref<5248x128xf32, #tpu.memory_space<vmem_shared>>
      tpu.enqueue_indirect_dma source(%arg15 : memref<64x128xf32, #tpu.memory_space<vmem>>) target(%dma_start3A_167 : memref<5248x128xf32, #tpu.memory_space<vmem_shared>>) offsets(%arg10 : memref<64xi32, #tpu.memory_space<vmem>>) semaphore(%arg25 : memref<!tpu.dma_semaphore, #tpu.memory_space<semaphore_mem>>) {add = true}
      %gt3A = arith.constant 0 : i32
      %gt3A_168 = arith.cmpi sgt, %scan3A_146, %gt3A : i32
      %convert_element_type3A = arith.extui %gt3A_168 : i1 to i32
      %cond3A = arith.constant 0 : i32
      %cond3A_169 = arith.cmpi ne, %convert_element_type3A, %cond3A : i32
      scf.if %cond3A_169 {
        %dma_wait3A_301 = arith.constant 0 : i32
        %dma_wait3A_302 = arith.constant 0 : i32
        %dma_wait3A_303 = tpu.memref_slice %arg2[%dma_wait3A_301, %dma_wait3A_302] : memref<10240x128xf32, #tpu.memory_space<hbm>> -> memref<64x128xf32, #tpu.memory_space<hbm>>
        %dma_wait3A_304 = arith.constant 0 : i32
        %dma_wait3A_305 = arith.constant 0 : i32
        %dma_wait3A_306 = tpu.memref_slice %arg2[%dma_wait3A_304, %dma_wait3A_305] : memref<10240x128xf32, #tpu.memory_space<hbm>> -> memref<64x128xf32, #tpu.memory_space<hbm>>
        tpu.wait_dma2 semaphore(%arg26 : memref<!tpu.dma_semaphore, #tpu.memory_space<semaphore_mem>>) src(%dma_wait3A_306 : memref<64x128xf32, #tpu.memory_space<hbm>>) dst(%arg16 : memref<64x128xf32, #tpu.memory_space<vmem>>)
        %dma_wait3A_307 = arith.constant 0 : i32
        %dma_wait3A_308 = arith.constant 0 : i32
        %dma_wait3A_309 = tpu.memref_slice %arg3[%dma_wait3A_307, %dma_wait3A_308] : memref<10240x128xf32, #tpu.memory_space<hbm>> -> memref<64x128xf32, #tpu.memory_space<hbm>>
        %dma_wait3A_310 = arith.constant 0 : i32
        %dma_wait3A_311 = arith.constant 0 : i32
        %dma_wait3A_312 = tpu.memref_slice %arg3[%dma_wait3A_310, %dma_wait3A_311] : memref<10240x128xf32, #tpu.memory_space<hbm>> -> memref<64x128xf32, #tpu.memory_space<hbm>>
        tpu.wait_dma2 semaphore(%arg27 : memref<!tpu.dma_semaphore, #tpu.memory_space<semaphore_mem>>) src(%dma_wait3A_312 : memref<64x128xf32, #tpu.memory_space<hbm>>) dst(%arg17 : memref<64x128xf32, #tpu.memory_space<vmem>>)
      } else {
      }
      %add3A_170 = arith.constant 1 : i32
      %add3A_171 = arith.addi %mul3A_149, %add3A_170 : i32
      %mul3A_172 = arith.constant 64 : i32
      %mul3A_173 = arith.muli %add3A_171, %mul3A_172 : i32
      %add3A_174 = arith.addi %mul3A_38, %mul3A_173 : i32
      %dma_start3A_175 = tpu.memref_slice %arg4[%add3A_174] : memref<321536xi32, #tpu.memory_space<hbm>> -> memref<64xi32, #tpu.memory_space<hbm>>
      %dma_start3A_176 = tpu.memref_slice %arg4[%add3A_174] : memref<321536xi32, #tpu.memory_space<hbm>> -> memref<64xi32, #tpu.memory_space<hbm>>
      tpu.enqueue_dma source(%dma_start3A_176 : memref<64xi32, #tpu.memory_space<hbm>>) target(%arg11 : memref<64xi32, #tpu.memory_space<vmem>>) target_semaphore(%arg28 : memref<!tpu.dma_semaphore, #tpu.memory_space<semaphore_mem>>)
      %dma_start3A_177 = tpu.memref_slice %arg5[%add3A_174] : memref<321536xi32, #tpu.memory_space<hbm>> -> memref<64xi32, #tpu.memory_space<hbm>>
      %dma_start3A_178 = tpu.memref_slice %arg5[%add3A_174] : memref<321536xi32, #tpu.memory_space<hbm>> -> memref<64xi32, #tpu.memory_space<hbm>>
      tpu.enqueue_dma source(%dma_start3A_178 : memref<64xi32, #tpu.memory_space<hbm>>) target(%arg12 : memref<64xi32, #tpu.memory_space<vmem>>) target_semaphore(%arg29 : memref<!tpu.dma_semaphore, #tpu.memory_space<semaphore_mem>>)
      %dma_wait3A_179 = arith.constant 0 : i32
      %dma_wait3A_180 = tpu.memref_slice %arg4[%dma_wait3A_179] : memref<321536xi32, #tpu.memory_space<hbm>> -> memref<64xi32, #tpu.memory_space<hbm>>
      %dma_wait3A_181 = arith.constant 0 : i32
      %dma_wait3A_182 = tpu.memref_slice %arg4[%dma_wait3A_181] : memref<321536xi32, #tpu.memory_space<hbm>> -> memref<64xi32, #tpu.memory_space<hbm>>
      tpu.wait_dma2 semaphore(%arg28 : memref<!tpu.dma_semaphore, #tpu.memory_space<semaphore_mem>>) src(%dma_wait3A_182 : memref<64xi32, #tpu.memory_space<hbm>>) dst(%arg11 : memref<64xi32, #tpu.memory_space<vmem>>)
      %dma_wait3A_183 = arith.constant 0 : i32
      %dma_wait3A_184 = tpu.memref_slice %arg5[%dma_wait3A_183] : memref<321536xi32, #tpu.memory_space<hbm>> -> memref<64xi32, #tpu.memory_space<hbm>>
      %dma_wait3A_185 = arith.constant 0 : i32
      %dma_wait3A_186 = tpu.memref_slice %arg5[%dma_wait3A_185] : memref<321536xi32, #tpu.memory_space<hbm>> -> memref<64xi32, #tpu.memory_space<hbm>>
      tpu.wait_dma2 semaphore(%arg29 : memref<!tpu.dma_semaphore, #tpu.memory_space<semaphore_mem>>) src(%dma_wait3A_186 : memref<64xi32, #tpu.memory_space<hbm>>) dst(%arg12 : memref<64xi32, #tpu.memory_space<vmem>>)
      %get3A_187 = arith.constant 0 : index
      %get3A_188 = tpu.vector_load %arg12[%get3A_187] {strides = array<i32>} : memref<64xi32, #tpu.memory_space<vmem>>, vector<16xi32>,
      %get3A_189 = vector.shape_cast %get3A_188 : vector<16xi32> to vector<16xi32>
      %ge3A_190 = vector.broadcast %mul3A_0 : i32 to vector<16xi32>
      %ge3A_191 = arith.cmpi sge, %get3A_189, %ge3A_190 : vector<16xi32>
      %add3A_192 = arith.constant 5120 : i32
      %add3A_193 = arith.addi %mul3A_0, %add3A_192 : i32
      %lt3A_194 = vector.broadcast %add3A_193 : i32 to vector<16xi32>
      %lt3A_195 = arith.cmpi slt, %get3A_189, %lt3A_194 : vector<16xi32>
      %and3A_196 = arith.andi %ge3A_191, %lt3A_195 : vector<16xi1>
      %sub3A_197 = vector.broadcast %mul3A_0 : i32 to vector<16xi32>
      %sub3A_198 = arith.subi %get3A_189, %sub3A_197 : vector<16xi32>
      %broadcast_in_dim3A_199 = vector.broadcast %add3A_1 : i32 to vector<16xi32>
      %select_n3A_200 = arith.select %and3A_196, %sub3A_198, %broadcast_in_dim3A_199 : vector<16xi1>, vector<16xi32>
      %swap3A_201 = arith.constant 0 : index
      %swap3A_202 = tpu.vector_load %arg13[%swap3A_201] {strides = array<i32>} : memref<64xi32, #tpu.memory_space<vmem>>, vector<16xi32>,
      %swap3A_203 = vector.shape_cast %swap3A_202 : vector<16xi32> to vector<16xi32>
      %swap3A_204 = vector.shape_cast %select_n3A_200 : vector<16xi32> to vector<16xi32>
      tpu.vector_store %arg13[%swap3A_201], %swap3A_204 {strides = array<i32>} : memref<64xi32, #tpu.memory_space<vmem>>, vector<16xi32>,
      %get3A_205 = arith.constant 16 : index
      %get3A_206 = tpu.vector_load %arg12[%get3A_205] {strides = array<i32>} : memref<64xi32, #tpu.memory_space<vmem>>, vector<16xi32>,
      %get3A_207 = vector.shape_cast %get3A_206 : vector<16xi32> to vector<16xi32>
      %ge3A_208 = vector.broadcast %mul3A_0 : i32 to vector<16xi32>
      %ge3A_209 = arith.cmpi sge, %get3A_207, %ge3A_208 : vector<16xi32>
      %add3A_210 = arith.constant 5120 : i32
      %add3A_211 = arith.addi %mul3A_0, %add3A_210 : i32
      %lt3A_212 = vector.broadcast %add3A_211 : i32 to vector<16xi32>
      %lt3A_213 = arith.cmpi slt, %get3A_207, %lt3A_212 : vector<16xi32>
      %and3A_214 = arith.andi %ge3A_209, %lt3A_213 : vector<16xi1>
      %sub3A_215 = vector.broadcast %mul3A_0 : i32 to vector<16xi32>
      %sub3A_216 = arith.subi %get3A_207, %sub3A_215 : vector<16xi32>
      %broadcast_in_dim3A_217 = vector.broadcast %add3A_1 : i32 to vector<16xi32>
      %select_n3A_218 = arith.select %and3A_214, %sub3A_216, %broadcast_in_dim3A_217 : vector<16xi1>, vector<16xi32>
      %swap3A_219 = arith.constant 16 : index
      %swap3A_220 = tpu.vector_load %arg13[%swap3A_219] {strides = array<i32>} : memref<64xi32, #tpu.memory_space<vmem>>, vector<16xi32>,
      %swap3A_221 = vector.shape_cast %swap3A_220 : vector<16xi32> to vector<16xi32>
      %swap3A_222 = vector.shape_cast %select_n3A_218 : vector<16xi32> to vector<16xi32>
      tpu.vector_store %arg13[%swap3A_219], %swap3A_222 {strides = array<i32>} : memref<64xi32, #tpu.memory_space<vmem>>, vector<16xi32>,
      %get3A_223 = arith.constant 32 : index
      %get3A_224 = tpu.vector_load %arg12[%get3A_223] {strides = array<i32>} : memref<64xi32, #tpu.memory_space<vmem>>, vector<16xi32>,
      %get3A_225 = vector.shape_cast %get3A_224 : vector<16xi32> to vector<16xi32>
      %ge3A_226 = vector.broadcast %mul3A_0 : i32 to vector<16xi32>
      %ge3A_227 = arith.cmpi sge, %get3A_225, %ge3A_226 : vector<16xi32>
      %add3A_228 = arith.constant 5120 : i32
      %add3A_229 = arith.addi %mul3A_0, %add3A_228 : i32
      %lt3A_230 = vector.broadcast %add3A_229 : i32 to vector<16xi32>
      %lt3A_231 = arith.cmpi slt, %get3A_225, %lt3A_230 : vector<16xi32>
      %and3A_232 = arith.andi %ge3A_227, %lt3A_231 : vector<16xi1>
      %sub3A_233 = vector.broadcast %mul3A_0 : i32 to vector<16xi32>
      %sub3A_234 = arith.subi %get3A_225, %sub3A_233 : vector<16xi32>
      %broadcast_in_dim3A_235 = vector.broadcast %add3A_1 : i32 to vector<16xi32>
      %select_n3A_236 = arith.select %and3A_232, %sub3A_234, %broadcast_in_dim3A_235 : vector<16xi1>, vector<16xi32>
      %swap3A_237 = arith.constant 32 : index
      %swap3A_238 = tpu.vector_load %arg13[%swap3A_237] {strides = array<i32>} : memref<64xi32, #tpu.memory_space<vmem>>, vector<16xi32>,
      %swap3A_239 = vector.shape_cast %swap3A_238 : vector<16xi32> to vector<16xi32>
      %swap3A_240 = vector.shape_cast %select_n3A_236 : vector<16xi32> to vector<16xi32>
      tpu.vector_store %arg13[%swap3A_237], %swap3A_240 {strides = array<i32>} : memref<64xi32, #tpu.memory_space<vmem>>, vector<16xi32>,
      %get3A_241 = arith.constant 48 : index
      %get3A_242 = tpu.vector_load %arg12[%get3A_241] {strides = array<i32>} : memref<64xi32, #tpu.memory_space<vmem>>, vector<16xi32>,
      %get3A_243 = vector.shape_cast %get3A_242 : vector<16xi32> to vector<16xi32>
      %ge3A_244 = vector.broadcast %mul3A_0 : i32 to vector<16xi32>
      %ge3A_245 = arith.cmpi sge, %get3A_243, %ge3A_244 : vector<16xi32>
      %add3A_246 = arith.constant 5120 : i32
      %add3A_247 = arith.addi %mul3A_0, %add3A_246 : i32
      %lt3A_248 = vector.broadcast %add3A_247 : i32 to vector<16xi32>
      %lt3A_249 = arith.cmpi slt, %get3A_243, %lt3A_248 : vector<16xi32>
      %and3A_250 = arith.andi %ge3A_245, %lt3A_249 : vector<16xi1>
      %sub3A_251 = vector.broadcast %mul3A_0 : i32 to vector<16xi32>
      %sub3A_252 = arith.subi %get3A_243, %sub3A_251 : vector<16xi32>
      %broadcast_in_dim3A_253 = vector.broadcast %add3A_1 : i32 to vector<16xi32>
      %select_n3A_254 = arith.select %and3A_250, %sub3A_252, %broadcast_in_dim3A_253 : vector<16xi1>, vector<16xi32>
      %swap3A_255 = arith.constant 48 : index
      %swap3A_256 = tpu.vector_load %arg13[%swap3A_255] {strides = array<i32>} : memref<64xi32, #tpu.memory_space<vmem>>, vector<16xi32>,
      %swap3A_257 = vector.shape_cast %swap3A_256 : vector<16xi32> to vector<16xi32>
      %swap3A_258 = vector.shape_cast %select_n3A_254 : vector<16xi32> to vector<16xi32>
      tpu.vector_store %arg13[%swap3A_255], %swap3A_258 {strides = array<i32>} : memref<64xi32, #tpu.memory_space<vmem>>, vector<16xi32>,
      %dma_start3A_259 = arith.constant 0 : i32
      %dma_start3A_260 = arith.constant 0 : i32
      %dma_start3A_261 = tpu.memref_slice %arg2[%dma_start3A_259, %dma_start3A_260] : memref<10240x128xf32, #tpu.memory_space<hbm>> -> memref<10240x128xf32, #tpu.memory_space<hbm>>
      tpu.enqueue_indirect_dma source(%dma_start3A_261 : memref<10240x128xf32, #tpu.memory_space<hbm>>) target(%arg16 : memref<64x128xf32, #tpu.memory_space<vmem>>) offsets(%arg11 : memref<64xi32, #tpu.memory_space<vmem>>) semaphore(%arg22 : memref<!tpu.dma_semaphore, #tpu.memory_space<semaphore_mem>>)
      %dma_start3A_262 = arith.constant 0 : i32
      %dma_start3A_263 = arith.constant 0 : i32
      %dma_start3A_264 = tpu.memref_slice %arg3[%dma_start3A_262, %dma_start3A_263] : memref<10240x128xf32, #tpu.memory_space<hbm>> -> memref<10240x128xf32, #tpu.memory_space<hbm>>
      tpu.enqueue_indirect_dma source(%dma_start3A_264 : memref<10240x128xf32, #tpu.memory_space<hbm>>) target(%arg17 : memref<64x128xf32, #tpu.memory_space<vmem>>) offsets(%arg11 : memref<64xi32, #tpu.memory_space<vmem>>) semaphore(%arg23 : memref<!tpu.dma_semaphore, #tpu.memory_space<semaphore_mem>>)
      %dma_wait3A_265 = arith.constant 0 : i32
      %dma_wait3A_266 = arith.constant 0 : i32
      %dma_wait3A_267 = tpu.memref_slice %arg2[%dma_wait3A_265, %dma_wait3A_266] : memref<10240x128xf32, #tpu.memory_space<hbm>> -> memref<64x128xf32, #tpu.memory_space<hbm>>
      %dma_wait3A_268 = arith.constant 0 : i32
      %dma_wait3A_269 = arith.constant 0 : i32
      %dma_wait3A_270 = tpu.memref_slice %arg2[%dma_wait3A_268, %dma_wait3A_269] : memref<10240x128xf32, #tpu.memory_space<hbm>> -> memref<64x128xf32, #tpu.memory_space<hbm>>
      tpu.wait_dma2 semaphore(%arg22 : memref<!tpu.dma_semaphore, #tpu.memory_space<semaphore_mem>>) src(%dma_wait3A_270 : memref<64x128xf32, #tpu.memory_space<hbm>>) dst(%arg16 : memref<64x128xf32, #tpu.memory_space<vmem>>)
      %dma_wait3A_271 = arith.constant 0 : i32
      %dma_wait3A_272 = arith.constant 0 : i32
      %dma_wait3A_273 = tpu.memref_slice %arg3[%dma_wait3A_271, %dma_wait3A_272] : memref<10240x128xf32, #tpu.memory_space<hbm>> -> memref<64x128xf32, #tpu.memory_space<hbm>>
      %dma_wait3A_274 = arith.constant 0 : i32
      %dma_wait3A_275 = arith.constant 0 : i32
      %dma_wait3A_276 = tpu.memref_slice %arg3[%dma_wait3A_274, %dma_wait3A_275] : memref<10240x128xf32, #tpu.memory_space<hbm>> -> memref<64x128xf32, #tpu.memory_space<hbm>>
      tpu.wait_dma2 semaphore(%arg23 : memref<!tpu.dma_semaphore, #tpu.memory_space<semaphore_mem>>) src(%dma_wait3A_276 : memref<64x128xf32, #tpu.memory_space<hbm>>) dst(%arg17 : memref<64x128xf32, #tpu.memory_space<vmem>>)
      %dma_start3A_277 = arith.constant 0 : i32
      %dma_start3A_278 = arith.constant 0 : i32
      %dma_start3A_279 = tpu.memref_slice %arg18[%dma_start3A_277, %dma_start3A_278] : memref<5248x128xf32, #tpu.memory_space<vmem_shared>> -> memref<5248x128xf32, #tpu.memory_space<vmem_shared>>
      tpu.enqueue_indirect_dma source(%arg16 : memref<64x128xf32, #tpu.memory_space<vmem>>) target(%dma_start3A_279 : memref<5248x128xf32, #tpu.memory_space<vmem_shared>>) offsets(%arg13 : memref<64xi32, #tpu.memory_space<vmem>>) semaphore(%arg26 : memref<!tpu.dma_semaphore, #tpu.memory_space<semaphore_mem>>) {add = true}
      %dma_start3A_280 = arith.constant 0 : i32
      %dma_start3A_281 = arith.constant 0 : i32
      %dma_start3A_282 = tpu.memref_slice %arg19[%dma_start3A_280, %dma_start3A_281] : memref<5248x128xf32, #tpu.memory_space<vmem_shared>> -> memref<5248x128xf32, #tpu.memory_space<vmem_shared>>
      tpu.enqueue_indirect_dma source(%arg17 : memref<64x128xf32, #tpu.memory_space<vmem>>) target(%dma_start3A_282 : memref<5248x128xf32, #tpu.memory_space<vmem_shared>>) offsets(%arg13 : memref<64xi32, #tpu.memory_space<vmem>>) semaphore(%arg27 : memref<!tpu.dma_semaphore, #tpu.memory_space<semaphore_mem>>) {add = true}
      %dma_wait3A_283 = arith.constant 0 : i32
      %dma_wait3A_284 = arith.constant 0 : i32
      %dma_wait3A_285 = tpu.memref_slice %arg2[%dma_wait3A_283, %dma_wait3A_284] : memref<10240x128xf32, #tpu.memory_space<hbm>> -> memref<64x128xf32, #tpu.memory_space<hbm>>
      %dma_wait3A_286 = arith.constant 0 : i32
      %dma_wait3A_287 = arith.constant 0 : i32
      %dma_wait3A_288 = tpu.memref_slice %arg2[%dma_wait3A_286, %dma_wait3A_287] : memref<10240x128xf32, #tpu.memory_space<hbm>> -> memref<64x128xf32, #tpu.memory_space<hbm>>
      tpu.wait_dma2 semaphore(%arg24 : memref<!tpu.dma_semaphore, #tpu.memory_space<semaphore_mem>>) src(%dma_wait3A_288 : memref<64x128xf32, #tpu.memory_space<hbm>>) dst(%arg14 : memref<64x128xf32, #tpu.memory_space<vmem>>)
      %dma_wait3A_289 = arith.constant 0 : i32
      %dma_wait3A_290 = arith.constant 0 : i32
      %dma_wait3A_291 = tpu.memref_slice %arg3[%dma_wait3A_289, %dma_wait3A_290] : memref<10240x128xf32, #tpu.memory_space<hbm>> -> memref<64x128xf32, #tpu.memory_space<hbm>>
      %dma_wait3A_292 = arith.constant 0 : i32
      %dma_wait3A_293 = arith.constant 0 : i32
      %dma_wait3A_294 = tpu.memref_slice %arg3[%dma_wait3A_292, %dma_wait3A_293] : memref<10240x128xf32, #tpu.memory_space<hbm>> -> memref<64x128xf32, #tpu.memory_space<hbm>>
      tpu.wait_dma2 semaphore(%arg25 : memref<!tpu.dma_semaphore, #tpu.memory_space<semaphore_mem>>) src(%dma_wait3A_294 : memref<64x128xf32, #tpu.memory_space<hbm>>) dst(%arg15 : memref<64x128xf32, #tpu.memory_space<vmem>>)
      %lt3A_295 = arith.constant 156 : i32
      %lt3A_296 = arith.cmpi slt, %scan3A_146, %lt3A_295 : i32
      %convert_element_type3A_297 = arith.extui %lt3A_296 : i1 to i32
      %cond3A_298 = arith.constant 0 : i32
      %cond3A_299 = arith.cmpi ne, %convert_element_type3A_297, %cond3A_298 : i32
      scf.if %cond3A_299 {
        %add3A_301 = arith.constant 2 : i32
        %add3A_302 = arith.addi %mul3A_149, %add3A_301 : i32
        %mul3A_303 = arith.constant 64 : i32
        %mul3A_304 = arith.muli %add3A_302, %mul3A_303 : i32
        %add3A_305 = arith.addi %mul3A_38, %mul3A_304 : i32
        %dma_start3A_306 = tpu.memref_slice %arg4[%add3A_305] : memref<321536xi32, #tpu.memory_space<hbm>> -> memref<64xi32, #tpu.memory_space<hbm>>
        %dma_start3A_307 = tpu.memref_slice %arg4[%add3A_305] : memref<321536xi32, #tpu.memory_space<hbm>> -> memref<64xi32, #tpu.memory_space<hbm>>
        tpu.enqueue_dma source(%dma_start3A_307 : memref<64xi32, #tpu.memory_space<hbm>>) target(%arg8 : memref<64xi32, #tpu.memory_space<vmem>>) target_semaphore(%arg28 : memref<!tpu.dma_semaphore, #tpu.memory_space<semaphore_mem>>)
        %dma_start3A_308 = tpu.memref_slice %arg5[%add3A_305] : memref<321536xi32, #tpu.memory_space<hbm>> -> memref<64xi32, #tpu.memory_space<hbm>>
        %dma_start3A_309 = tpu.memref_slice %arg5[%add3A_305] : memref<321536xi32, #tpu.memory_space<hbm>> -> memref<64xi32, #tpu.memory_space<hbm>>
        tpu.enqueue_dma source(%dma_start3A_309 : memref<64xi32, #tpu.memory_space<hbm>>) target(%arg9 : memref<64xi32, #tpu.memory_space<vmem>>) target_semaphore(%arg29 : memref<!tpu.dma_semaphore, #tpu.memory_space<semaphore_mem>>)
        %dma_wait3A_310 = arith.constant 0 : i32
        %dma_wait3A_311 = tpu.memref_slice %arg4[%dma_wait3A_310] : memref<321536xi32, #tpu.memory_space<hbm>> -> memref<64xi32, #tpu.memory_space<hbm>>
        %dma_wait3A_312 = arith.constant 0 : i32
        %dma_wait3A_313 = tpu.memref_slice %arg4[%dma_wait3A_312] : memref<321536xi32, #tpu.memory_space<hbm>> -> memref<64xi32, #tpu.memory_space<hbm>>
        tpu.wait_dma2 semaphore(%arg28 : memref<!tpu.dma_semaphore, #tpu.memory_space<semaphore_mem>>) src(%dma_wait3A_313 : memref<64xi32, #tpu.memory_space<hbm>>) dst(%arg8 : memref<64xi32, #tpu.memory_space<vmem>>)
        %dma_wait3A_314 = arith.constant 0 : i32
        %dma_wait3A_315 = tpu.memref_slice %arg5[%dma_wait3A_314] : memref<321536xi32, #tpu.memory_space<hbm>> -> memref<64xi32, #tpu.memory_space<hbm>>
        %dma_wait3A_316 = arith.constant 0 : i32
        %dma_wait3A_317 = tpu.memref_slice %arg5[%dma_wait3A_316] : memref<321536xi32, #tpu.memory_space<hbm>> -> memref<64xi32, #tpu.memory_space<hbm>>
        tpu.wait_dma2 semaphore(%arg29 : memref<!tpu.dma_semaphore, #tpu.memory_space<semaphore_mem>>) src(%dma_wait3A_317 : memref<64xi32, #tpu.memory_space<hbm>>) dst(%arg9 : memref<64xi32, #tpu.memory_space<vmem>>)
        %get3A_318 = arith.constant 0 : index
        %get3A_319 = tpu.vector_load %arg9[%get3A_318] {strides = array<i32>} : memref<64xi32, #tpu.memory_space<vmem>>, vector<16xi32>,
        %get3A_320 = vector.shape_cast %get3A_319 : vector<16xi32> to vector<16xi32>
        %ge3A_321 = vector.broadcast %mul3A_0 : i32 to vector<16xi32>
        %ge3A_322 = arith.cmpi sge, %get3A_320, %ge3A_321 : vector<16xi32>
        %add3A_323 = arith.constant 5120 : i32
        %add3A_324 = arith.addi %mul3A_0, %add3A_323 : i32
        %lt3A_325 = vector.broadcast %add3A_324 : i32 to vector<16xi32>
        %lt3A_326 = arith.cmpi slt, %get3A_320, %lt3A_325 : vector<16xi32>
        %and3A_327 = arith.andi %ge3A_322, %lt3A_326 : vector<16xi1>
        %sub3A_328 = vector.broadcast %mul3A_0 : i32 to vector<16xi32>
        %sub3A_329 = arith.subi %get3A_320, %sub3A_328 : vector<16xi32>
        %broadcast_in_dim3A_330 = vector.broadcast %add3A_1 : i32 to vector<16xi32>
        %select_n3A_331 = arith.select %and3A_327, %sub3A_329, %broadcast_in_dim3A_330 : vector<16xi1>, vector<16xi32>
        %swap3A_332 = arith.constant 0 : index
        %swap3A_333 = tpu.vector_load %arg10[%swap3A_332] {strides = array<i32>} : memref<64xi32, #tpu.memory_space<vmem>>, vector<16xi32>,
        %swap3A_334 = vector.shape_cast %swap3A_333 : vector<16xi32> to vector<16xi32>
        %swap3A_335 = vector.shape_cast %select_n3A_331 : vector<16xi32> to vector<16xi32>
        tpu.vector_store %arg10[%swap3A_332], %swap3A_335 {strides = array<i32>} : memref<64xi32, #tpu.memory_space<vmem>>, vector<16xi32>,
        %get3A_336 = arith.constant 16 : index
        %get3A_337 = tpu.vector_load %arg9[%get3A_336] {strides = array<i32>} : memref<64xi32, #tpu.memory_space<vmem>>, vector<16xi32>,
        %get3A_338 = vector.shape_cast %get3A_337 : vector<16xi32> to vector<16xi32>
        %ge3A_339 = vector.broadcast %mul3A_0 : i32 to vector<16xi32>
        %ge3A_340 = arith.cmpi sge, %get3A_338, %ge3A_339 : vector<16xi32>
        %add3A_341 = arith.constant 5120 : i32
        %add3A_342 = arith.addi %mul3A_0, %add3A_341 : i32
        %lt3A_343 = vector.broadcast %add3A_342 : i32 to vector<16xi32>
        %lt3A_344 = arith.cmpi slt, %get3A_338, %lt3A_343 : vector<16xi32>
        %and3A_345 = arith.andi %ge3A_340, %lt3A_344 : vector<16xi1>
        %sub3A_346 = vector.broadcast %mul3A_0 : i32 to vector<16xi32>
        %sub3A_347 = arith.subi %get3A_338, %sub3A_346 : vector<16xi32>
        %broadcast_in_dim3A_348 = vector.broadcast %add3A_1 : i32 to vector<16xi32>
        %select_n3A_349 = arith.select %and3A_345, %sub3A_347, %broadcast_in_dim3A_348 : vector<16xi1>, vector<16xi32>
        %swap3A_350 = arith.constant 16 : index
        %swap3A_351 = tpu.vector_load %arg10[%swap3A_350] {strides = array<i32>} : memref<64xi32, #tpu.memory_space<vmem>>, vector<16xi32>,
        %swap3A_352 = vector.shape_cast %swap3A_351 : vector<16xi32> to vector<16xi32>
        %swap3A_353 = vector.shape_cast %select_n3A_349 : vector<16xi32> to vector<16xi32>
        tpu.vector_store %arg10[%swap3A_350], %swap3A_353 {strides = array<i32>} : memref<64xi32, #tpu.memory_space<vmem>>, vector<16xi32>,
        %get3A_354 = arith.constant 32 : index
        %get3A_355 = tpu.vector_load %arg9[%get3A_354] {strides = array<i32>} : memref<64xi32, #tpu.memory_space<vmem>>, vector<16xi32>,
        %get3A_356 = vector.shape_cast %get3A_355 : vector<16xi32> to vector<16xi32>
        %ge3A_357 = vector.broadcast %mul3A_0 : i32 to vector<16xi32>
        %ge3A_358 = arith.cmpi sge, %get3A_356, %ge3A_357 : vector<16xi32>
        %add3A_359 = arith.constant 5120 : i32
        %add3A_360 = arith.addi %mul3A_0, %add3A_359 : i32
        %lt3A_361 = vector.broadcast %add3A_360 : i32 to vector<16xi32>
        %lt3A_362 = arith.cmpi slt, %get3A_356, %lt3A_361 : vector<16xi32>
        %and3A_363 = arith.andi %ge3A_358, %lt3A_362 : vector<16xi1>
        %sub3A_364 = vector.broadcast %mul3A_0 : i32 to vector<16xi32>
        %sub3A_365 = arith.subi %get3A_356, %sub3A_364 : vector<16xi32>
        %broadcast_in_dim3A_366 = vector.broadcast %add3A_1 : i32 to vector<16xi32>
        %select_n3A_367 = arith.select %and3A_363, %sub3A_365, %broadcast_in_dim3A_366 : vector<16xi1>, vector<16xi32>
        %swap3A_368 = arith.constant 32 : index
        %swap3A_369 = tpu.vector_load %arg10[%swap3A_368] {strides = array<i32>} : memref<64xi32, #tpu.memory_space<vmem>>, vector<16xi32>,
        %swap3A_370 = vector.shape_cast %swap3A_369 : vector<16xi32> to vector<16xi32>
        %swap3A_371 = vector.shape_cast %select_n3A_367 : vector<16xi32> to vector<16xi32>
        tpu.vector_store %arg10[%swap3A_368], %swap3A_371 {strides = array<i32>} : memref<64xi32, #tpu.memory_space<vmem>>, vector<16xi32>,
        %get3A_372 = arith.constant 48 : index
        %get3A_373 = tpu.vector_load %arg9[%get3A_372] {strides = array<i32>} : memref<64xi32, #tpu.memory_space<vmem>>, vector<16xi32>,
        %get3A_374 = vector.shape_cast %get3A_373 : vector<16xi32> to vector<16xi32>
        %ge3A_375 = vector.broadcast %mul3A_0 : i32 to vector<16xi32>
        %ge3A_376 = arith.cmpi sge, %get3A_374, %ge3A_375 : vector<16xi32>
        %add3A_377 = arith.constant 5120 : i32
        %add3A_378 = arith.addi %mul3A_0, %add3A_377 : i32
        %lt3A_379 = vector.broadcast %add3A_378 : i32 to vector<16xi32>
        %lt3A_380 = arith.cmpi slt, %get3A_374, %lt3A_379 : vector<16xi32>
        %and3A_381 = arith.andi %ge3A_376, %lt3A_380 : vector<16xi1>
        %sub3A_382 = vector.broadcast %mul3A_0 : i32 to vector<16xi32>
        %sub3A_383 = arith.subi %get3A_374, %sub3A_382 : vector<16xi32>
        %broadcast_in_dim3A_384 = vector.broadcast %add3A_1 : i32 to vector<16xi32>
        %select_n3A_385 = arith.select %and3A_381, %sub3A_383, %broadcast_in_dim3A_384 : vector<16xi1>, vector<16xi32>
        %swap3A_386 = arith.constant 48 : index
        %swap3A_387 = tpu.vector_load %arg10[%swap3A_386] {strides = array<i32>} : memref<64xi32, #tpu.memory_space<vmem>>, vector<16xi32>,
        %swap3A_388 = vector.shape_cast %swap3A_387 : vector<16xi32> to vector<16xi32>
        %swap3A_389 = vector.shape_cast %select_n3A_385 : vector<16xi32> to vector<16xi32>
        tpu.vector_store %arg10[%swap3A_386], %swap3A_389 {strides = array<i32>} : memref<64xi32, #tpu.memory_space<vmem>>, vector<16xi32>,
        %dma_start3A_390 = arith.constant 0 : i32
        %dma_start3A_391 = arith.constant 0 : i32
        %dma_start3A_392 = tpu.memref_slice %arg2[%dma_start3A_390, %dma_start3A_391] : memref<10240x128xf32, #tpu.memory_space<hbm>> -> memref<10240x128xf32, #tpu.memory_space<hbm>>
        tpu.enqueue_indirect_dma source(%dma_start3A_392 : memref<10240x128xf32, #tpu.memory_space<hbm>>) target(%arg14 : memref<64x128xf32, #tpu.memory_space<vmem>>) offsets(%arg8 : memref<64xi32, #tpu.memory_space<vmem>>) semaphore(%arg20 : memref<!tpu.dma_semaphore, #tpu.memory_space<semaphore_mem>>)
        %dma_start3A_393 = arith.constant 0 : i32
        %dma_start3A_394 = arith.constant 0 : i32
        %dma_start3A_395 = tpu.memref_slice %arg3[%dma_start3A_393, %dma_start3A_394] : memref<10240x128xf32, #tpu.memory_space<hbm>> -> memref<10240x128xf32, #tpu.memory_space<hbm>>
        tpu.enqueue_indirect_dma source(%dma_start3A_395 : memref<10240x128xf32, #tpu.memory_space<hbm>>) target(%arg15 : memref<64x128xf32, #tpu.memory_space<vmem>>) offsets(%arg8 : memref<64xi32, #tpu.memory_space<vmem>>) semaphore(%arg21 : memref<!tpu.dma_semaphore, #tpu.memory_space<semaphore_mem>>)
      } else {
      }
      %scan3A_300 = arith.constant 0 : i32
      scf.yield %scan3A_300 : i32
    }
    %scan3A_128 = arith.constant 157 : i32
    %dma_wait3A_129 = arith.constant 0 : i32
    %dma_wait3A_130 = arith.constant 0 : i32
    %dma_wait3A_131 = tpu.memref_slice %arg2[%dma_wait3A_129, %dma_wait3A_130] : memref<10240x128xf32, #tpu.memory_space<hbm>> -> memref<64x128xf32, #tpu.memory_space<hbm>>
    %dma_wait3A_132 = arith.constant 0 : i32
    %dma_wait3A_133 = arith.constant 0 : i32
    %dma_wait3A_134 = tpu.memref_slice %arg2[%dma_wait3A_132, %dma_wait3A_133] : memref<10240x128xf32, #tpu.memory_space<hbm>> -> memref<64x128xf32, #tpu.memory_space<hbm>>
    tpu.wait_dma2 semaphore(%arg26 : memref<!tpu.dma_semaphore, #tpu.memory_space<semaphore_mem>>) src(%dma_wait3A_134 : memref<64x128xf32, #tpu.memory_space<hbm>>) dst(%arg16 : memref<64x128xf32, #tpu.memory_space<vmem>>)
    %dma_wait3A_135 = arith.constant 0 : i32
    %dma_wait3A_136 = arith.constant 0 : i32
    %dma_wait3A_137 = tpu.memref_slice %arg3[%dma_wait3A_135, %dma_wait3A_136] : memref<10240x128xf32, #tpu.memory_space<hbm>> -> memref<64x128xf32, #tpu.memory_space<hbm>>
    %dma_wait3A_138 = arith.constant 0 : i32
    %dma_wait3A_139 = arith.constant 0 : i32
    %dma_wait3A_140 = tpu.memref_slice %arg3[%dma_wait3A_138, %dma_wait3A_139] : memref<10240x128xf32, #tpu.memory_space<hbm>> -> memref<64x128xf32, #tpu.memory_space<hbm>>
    tpu.wait_dma2 semaphore(%arg27 : memref<!tpu.dma_semaphore, #tpu.memory_space<semaphore_mem>>) src(%dma_wait3A_140 : memref<64x128xf32, #tpu.memory_space<hbm>>) dst(%arg17 : memref<64x128xf32, #tpu.memory_space<vmem>>)
    %barrier3A_141 = arith.constant 0 : index
    tpu.barrier barrier_id(%barrier3A_141)
    %mul3A_142 = arith.constant 320 : i32
    %mul3A_143 = arith.muli %arg1, %mul3A_142 : i32
    %add3A_144 = arith.addi %mul3A_0, %mul3A_143 : i32
    "tpu.region"() ({
      %run_scoped3A = tpu.sem_alloc : memref<!tpu.dma_semaphore, #tpu.memory_space<semaphore_mem>>
      %dma_start3A_146 = arith.constant 0 : i32
      %dma_start3A_147 = tpu.memref_slice %arg6[%add3A_144, %dma_start3A_146] : memref<10240x128xf32, #tpu.memory_space<hbm>> -> memref<320x128xf32, #tpu.memory_space<hbm>>
      %dma_start3A_148 = arith.constant 0 : i32
      %dma_start3A_149 = tpu.memref_slice %arg18[%mul3A_143, %dma_start3A_148] : memref<5248x128xf32, #tpu.memory_space<vmem_shared>> -> memref<320x128xf32, #tpu.memory_space<vmem_shared>>
      tpu.enqueue_dma source(%dma_start3A_149 : memref<320x128xf32, #tpu.memory_space<vmem_shared>>) target(%dma_start3A_147 : memref<320x128xf32, #tpu.memory_space<hbm>>) target_semaphore(%run_scoped3A : memref<!tpu.dma_semaphore, #tpu.memory_space<semaphore_mem>>)
      %dma_wait3A_150 = arith.constant 0 : i32
      %dma_wait3A_151 = tpu.memref_slice %arg6[%add3A_144, %dma_wait3A_150] : memref<10240x128xf32, #tpu.memory_space<hbm>> -> memref<320x128xf32, #tpu.memory_space<hbm>>
      %dma_wait3A_152 = arith.constant 0 : i32
      %dma_wait3A_153 = tpu.memref_slice %arg18[%mul3A_143, %dma_wait3A_152] : memref<5248x128xf32, #tpu.memory_space<vmem_shared>> -> memref<320x128xf32, #tpu.memory_space<vmem_shared>>
      tpu.wait_dma2 semaphore(%run_scoped3A : memref<!tpu.dma_semaphore, #tpu.memory_space<semaphore_mem>>) src(%dma_wait3A_153 : memref<320x128xf32, #tpu.memory_space<vmem_shared>>) dst(%dma_wait3A_151 : memref<320x128xf32, #tpu.memory_space<hbm>>)
      tpu.yield
    }) : () -> ()
    %add3A_145 = arith.addi %mul3A_0, %mul3A_143 : i32
    "tpu.region"() ({
      %run_scoped3A = tpu.sem_alloc : memref<!tpu.dma_semaphore, #tpu.memory_space<semaphore_mem>>
      %dma_start3A_146 = arith.constant 0 : i32
      %dma_start3A_147 = tpu.memref_slice %arg7[%add3A_145, %dma_start3A_146] : memref<10240x128xf32, #tpu.memory_space<hbm>> -> memref<320x128xf32, #tpu.memory_space<hbm>>
      %dma_start3A_148 = arith.constant 0 : i32
      %dma_start3A_149 = tpu.memref_slice %arg19[%mul3A_143, %dma_start3A_148] : memref<5248x128xf32, #tpu.memory_space<vmem_shared>> -> memref<320x128xf32, #tpu.memory_space<vmem_shared>>
      tpu.enqueue_dma source(%dma_start3A_149 : memref<320x128xf32, #tpu.memory_space<vmem_shared>>) target(%dma_start3A_147 : memref<320x128xf32, #tpu.memory_space<hbm>>) target_semaphore(%run_scoped3A : memref<!tpu.dma_semaphore, #tpu.memory_space<semaphore_mem>>)
      %dma_wait3A_150 = arith.constant 0 : i32
      %dma_wait3A_151 = tpu.memref_slice %arg7[%add3A_145, %dma_wait3A_150] : memref<10240x128xf32, #tpu.memory_space<hbm>> -> memref<320x128xf32, #tpu.memory_space<hbm>>
      %dma_wait3A_152 = arith.constant 0 : i32
      %dma_wait3A_153 = tpu.memref_slice %arg19[%mul3A_143, %dma_wait3A_152] : memref<5248x128xf32, #tpu.memory_space<vmem_shared>> -> memref<320x128xf32, #tpu.memory_space<vmem_shared>>
      tpu.wait_dma2 semaphore(%run_scoped3A : memref<!tpu.dma_semaphore, #tpu.memory_space<semaphore_mem>>) src(%dma_wait3A_153 : memref<320x128xf32, #tpu.memory_space<vmem_shared>>) dst(%dma_wait3A_151 : memref<320x128xf32, #tpu.memory_space<hbm>>)
      tpu.yield
    }) : () -> ()
    return
  }
}

#map = affine_map<(d0, d1) -> (0, 0)>
#map1 = affine_map<(d0, d1) -> (0)>
module attributes {stable_mosaic.version = 14 : i64} {
  func.func @_agg_body(%arg0: i32, %arg1: i32, %arg2: memref<10240x128xf32, #tpu.memory_space<hbm>>, %arg3: memref<10240x128xf32, #tpu.memory_space<hbm>>, %arg4: memref<321536xi32, #tpu.memory_space<hbm>>, %arg5: memref<321536xi32, #tpu.memory_space<hbm>>, %arg6: memref<10240x128xf32, #tpu.memory_space<hbm>>, %arg7: memref<10240x128xf32, #tpu.memory_space<hbm>>, %arg8: memref<64xi32, #tpu.memory_space<vmem>>, %arg9: memref<64xi32, #tpu.memory_space<vmem>>, %arg10: memref<64xi32, #tpu.memory_space<vmem>>, %arg11: memref<64xi32, #tpu.memory_space<vmem>>, %arg12: memref<64xi32, #tpu.memory_space<vmem>>, %arg13: memref<64xi32, #tpu.memory_space<vmem>>, %arg14: memref<64x128xf32, #tpu.memory_space<vmem>>, %arg15: memref<64x128xf32, #tpu.memory_space<vmem>>, %arg16: memref<64x128xf32, #tpu.memory_space<vmem>>, %arg17: memref<64x128xf32, #tpu.memory_space<vmem>>, %arg18: memref<5248x128xf32, #tpu.memory_space<vmem_shared>>, %arg19: memref<5248x128xf32, #tpu.memory_space<vmem_shared>>, %arg20: memref<!tpu.dma_semaphore, #tpu.memory_space<semaphore_mem>>, %arg21: memref<!tpu.dma_semaphore, #tpu.memory_space<semaphore_mem>>, %arg22: memref<!tpu.dma_semaphore, #tpu.memory_space<semaphore_mem>>, %arg23: memref<!tpu.dma_semaphore, #tpu.memory_space<semaphore_mem>>, %arg24: memref<!tpu.dma_semaphore, #tpu.memory_space<semaphore_mem>>, %arg25: memref<!tpu.dma_semaphore, #tpu.memory_space<semaphore_mem>>, %arg26: memref<!tpu.dma_semaphore, #tpu.memory_space<semaphore_mem>>, %arg27: memref<!tpu.dma_semaphore, #tpu.memory_space<semaphore_mem>>, %arg28: memref<!tpu.dma_semaphore, #tpu.memory_space<semaphore_mem>>, %arg29: memref<!tpu.dma_semaphore, #tpu.memory_space<semaphore_mem>>) attributes {dimension_semantics = [#tpu.dimension_semantics<core_parallel>, #tpu.dimension_semantics<subcore_parallel>], iteration_bounds = array<i64: 2, 16>, scalar_prefetch = 0 : i64, scratch_operands = 22 : i64, tpu.core_type = #tpu.core_type<sc_vector_subcore>, window_params = [{transform_indices = #map}, {transform_indices = #map}, {transform_indices = #map1}, {transform_indices = #map1}, {transform_indices = #map}, {transform_indices = #map}]} {
    %mul3A = arith.constant 5120 : i32
    %mul3A_0 = arith.muli %arg0, %mul3A : i32
    %add3A = arith.constant 5120 : i32
    %add3A_1 = arith.addi %add3A, %arg1 : i32
    %broadcast_in_dim3A = arith.constant 0.000000e+00 : f32
    %broadcast_in_dim3A_2 = vector.broadcast %broadcast_in_dim3A : f32 to vector<16xf32>
    %scan3A = arith.constant 0 : i32
    %scan3A_3 = arith.constant 0 : i32
    %scan3A_4 = arith.constant 64 : i32
    %scan3A_5 = arith.addi %scan3A_3, %scan3A_4 : i32
    %scan3A_6 = arith.constant 1 : i32
    %scan3A_7 = scf.for %scan3A_146 = %scan3A_3 to %scan3A_5 step %scan3A_6 iter_args(%scan3A_147 = %scan3A) -> (i32)  : i32 {
      %swap3A_148 = arith.index_cast %scan3A_146 : i32 to index
      %swap3A_149 = arith.constant 0 : index
      %swap3A_150 = tpu.vector_load %arg14[%swap3A_148, %swap3A_149] {strides = array<i32>} : memref<64x128xf32, #tpu.memory_space<vmem>>, vector<1x16xf32>,
      %swap3A_151 = vector.shape_cast %swap3A_150 : vector<1x16xf32> to vector<16xf32>
      %swap3A_152 = vector.shape_cast %broadcast_in_dim3A_2 : vector<16xf32> to vector<1x16xf32>
      tpu.vector_store %arg14[%swap3A_148, %swap3A_149], %swap3A_152 {strides = array<i32>} : memref<64x128xf32, #tpu.memory_space<vmem>>, vector<1x16xf32>,
      %swap3A_153 = arith.index_cast %scan3A_146 : i32 to index
      %swap3A_154 = arith.constant 16 : index
      %swap3A_155 = tpu.vector_load %arg14[%swap3A_153, %swap3A_154] {strides = array<i32>} : memref<64x128xf32, #tpu.memory_space<vmem>>, vector<1x16xf32>,
      %swap3A_156 = vector.shape_cast %swap3A_155 : vector<1x16xf32> to vector<16xf32>
      %swap3A_157 = vector.shape_cast %broadcast_in_dim3A_2 : vector<16xf32> to vector<1x16xf32>
      tpu.vector_store %arg14[%swap3A_153, %swap3A_154], %swap3A_157 {strides = array<i32>} : memref<64x128xf32, #tpu.memory_space<vmem>>, vector<1x16xf32>,
      %swap3A_158 = arith.index_cast %scan3A_146 : i32 to index
      %swap3A_159 = arith.constant 32 : index
      %swap3A_160 = tpu.vector_load %arg14[%swap3A_158, %swap3A_159] {strides = array<i32>} : memref<64x128xf32, #tpu.memory_space<vmem>>, vector<1x16xf32>,
      %swap3A_161 = vector.shape_cast %swap3A_160 : vector<1x16xf32> to vector<16xf32>
      %swap3A_162 = vector.shape_cast %broadcast_in_dim3A_2 : vector<16xf32> to vector<1x16xf32>
      tpu.vector_store %arg14[%swap3A_158, %swap3A_159], %swap3A_162 {strides = array<i32>} : memref<64x128xf32, #tpu.memory_space<vmem>>, vector<1x16xf32>,
      %swap3A_163 = arith.index_cast %scan3A_146 : i32 to index
      %swap3A_164 = arith.constant 48 : index
      %swap3A_165 = tpu.vector_load %arg14[%swap3A_163, %swap3A_164] {strides = array<i32>} : memref<64x128xf32, #tpu.memory_space<vmem>>, vector<1x16xf32>,
      %swap3A_166 = vector.shape_cast %swap3A_165 : vector<1x16xf32> to vector<16xf32>
      %swap3A_167 = vector.shape_cast %broadcast_in_dim3A_2 : vector<16xf32> to vector<1x16xf32>
      tpu.vector_store %arg14[%swap3A_163, %swap3A_164], %swap3A_167 {strides = array<i32>} : memref<64x128xf32, #tpu.memory_space<vmem>>, vector<1x16xf32>,
      %swap3A_168 = arith.index_cast %scan3A_146 : i32 to index
      %swap3A_169 = arith.constant 64 : index
      %swap3A_170 = tpu.vector_load %arg14[%swap3A_168, %swap3A_169] {strides = array<i32>} : memref<64x128xf32, #tpu.memory_space<vmem>>, vector<1x16xf32>,
      %swap3A_171 = vector.shape_cast %swap3A_170 : vector<1x16xf32> to vector<16xf32>
      %swap3A_172 = vector.shape_cast %broadcast_in_dim3A_2 : vector<16xf32> to vector<1x16xf32>
      tpu.vector_store %arg14[%swap3A_168, %swap3A_169], %swap3A_172 {strides = array<i32>} : memref<64x128xf32, #tpu.memory_space<vmem>>, vector<1x16xf32>,
      %swap3A_173 = arith.index_cast %scan3A_146 : i32 to index
      %swap3A_174 = arith.constant 80 : index
      %swap3A_175 = tpu.vector_load %arg14[%swap3A_173, %swap3A_174] {strides = array<i32>} : memref<64x128xf32, #tpu.memory_space<vmem>>, vector<1x16xf32>,
      %swap3A_176 = vector.shape_cast %swap3A_175 : vector<1x16xf32> to vector<16xf32>
      %swap3A_177 = vector.shape_cast %broadcast_in_dim3A_2 : vector<16xf32> to vector<1x16xf32>
      tpu.vector_store %arg14[%swap3A_173, %swap3A_174], %swap3A_177 {strides = array<i32>} : memref<64x128xf32, #tpu.memory_space<vmem>>, vector<1x16xf32>,
      %swap3A_178 = arith.index_cast %scan3A_146 : i32 to index
      %swap3A_179 = arith.constant 96 : index
      %swap3A_180 = tpu.vector_load %arg14[%swap3A_178, %swap3A_179] {strides = array<i32>} : memref<64x128xf32, #tpu.memory_space<vmem>>, vector<1x16xf32>,
      %swap3A_181 = vector.shape_cast %swap3A_180 : vector<1x16xf32> to vector<16xf32>
      %swap3A_182 = vector.shape_cast %broadcast_in_dim3A_2 : vector<16xf32> to vector<1x16xf32>
      tpu.vector_store %arg14[%swap3A_178, %swap3A_179], %swap3A_182 {strides = array<i32>} : memref<64x128xf32, #tpu.memory_space<vmem>>, vector<1x16xf32>,
      %swap3A_183 = arith.index_cast %scan3A_146 : i32 to index
      %swap3A_184 = arith.constant 112 : index
      %swap3A_185 = tpu.vector_load %arg14[%swap3A_183, %swap3A_184] {strides = array<i32>} : memref<64x128xf32, #tpu.memory_space<vmem>>, vector<1x16xf32>,
      %swap3A_186 = vector.shape_cast %swap3A_185 : vector<1x16xf32> to vector<16xf32>
      %swap3A_187 = vector.shape_cast %broadcast_in_dim3A_2 : vector<16xf32> to vector<1x16xf32>
      tpu.vector_store %arg14[%swap3A_183, %swap3A_184], %swap3A_187 {strides = array<i32>} : memref<64x128xf32, #tpu.memory_space<vmem>>, vector<1x16xf32>,
      %scan3A_188 = arith.constant 0 : i32
      scf.yield %scan3A_188 : i32
    }
    %scan3A_8 = arith.constant 64 : i32
    %mul3A_9 = arith.constant 328 : i32
    %mul3A_10 = arith.muli %arg1, %mul3A_9 : i32
    %add3A_11 = arith.constant 0 : i32
    %add3A_12 = arith.addi %mul3A_10, %add3A_11 : i32
    "tpu.region"() ({
      %run_scoped3A = tpu.sem_alloc : memref<!tpu.dma_semaphore, #tpu.memory_space<semaphore_mem>>
      %dma_start3A_146 = arith.constant 0 : i32
      %dma_start3A_147 = tpu.memref_slice %arg18[%add3A_12, %dma_start3A_146] : memref<5248x128xf32, #tpu.memory_space<vmem_shared>> -> memref<64x128xf32, #tpu.memory_space<vmem_shared>>
      %dma_start3A_148 = arith.constant 0 : i32
      %dma_start3A_149 = tpu.memref_slice %arg18[%add3A_12, %dma_start3A_148] : memref<5248x128xf32, #tpu.memory_space<vmem_shared>> -> memref<64x128xf32, #tpu.memory_space<vmem_shared>>
      tpu.enqueue_dma source(%arg14 : memref<64x128xf32, #tpu.memory_space<vmem>>) target(%dma_start3A_149 : memref<64x128xf32, #tpu.memory_space<vmem_shared>>) target_semaphore(%run_scoped3A : memref<!tpu.dma_semaphore, #tpu.memory_space<semaphore_mem>>)
      %dma_wait3A_150 = arith.constant 0 : i32
      %dma_wait3A_151 = tpu.memref_slice %arg18[%add3A_12, %dma_wait3A_150] : memref<5248x128xf32, #tpu.memory_space<vmem_shared>> -> memref<64x128xf32, #tpu.memory_space<vmem_shared>>
      %dma_wait3A_152 = arith.constant 0 : i32
      %dma_wait3A_153 = tpu.memref_slice %arg18[%add3A_12, %dma_wait3A_152] : memref<5248x128xf32, #tpu.memory_space<vmem_shared>> -> memref<64x128xf32, #tpu.memory_space<vmem_shared>>
      tpu.wait_dma2 semaphore(%run_scoped3A : memref<!tpu.dma_semaphore, #tpu.memory_space<semaphore_mem>>) src(%arg14 : memref<64x128xf32, #tpu.memory_space<vmem>>) dst(%dma_wait3A_153 : memref<64x128xf32, #tpu.memory_space<vmem_shared>>)
      tpu.yield
    }) : () -> ()
    %add3A_13 = arith.constant 64 : i32
    %add3A_14 = arith.addi %mul3A_10, %add3A_13 : i32
    "tpu.region"() ({
      %run_scoped3A = tpu.sem_alloc : memref<!tpu.dma_semaphore, #tpu.memory_space<semaphore_mem>>
      %dma_start3A_146 = arith.constant 0 : i32
      %dma_start3A_147 = tpu.memref_slice %arg18[%add3A_14, %dma_start3A_146] : memref<5248x128xf32, #tpu.memory_space<vmem_shared>> -> memref<64x128xf32, #tpu.memory_space<vmem_shared>>
      %dma_start3A_148 = arith.constant 0 : i32
      %dma_start3A_149 = tpu.memref_slice %arg18[%add3A_14, %dma_start3A_148] : memref<5248x128xf32, #tpu.memory_space<vmem_shared>> -> memref<64x128xf32, #tpu.memory_space<vmem_shared>>
      tpu.enqueue_dma source(%arg14 : memref<64x128xf32, #tpu.memory_space<vmem>>) target(%dma_start3A_149 : memref<64x128xf32, #tpu.memory_space<vmem_shared>>) target_semaphore(%run_scoped3A : memref<!tpu.dma_semaphore, #tpu.memory_space<semaphore_mem>>)
      %dma_wait3A_150 = arith.constant 0 : i32
      %dma_wait3A_151 = tpu.memref_slice %arg18[%add3A_14, %dma_wait3A_150] : memref<5248x128xf32, #tpu.memory_space<vmem_shared>> -> memref<64x128xf32, #tpu.memory_space<vmem_shared>>
      %dma_wait3A_152 = arith.constant 0 : i32
      %dma_wait3A_153 = tpu.memref_slice %arg18[%add3A_14, %dma_wait3A_152] : memref<5248x128xf32, #tpu.memory_space<vmem_shared>> -> memref<64x128xf32, #tpu.memory_space<vmem_shared>>
      tpu.wait_dma2 semaphore(%run_scoped3A : memref<!tpu.dma_semaphore, #tpu.memory_space<semaphore_mem>>) src(%arg14 : memref<64x128xf32, #tpu.memory_space<vmem>>) dst(%dma_wait3A_153 : memref<64x128xf32, #tpu.memory_space<vmem_shared>>)
      tpu.yield
    }) : () -> ()
    %add3A_15 = arith.constant 128 : i32
    %add3A_16 = arith.addi %mul3A_10, %add3A_15 : i32
    "tpu.region"() ({
      %run_scoped3A = tpu.sem_alloc : memref<!tpu.dma_semaphore, #tpu.memory_space<semaphore_mem>>
      %dma_start3A_146 = arith.constant 0 : i32
      %dma_start3A_147 = tpu.memref_slice %arg18[%add3A_16, %dma_start3A_146] : memref<5248x128xf32, #tpu.memory_space<vmem_shared>> -> memref<64x128xf32, #tpu.memory_space<vmem_shared>>
      %dma_start3A_148 = arith.constant 0 : i32
      %dma_start3A_149 = tpu.memref_slice %arg18[%add3A_16, %dma_start3A_148] : memref<5248x128xf32, #tpu.memory_space<vmem_shared>> -> memref<64x128xf32, #tpu.memory_space<vmem_shared>>
      tpu.enqueue_dma source(%arg14 : memref<64x128xf32, #tpu.memory_space<vmem>>) target(%dma_start3A_149 : memref<64x128xf32, #tpu.memory_space<vmem_shared>>) target_semaphore(%run_scoped3A : memref<!tpu.dma_semaphore, #tpu.memory_space<semaphore_mem>>)
      %dma_wait3A_150 = arith.constant 0 : i32
      %dma_wait3A_151 = tpu.memref_slice %arg18[%add3A_16, %dma_wait3A_150] : memref<5248x128xf32, #tpu.memory_space<vmem_shared>> -> memref<64x128xf32, #tpu.memory_space<vmem_shared>>
      %dma_wait3A_152 = arith.constant 0 : i32
      %dma_wait3A_153 = tpu.memref_slice %arg18[%add3A_16, %dma_wait3A_152] : memref<5248x128xf32, #tpu.memory_space<vmem_shared>> -> memref<64x128xf32, #tpu.memory_space<vmem_shared>>
      tpu.wait_dma2 semaphore(%run_scoped3A : memref<!tpu.dma_semaphore, #tpu.memory_space<semaphore_mem>>) src(%arg14 : memref<64x128xf32, #tpu.memory_space<vmem>>) dst(%dma_wait3A_153 : memref<64x128xf32, #tpu.memory_space<vmem_shared>>)
      tpu.yield
    }) : () -> ()
    %add3A_17 = arith.constant 192 : i32
    %add3A_18 = arith.addi %mul3A_10, %add3A_17 : i32
    "tpu.region"() ({
      %run_scoped3A = tpu.sem_alloc : memref<!tpu.dma_semaphore, #tpu.memory_space<semaphore_mem>>
      %dma_start3A_146 = arith.constant 0 : i32
      %dma_start3A_147 = tpu.memref_slice %arg18[%add3A_18, %dma_start3A_146] : memref<5248x128xf32, #tpu.memory_space<vmem_shared>> -> memref<64x128xf32, #tpu.memory_space<vmem_shared>>
      %dma_start3A_148 = arith.constant 0 : i32
      %dma_start3A_149 = tpu.memref_slice %arg18[%add3A_18, %dma_start3A_148] : memref<5248x128xf32, #tpu.memory_space<vmem_shared>> -> memref<64x128xf32, #tpu.memory_space<vmem_shared>>
      tpu.enqueue_dma source(%arg14 : memref<64x128xf32, #tpu.memory_space<vmem>>) target(%dma_start3A_149 : memref<64x128xf32, #tpu.memory_space<vmem_shared>>) target_semaphore(%run_scoped3A : memref<!tpu.dma_semaphore, #tpu.memory_space<semaphore_mem>>)
      %dma_wait3A_150 = arith.constant 0 : i32
      %dma_wait3A_151 = tpu.memref_slice %arg18[%add3A_18, %dma_wait3A_150] : memref<5248x128xf32, #tpu.memory_space<vmem_shared>> -> memref<64x128xf32, #tpu.memory_space<vmem_shared>>
      %dma_wait3A_152 = arith.constant 0 : i32
      %dma_wait3A_153 = tpu.memref_slice %arg18[%add3A_18, %dma_wait3A_152] : memref<5248x128xf32, #tpu.memory_space<vmem_shared>> -> memref<64x128xf32, #tpu.memory_space<vmem_shared>>
      tpu.wait_dma2 semaphore(%run_scoped3A : memref<!tpu.dma_semaphore, #tpu.memory_space<semaphore_mem>>) src(%arg14 : memref<64x128xf32, #tpu.memory_space<vmem>>) dst(%dma_wait3A_153 : memref<64x128xf32, #tpu.memory_space<vmem_shared>>)
      tpu.yield
    }) : () -> ()
    %add3A_19 = arith.constant 256 : i32
    %add3A_20 = arith.addi %mul3A_10, %add3A_19 : i32
    "tpu.region"() ({
      %run_scoped3A = tpu.sem_alloc : memref<!tpu.dma_semaphore, #tpu.memory_space<semaphore_mem>>
      %dma_start3A_146 = arith.constant 0 : i32
      %dma_start3A_147 = tpu.memref_slice %arg18[%add3A_20, %dma_start3A_146] : memref<5248x128xf32, #tpu.memory_space<vmem_shared>> -> memref<64x128xf32, #tpu.memory_space<vmem_shared>>
      %dma_start3A_148 = arith.constant 0 : i32
      %dma_start3A_149 = tpu.memref_slice %arg18[%add3A_20, %dma_start3A_148] : memref<5248x128xf32, #tpu.memory_space<vmem_shared>> -> memref<64x128xf32, #tpu.memory_space<vmem_shared>>
      tpu.enqueue_dma source(%arg14 : memref<64x128xf32, #tpu.memory_space<vmem>>) target(%dma_start3A_149 : memref<64x128xf32, #tpu.memory_space<vmem_shared>>) target_semaphore(%run_scoped3A : memref<!tpu.dma_semaphore, #tpu.memory_space<semaphore_mem>>)
      %dma_wait3A_150 = arith.constant 0 : i32
      %dma_wait3A_151 = tpu.memref_slice %arg18[%add3A_20, %dma_wait3A_150] : memref<5248x128xf32, #tpu.memory_space<vmem_shared>> -> memref<64x128xf32, #tpu.memory_space<vmem_shared>>
      %dma_wait3A_152 = arith.constant 0 : i32
      %dma_wait3A_153 = tpu.memref_slice %arg18[%add3A_20, %dma_wait3A_152] : memref<5248x128xf32, #tpu.memory_space<vmem_shared>> -> memref<64x128xf32, #tpu.memory_space<vmem_shared>>
      tpu.wait_dma2 semaphore(%run_scoped3A : memref<!tpu.dma_semaphore, #tpu.memory_space<semaphore_mem>>) src(%arg14 : memref<64x128xf32, #tpu.memory_space<vmem>>) dst(%dma_wait3A_153 : memref<64x128xf32, #tpu.memory_space<vmem_shared>>)
      tpu.yield
    }) : () -> ()
    %add3A_21 = arith.constant 320 : i32
    %add3A_22 = arith.addi %mul3A_10, %add3A_21 : i32
    "tpu.region"() ({
      %run_scoped3A = tpu.sem_alloc : memref<!tpu.dma_semaphore, #tpu.memory_space<semaphore_mem>>
      %dma_start3A_146 = arith.constant 0 : i32
      %dma_start3A_147 = arith.constant 0 : i32
      %dma_start3A_148 = tpu.memref_slice %arg14[%dma_start3A_146, %dma_start3A_147] : memref<64x128xf32, #tpu.memory_space<vmem>> -> memref<8x128xf32, #tpu.memory_space<vmem>>
      %dma_start3A_149 = arith.constant 0 : i32
      %dma_start3A_150 = tpu.memref_slice %arg18[%add3A_22, %dma_start3A_149] : memref<5248x128xf32, #tpu.memory_space<vmem_shared>> -> memref<8x128xf32, #tpu.memory_space<vmem_shared>>
      %dma_start3A_151 = arith.constant 0 : i32
      %dma_start3A_152 = tpu.memref_slice %arg18[%add3A_22, %dma_start3A_151] : memref<5248x128xf32, #tpu.memory_space<vmem_shared>> -> memref<8x128xf32, #tpu.memory_space<vmem_shared>>
      %dma_start3A_153 = arith.constant 0 : i32
      %dma_start3A_154 = arith.constant 0 : i32
      %dma_start3A_155 = tpu.memref_slice %arg14[%dma_start3A_153, %dma_start3A_154] : memref<64x128xf32, #tpu.memory_space<vmem>> -> memref<8x128xf32, #tpu.memory_space<vmem>>
      tpu.enqueue_dma source(%dma_start3A_155 : memref<8x128xf32, #tpu.memory_space<vmem>>) target(%dma_start3A_152 : memref<8x128xf32, #tpu.memory_space<vmem_shared>>) target_semaphore(%run_scoped3A : memref<!tpu.dma_semaphore, #tpu.memory_space<semaphore_mem>>)
      %dma_wait3A_156 = arith.constant 0 : i32
      %dma_wait3A_157 = arith.constant 0 : i32
      %dma_wait3A_158 = tpu.memref_slice %arg14[%dma_wait3A_156, %dma_wait3A_157] : memref<64x128xf32, #tpu.memory_space<vmem>> -> memref<8x128xf32, #tpu.memory_space<vmem>>
      %dma_wait3A_159 = arith.constant 0 : i32
      %dma_wait3A_160 = tpu.memref_slice %arg18[%add3A_22, %dma_wait3A_159] : memref<5248x128xf32, #tpu.memory_space<vmem_shared>> -> memref<8x128xf32, #tpu.memory_space<vmem_shared>>
      %dma_wait3A_161 = arith.constant 0 : i32
      %dma_wait3A_162 = tpu.memref_slice %arg18[%add3A_22, %dma_wait3A_161] : memref<5248x128xf32, #tpu.memory_space<vmem_shared>> -> memref<8x128xf32, #tpu.memory_space<vmem_shared>>
      %dma_wait3A_163 = arith.constant 0 : i32
      %dma_wait3A_164 = arith.constant 0 : i32
      %dma_wait3A_165 = tpu.memref_slice %arg14[%dma_wait3A_163, %dma_wait3A_164] : memref<64x128xf32, #tpu.memory_space<vmem>> -> memref<8x128xf32, #tpu.memory_space<vmem>>
      tpu.wait_dma2 semaphore(%run_scoped3A : memref<!tpu.dma_semaphore, #tpu.memory_space<semaphore_mem>>) src(%dma_wait3A_165 : memref<8x128xf32, #tpu.memory_space<vmem>>) dst(%dma_wait3A_162 : memref<8x128xf32, #tpu.memory_space<vmem_shared>>)
      tpu.yield
    }) : () -> ()
    %add3A_23 = arith.constant 0 : i32
    %add3A_24 = arith.addi %mul3A_10, %add3A_23 : i32
    "tpu.region"() ({
      %run_scoped3A = tpu.sem_alloc : memref<!tpu.dma_semaphore, #tpu.memory_space<semaphore_mem>>
      %dma_start3A_146 = arith.constant 0 : i32
      %dma_start3A_147 = tpu.memref_slice %arg19[%add3A_24, %dma_start3A_146] : memref<5248x128xf32, #tpu.memory_space<vmem_shared>> -> memref<64x128xf32, #tpu.memory_space<vmem_shared>>
      %dma_start3A_148 = arith.constant 0 : i32
      %dma_start3A_149 = tpu.memref_slice %arg19[%add3A_24, %dma_start3A_148] : memref<5248x128xf32, #tpu.memory_space<vmem_shared>> -> memref<64x128xf32, #tpu.memory_space<vmem_shared>>
      tpu.enqueue_dma source(%arg14 : memref<64x128xf32, #tpu.memory_space<vmem>>) target(%dma_start3A_149 : memref<64x128xf32, #tpu.memory_space<vmem_shared>>) target_semaphore(%run_scoped3A : memref<!tpu.dma_semaphore, #tpu.memory_space<semaphore_mem>>)
      %dma_wait3A_150 = arith.constant 0 : i32
      %dma_wait3A_151 = tpu.memref_slice %arg19[%add3A_24, %dma_wait3A_150] : memref<5248x128xf32, #tpu.memory_space<vmem_shared>> -> memref<64x128xf32, #tpu.memory_space<vmem_shared>>
      %dma_wait3A_152 = arith.constant 0 : i32
      %dma_wait3A_153 = tpu.memref_slice %arg19[%add3A_24, %dma_wait3A_152] : memref<5248x128xf32, #tpu.memory_space<vmem_shared>> -> memref<64x128xf32, #tpu.memory_space<vmem_shared>>
      tpu.wait_dma2 semaphore(%run_scoped3A : memref<!tpu.dma_semaphore, #tpu.memory_space<semaphore_mem>>) src(%arg14 : memref<64x128xf32, #tpu.memory_space<vmem>>) dst(%dma_wait3A_153 : memref<64x128xf32, #tpu.memory_space<vmem_shared>>)
      tpu.yield
    }) : () -> ()
    %add3A_25 = arith.constant 64 : i32
    %add3A_26 = arith.addi %mul3A_10, %add3A_25 : i32
    "tpu.region"() ({
      %run_scoped3A = tpu.sem_alloc : memref<!tpu.dma_semaphore, #tpu.memory_space<semaphore_mem>>
      %dma_start3A_146 = arith.constant 0 : i32
      %dma_start3A_147 = tpu.memref_slice %arg19[%add3A_26, %dma_start3A_146] : memref<5248x128xf32, #tpu.memory_space<vmem_shared>> -> memref<64x128xf32, #tpu.memory_space<vmem_shared>>
      %dma_start3A_148 = arith.constant 0 : i32
      %dma_start3A_149 = tpu.memref_slice %arg19[%add3A_26, %dma_start3A_148] : memref<5248x128xf32, #tpu.memory_space<vmem_shared>> -> memref<64x128xf32, #tpu.memory_space<vmem_shared>>
      tpu.enqueue_dma source(%arg14 : memref<64x128xf32, #tpu.memory_space<vmem>>) target(%dma_start3A_149 : memref<64x128xf32, #tpu.memory_space<vmem_shared>>) target_semaphore(%run_scoped3A : memref<!tpu.dma_semaphore, #tpu.memory_space<semaphore_mem>>)
      %dma_wait3A_150 = arith.constant 0 : i32
      %dma_wait3A_151 = tpu.memref_slice %arg19[%add3A_26, %dma_wait3A_150] : memref<5248x128xf32, #tpu.memory_space<vmem_shared>> -> memref<64x128xf32, #tpu.memory_space<vmem_shared>>
      %dma_wait3A_152 = arith.constant 0 : i32
      %dma_wait3A_153 = tpu.memref_slice %arg19[%add3A_26, %dma_wait3A_152] : memref<5248x128xf32, #tpu.memory_space<vmem_shared>> -> memref<64x128xf32, #tpu.memory_space<vmem_shared>>
      tpu.wait_dma2 semaphore(%run_scoped3A : memref<!tpu.dma_semaphore, #tpu.memory_space<semaphore_mem>>) src(%arg14 : memref<64x128xf32, #tpu.memory_space<vmem>>) dst(%dma_wait3A_153 : memref<64x128xf32, #tpu.memory_space<vmem_shared>>)
      tpu.yield
    }) : () -> ()
    %add3A_27 = arith.constant 128 : i32
    %add3A_28 = arith.addi %mul3A_10, %add3A_27 : i32
    "tpu.region"() ({
      %run_scoped3A = tpu.sem_alloc : memref<!tpu.dma_semaphore, #tpu.memory_space<semaphore_mem>>
      %dma_start3A_146 = arith.constant 0 : i32
      %dma_start3A_147 = tpu.memref_slice %arg19[%add3A_28, %dma_start3A_146] : memref<5248x128xf32, #tpu.memory_space<vmem_shared>> -> memref<64x128xf32, #tpu.memory_space<vmem_shared>>
      %dma_start3A_148 = arith.constant 0 : i32
      %dma_start3A_149 = tpu.memref_slice %arg19[%add3A_28, %dma_start3A_148] : memref<5248x128xf32, #tpu.memory_space<vmem_shared>> -> memref<64x128xf32, #tpu.memory_space<vmem_shared>>
      tpu.enqueue_dma source(%arg14 : memref<64x128xf32, #tpu.memory_space<vmem>>) target(%dma_start3A_149 : memref<64x128xf32, #tpu.memory_space<vmem_shared>>) target_semaphore(%run_scoped3A : memref<!tpu.dma_semaphore, #tpu.memory_space<semaphore_mem>>)
      %dma_wait3A_150 = arith.constant 0 : i32
      %dma_wait3A_151 = tpu.memref_slice %arg19[%add3A_28, %dma_wait3A_150] : memref<5248x128xf32, #tpu.memory_space<vmem_shared>> -> memref<64x128xf32, #tpu.memory_space<vmem_shared>>
      %dma_wait3A_152 = arith.constant 0 : i32
      %dma_wait3A_153 = tpu.memref_slice %arg19[%add3A_28, %dma_wait3A_152] : memref<5248x128xf32, #tpu.memory_space<vmem_shared>> -> memref<64x128xf32, #tpu.memory_space<vmem_shared>>
      tpu.wait_dma2 semaphore(%run_scoped3A : memref<!tpu.dma_semaphore, #tpu.memory_space<semaphore_mem>>) src(%arg14 : memref<64x128xf32, #tpu.memory_space<vmem>>) dst(%dma_wait3A_153 : memref<64x128xf32, #tpu.memory_space<vmem_shared>>)
      tpu.yield
    }) : () -> ()
    %add3A_29 = arith.constant 192 : i32
    %add3A_30 = arith.addi %mul3A_10, %add3A_29 : i32
    "tpu.region"() ({
      %run_scoped3A = tpu.sem_alloc : memref<!tpu.dma_semaphore, #tpu.memory_space<semaphore_mem>>
      %dma_start3A_146 = arith.constant 0 : i32
      %dma_start3A_147 = tpu.memref_slice %arg19[%add3A_30, %dma_start3A_146] : memref<5248x128xf32, #tpu.memory_space<vmem_shared>> -> memref<64x128xf32, #tpu.memory_space<vmem_shared>>
      %dma_start3A_148 = arith.constant 0 : i32
      %dma_start3A_149 = tpu.memref_slice %arg19[%add3A_30, %dma_start3A_148] : memref<5248x128xf32, #tpu.memory_space<vmem_shared>> -> memref<64x128xf32, #tpu.memory_space<vmem_shared>>
      tpu.enqueue_dma source(%arg14 : memref<64x128xf32, #tpu.memory_space<vmem>>) target(%dma_start3A_149 : memref<64x128xf32, #tpu.memory_space<vmem_shared>>) target_semaphore(%run_scoped3A : memref<!tpu.dma_semaphore, #tpu.memory_space<semaphore_mem>>)
      %dma_wait3A_150 = arith.constant 0 : i32
      %dma_wait3A_151 = tpu.memref_slice %arg19[%add3A_30, %dma_wait3A_150] : memref<5248x128xf32, #tpu.memory_space<vmem_shared>> -> memref<64x128xf32, #tpu.memory_space<vmem_shared>>
      %dma_wait3A_152 = arith.constant 0 : i32
      %dma_wait3A_153 = tpu.memref_slice %arg19[%add3A_30, %dma_wait3A_152] : memref<5248x128xf32, #tpu.memory_space<vmem_shared>> -> memref<64x128xf32, #tpu.memory_space<vmem_shared>>
      tpu.wait_dma2 semaphore(%run_scoped3A : memref<!tpu.dma_semaphore, #tpu.memory_space<semaphore_mem>>) src(%arg14 : memref<64x128xf32, #tpu.memory_space<vmem>>) dst(%dma_wait3A_153 : memref<64x128xf32, #tpu.memory_space<vmem_shared>>)
      tpu.yield
    }) : () -> ()
    %add3A_31 = arith.constant 256 : i32
    %add3A_32 = arith.addi %mul3A_10, %add3A_31 : i32
    "tpu.region"() ({
      %run_scoped3A = tpu.sem_alloc : memref<!tpu.dma_semaphore, #tpu.memory_space<semaphore_mem>>
      %dma_start3A_146 = arith.constant 0 : i32
      %dma_start3A_147 = tpu.memref_slice %arg19[%add3A_32, %dma_start3A_146] : memref<5248x128xf32, #tpu.memory_space<vmem_shared>> -> memref<64x128xf32, #tpu.memory_space<vmem_shared>>
      %dma_start3A_148 = arith.constant 0 : i32
      %dma_start3A_149 = tpu.memref_slice %arg19[%add3A_32, %dma_start3A_148] : memref<5248x128xf32, #tpu.memory_space<vmem_shared>> -> memref<64x128xf32, #tpu.memory_space<vmem_shared>>
      tpu.enqueue_dma source(%arg14 : memref<64x128xf32, #tpu.memory_space<vmem>>) target(%dma_start3A_149 : memref<64x128xf32, #tpu.memory_space<vmem_shared>>) target_semaphore(%run_scoped3A : memref<!tpu.dma_semaphore, #tpu.memory_space<semaphore_mem>>)
      %dma_wait3A_150 = arith.constant 0 : i32
      %dma_wait3A_151 = tpu.memref_slice %arg19[%add3A_32, %dma_wait3A_150] : memref<5248x128xf32, #tpu.memory_space<vmem_shared>> -> memref<64x128xf32, #tpu.memory_space<vmem_shared>>
      %dma_wait3A_152 = arith.constant 0 : i32
      %dma_wait3A_153 = tpu.memref_slice %arg19[%add3A_32, %dma_wait3A_152] : memref<5248x128xf32, #tpu.memory_space<vmem_shared>> -> memref<64x128xf32, #tpu.memory_space<vmem_shared>>
      tpu.wait_dma2 semaphore(%run_scoped3A : memref<!tpu.dma_semaphore, #tpu.memory_space<semaphore_mem>>) src(%arg14 : memref<64x128xf32, #tpu.memory_space<vmem>>) dst(%dma_wait3A_153 : memref<64x128xf32, #tpu.memory_space<vmem_shared>>)
      tpu.yield
    }) : () -> ()
    %add3A_33 = arith.constant 320 : i32
    %add3A_34 = arith.addi %mul3A_10, %add3A_33 : i32
    "tpu.region"() ({
      %run_scoped3A = tpu.sem_alloc : memref<!tpu.dma_semaphore, #tpu.memory_space<semaphore_mem>>
      %dma_start3A_146 = arith.constant 0 : i32
      %dma_start3A_147 = arith.constant 0 : i32
      %dma_start3A_148 = tpu.memref_slice %arg14[%dma_start3A_146, %dma_start3A_147] : memref<64x128xf32, #tpu.memory_space<vmem>> -> memref<8x128xf32, #tpu.memory_space<vmem>>
      %dma_start3A_149 = arith.constant 0 : i32
      %dma_start3A_150 = tpu.memref_slice %arg19[%add3A_34, %dma_start3A_149] : memref<5248x128xf32, #tpu.memory_space<vmem_shared>> -> memref<8x128xf32, #tpu.memory_space<vmem_shared>>
      %dma_start3A_151 = arith.constant 0 : i32
      %dma_start3A_152 = tpu.memref_slice %arg19[%add3A_34, %dma_start3A_151] : memref<5248x128xf32, #tpu.memory_space<vmem_shared>> -> memref<8x128xf32, #tpu.memory_space<vmem_shared>>
      %dma_start3A_153 = arith.constant 0 : i32
      %dma_start3A_154 = arith.constant 0 : i32
      %dma_start3A_155 = tpu.memref_slice %arg14[%dma_start3A_153, %dma_start3A_154] : memref<64x128xf32, #tpu.memory_space<vmem>> -> memref<8x128xf32, #tpu.memory_space<vmem>>
      tpu.enqueue_dma source(%dma_start3A_155 : memref<8x128xf32, #tpu.memory_space<vmem>>) target(%dma_start3A_152 : memref<8x128xf32, #tpu.memory_space<vmem_shared>>) target_semaphore(%run_scoped3A : memref<!tpu.dma_semaphore, #tpu.memory_space<semaphore_mem>>)
      %dma_wait3A_156 = arith.constant 0 : i32
      %dma_wait3A_157 = arith.constant 0 : i32
      %dma_wait3A_158 = tpu.memref_slice %arg14[%dma_wait3A_156, %dma_wait3A_157] : memref<64x128xf32, #tpu.memory_space<vmem>> -> memref<8x128xf32, #tpu.memory_space<vmem>>
      %dma_wait3A_159 = arith.constant 0 : i32
      %dma_wait3A_160 = tpu.memref_slice %arg19[%add3A_34, %dma_wait3A_159] : memref<5248x128xf32, #tpu.memory_space<vmem_shared>> -> memref<8x128xf32, #tpu.memory_space<vmem_shared>>
      %dma_wait3A_161 = arith.constant 0 : i32
      %dma_wait3A_162 = tpu.memref_slice %arg19[%add3A_34, %dma_wait3A_161] : memref<5248x128xf32, #tpu.memory_space<vmem_shared>> -> memref<8x128xf32, #tpu.memory_space<vmem_shared>>
      %dma_wait3A_163 = arith.constant 0 : i32
      %dma_wait3A_164 = arith.constant 0 : i32
      %dma_wait3A_165 = tpu.memref_slice %arg14[%dma_wait3A_163, %dma_wait3A_164] : memref<64x128xf32, #tpu.memory_space<vmem>> -> memref<8x128xf32, #tpu.memory_space<vmem>>
      tpu.wait_dma2 semaphore(%run_scoped3A : memref<!tpu.dma_semaphore, #tpu.memory_space<semaphore_mem>>) src(%dma_wait3A_165 : memref<8x128xf32, #tpu.memory_space<vmem>>) dst(%dma_wait3A_162 : memref<8x128xf32, #tpu.memory_space<vmem_shared>>)
      tpu.yield
    }) : () -> ()
    %barrier3A = arith.constant 0 : index
    tpu.barrier barrier_id(%barrier3A)
    %mul3A_35 = arith.constant 314 : i32
    %mul3A_36 = arith.muli %arg1, %mul3A_35 : i32
    %mul3A_37 = arith.constant 64 : i32
    %mul3A_38 = arith.muli %mul3A_36, %mul3A_37 : i32
    %add3A_39 = arith.constant 0 : i32
    %add3A_40 = arith.addi %mul3A_38, %add3A_39 : i32
    %dma_start3A = tpu.memref_slice %arg4[%add3A_40] : memref<321536xi32, #tpu.memory_space<hbm>> -> memref<64xi32, #tpu.memory_space<hbm>>
    %dma_start3A_41 = tpu.memref_slice %arg4[%add3A_40] : memref<321536xi32, #tpu.memory_space<hbm>> -> memref<64xi32, #tpu.memory_space<hbm>>
    tpu.enqueue_dma source(%dma_start3A_41 : memref<64xi32, #tpu.memory_space<hbm>>) target(%arg8 : memref<64xi32, #tpu.memory_space<vmem>>) target_semaphore(%arg28 : memref<!tpu.dma_semaphore, #tpu.memory_space<semaphore_mem>>)
    %dma_start3A_42 = tpu.memref_slice %arg5[%add3A_40] : memref<321536xi32, #tpu.memory_space<hbm>> -> memref<64xi32, #tpu.memory_space<hbm>>
    %dma_start3A_43 = tpu.memref_slice %arg5[%add3A_40] : memref<321536xi32, #tpu.memory_space<hbm>> -> memref<64xi32, #tpu.memory_space<hbm>>
    tpu.enqueue_dma source(%dma_start3A_43 : memref<64xi32, #tpu.memory_space<hbm>>) target(%arg9 : memref<64xi32, #tpu.memory_space<vmem>>) target_semaphore(%arg29 : memref<!tpu.dma_semaphore, #tpu.memory_space<semaphore_mem>>)
    %dma_wait3A = arith.constant 0 : i32
    %dma_wait3A_44 = tpu.memref_slice %arg4[%dma_wait3A] : memref<321536xi32, #tpu.memory_space<hbm>> -> memref<64xi32, #tpu.memory_space<hbm>>
    %dma_wait3A_45 = arith.constant 0 : i32
    %dma_wait3A_46 = tpu.memref_slice %arg4[%dma_wait3A_45] : memref<321536xi32, #tpu.memory_space<hbm>> -> memref<64xi32, #tpu.memory_space<hbm>>
    tpu.wait_dma2 semaphore(%arg28 : memref<!tpu.dma_semaphore, #tpu.memory_space<semaphore_mem>>) src(%dma_wait3A_46 : memref<64xi32, #tpu.memory_space<hbm>>) dst(%arg8 : memref<64xi32, #tpu.memory_space<vmem>>)
    %dma_wait3A_47 = arith.constant 0 : i32
    %dma_wait3A_48 = tpu.memref_slice %arg5[%dma_wait3A_47] : memref<321536xi32, #tpu.memory_space<hbm>> -> memref<64xi32, #tpu.memory_space<hbm>>
    %dma_wait3A_49 = arith.constant 0 : i32
    %dma_wait3A_50 = tpu.memref_slice %arg5[%dma_wait3A_49] : memref<321536xi32, #tpu.memory_space<hbm>> -> memref<64xi32, #tpu.memory_space<hbm>>
    tpu.wait_dma2 semaphore(%arg29 : memref<!tpu.dma_semaphore, #tpu.memory_space<semaphore_mem>>) src(%dma_wait3A_50 : memref<64xi32, #tpu.memory_space<hbm>>) dst(%arg9 : memref<64xi32, #tpu.memory_space<vmem>>)
    %get3A = arith.constant 0 : index
    %get3A_51 = tpu.vector_load %arg9[%get3A] {strides = array<i32>} : memref<64xi32, #tpu.memory_space<vmem>>, vector<16xi32>,
    %get3A_52 = vector.shape_cast %get3A_51 : vector<16xi32> to vector<16xi32>
    %ge3A = vector.broadcast %mul3A_0 : i32 to vector<16xi32>
    %ge3A_53 = arith.cmpi sge, %get3A_52, %ge3A : vector<16xi32>
    %add3A_54 = arith.constant 5120 : i32
    %add3A_55 = arith.addi %mul3A_0, %add3A_54 : i32
    %lt3A = vector.broadcast %add3A_55 : i32 to vector<16xi32>
    %lt3A_56 = arith.cmpi slt, %get3A_52, %lt3A : vector<16xi32>
    %and3A = arith.andi %ge3A_53, %lt3A_56 : vector<16xi1>
    %sub3A = vector.broadcast %mul3A_0 : i32 to vector<16xi32>
    %sub3A_57 = arith.subi %get3A_52, %sub3A : vector<16xi32>
    %broadcast_in_dim3A_58 = vector.broadcast %add3A_1 : i32 to vector<16xi32>
    %select_n3A = arith.select %and3A, %sub3A_57, %broadcast_in_dim3A_58 : vector<16xi1>, vector<16xi32>
    %swap3A = arith.constant 0 : index
    %swap3A_59 = tpu.vector_load %arg10[%swap3A] {strides = array<i32>} : memref<64xi32, #tpu.memory_space<vmem>>, vector<16xi32>,
    %swap3A_60 = vector.shape_cast %swap3A_59 : vector<16xi32> to vector<16xi32>
    %swap3A_61 = vector.shape_cast %select_n3A : vector<16xi32> to vector<16xi32>
    tpu.vector_store %arg10[%swap3A], %swap3A_61 {strides = array<i32>} : memref<64xi32, #tpu.memory_space<vmem>>, vector<16xi32>,
    %get3A_62 = arith.constant 16 : index
    %get3A_63 = tpu.vector_load %arg9[%get3A_62] {strides = array<i32>} : memref<64xi32, #tpu.memory_space<vmem>>, vector<16xi32>,
    %get3A_64 = vector.shape_cast %get3A_63 : vector<16xi32> to vector<16xi32>
    %ge3A_65 = vector.broadcast %mul3A_0 : i32 to vector<16xi32>
    %ge3A_66 = arith.cmpi sge, %get3A_64, %ge3A_65 : vector<16xi32>
    %add3A_67 = arith.constant 5120 : i32
    %add3A_68 = arith.addi %mul3A_0, %add3A_67 : i32
    %lt3A_69 = vector.broadcast %add3A_68 : i32 to vector<16xi32>
    %lt3A_70 = arith.cmpi slt, %get3A_64, %lt3A_69 : vector<16xi32>
    %and3A_71 = arith.andi %ge3A_66, %lt3A_70 : vector<16xi1>
    %sub3A_72 = vector.broadcast %mul3A_0 : i32 to vector<16xi32>
    %sub3A_73 = arith.subi %get3A_64, %sub3A_72 : vector<16xi32>
    %broadcast_in_dim3A_74 = vector.broadcast %add3A_1 : i32 to vector<16xi32>
    %select_n3A_75 = arith.select %and3A_71, %sub3A_73, %broadcast_in_dim3A_74 : vector<16xi1>, vector<16xi32>
    %swap3A_76 = arith.constant 16 : index
    %swap3A_77 = tpu.vector_load %arg10[%swap3A_76] {strides = array<i32>} : memref<64xi32, #tpu.memory_space<vmem>>, vector<16xi32>,
    %swap3A_78 = vector.shape_cast %swap3A_77 : vector<16xi32> to vector<16xi32>
    %swap3A_79 = vector.shape_cast %select_n3A_75 : vector<16xi32> to vector<16xi32>
    tpu.vector_store %arg10[%swap3A_76], %swap3A_79 {strides = array<i32>} : memref<64xi32, #tpu.memory_space<vmem>>, vector<16xi32>,
    %get3A_80 = arith.constant 32 : index
    %get3A_81 = tpu.vector_load %arg9[%get3A_80] {strides = array<i32>} : memref<64xi32, #tpu.memory_space<vmem>>, vector<16xi32>,
    %get3A_82 = vector.shape_cast %get3A_81 : vector<16xi32> to vector<16xi32>
    %ge3A_83 = vector.broadcast %mul3A_0 : i32 to vector<16xi32>
    %ge3A_84 = arith.cmpi sge, %get3A_82, %ge3A_83 : vector<16xi32>
    %add3A_85 = arith.constant 5120 : i32
    %add3A_86 = arith.addi %mul3A_0, %add3A_85 : i32
    %lt3A_87 = vector.broadcast %add3A_86 : i32 to vector<16xi32>
    %lt3A_88 = arith.cmpi slt, %get3A_82, %lt3A_87 : vector<16xi32>
    %and3A_89 = arith.andi %ge3A_84, %lt3A_88 : vector<16xi1>
    %sub3A_90 = vector.broadcast %mul3A_0 : i32 to vector<16xi32>
    %sub3A_91 = arith.subi %get3A_82, %sub3A_90 : vector<16xi32>
    %broadcast_in_dim3A_92 = vector.broadcast %add3A_1 : i32 to vector<16xi32>
    %select_n3A_93 = arith.select %and3A_89, %sub3A_91, %broadcast_in_dim3A_92 : vector<16xi1>, vector<16xi32>
    %swap3A_94 = arith.constant 32 : index
    %swap3A_95 = tpu.vector_load %arg10[%swap3A_94] {strides = array<i32>} : memref<64xi32, #tpu.memory_space<vmem>>, vector<16xi32>,
    %swap3A_96 = vector.shape_cast %swap3A_95 : vector<16xi32> to vector<16xi32>
    %swap3A_97 = vector.shape_cast %select_n3A_93 : vector<16xi32> to vector<16xi32>
    tpu.vector_store %arg10[%swap3A_94], %swap3A_97 {strides = array<i32>} : memref<64xi32, #tpu.memory_space<vmem>>, vector<16xi32>,
    %get3A_98 = arith.constant 48 : index
    %get3A_99 = tpu.vector_load %arg9[%get3A_98] {strides = array<i32>} : memref<64xi32, #tpu.memory_space<vmem>>, vector<16xi32>,
    %get3A_100 = vector.shape_cast %get3A_99 : vector<16xi32> to vector<16xi32>
    %ge3A_101 = vector.broadcast %mul3A_0 : i32 to vector<16xi32>
    %ge3A_102 = arith.cmpi sge, %get3A_100, %ge3A_101 : vector<16xi32>
    %add3A_103 = arith.constant 5120 : i32
    %add3A_104 = arith.addi %mul3A_0, %add3A_103 : i32
    %lt3A_105 = vector.broadcast %add3A_104 : i32 to vector<16xi32>
    %lt3A_106 = arith.cmpi slt, %get3A_100, %lt3A_105 : vector<16xi32>
    %and3A_107 = arith.andi %ge3A_102, %lt3A_106 : vector<16xi1>
    %sub3A_108 = vector.broadcast %mul3A_0 : i32 to vector<16xi32>
    %sub3A_109 = arith.subi %get3A_100, %sub3A_108 : vector<16xi32>
    %broadcast_in_dim3A_110 = vector.broadcast %add3A_1 : i32 to vector<16xi32>
    %select_n3A_111 = arith.select %and3A_107, %sub3A_109, %broadcast_in_dim3A_110 : vector<16xi1>, vector<16xi32>
    %swap3A_112 = arith.constant 48 : index
    %swap3A_113 = tpu.vector_load %arg10[%swap3A_112] {strides = array<i32>} : memref<64xi32, #tpu.memory_space<vmem>>, vector<16xi32>,
    %swap3A_114 = vector.shape_cast %swap3A_113 : vector<16xi32> to vector<16xi32>
    %swap3A_115 = vector.shape_cast %select_n3A_111 : vector<16xi32> to vector<16xi32>
    tpu.vector_store %arg10[%swap3A_112], %swap3A_115 {strides = array<i32>} : memref<64xi32, #tpu.memory_space<vmem>>, vector<16xi32>,
    %dma_start3A_116 = arith.constant 0 : i32
    %dma_start3A_117 = arith.constant 0 : i32
    %dma_start3A_118 = tpu.memref_slice %arg2[%dma_start3A_116, %dma_start3A_117] : memref<10240x128xf32, #tpu.memory_space<hbm>> -> memref<10240x128xf32, #tpu.memory_space<hbm>>
    tpu.enqueue_indirect_dma source(%dma_start3A_118 : memref<10240x128xf32, #tpu.memory_space<hbm>>) target(%arg14 : memref<64x128xf32, #tpu.memory_space<vmem>>) offsets(%arg8 : memref<64xi32, #tpu.memory_space<vmem>>) semaphore(%arg20 : memref<!tpu.dma_semaphore, #tpu.memory_space<semaphore_mem>>)
    %dma_start3A_119 = arith.constant 0 : i32
    %dma_start3A_120 = arith.constant 0 : i32
    %dma_start3A_121 = tpu.memref_slice %arg3[%dma_start3A_119, %dma_start3A_120] : memref<10240x128xf32, #tpu.memory_space<hbm>> -> memref<10240x128xf32, #tpu.memory_space<hbm>>
    tpu.enqueue_indirect_dma source(%dma_start3A_121 : memref<10240x128xf32, #tpu.memory_space<hbm>>) target(%arg15 : memref<64x128xf32, #tpu.memory_space<vmem>>) offsets(%arg8 : memref<64xi32, #tpu.memory_space<vmem>>) semaphore(%arg21 : memref<!tpu.dma_semaphore, #tpu.memory_space<semaphore_mem>>)
    %scan3A_122 = arith.constant 0 : i32
    %scan3A_123 = arith.constant 0 : i32
    %scan3A_124 = arith.constant 157 : i32
    %scan3A_125 = arith.addi %scan3A_123, %scan3A_124 : i32
    %scan3A_126 = arith.constant 1 : i32
    %scan3A_127 = scf.for %scan3A_146 = %scan3A_123 to %scan3A_125 step %scan3A_126 iter_args(%scan3A_147 = %scan3A_122) -> (i32)  : i32 {
      %mul3A_148 = arith.constant 2 : i32
      %mul3A_149 = arith.muli %mul3A_148, %scan3A_146 : i32
      %dma_wait3A_150 = arith.constant 0 : i32
      %dma_wait3A_151 = arith.constant 0 : i32
      %dma_wait3A_152 = tpu.memref_slice %arg2[%dma_wait3A_150, %dma_wait3A_151] : memref<10240x128xf32, #tpu.memory_space<hbm>> -> memref<64x128xf32, #tpu.memory_space<hbm>>
      %dma_wait3A_153 = arith.constant 0 : i32
      %dma_wait3A_154 = arith.constant 0 : i32
      %dma_wait3A_155 = tpu.memref_slice %arg2[%dma_wait3A_153, %dma_wait3A_154] : memref<10240x128xf32, #tpu.memory_space<hbm>> -> memref<64x128xf32, #tpu.memory_space<hbm>>
      tpu.wait_dma2 semaphore(%arg20 : memref<!tpu.dma_semaphore, #tpu.memory_space<semaphore_mem>>) src(%dma_wait3A_155 : memref<64x128xf32, #tpu.memory_space<hbm>>) dst(%arg14 : memref<64x128xf32, #tpu.memory_space<vmem>>)
      %dma_wait3A_156 = arith.constant 0 : i32
      %dma_wait3A_157 = arith.constant 0 : i32
      %dma_wait3A_158 = tpu.memref_slice %arg3[%dma_wait3A_156, %dma_wait3A_157] : memref<10240x128xf32, #tpu.memory_space<hbm>> -> memref<64x128xf32, #tpu.memory_space<hbm>>
      %dma_wait3A_159 = arith.constant 0 : i32
      %dma_wait3A_160 = arith.constant 0 : i32
      %dma_wait3A_161 = tpu.memref_slice %arg3[%dma_wait3A_159, %dma_wait3A_160] : memref<10240x128xf32, #tpu.memory_space<hbm>> -> memref<64x128xf32, #tpu.memory_space<hbm>>
      tpu.wait_dma2 semaphore(%arg21 : memref<!tpu.dma_semaphore, #tpu.memory_space<semaphore_mem>>) src(%dma_wait3A_161 : memref<64x128xf32, #tpu.memory_space<hbm>>) dst(%arg15 : memref<64x128xf32, #tpu.memory_space<vmem>>)
      %dma_start3A_162 = arith.constant 0 : i32
      %dma_start3A_163 = arith.constant 0 : i32
      %dma_start3A_164 = tpu.memref_slice %arg18[%dma_start3A_162, %dma_start3A_163] : memref<5248x128xf32, #tpu.memory_space<vmem_shared>> -> memref<5248x128xf32, #tpu.memory_space<vmem_shared>>
      tpu.enqueue_indirect_dma source(%arg14 : memref<64x128xf32, #tpu.memory_space<vmem>>) target(%dma_start3A_164 : memref<5248x128xf32, #tpu.memory_space<vmem_shared>>) offsets(%arg10 : memref<64xi32, #tpu.memory_space<vmem>>) semaphore(%arg24 : memref<!tpu.dma_semaphore, #tpu.memory_space<semaphore_mem>>) {add = true}
      %dma_start3A_165 = arith.constant 0 : i32
      %dma_start3A_166 = arith.constant 0 : i32
      %dma_start3A_167 = tpu.memref_slice %arg19[%dma_start3A_165, %dma_start3A_166] : memref<5248x128xf32, #tpu.memory_space<vmem_shared>> -> memref<5248x128xf32, #tpu.memory_space<vmem_shared>>
      tpu.enqueue_indirect_dma source(%arg15 : memref<64x128xf32, #tpu.memory_space<vmem>>) target(%dma_start3A_167 : memref<5248x128xf32, #tpu.memory_space<vmem_shared>>) offsets(%arg10 : memref<64xi32, #tpu.memory_space<vmem>>) semaphore(%arg25 : memref<!tpu.dma_semaphore, #tpu.memory_space<semaphore_mem>>) {add = true}
      %gt3A = arith.constant 0 : i32
      %gt3A_168 = arith.cmpi sgt, %scan3A_146, %gt3A : i32
      %convert_element_type3A = arith.extui %gt3A_168 : i1 to i32
      %cond3A = arith.constant 0 : i32
      %cond3A_169 = arith.cmpi ne, %convert_element_type3A, %cond3A : i32
      scf.if %cond3A_169 {
        %dma_wait3A_301 = arith.constant 0 : i32
        %dma_wait3A_302 = arith.constant 0 : i32
        %dma_wait3A_303 = tpu.memref_slice %arg2[%dma_wait3A_301, %dma_wait3A_302] : memref<10240x128xf32, #tpu.memory_space<hbm>> -> memref<64x128xf32, #tpu.memory_space<hbm>>
        %dma_wait3A_304 = arith.constant 0 : i32
        %dma_wait3A_305 = arith.constant 0 : i32
        %dma_wait3A_306 = tpu.memref_slice %arg2[%dma_wait3A_304, %dma_wait3A_305] : memref<10240x128xf32, #tpu.memory_space<hbm>> -> memref<64x128xf32, #tpu.memory_space<hbm>>
        tpu.wait_dma2 semaphore(%arg26 : memref<!tpu.dma_semaphore, #tpu.memory_space<semaphore_mem>>) src(%dma_wait3A_306 : memref<64x128xf32, #tpu.memory_space<hbm>>) dst(%arg16 : memref<64x128xf32, #tpu.memory_space<vmem>>)
        %dma_wait3A_307 = arith.constant 0 : i32
        %dma_wait3A_308 = arith.constant 0 : i32
        %dma_wait3A_309 = tpu.memref_slice %arg3[%dma_wait3A_307, %dma_wait3A_308] : memref<10240x128xf32, #tpu.memory_space<hbm>> -> memref<64x128xf32, #tpu.memory_space<hbm>>
        %dma_wait3A_310 = arith.constant 0 : i32
        %dma_wait3A_311 = arith.constant 0 : i32
        %dma_wait3A_312 = tpu.memref_slice %arg3[%dma_wait3A_310, %dma_wait3A_311] : memref<10240x128xf32, #tpu.memory_space<hbm>> -> memref<64x128xf32, #tpu.memory_space<hbm>>
        tpu.wait_dma2 semaphore(%arg27 : memref<!tpu.dma_semaphore, #tpu.memory_space<semaphore_mem>>) src(%dma_wait3A_312 : memref<64x128xf32, #tpu.memory_space<hbm>>) dst(%arg17 : memref<64x128xf32, #tpu.memory_space<vmem>>)
      } else {
      }
      %add3A_170 = arith.constant 1 : i32
      %add3A_171 = arith.addi %mul3A_149, %add3A_170 : i32
      %mul3A_172 = arith.constant 64 : i32
      %mul3A_173 = arith.muli %add3A_171, %mul3A_172 : i32
      %add3A_174 = arith.addi %mul3A_38, %mul3A_173 : i32
      %dma_start3A_175 = tpu.memref_slice %arg4[%add3A_174] : memref<321536xi32, #tpu.memory_space<hbm>> -> memref<64xi32, #tpu.memory_space<hbm>>
      %dma_start3A_176 = tpu.memref_slice %arg4[%add3A_174] : memref<321536xi32, #tpu.memory_space<hbm>> -> memref<64xi32, #tpu.memory_space<hbm>>
      tpu.enqueue_dma source(%dma_start3A_176 : memref<64xi32, #tpu.memory_space<hbm>>) target(%arg11 : memref<64xi32, #tpu.memory_space<vmem>>) target_semaphore(%arg28 : memref<!tpu.dma_semaphore, #tpu.memory_space<semaphore_mem>>)
      %dma_start3A_177 = tpu.memref_slice %arg5[%add3A_174] : memref<321536xi32, #tpu.memory_space<hbm>> -> memref<64xi32, #tpu.memory_space<hbm>>
      %dma_start3A_178 = tpu.memref_slice %arg5[%add3A_174] : memref<321536xi32, #tpu.memory_space<hbm>> -> memref<64xi32, #tpu.memory_space<hbm>>
      tpu.enqueue_dma source(%dma_start3A_178 : memref<64xi32, #tpu.memory_space<hbm>>) target(%arg12 : memref<64xi32, #tpu.memory_space<vmem>>) target_semaphore(%arg29 : memref<!tpu.dma_semaphore, #tpu.memory_space<semaphore_mem>>)
      %dma_wait3A_179 = arith.constant 0 : i32
      %dma_wait3A_180 = tpu.memref_slice %arg4[%dma_wait3A_179] : memref<321536xi32, #tpu.memory_space<hbm>> -> memref<64xi32, #tpu.memory_space<hbm>>
      %dma_wait3A_181 = arith.constant 0 : i32
      %dma_wait3A_182 = tpu.memref_slice %arg4[%dma_wait3A_181] : memref<321536xi32, #tpu.memory_space<hbm>> -> memref<64xi32, #tpu.memory_space<hbm>>
      tpu.wait_dma2 semaphore(%arg28 : memref<!tpu.dma_semaphore, #tpu.memory_space<semaphore_mem>>) src(%dma_wait3A_182 : memref<64xi32, #tpu.memory_space<hbm>>) dst(%arg11 : memref<64xi32, #tpu.memory_space<vmem>>)
      %dma_wait3A_183 = arith.constant 0 : i32
      %dma_wait3A_184 = tpu.memref_slice %arg5[%dma_wait3A_183] : memref<321536xi32, #tpu.memory_space<hbm>> -> memref<64xi32, #tpu.memory_space<hbm>>
      %dma_wait3A_185 = arith.constant 0 : i32
      %dma_wait3A_186 = tpu.memref_slice %arg5[%dma_wait3A_185] : memref<321536xi32, #tpu.memory_space<hbm>> -> memref<64xi32, #tpu.memory_space<hbm>>
      tpu.wait_dma2 semaphore(%arg29 : memref<!tpu.dma_semaphore, #tpu.memory_space<semaphore_mem>>) src(%dma_wait3A_186 : memref<64xi32, #tpu.memory_space<hbm>>) dst(%arg12 : memref<64xi32, #tpu.memory_space<vmem>>)
      %get3A_187 = arith.constant 0 : index
      %get3A_188 = tpu.vector_load %arg12[%get3A_187] {strides = array<i32>} : memref<64xi32, #tpu.memory_space<vmem>>, vector<16xi32>,
      %get3A_189 = vector.shape_cast %get3A_188 : vector<16xi32> to vector<16xi32>
      %ge3A_190 = vector.broadcast %mul3A_0 : i32 to vector<16xi32>
      %ge3A_191 = arith.cmpi sge, %get3A_189, %ge3A_190 : vector<16xi32>
      %add3A_192 = arith.constant 5120 : i32
      %add3A_193 = arith.addi %mul3A_0, %add3A_192 : i32
      %lt3A_194 = vector.broadcast %add3A_193 : i32 to vector<16xi32>
      %lt3A_195 = arith.cmpi slt, %get3A_189, %lt3A_194 : vector<16xi32>
      %and3A_196 = arith.andi %ge3A_191, %lt3A_195 : vector<16xi1>
      %sub3A_197 = vector.broadcast %mul3A_0 : i32 to vector<16xi32>
      %sub3A_198 = arith.subi %get3A_189, %sub3A_197 : vector<16xi32>
      %broadcast_in_dim3A_199 = vector.broadcast %add3A_1 : i32 to vector<16xi32>
      %select_n3A_200 = arith.select %and3A_196, %sub3A_198, %broadcast_in_dim3A_199 : vector<16xi1>, vector<16xi32>
      %swap3A_201 = arith.constant 0 : index
      %swap3A_202 = tpu.vector_load %arg13[%swap3A_201] {strides = array<i32>} : memref<64xi32, #tpu.memory_space<vmem>>, vector<16xi32>,
      %swap3A_203 = vector.shape_cast %swap3A_202 : vector<16xi32> to vector<16xi32>
      %swap3A_204 = vector.shape_cast %select_n3A_200 : vector<16xi32> to vector<16xi32>
      tpu.vector_store %arg13[%swap3A_201], %swap3A_204 {strides = array<i32>} : memref<64xi32, #tpu.memory_space<vmem>>, vector<16xi32>,
      %get3A_205 = arith.constant 16 : index
      %get3A_206 = tpu.vector_load %arg12[%get3A_205] {strides = array<i32>} : memref<64xi32, #tpu.memory_space<vmem>>, vector<16xi32>,
      %get3A_207 = vector.shape_cast %get3A_206 : vector<16xi32> to vector<16xi32>
      %ge3A_208 = vector.broadcast %mul3A_0 : i32 to vector<16xi32>
      %ge3A_209 = arith.cmpi sge, %get3A_207, %ge3A_208 : vector<16xi32>
      %add3A_210 = arith.constant 5120 : i32
      %add3A_211 = arith.addi %mul3A_0, %add3A_210 : i32
      %lt3A_212 = vector.broadcast %add3A_211 : i32 to vector<16xi32>
      %lt3A_213 = arith.cmpi slt, %get3A_207, %lt3A_212 : vector<16xi32>
      %and3A_214 = arith.andi %ge3A_209, %lt3A_213 : vector<16xi1>
      %sub3A_215 = vector.broadcast %mul3A_0 : i32 to vector<16xi32>
      %sub3A_216 = arith.subi %get3A_207, %sub3A_215 : vector<16xi32>
      %broadcast_in_dim3A_217 = vector.broadcast %add3A_1 : i32 to vector<16xi32>
      %select_n3A_218 = arith.select %and3A_214, %sub3A_216, %broadcast_in_dim3A_217 : vector<16xi1>, vector<16xi32>
      %swap3A_219 = arith.constant 16 : index
      %swap3A_220 = tpu.vector_load %arg13[%swap3A_219] {strides = array<i32>} : memref<64xi32, #tpu.memory_space<vmem>>, vector<16xi32>,
      %swap3A_221 = vector.shape_cast %swap3A_220 : vector<16xi32> to vector<16xi32>
      %swap3A_222 = vector.shape_cast %select_n3A_218 : vector<16xi32> to vector<16xi32>
      tpu.vector_store %arg13[%swap3A_219], %swap3A_222 {strides = array<i32>} : memref<64xi32, #tpu.memory_space<vmem>>, vector<16xi32>,
      %get3A_223 = arith.constant 32 : index
      %get3A_224 = tpu.vector_load %arg12[%get3A_223] {strides = array<i32>} : memref<64xi32, #tpu.memory_space<vmem>>, vector<16xi32>,
      %get3A_225 = vector.shape_cast %get3A_224 : vector<16xi32> to vector<16xi32>
      %ge3A_226 = vector.broadcast %mul3A_0 : i32 to vector<16xi32>
      %ge3A_227 = arith.cmpi sge, %get3A_225, %ge3A_226 : vector<16xi32>
      %add3A_228 = arith.constant 5120 : i32
      %add3A_229 = arith.addi %mul3A_0, %add3A_228 : i32
      %lt3A_230 = vector.broadcast %add3A_229 : i32 to vector<16xi32>
      %lt3A_231 = arith.cmpi slt, %get3A_225, %lt3A_230 : vector<16xi32>
      %and3A_232 = arith.andi %ge3A_227, %lt3A_231 : vector<16xi1>
      %sub3A_233 = vector.broadcast %mul3A_0 : i32 to vector<16xi32>
      %sub3A_234 = arith.subi %get3A_225, %sub3A_233 : vector<16xi32>
      %broadcast_in_dim3A_235 = vector.broadcast %add3A_1 : i32 to vector<16xi32>
      %select_n3A_236 = arith.select %and3A_232, %sub3A_234, %broadcast_in_dim3A_235 : vector<16xi1>, vector<16xi32>
      %swap3A_237 = arith.constant 32 : index
      %swap3A_238 = tpu.vector_load %arg13[%swap3A_237] {strides = array<i32>} : memref<64xi32, #tpu.memory_space<vmem>>, vector<16xi32>,
      %swap3A_239 = vector.shape_cast %swap3A_238 : vector<16xi32> to vector<16xi32>
      %swap3A_240 = vector.shape_cast %select_n3A_236 : vector<16xi32> to vector<16xi32>
      tpu.vector_store %arg13[%swap3A_237], %swap3A_240 {strides = array<i32>} : memref<64xi32, #tpu.memory_space<vmem>>, vector<16xi32>,
      %get3A_241 = arith.constant 48 : index
      %get3A_242 = tpu.vector_load %arg12[%get3A_241] {strides = array<i32>} : memref<64xi32, #tpu.memory_space<vmem>>, vector<16xi32>,
      %get3A_243 = vector.shape_cast %get3A_242 : vector<16xi32> to vector<16xi32>
      %ge3A_244 = vector.broadcast %mul3A_0 : i32 to vector<16xi32>
      %ge3A_245 = arith.cmpi sge, %get3A_243, %ge3A_244 : vector<16xi32>
      %add3A_246 = arith.constant 5120 : i32
      %add3A_247 = arith.addi %mul3A_0, %add3A_246 : i32
      %lt3A_248 = vector.broadcast %add3A_247 : i32 to vector<16xi32>
      %lt3A_249 = arith.cmpi slt, %get3A_243, %lt3A_248 : vector<16xi32>
      %and3A_250 = arith.andi %ge3A_245, %lt3A_249 : vector<16xi1>
      %sub3A_251 = vector.broadcast %mul3A_0 : i32 to vector<16xi32>
      %sub3A_252 = arith.subi %get3A_243, %sub3A_251 : vector<16xi32>
      %broadcast_in_dim3A_253 = vector.broadcast %add3A_1 : i32 to vector<16xi32>
      %select_n3A_254 = arith.select %and3A_250, %sub3A_252, %broadcast_in_dim3A_253 : vector<16xi1>, vector<16xi32>
      %swap3A_255 = arith.constant 48 : index
      %swap3A_256 = tpu.vector_load %arg13[%swap3A_255] {strides = array<i32>} : memref<64xi32, #tpu.memory_space<vmem>>, vector<16xi32>,
      %swap3A_257 = vector.shape_cast %swap3A_256 : vector<16xi32> to vector<16xi32>
      %swap3A_258 = vector.shape_cast %select_n3A_254 : vector<16xi32> to vector<16xi32>
      tpu.vector_store %arg13[%swap3A_255], %swap3A_258 {strides = array<i32>} : memref<64xi32, #tpu.memory_space<vmem>>, vector<16xi32>,
      %dma_start3A_259 = arith.constant 0 : i32
      %dma_start3A_260 = arith.constant 0 : i32
      %dma_start3A_261 = tpu.memref_slice %arg2[%dma_start3A_259, %dma_start3A_260] : memref<10240x128xf32, #tpu.memory_space<hbm>> -> memref<10240x128xf32, #tpu.memory_space<hbm>>
      tpu.enqueue_indirect_dma source(%dma_start3A_261 : memref<10240x128xf32, #tpu.memory_space<hbm>>) target(%arg16 : memref<64x128xf32, #tpu.memory_space<vmem>>) offsets(%arg11 : memref<64xi32, #tpu.memory_space<vmem>>) semaphore(%arg22 : memref<!tpu.dma_semaphore, #tpu.memory_space<semaphore_mem>>)
      %dma_start3A_262 = arith.constant 0 : i32
      %dma_start3A_263 = arith.constant 0 : i32
      %dma_start3A_264 = tpu.memref_slice %arg3[%dma_start3A_262, %dma_start3A_263] : memref<10240x128xf32, #tpu.memory_space<hbm>> -> memref<10240x128xf32, #tpu.memory_space<hbm>>
      tpu.enqueue_indirect_dma source(%dma_start3A_264 : memref<10240x128xf32, #tpu.memory_space<hbm>>) target(%arg17 : memref<64x128xf32, #tpu.memory_space<vmem>>) offsets(%arg11 : memref<64xi32, #tpu.memory_space<vmem>>) semaphore(%arg23 : memref<!tpu.dma_semaphore, #tpu.memory_space<semaphore_mem>>)
      %dma_wait3A_265 = arith.constant 0 : i32
      %dma_wait3A_266 = arith.constant 0 : i32
      %dma_wait3A_267 = tpu.memref_slice %arg2[%dma_wait3A_265, %dma_wait3A_266] : memref<10240x128xf32, #tpu.memory_space<hbm>> -> memref<64x128xf32, #tpu.memory_space<hbm>>
      %dma_wait3A_268 = arith.constant 0 : i32
      %dma_wait3A_269 = arith.constant 0 : i32
      %dma_wait3A_270 = tpu.memref_slice %arg2[%dma_wait3A_268, %dma_wait3A_269] : memref<10240x128xf32, #tpu.memory_space<hbm>> -> memref<64x128xf32, #tpu.memory_space<hbm>>
      tpu.wait_dma2 semaphore(%arg22 : memref<!tpu.dma_semaphore, #tpu.memory_space<semaphore_mem>>) src(%dma_wait3A_270 : memref<64x128xf32, #tpu.memory_space<hbm>>) dst(%arg16 : memref<64x128xf32, #tpu.memory_space<vmem>>)
      %dma_wait3A_271 = arith.constant 0 : i32
      %dma_wait3A_272 = arith.constant 0 : i32
      %dma_wait3A_273 = tpu.memref_slice %arg3[%dma_wait3A_271, %dma_wait3A_272] : memref<10240x128xf32, #tpu.memory_space<hbm>> -> memref<64x128xf32, #tpu.memory_space<hbm>>
      %dma_wait3A_274 = arith.constant 0 : i32
      %dma_wait3A_275 = arith.constant 0 : i32
      %dma_wait3A_276 = tpu.memref_slice %arg3[%dma_wait3A_274, %dma_wait3A_275] : memref<10240x128xf32, #tpu.memory_space<hbm>> -> memref<64x128xf32, #tpu.memory_space<hbm>>
      tpu.wait_dma2 semaphore(%arg23 : memref<!tpu.dma_semaphore, #tpu.memory_space<semaphore_mem>>) src(%dma_wait3A_276 : memref<64x128xf32, #tpu.memory_space<hbm>>) dst(%arg17 : memref<64x128xf32, #tpu.memory_space<vmem>>)
      %dma_start3A_277 = arith.constant 0 : i32
      %dma_start3A_278 = arith.constant 0 : i32
      %dma_start3A_279 = tpu.memref_slice %arg18[%dma_start3A_277, %dma_start3A_278] : memref<5248x128xf32, #tpu.memory_space<vmem_shared>> -> memref<5248x128xf32, #tpu.memory_space<vmem_shared>>
      tpu.enqueue_indirect_dma source(%arg16 : memref<64x128xf32, #tpu.memory_space<vmem>>) target(%dma_start3A_279 : memref<5248x128xf32, #tpu.memory_space<vmem_shared>>) offsets(%arg13 : memref<64xi32, #tpu.memory_space<vmem>>) semaphore(%arg26 : memref<!tpu.dma_semaphore, #tpu.memory_space<semaphore_mem>>) {add = true}
      %dma_start3A_280 = arith.constant 0 : i32
      %dma_start3A_281 = arith.constant 0 : i32
      %dma_start3A_282 = tpu.memref_slice %arg19[%dma_start3A_280, %dma_start3A_281] : memref<5248x128xf32, #tpu.memory_space<vmem_shared>> -> memref<5248x128xf32, #tpu.memory_space<vmem_shared>>
      tpu.enqueue_indirect_dma source(%arg17 : memref<64x128xf32, #tpu.memory_space<vmem>>) target(%dma_start3A_282 : memref<5248x128xf32, #tpu.memory_space<vmem_shared>>) offsets(%arg13 : memref<64xi32, #tpu.memory_space<vmem>>) semaphore(%arg27 : memref<!tpu.dma_semaphore, #tpu.memory_space<semaphore_mem>>) {add = true}
      %dma_wait3A_283 = arith.constant 0 : i32
      %dma_wait3A_284 = arith.constant 0 : i32
      %dma_wait3A_285 = tpu.memref_slice %arg2[%dma_wait3A_283, %dma_wait3A_284] : memref<10240x128xf32, #tpu.memory_space<hbm>> -> memref<64x128xf32, #tpu.memory_space<hbm>>
      %dma_wait3A_286 = arith.constant 0 : i32
      %dma_wait3A_287 = arith.constant 0 : i32
      %dma_wait3A_288 = tpu.memref_slice %arg2[%dma_wait3A_286, %dma_wait3A_287] : memref<10240x128xf32, #tpu.memory_space<hbm>> -> memref<64x128xf32, #tpu.memory_space<hbm>>
      tpu.wait_dma2 semaphore(%arg24 : memref<!tpu.dma_semaphore, #tpu.memory_space<semaphore_mem>>) src(%dma_wait3A_288 : memref<64x128xf32, #tpu.memory_space<hbm>>) dst(%arg14 : memref<64x128xf32, #tpu.memory_space<vmem>>)
      %dma_wait3A_289 = arith.constant 0 : i32
      %dma_wait3A_290 = arith.constant 0 : i32
      %dma_wait3A_291 = tpu.memref_slice %arg3[%dma_wait3A_289, %dma_wait3A_290] : memref<10240x128xf32, #tpu.memory_space<hbm>> -> memref<64x128xf32, #tpu.memory_space<hbm>>
      %dma_wait3A_292 = arith.constant 0 : i32
      %dma_wait3A_293 = arith.constant 0 : i32
      %dma_wait3A_294 = tpu.memref_slice %arg3[%dma_wait3A_292, %dma_wait3A_293] : memref<10240x128xf32, #tpu.memory_space<hbm>> -> memref<64x128xf32, #tpu.memory_space<hbm>>
      tpu.wait_dma2 semaphore(%arg25 : memref<!tpu.dma_semaphore, #tpu.memory_space<semaphore_mem>>) src(%dma_wait3A_294 : memref<64x128xf32, #tpu.memory_space<hbm>>) dst(%arg15 : memref<64x128xf32, #tpu.memory_space<vmem>>)
      %lt3A_295 = arith.constant 156 : i32
      %lt3A_296 = arith.cmpi slt, %scan3A_146, %lt3A_295 : i32
      %convert_element_type3A_297 = arith.extui %lt3A_296 : i1 to i32
      %cond3A_298 = arith.constant 0 : i32
      %cond3A_299 = arith.cmpi ne, %convert_element_type3A_297, %cond3A_298 : i32
      scf.if %cond3A_299 {
        %add3A_301 = arith.constant 2 : i32
        %add3A_302 = arith.addi %mul3A_149, %add3A_301 : i32
        %mul3A_303 = arith.constant 64 : i32
        %mul3A_304 = arith.muli %add3A_302, %mul3A_303 : i32
        %add3A_305 = arith.addi %mul3A_38, %mul3A_304 : i32
        %dma_start3A_306 = tpu.memref_slice %arg4[%add3A_305] : memref<321536xi32, #tpu.memory_space<hbm>> -> memref<64xi32, #tpu.memory_space<hbm>>
        %dma_start3A_307 = tpu.memref_slice %arg4[%add3A_305] : memref<321536xi32, #tpu.memory_space<hbm>> -> memref<64xi32, #tpu.memory_space<hbm>>
        tpu.enqueue_dma source(%dma_start3A_307 : memref<64xi32, #tpu.memory_space<hbm>>) target(%arg8 : memref<64xi32, #tpu.memory_space<vmem>>) target_semaphore(%arg28 : memref<!tpu.dma_semaphore, #tpu.memory_space<semaphore_mem>>)
        %dma_start3A_308 = tpu.memref_slice %arg5[%add3A_305] : memref<321536xi32, #tpu.memory_space<hbm>> -> memref<64xi32, #tpu.memory_space<hbm>>
        %dma_start3A_309 = tpu.memref_slice %arg5[%add3A_305] : memref<321536xi32, #tpu.memory_space<hbm>> -> memref<64xi32, #tpu.memory_space<hbm>>
        tpu.enqueue_dma source(%dma_start3A_309 : memref<64xi32, #tpu.memory_space<hbm>>) target(%arg9 : memref<64xi32, #tpu.memory_space<vmem>>) target_semaphore(%arg29 : memref<!tpu.dma_semaphore, #tpu.memory_space<semaphore_mem>>)
        %dma_wait3A_310 = arith.constant 0 : i32
        %dma_wait3A_311 = tpu.memref_slice %arg4[%dma_wait3A_310] : memref<321536xi32, #tpu.memory_space<hbm>> -> memref<64xi32, #tpu.memory_space<hbm>>
        %dma_wait3A_312 = arith.constant 0 : i32
        %dma_wait3A_313 = tpu.memref_slice %arg4[%dma_wait3A_312] : memref<321536xi32, #tpu.memory_space<hbm>> -> memref<64xi32, #tpu.memory_space<hbm>>
        tpu.wait_dma2 semaphore(%arg28 : memref<!tpu.dma_semaphore, #tpu.memory_space<semaphore_mem>>) src(%dma_wait3A_313 : memref<64xi32, #tpu.memory_space<hbm>>) dst(%arg8 : memref<64xi32, #tpu.memory_space<vmem>>)
        %dma_wait3A_314 = arith.constant 0 : i32
        %dma_wait3A_315 = tpu.memref_slice %arg5[%dma_wait3A_314] : memref<321536xi32, #tpu.memory_space<hbm>> -> memref<64xi32, #tpu.memory_space<hbm>>
        %dma_wait3A_316 = arith.constant 0 : i32
        %dma_wait3A_317 = tpu.memref_slice %arg5[%dma_wait3A_316] : memref<321536xi32, #tpu.memory_space<hbm>> -> memref<64xi32, #tpu.memory_space<hbm>>
        tpu.wait_dma2 semaphore(%arg29 : memref<!tpu.dma_semaphore, #tpu.memory_space<semaphore_mem>>) src(%dma_wait3A_317 : memref<64xi32, #tpu.memory_space<hbm>>) dst(%arg9 : memref<64xi32, #tpu.memory_space<vmem>>)
        %get3A_318 = arith.constant 0 : index
        %get3A_319 = tpu.vector_load %arg9[%get3A_318] {strides = array<i32>} : memref<64xi32, #tpu.memory_space<vmem>>, vector<16xi32>,
        %get3A_320 = vector.shape_cast %get3A_319 : vector<16xi32> to vector<16xi32>
        %ge3A_321 = vector.broadcast %mul3A_0 : i32 to vector<16xi32>
        %ge3A_322 = arith.cmpi sge, %get3A_320, %ge3A_321 : vector<16xi32>
        %add3A_323 = arith.constant 5120 : i32
        %add3A_324 = arith.addi %mul3A_0, %add3A_323 : i32
        %lt3A_325 = vector.broadcast %add3A_324 : i32 to vector<16xi32>
        %lt3A_326 = arith.cmpi slt, %get3A_320, %lt3A_325 : vector<16xi32>
        %and3A_327 = arith.andi %ge3A_322, %lt3A_326 : vector<16xi1>
        %sub3A_328 = vector.broadcast %mul3A_0 : i32 to vector<16xi32>
        %sub3A_329 = arith.subi %get3A_320, %sub3A_328 : vector<16xi32>
        %broadcast_in_dim3A_330 = vector.broadcast %add3A_1 : i32 to vector<16xi32>
        %select_n3A_331 = arith.select %and3A_327, %sub3A_329, %broadcast_in_dim3A_330 : vector<16xi1>, vector<16xi32>
        %swap3A_332 = arith.constant 0 : index
        %swap3A_333 = tpu.vector_load %arg10[%swap3A_332] {strides = array<i32>} : memref<64xi32, #tpu.memory_space<vmem>>, vector<16xi32>,
        %swap3A_334 = vector.shape_cast %swap3A_333 : vector<16xi32> to vector<16xi32>
        %swap3A_335 = vector.shape_cast %select_n3A_331 : vector<16xi32> to vector<16xi32>
        tpu.vector_store %arg10[%swap3A_332], %swap3A_335 {strides = array<i32>} : memref<64xi32, #tpu.memory_space<vmem>>, vector<16xi32>,
        %get3A_336 = arith.constant 16 : index
        %get3A_337 = tpu.vector_load %arg9[%get3A_336] {strides = array<i32>} : memref<64xi32, #tpu.memory_space<vmem>>, vector<16xi32>,
        %get3A_338 = vector.shape_cast %get3A_337 : vector<16xi32> to vector<16xi32>
        %ge3A_339 = vector.broadcast %mul3A_0 : i32 to vector<16xi32>
        %ge3A_340 = arith.cmpi sge, %get3A_338, %ge3A_339 : vector<16xi32>
        %add3A_341 = arith.constant 5120 : i32
        %add3A_342 = arith.addi %mul3A_0, %add3A_341 : i32
        %lt3A_343 = vector.broadcast %add3A_342 : i32 to vector<16xi32>
        %lt3A_344 = arith.cmpi slt, %get3A_338, %lt3A_343 : vector<16xi32>
        %and3A_345 = arith.andi %ge3A_340, %lt3A_344 : vector<16xi1>
        %sub3A_346 = vector.broadcast %mul3A_0 : i32 to vector<16xi32>
        %sub3A_347 = arith.subi %get3A_338, %sub3A_346 : vector<16xi32>
        %broadcast_in_dim3A_348 = vector.broadcast %add3A_1 : i32 to vector<16xi32>
        %select_n3A_349 = arith.select %and3A_345, %sub3A_347, %broadcast_in_dim3A_348 : vector<16xi1>, vector<16xi32>
        %swap3A_350 = arith.constant 16 : index
        %swap3A_351 = tpu.vector_load %arg10[%swap3A_350] {strides = array<i32>} : memref<64xi32, #tpu.memory_space<vmem>>, vector<16xi32>,
        %swap3A_352 = vector.shape_cast %swap3A_351 : vector<16xi32> to vector<16xi32>
        %swap3A_353 = vector.shape_cast %select_n3A_349 : vector<16xi32> to vector<16xi32>
        tpu.vector_store %arg10[%swap3A_350], %swap3A_353 {strides = array<i32>} : memref<64xi32, #tpu.memory_space<vmem>>, vector<16xi32>,
        %get3A_354 = arith.constant 32 : index
        %get3A_355 = tpu.vector_load %arg9[%get3A_354] {strides = array<i32>} : memref<64xi32, #tpu.memory_space<vmem>>, vector<16xi32>,
        %get3A_356 = vector.shape_cast %get3A_355 : vector<16xi32> to vector<16xi32>
        %ge3A_357 = vector.broadcast %mul3A_0 : i32 to vector<16xi32>
        %ge3A_358 = arith.cmpi sge, %get3A_356, %ge3A_357 : vector<16xi32>
        %add3A_359 = arith.constant 5120 : i32
        %add3A_360 = arith.addi %mul3A_0, %add3A_359 : i32
        %lt3A_361 = vector.broadcast %add3A_360 : i32 to vector<16xi32>
        %lt3A_362 = arith.cmpi slt, %get3A_356, %lt3A_361 : vector<16xi32>
        %and3A_363 = arith.andi %ge3A_358, %lt3A_362 : vector<16xi1>
        %sub3A_364 = vector.broadcast %mul3A_0 : i32 to vector<16xi32>
        %sub3A_365 = arith.subi %get3A_356, %sub3A_364 : vector<16xi32>
        %broadcast_in_dim3A_366 = vector.broadcast %add3A_1 : i32 to vector<16xi32>
        %select_n3A_367 = arith.select %and3A_363, %sub3A_365, %broadcast_in_dim3A_366 : vector<16xi1>, vector<16xi32>
        %swap3A_368 = arith.constant 32 : index
        %swap3A_369 = tpu.vector_load %arg10[%swap3A_368] {strides = array<i32>} : memref<64xi32, #tpu.memory_space<vmem>>, vector<16xi32>,
        %swap3A_370 = vector.shape_cast %swap3A_369 : vector<16xi32> to vector<16xi32>
        %swap3A_371 = vector.shape_cast %select_n3A_367 : vector<16xi32> to vector<16xi32>
        tpu.vector_store %arg10[%swap3A_368], %swap3A_371 {strides = array<i32>} : memref<64xi32, #tpu.memory_space<vmem>>, vector<16xi32>,
        %get3A_372 = arith.constant 48 : index
        %get3A_373 = tpu.vector_load %arg9[%get3A_372] {strides = array<i32>} : memref<64xi32, #tpu.memory_space<vmem>>, vector<16xi32>,
        %get3A_374 = vector.shape_cast %get3A_373 : vector<16xi32> to vector<16xi32>
        %ge3A_375 = vector.broadcast %mul3A_0 : i32 to vector<16xi32>
        %ge3A_376 = arith.cmpi sge, %get3A_374, %ge3A_375 : vector<16xi32>
        %add3A_377 = arith.constant 5120 : i32
        %add3A_378 = arith.addi %mul3A_0, %add3A_377 : i32
        %lt3A_379 = vector.broadcast %add3A_378 : i32 to vector<16xi32>
        %lt3A_380 = arith.cmpi slt, %get3A_374, %lt3A_379 : vector<16xi32>
        %and3A_381 = arith.andi %ge3A_376, %lt3A_380 : vector<16xi1>
        %sub3A_382 = vector.broadcast %mul3A_0 : i32 to vector<16xi32>
        %sub3A_383 = arith.subi %get3A_374, %sub3A_382 : vector<16xi32>
        %broadcast_in_dim3A_384 = vector.broadcast %add3A_1 : i32 to vector<16xi32>
        %select_n3A_385 = arith.select %and3A_381, %sub3A_383, %broadcast_in_dim3A_384 : vector<16xi1>, vector<16xi32>
        %swap3A_386 = arith.constant 48 : index
        %swap3A_387 = tpu.vector_load %arg10[%swap3A_386] {strides = array<i32>} : memref<64xi32, #tpu.memory_space<vmem>>, vector<16xi32>,
        %swap3A_388 = vector.shape_cast %swap3A_387 : vector<16xi32> to vector<16xi32>
        %swap3A_389 = vector.shape_cast %select_n3A_385 : vector<16xi32> to vector<16xi32>
        tpu.vector_store %arg10[%swap3A_386], %swap3A_389 {strides = array<i32>} : memref<64xi32, #tpu.memory_space<vmem>>, vector<16xi32>,
        %dma_start3A_390 = arith.constant 0 : i32
        %dma_start3A_391 = arith.constant 0 : i32
        %dma_start3A_392 = tpu.memref_slice %arg2[%dma_start3A_390, %dma_start3A_391] : memref<10240x128xf32, #tpu.memory_space<hbm>> -> memref<10240x128xf32, #tpu.memory_space<hbm>>
        tpu.enqueue_indirect_dma source(%dma_start3A_392 : memref<10240x128xf32, #tpu.memory_space<hbm>>) target(%arg14 : memref<64x128xf32, #tpu.memory_space<vmem>>) offsets(%arg8 : memref<64xi32, #tpu.memory_space<vmem>>) semaphore(%arg20 : memref<!tpu.dma_semaphore, #tpu.memory_space<semaphore_mem>>)
        %dma_start3A_393 = arith.constant 0 : i32
        %dma_start3A_394 = arith.constant 0 : i32
        %dma_start3A_395 = tpu.memref_slice %arg3[%dma_start3A_393, %dma_start3A_394] : memref<10240x128xf32, #tpu.memory_space<hbm>> -> memref<10240x128xf32, #tpu.memory_space<hbm>>
        tpu.enqueue_indirect_dma source(%dma_start3A_395 : memref<10240x128xf32, #tpu.memory_space<hbm>>) target(%arg15 : memref<64x128xf32, #tpu.memory_space<vmem>>) offsets(%arg8 : memref<64xi32, #tpu.memory_space<vmem>>) semaphore(%arg21 : memref<!tpu.dma_semaphore, #tpu.memory_space<semaphore_mem>>)
      } else {
      }
      %scan3A_300 = arith.constant 0 : i32
      scf.yield %scan3A_300 : i32
    }
    %scan3A_128 = arith.constant 157 : i32
    %dma_wait3A_129 = arith.constant 0 : i32
    %dma_wait3A_130 = arith.constant 0 : i32
    %dma_wait3A_131 = tpu.memref_slice %arg2[%dma_wait3A_129, %dma_wait3A_130] : memref<10240x128xf32, #tpu.memory_space<hbm>> -> memref<64x128xf32, #tpu.memory_space<hbm>>
    %dma_wait3A_132 = arith.constant 0 : i32
    %dma_wait3A_133 = arith.constant 0 : i32
    %dma_wait3A_134 = tpu.memref_slice %arg2[%dma_wait3A_132, %dma_wait3A_133] : memref<10240x128xf32, #tpu.memory_space<hbm>> -> memref<64x128xf32, #tpu.memory_space<hbm>>
    tpu.wait_dma2 semaphore(%arg26 : memref<!tpu.dma_semaphore, #tpu.memory_space<semaphore_mem>>) src(%dma_wait3A_134 : memref<64x128xf32, #tpu.memory_space<hbm>>) dst(%arg16 : memref<64x128xf32, #tpu.memory_space<vmem>>)
    %dma_wait3A_135 = arith.constant 0 : i32
    %dma_wait3A_136 = arith.constant 0 : i32
    %dma_wait3A_137 = tpu.memref_slice %arg3[%dma_wait3A_135, %dma_wait3A_136] : memref<10240x128xf32, #tpu.memory_space<hbm>> -> memref<64x128xf32, #tpu.memory_space<hbm>>
    %dma_wait3A_138 = arith.constant 0 : i32
    %dma_wait3A_139 = arith.constant 0 : i32
    %dma_wait3A_140 = tpu.memref_slice %arg3[%dma_wait3A_138, %dma_wait3A_139] : memref<10240x128xf32, #tpu.memory_space<hbm>> -> memref<64x128xf32, #tpu.memory_space<hbm>>
    tpu.wait_dma2 semaphore(%arg27 : memref<!tpu.dma_semaphore, #tpu.memory_space<semaphore_mem>>) src(%dma_wait3A_140 : memref<64x128xf32, #tpu.memory_space<hbm>>) dst(%arg17 : memref<64x128xf32, #tpu.memory_space<vmem>>)
    %barrier3A_141 = arith.constant 0 : index
    tpu.barrier barrier_id(%barrier3A_141)
    %mul3A_142 = arith.constant 320 : i32
    %mul3A_143 = arith.muli %arg1, %mul3A_142 : i32
    %add3A_144 = arith.addi %mul3A_0, %mul3A_143 : i32
    "tpu.region"() ({
      %run_scoped3A = tpu.sem_alloc : memref<!tpu.dma_semaphore, #tpu.memory_space<semaphore_mem>>
      %dma_start3A_146 = arith.constant 0 : i32
      %dma_start3A_147 = tpu.memref_slice %arg6[%add3A_144, %dma_start3A_146] : memref<10240x128xf32, #tpu.memory_space<hbm>> -> memref<320x128xf32, #tpu.memory_space<hbm>>
      %dma_start3A_148 = arith.constant 0 : i32
      %dma_start3A_149 = tpu.memref_slice %arg18[%mul3A_143, %dma_start3A_148] : memref<5248x128xf32, #tpu.memory_space<vmem_shared>> -> memref<320x128xf32, #tpu.memory_space<vmem_shared>>
      tpu.enqueue_dma source(%dma_start3A_149 : memref<320x128xf32, #tpu.memory_space<vmem_shared>>) target(%dma_start3A_147 : memref<320x128xf32, #tpu.memory_space<hbm>>) target_semaphore(%run_scoped3A : memref<!tpu.dma_semaphore, #tpu.memory_space<semaphore_mem>>)
      %dma_wait3A_150 = arith.constant 0 : i32
      %dma_wait3A_151 = tpu.memref_slice %arg6[%add3A_144, %dma_wait3A_150] : memref<10240x128xf32, #tpu.memory_space<hbm>> -> memref<320x128xf32, #tpu.memory_space<hbm>>
      %dma_wait3A_152 = arith.constant 0 : i32
      %dma_wait3A_153 = tpu.memref_slice %arg18[%mul3A_143, %dma_wait3A_152] : memref<5248x128xf32, #tpu.memory_space<vmem_shared>> -> memref<320x128xf32, #tpu.memory_space<vmem_shared>>
      tpu.wait_dma2 semaphore(%run_scoped3A : memref<!tpu.dma_semaphore, #tpu.memory_space<semaphore_mem>>) src(%dma_wait3A_153 : memref<320x128xf32, #tpu.memory_space<vmem_shared>>) dst(%dma_wait3A_151 : memref<320x128xf32, #tpu.memory_space<hbm>>)
      tpu.yield
    }) : () -> ()
    %add3A_145 = arith.addi %mul3A_0, %mul3A_143 : i32
    "tpu.region"() ({
      %run_scoped3A = tpu.sem_alloc : memref<!tpu.dma_semaphore, #tpu.memory_space<semaphore_mem>>
      %dma_start3A_146 = arith.constant 0 : i32
      %dma_start3A_147 = tpu.memref_slice %arg7[%add3A_145, %dma_start3A_146] : memref<10240x128xf32, #tpu.memory_space<hbm>> -> memref<320x128xf32, #tpu.memory_space<hbm>>
      %dma_start3A_148 = arith.constant 0 : i32
      %dma_start3A_149 = tpu.memref_slice %arg19[%mul3A_143, %dma_start3A_148] : memref<5248x128xf32, #tpu.memory_space<vmem_shared>> -> memref<320x128xf32, #tpu.memory_space<vmem_shared>>
      tpu.enqueue_dma source(%dma_start3A_149 : memref<320x128xf32, #tpu.memory_space<vmem_shared>>) target(%dma_start3A_147 : memref<320x128xf32, #tpu.memory_space<hbm>>) target_semaphore(%run_scoped3A : memref<!tpu.dma_semaphore, #tpu.memory_space<semaphore_mem>>)
      %dma_wait3A_150 = arith.constant 0 : i32
      %dma_wait3A_151 = tpu.memref_slice %arg7[%add3A_145, %dma_wait3A_150] : memref<10240x128xf32, #tpu.memory_space<hbm>> -> memref<320x128xf32, #tpu.memory_space<hbm>>
      %dma_wait3A_152 = arith.constant 0 : i32
      %dma_wait3A_153 = tpu.memref_slice %arg19[%mul3A_143, %dma_wait3A_152] : memref<5248x128xf32, #tpu.memory_space<vmem_shared>> -> memref<320x128xf32, #tpu.memory_space<vmem_shared>>
      tpu.wait_dma2 semaphore(%run_scoped3A : memref<!tpu.dma_semaphore, #tpu.memory_space<semaphore_mem>>) src(%dma_wait3A_153 : memref<320x128xf32, #tpu.memory_space<vmem_shared>>) dst(%dma_wait3A_151 : memref<320x128xf32, #tpu.memory_space<hbm>>)
      tpu.yield
    }) : () -> ()
    return
  }
}

#map = affine_map<(d0, d1) -> (0)>
#map1 = affine_map<(d0, d1) -> (0, 0)>
module attributes {stable_mosaic.version = 14 : i64} {
  func.func @_deg_body(%arg0: i32, %arg1: i32, %arg2: memref<321536xi32, #tpu.memory_space<hbm>>, %arg3: memref<10240x128xf32, #tpu.memory_space<hbm>>, %arg4: memref<64xi32, #tpu.memory_space<vmem>>, %arg5: memref<64xi32, #tpu.memory_space<vmem>>, %arg6: memref<64xi32, #tpu.memory_space<vmem>>, %arg7: memref<64xi32, #tpu.memory_space<vmem>>, %arg8: memref<64x128xf32, #tpu.memory_space<vmem>>, %arg9: memref<5248x128xf32, #tpu.memory_space<vmem_shared>>, %arg10: memref<!tpu.dma_semaphore, #tpu.memory_space<semaphore_mem>>, %arg11: memref<!tpu.dma_semaphore, #tpu.memory_space<semaphore_mem>>, %arg12: memref<!tpu.dma_semaphore, #tpu.memory_space<semaphore_mem>>) attributes {dimension_semantics = [#tpu.dimension_semantics<core_parallel>, #tpu.dimension_semantics<subcore_parallel>], iteration_bounds = array<i64: 2, 16>, scalar_prefetch = 0 : i64, scratch_operands = 9 : i64, tpu.core_type = #tpu.core_type<sc_vector_subcore>, window_params = [{transform_indices = #map}, {transform_indices = #map1}]} {
    %mul3A = arith.constant 5120 : i32
    %mul3A_0 = arith.muli %arg0, %mul3A : i32
    %add3A = arith.constant 5120 : i32
    %add3A_1 = arith.addi %add3A, %arg1 : i32
    %broadcast_in_dim3A = arith.constant 0.000000e+00 : f32
    %broadcast_in_dim3A_2 = vector.broadcast %broadcast_in_dim3A : f32 to vector<16xf32>
    %scan3A = arith.constant 0 : i32
    %scan3A_3 = arith.constant 0 : i32
    %scan3A_4 = arith.constant 64 : i32
    %scan3A_5 = arith.addi %scan3A_3, %scan3A_4 : i32
    %scan3A_6 = arith.constant 1 : i32
    %scan3A_7 = scf.for %scan3A_124 = %scan3A_3 to %scan3A_5 step %scan3A_6 iter_args(%scan3A_125 = %scan3A) -> (i32)  : i32 {
      %swap3A_126 = arith.index_cast %scan3A_124 : i32 to index
      %swap3A_127 = arith.constant 0 : index
      %swap3A_128 = tpu.vector_load %arg8[%swap3A_126, %swap3A_127] {strides = array<i32>} : memref<64x128xf32, #tpu.memory_space<vmem>>, vector<1x16xf32>,
      %swap3A_129 = vector.shape_cast %swap3A_128 : vector<1x16xf32> to vector<16xf32>
      %swap3A_130 = vector.shape_cast %broadcast_in_dim3A_2 : vector<16xf32> to vector<1x16xf32>
      tpu.vector_store %arg8[%swap3A_126, %swap3A_127], %swap3A_130 {strides = array<i32>} : memref<64x128xf32, #tpu.memory_space<vmem>>, vector<1x16xf32>,
      %swap3A_131 = arith.index_cast %scan3A_124 : i32 to index
      %swap3A_132 = arith.constant 16 : index
      %swap3A_133 = tpu.vector_load %arg8[%swap3A_131, %swap3A_132] {strides = array<i32>} : memref<64x128xf32, #tpu.memory_space<vmem>>, vector<1x16xf32>,
      %swap3A_134 = vector.shape_cast %swap3A_133 : vector<1x16xf32> to vector<16xf32>
      %swap3A_135 = vector.shape_cast %broadcast_in_dim3A_2 : vector<16xf32> to vector<1x16xf32>
      tpu.vector_store %arg8[%swap3A_131, %swap3A_132], %swap3A_135 {strides = array<i32>} : memref<64x128xf32, #tpu.memory_space<vmem>>, vector<1x16xf32>,
      %swap3A_136 = arith.index_cast %scan3A_124 : i32 to index
      %swap3A_137 = arith.constant 32 : index
      %swap3A_138 = tpu.vector_load %arg8[%swap3A_136, %swap3A_137] {strides = array<i32>} : memref<64x128xf32, #tpu.memory_space<vmem>>, vector<1x16xf32>,
      %swap3A_139 = vector.shape_cast %swap3A_138 : vector<1x16xf32> to vector<16xf32>
      %swap3A_140 = vector.shape_cast %broadcast_in_dim3A_2 : vector<16xf32> to vector<1x16xf32>
      tpu.vector_store %arg8[%swap3A_136, %swap3A_137], %swap3A_140 {strides = array<i32>} : memref<64x128xf32, #tpu.memory_space<vmem>>, vector<1x16xf32>,
      %swap3A_141 = arith.index_cast %scan3A_124 : i32 to index
      %swap3A_142 = arith.constant 48 : index
      %swap3A_143 = tpu.vector_load %arg8[%swap3A_141, %swap3A_142] {strides = array<i32>} : memref<64x128xf32, #tpu.memory_space<vmem>>, vector<1x16xf32>,
      %swap3A_144 = vector.shape_cast %swap3A_143 : vector<1x16xf32> to vector<16xf32>
      %swap3A_145 = vector.shape_cast %broadcast_in_dim3A_2 : vector<16xf32> to vector<1x16xf32>
      tpu.vector_store %arg8[%swap3A_141, %swap3A_142], %swap3A_145 {strides = array<i32>} : memref<64x128xf32, #tpu.memory_space<vmem>>, vector<1x16xf32>,
      %swap3A_146 = arith.index_cast %scan3A_124 : i32 to index
      %swap3A_147 = arith.constant 64 : index
      %swap3A_148 = tpu.vector_load %arg8[%swap3A_146, %swap3A_147] {strides = array<i32>} : memref<64x128xf32, #tpu.memory_space<vmem>>, vector<1x16xf32>,
      %swap3A_149 = vector.shape_cast %swap3A_148 : vector<1x16xf32> to vector<16xf32>
      %swap3A_150 = vector.shape_cast %broadcast_in_dim3A_2 : vector<16xf32> to vector<1x16xf32>
      tpu.vector_store %arg8[%swap3A_146, %swap3A_147], %swap3A_150 {strides = array<i32>} : memref<64x128xf32, #tpu.memory_space<vmem>>, vector<1x16xf32>,
      %swap3A_151 = arith.index_cast %scan3A_124 : i32 to index
      %swap3A_152 = arith.constant 80 : index
      %swap3A_153 = tpu.vector_load %arg8[%swap3A_151, %swap3A_152] {strides = array<i32>} : memref<64x128xf32, #tpu.memory_space<vmem>>, vector<1x16xf32>,
      %swap3A_154 = vector.shape_cast %swap3A_153 : vector<1x16xf32> to vector<16xf32>
      %swap3A_155 = vector.shape_cast %broadcast_in_dim3A_2 : vector<16xf32> to vector<1x16xf32>
      tpu.vector_store %arg8[%swap3A_151, %swap3A_152], %swap3A_155 {strides = array<i32>} : memref<64x128xf32, #tpu.memory_space<vmem>>, vector<1x16xf32>,
      %swap3A_156 = arith.index_cast %scan3A_124 : i32 to index
      %swap3A_157 = arith.constant 96 : index
      %swap3A_158 = tpu.vector_load %arg8[%swap3A_156, %swap3A_157] {strides = array<i32>} : memref<64x128xf32, #tpu.memory_space<vmem>>, vector<1x16xf32>,
      %swap3A_159 = vector.shape_cast %swap3A_158 : vector<1x16xf32> to vector<16xf32>
      %swap3A_160 = vector.shape_cast %broadcast_in_dim3A_2 : vector<16xf32> to vector<1x16xf32>
      tpu.vector_store %arg8[%swap3A_156, %swap3A_157], %swap3A_160 {strides = array<i32>} : memref<64x128xf32, #tpu.memory_space<vmem>>, vector<1x16xf32>,
      %swap3A_161 = arith.index_cast %scan3A_124 : i32 to index
      %swap3A_162 = arith.constant 112 : index
      %swap3A_163 = tpu.vector_load %arg8[%swap3A_161, %swap3A_162] {strides = array<i32>} : memref<64x128xf32, #tpu.memory_space<vmem>>, vector<1x16xf32>,
      %swap3A_164 = vector.shape_cast %swap3A_163 : vector<1x16xf32> to vector<16xf32>
      %swap3A_165 = vector.shape_cast %broadcast_in_dim3A_2 : vector<16xf32> to vector<1x16xf32>
      tpu.vector_store %arg8[%swap3A_161, %swap3A_162], %swap3A_165 {strides = array<i32>} : memref<64x128xf32, #tpu.memory_space<vmem>>, vector<1x16xf32>,
      %scan3A_166 = arith.constant 0 : i32
      scf.yield %scan3A_166 : i32
    }
    %scan3A_8 = arith.constant 64 : i32
    %mul3A_9 = arith.constant 328 : i32
    %mul3A_10 = arith.muli %arg1, %mul3A_9 : i32
    %add3A_11 = arith.constant 0 : i32
    %add3A_12 = arith.addi %mul3A_10, %add3A_11 : i32
    "tpu.region"() ({
      %run_scoped3A = tpu.sem_alloc : memref<!tpu.dma_semaphore, #tpu.memory_space<semaphore_mem>>
      %dma_start3A_124 = arith.constant 0 : i32
      %dma_start3A_125 = tpu.memref_slice %arg9[%add3A_12, %dma_start3A_124] : memref<5248x128xf32, #tpu.memory_space<vmem_shared>> -> memref<64x128xf32, #tpu.memory_space<vmem_shared>>
      %dma_start3A_126 = arith.constant 0 : i32
      %dma_start3A_127 = tpu.memref_slice %arg9[%add3A_12, %dma_start3A_126] : memref<5248x128xf32, #tpu.memory_space<vmem_shared>> -> memref<64x128xf32, #tpu.memory_space<vmem_shared>>
      tpu.enqueue_dma source(%arg8 : memref<64x128xf32, #tpu.memory_space<vmem>>) target(%dma_start3A_127 : memref<64x128xf32, #tpu.memory_space<vmem_shared>>) target_semaphore(%run_scoped3A : memref<!tpu.dma_semaphore, #tpu.memory_space<semaphore_mem>>)
      %dma_wait3A_128 = arith.constant 0 : i32
      %dma_wait3A_129 = tpu.memref_slice %arg9[%add3A_12, %dma_wait3A_128] : memref<5248x128xf32, #tpu.memory_space<vmem_shared>> -> memref<64x128xf32, #tpu.memory_space<vmem_shared>>
      %dma_wait3A_130 = arith.constant 0 : i32
      %dma_wait3A_131 = tpu.memref_slice %arg9[%add3A_12, %dma_wait3A_130] : memref<5248x128xf32, #tpu.memory_space<vmem_shared>> -> memref<64x128xf32, #tpu.memory_space<vmem_shared>>
      tpu.wait_dma2 semaphore(%run_scoped3A : memref<!tpu.dma_semaphore, #tpu.memory_space<semaphore_mem>>) src(%arg8 : memref<64x128xf32, #tpu.memory_space<vmem>>) dst(%dma_wait3A_131 : memref<64x128xf32, #tpu.memory_space<vmem_shared>>)
      tpu.yield
    }) : () -> ()
    %add3A_13 = arith.constant 64 : i32
    %add3A_14 = arith.addi %mul3A_10, %add3A_13 : i32
    "tpu.region"() ({
      %run_scoped3A = tpu.sem_alloc : memref<!tpu.dma_semaphore, #tpu.memory_space<semaphore_mem>>
      %dma_start3A_124 = arith.constant 0 : i32
      %dma_start3A_125 = tpu.memref_slice %arg9[%add3A_14, %dma_start3A_124] : memref<5248x128xf32, #tpu.memory_space<vmem_shared>> -> memref<64x128xf32, #tpu.memory_space<vmem_shared>>
      %dma_start3A_126 = arith.constant 0 : i32
      %dma_start3A_127 = tpu.memref_slice %arg9[%add3A_14, %dma_start3A_126] : memref<5248x128xf32, #tpu.memory_space<vmem_shared>> -> memref<64x128xf32, #tpu.memory_space<vmem_shared>>
      tpu.enqueue_dma source(%arg8 : memref<64x128xf32, #tpu.memory_space<vmem>>) target(%dma_start3A_127 : memref<64x128xf32, #tpu.memory_space<vmem_shared>>) target_semaphore(%run_scoped3A : memref<!tpu.dma_semaphore, #tpu.memory_space<semaphore_mem>>)
      %dma_wait3A_128 = arith.constant 0 : i32
      %dma_wait3A_129 = tpu.memref_slice %arg9[%add3A_14, %dma_wait3A_128] : memref<5248x128xf32, #tpu.memory_space<vmem_shared>> -> memref<64x128xf32, #tpu.memory_space<vmem_shared>>
      %dma_wait3A_130 = arith.constant 0 : i32
      %dma_wait3A_131 = tpu.memref_slice %arg9[%add3A_14, %dma_wait3A_130] : memref<5248x128xf32, #tpu.memory_space<vmem_shared>> -> memref<64x128xf32, #tpu.memory_space<vmem_shared>>
      tpu.wait_dma2 semaphore(%run_scoped3A : memref<!tpu.dma_semaphore, #tpu.memory_space<semaphore_mem>>) src(%arg8 : memref<64x128xf32, #tpu.memory_space<vmem>>) dst(%dma_wait3A_131 : memref<64x128xf32, #tpu.memory_space<vmem_shared>>)
      tpu.yield
    }) : () -> ()
    %add3A_15 = arith.constant 128 : i32
    %add3A_16 = arith.addi %mul3A_10, %add3A_15 : i32
    "tpu.region"() ({
      %run_scoped3A = tpu.sem_alloc : memref<!tpu.dma_semaphore, #tpu.memory_space<semaphore_mem>>
      %dma_start3A_124 = arith.constant 0 : i32
      %dma_start3A_125 = tpu.memref_slice %arg9[%add3A_16, %dma_start3A_124] : memref<5248x128xf32, #tpu.memory_space<vmem_shared>> -> memref<64x128xf32, #tpu.memory_space<vmem_shared>>
      %dma_start3A_126 = arith.constant 0 : i32
      %dma_start3A_127 = tpu.memref_slice %arg9[%add3A_16, %dma_start3A_126] : memref<5248x128xf32, #tpu.memory_space<vmem_shared>> -> memref<64x128xf32, #tpu.memory_space<vmem_shared>>
      tpu.enqueue_dma source(%arg8 : memref<64x128xf32, #tpu.memory_space<vmem>>) target(%dma_start3A_127 : memref<64x128xf32, #tpu.memory_space<vmem_shared>>) target_semaphore(%run_scoped3A : memref<!tpu.dma_semaphore, #tpu.memory_space<semaphore_mem>>)
      %dma_wait3A_128 = arith.constant 0 : i32
      %dma_wait3A_129 = tpu.memref_slice %arg9[%add3A_16, %dma_wait3A_128] : memref<5248x128xf32, #tpu.memory_space<vmem_shared>> -> memref<64x128xf32, #tpu.memory_space<vmem_shared>>
      %dma_wait3A_130 = arith.constant 0 : i32
      %dma_wait3A_131 = tpu.memref_slice %arg9[%add3A_16, %dma_wait3A_130] : memref<5248x128xf32, #tpu.memory_space<vmem_shared>> -> memref<64x128xf32, #tpu.memory_space<vmem_shared>>
      tpu.wait_dma2 semaphore(%run_scoped3A : memref<!tpu.dma_semaphore, #tpu.memory_space<semaphore_mem>>) src(%arg8 : memref<64x128xf32, #tpu.memory_space<vmem>>) dst(%dma_wait3A_131 : memref<64x128xf32, #tpu.memory_space<vmem_shared>>)
      tpu.yield
    }) : () -> ()
    %add3A_17 = arith.constant 192 : i32
    %add3A_18 = arith.addi %mul3A_10, %add3A_17 : i32
    "tpu.region"() ({
      %run_scoped3A = tpu.sem_alloc : memref<!tpu.dma_semaphore, #tpu.memory_space<semaphore_mem>>
      %dma_start3A_124 = arith.constant 0 : i32
      %dma_start3A_125 = tpu.memref_slice %arg9[%add3A_18, %dma_start3A_124] : memref<5248x128xf32, #tpu.memory_space<vmem_shared>> -> memref<64x128xf32, #tpu.memory_space<vmem_shared>>
      %dma_start3A_126 = arith.constant 0 : i32
      %dma_start3A_127 = tpu.memref_slice %arg9[%add3A_18, %dma_start3A_126] : memref<5248x128xf32, #tpu.memory_space<vmem_shared>> -> memref<64x128xf32, #tpu.memory_space<vmem_shared>>
      tpu.enqueue_dma source(%arg8 : memref<64x128xf32, #tpu.memory_space<vmem>>) target(%dma_start3A_127 : memref<64x128xf32, #tpu.memory_space<vmem_shared>>) target_semaphore(%run_scoped3A : memref<!tpu.dma_semaphore, #tpu.memory_space<semaphore_mem>>)
      %dma_wait3A_128 = arith.constant 0 : i32
      %dma_wait3A_129 = tpu.memref_slice %arg9[%add3A_18, %dma_wait3A_128] : memref<5248x128xf32, #tpu.memory_space<vmem_shared>> -> memref<64x128xf32, #tpu.memory_space<vmem_shared>>
      %dma_wait3A_130 = arith.constant 0 : i32
      %dma_wait3A_131 = tpu.memref_slice %arg9[%add3A_18, %dma_wait3A_130] : memref<5248x128xf32, #tpu.memory_space<vmem_shared>> -> memref<64x128xf32, #tpu.memory_space<vmem_shared>>
      tpu.wait_dma2 semaphore(%run_scoped3A : memref<!tpu.dma_semaphore, #tpu.memory_space<semaphore_mem>>) src(%arg8 : memref<64x128xf32, #tpu.memory_space<vmem>>) dst(%dma_wait3A_131 : memref<64x128xf32, #tpu.memory_space<vmem_shared>>)
      tpu.yield
    }) : () -> ()
    %add3A_19 = arith.constant 256 : i32
    %add3A_20 = arith.addi %mul3A_10, %add3A_19 : i32
    "tpu.region"() ({
      %run_scoped3A = tpu.sem_alloc : memref<!tpu.dma_semaphore, #tpu.memory_space<semaphore_mem>>
      %dma_start3A_124 = arith.constant 0 : i32
      %dma_start3A_125 = tpu.memref_slice %arg9[%add3A_20, %dma_start3A_124] : memref<5248x128xf32, #tpu.memory_space<vmem_shared>> -> memref<64x128xf32, #tpu.memory_space<vmem_shared>>
      %dma_start3A_126 = arith.constant 0 : i32
      %dma_start3A_127 = tpu.memref_slice %arg9[%add3A_20, %dma_start3A_126] : memref<5248x128xf32, #tpu.memory_space<vmem_shared>> -> memref<64x128xf32, #tpu.memory_space<vmem_shared>>
      tpu.enqueue_dma source(%arg8 : memref<64x128xf32, #tpu.memory_space<vmem>>) target(%dma_start3A_127 : memref<64x128xf32, #tpu.memory_space<vmem_shared>>) target_semaphore(%run_scoped3A : memref<!tpu.dma_semaphore, #tpu.memory_space<semaphore_mem>>)
      %dma_wait3A_128 = arith.constant 0 : i32
      %dma_wait3A_129 = tpu.memref_slice %arg9[%add3A_20, %dma_wait3A_128] : memref<5248x128xf32, #tpu.memory_space<vmem_shared>> -> memref<64x128xf32, #tpu.memory_space<vmem_shared>>
      %dma_wait3A_130 = arith.constant 0 : i32
      %dma_wait3A_131 = tpu.memref_slice %arg9[%add3A_20, %dma_wait3A_130] : memref<5248x128xf32, #tpu.memory_space<vmem_shared>> -> memref<64x128xf32, #tpu.memory_space<vmem_shared>>
      tpu.wait_dma2 semaphore(%run_scoped3A : memref<!tpu.dma_semaphore, #tpu.memory_space<semaphore_mem>>) src(%arg8 : memref<64x128xf32, #tpu.memory_space<vmem>>) dst(%dma_wait3A_131 : memref<64x128xf32, #tpu.memory_space<vmem_shared>>)
      tpu.yield
    }) : () -> ()
    %add3A_21 = arith.constant 320 : i32
    %add3A_22 = arith.addi %mul3A_10, %add3A_21 : i32
    "tpu.region"() ({
      %run_scoped3A = tpu.sem_alloc : memref<!tpu.dma_semaphore, #tpu.memory_space<semaphore_mem>>
      %dma_start3A_124 = arith.constant 0 : i32
      %dma_start3A_125 = arith.constant 0 : i32
      %dma_start3A_126 = tpu.memref_slice %arg8[%dma_start3A_124, %dma_start3A_125] : memref<64x128xf32, #tpu.memory_space<vmem>> -> memref<8x128xf32, #tpu.memory_space<vmem>>
      %dma_start3A_127 = arith.constant 0 : i32
      %dma_start3A_128 = tpu.memref_slice %arg9[%add3A_22, %dma_start3A_127] : memref<5248x128xf32, #tpu.memory_space<vmem_shared>> -> memref<8x128xf32, #tpu.memory_space<vmem_shared>>
      %dma_start3A_129 = arith.constant 0 : i32
      %dma_start3A_130 = tpu.memref_slice %arg9[%add3A_22, %dma_start3A_129] : memref<5248x128xf32, #tpu.memory_space<vmem_shared>> -> memref<8x128xf32, #tpu.memory_space<vmem_shared>>
      %dma_start3A_131 = arith.constant 0 : i32
      %dma_start3A_132 = arith.constant 0 : i32
      %dma_start3A_133 = tpu.memref_slice %arg8[%dma_start3A_131, %dma_start3A_132] : memref<64x128xf32, #tpu.memory_space<vmem>> -> memref<8x128xf32, #tpu.memory_space<vmem>>
      tpu.enqueue_dma source(%dma_start3A_133 : memref<8x128xf32, #tpu.memory_space<vmem>>) target(%dma_start3A_130 : memref<8x128xf32, #tpu.memory_space<vmem_shared>>) target_semaphore(%run_scoped3A : memref<!tpu.dma_semaphore, #tpu.memory_space<semaphore_mem>>)
      %dma_wait3A_134 = arith.constant 0 : i32
      %dma_wait3A_135 = arith.constant 0 : i32
      %dma_wait3A_136 = tpu.memref_slice %arg8[%dma_wait3A_134, %dma_wait3A_135] : memref<64x128xf32, #tpu.memory_space<vmem>> -> memref<8x128xf32, #tpu.memory_space<vmem>>
      %dma_wait3A_137 = arith.constant 0 : i32
      %dma_wait3A_138 = tpu.memref_slice %arg9[%add3A_22, %dma_wait3A_137] : memref<5248x128xf32, #tpu.memory_space<vmem_shared>> -> memref<8x128xf32, #tpu.memory_space<vmem_shared>>
      %dma_wait3A_139 = arith.constant 0 : i32
      %dma_wait3A_140 = tpu.memref_slice %arg9[%add3A_22, %dma_wait3A_139] : memref<5248x128xf32, #tpu.memory_space<vmem_shared>> -> memref<8x128xf32, #tpu.memory_space<vmem_shared>>
      %dma_wait3A_141 = arith.constant 0 : i32
      %dma_wait3A_142 = arith.constant 0 : i32
      %dma_wait3A_143 = tpu.memref_slice %arg8[%dma_wait3A_141, %dma_wait3A_142] : memref<64x128xf32, #tpu.memory_space<vmem>> -> memref<8x128xf32, #tpu.memory_space<vmem>>
      tpu.wait_dma2 semaphore(%run_scoped3A : memref<!tpu.dma_semaphore, #tpu.memory_space<semaphore_mem>>) src(%dma_wait3A_143 : memref<8x128xf32, #tpu.memory_space<vmem>>) dst(%dma_wait3A_140 : memref<8x128xf32, #tpu.memory_space<vmem_shared>>)
      tpu.yield
    }) : () -> ()
    %broadcast_in_dim3A_23 = arith.constant 1.000000e+00 : f32
    %broadcast_in_dim3A_24 = vector.broadcast %broadcast_in_dim3A_23 : f32 to vector<16xf32>
    %scan3A_25 = arith.constant 0 : i32
    %scan3A_26 = arith.constant 0 : i32
    %scan3A_27 = arith.constant 64 : i32
    %scan3A_28 = arith.addi %scan3A_26, %scan3A_27 : i32
    %scan3A_29 = arith.constant 1 : i32
    %scan3A_30 = scf.for %scan3A_124 = %scan3A_26 to %scan3A_28 step %scan3A_29 iter_args(%scan3A_125 = %scan3A_25) -> (i32)  : i32 {
      %swap3A_126 = arith.index_cast %scan3A_124 : i32 to index
      %swap3A_127 = arith.constant 0 : index
      %swap3A_128 = tpu.vector_load %arg8[%swap3A_126, %swap3A_127] {strides = array<i32>} : memref<64x128xf32, #tpu.memory_space<vmem>>, vector<1x16xf32>,
      %swap3A_129 = vector.shape_cast %swap3A_128 : vector<1x16xf32> to vector<16xf32>
      %swap3A_130 = vector.shape_cast %broadcast_in_dim3A_24 : vector<16xf32> to vector<1x16xf32>
      tpu.vector_store %arg8[%swap3A_126, %swap3A_127], %swap3A_130 {strides = array<i32>} : memref<64x128xf32, #tpu.memory_space<vmem>>, vector<1x16xf32>,
      %swap3A_131 = arith.index_cast %scan3A_124 : i32 to index
      %swap3A_132 = arith.constant 16 : index
      %swap3A_133 = tpu.vector_load %arg8[%swap3A_131, %swap3A_132] {strides = array<i32>} : memref<64x128xf32, #tpu.memory_space<vmem>>, vector<1x16xf32>,
      %swap3A_134 = vector.shape_cast %swap3A_133 : vector<1x16xf32> to vector<16xf32>
      %swap3A_135 = vector.shape_cast %broadcast_in_dim3A_24 : vector<16xf32> to vector<1x16xf32>
      tpu.vector_store %arg8[%swap3A_131, %swap3A_132], %swap3A_135 {strides = array<i32>} : memref<64x128xf32, #tpu.memory_space<vmem>>, vector<1x16xf32>,
      %swap3A_136 = arith.index_cast %scan3A_124 : i32 to index
      %swap3A_137 = arith.constant 32 : index
      %swap3A_138 = tpu.vector_load %arg8[%swap3A_136, %swap3A_137] {strides = array<i32>} : memref<64x128xf32, #tpu.memory_space<vmem>>, vector<1x16xf32>,
      %swap3A_139 = vector.shape_cast %swap3A_138 : vector<1x16xf32> to vector<16xf32>
      %swap3A_140 = vector.shape_cast %broadcast_in_dim3A_24 : vector<16xf32> to vector<1x16xf32>
      tpu.vector_store %arg8[%swap3A_136, %swap3A_137], %swap3A_140 {strides = array<i32>} : memref<64x128xf32, #tpu.memory_space<vmem>>, vector<1x16xf32>,
      %swap3A_141 = arith.index_cast %scan3A_124 : i32 to index
      %swap3A_142 = arith.constant 48 : index
      %swap3A_143 = tpu.vector_load %arg8[%swap3A_141, %swap3A_142] {strides = array<i32>} : memref<64x128xf32, #tpu.memory_space<vmem>>, vector<1x16xf32>,
      %swap3A_144 = vector.shape_cast %swap3A_143 : vector<1x16xf32> to vector<16xf32>
      %swap3A_145 = vector.shape_cast %broadcast_in_dim3A_24 : vector<16xf32> to vector<1x16xf32>
      tpu.vector_store %arg8[%swap3A_141, %swap3A_142], %swap3A_145 {strides = array<i32>} : memref<64x128xf32, #tpu.memory_space<vmem>>, vector<1x16xf32>,
      %swap3A_146 = arith.index_cast %scan3A_124 : i32 to index
      %swap3A_147 = arith.constant 64 : index
      %swap3A_148 = tpu.vector_load %arg8[%swap3A_146, %swap3A_147] {strides = array<i32>} : memref<64x128xf32, #tpu.memory_space<vmem>>, vector<1x16xf32>,
      %swap3A_149 = vector.shape_cast %swap3A_148 : vector<1x16xf32> to vector<16xf32>
      %swap3A_150 = vector.shape_cast %broadcast_in_dim3A_24 : vector<16xf32> to vector<1x16xf32>
      tpu.vector_store %arg8[%swap3A_146, %swap3A_147], %swap3A_150 {strides = array<i32>} : memref<64x128xf32, #tpu.memory_space<vmem>>, vector<1x16xf32>,
      %swap3A_151 = arith.index_cast %scan3A_124 : i32 to index
      %swap3A_152 = arith.constant 80 : index
      %swap3A_153 = tpu.vector_load %arg8[%swap3A_151, %swap3A_152] {strides = array<i32>} : memref<64x128xf32, #tpu.memory_space<vmem>>, vector<1x16xf32>,
      %swap3A_154 = vector.shape_cast %swap3A_153 : vector<1x16xf32> to vector<16xf32>
      %swap3A_155 = vector.shape_cast %broadcast_in_dim3A_24 : vector<16xf32> to vector<1x16xf32>
      tpu.vector_store %arg8[%swap3A_151, %swap3A_152], %swap3A_155 {strides = array<i32>} : memref<64x128xf32, #tpu.memory_space<vmem>>, vector<1x16xf32>,
      %swap3A_156 = arith.index_cast %scan3A_124 : i32 to index
      %swap3A_157 = arith.constant 96 : index
      %swap3A_158 = tpu.vector_load %arg8[%swap3A_156, %swap3A_157] {strides = array<i32>} : memref<64x128xf32, #tpu.memory_space<vmem>>, vector<1x16xf32>,
      %swap3A_159 = vector.shape_cast %swap3A_158 : vector<1x16xf32> to vector<16xf32>
      %swap3A_160 = vector.shape_cast %broadcast_in_dim3A_24 : vector<16xf32> to vector<1x16xf32>
      tpu.vector_store %arg8[%swap3A_156, %swap3A_157], %swap3A_160 {strides = array<i32>} : memref<64x128xf32, #tpu.memory_space<vmem>>, vector<1x16xf32>,
      %swap3A_161 = arith.index_cast %scan3A_124 : i32 to index
      %swap3A_162 = arith.constant 112 : index
      %swap3A_163 = tpu.vector_load %arg8[%swap3A_161, %swap3A_162] {strides = array<i32>} : memref<64x128xf32, #tpu.memory_space<vmem>>, vector<1x16xf32>,
      %swap3A_164 = vector.shape_cast %swap3A_163 : vector<1x16xf32> to vector<16xf32>
      %swap3A_165 = vector.shape_cast %broadcast_in_dim3A_24 : vector<16xf32> to vector<1x16xf32>
      tpu.vector_store %arg8[%swap3A_161, %swap3A_162], %swap3A_165 {strides = array<i32>} : memref<64x128xf32, #tpu.memory_space<vmem>>, vector<1x16xf32>,
      %scan3A_166 = arith.constant 0 : i32
      scf.yield %scan3A_166 : i32
    }
    %scan3A_31 = arith.constant 64 : i32
    %barrier3A = arith.constant 0 : index
    tpu.barrier barrier_id(%barrier3A)
    %mul3A_32 = arith.constant 314 : i32
    %mul3A_33 = arith.muli %arg1, %mul3A_32 : i32
    %mul3A_34 = arith.constant 64 : i32
    %mul3A_35 = arith.muli %mul3A_33, %mul3A_34 : i32
    %add3A_36 = arith.constant 0 : i32
    %add3A_37 = arith.addi %mul3A_35, %add3A_36 : i32
    %dma_start3A = tpu.memref_slice %arg2[%add3A_37] : memref<321536xi32, #tpu.memory_space<hbm>> -> memref<64xi32, #tpu.memory_space<hbm>>
    %dma_start3A_38 = tpu.memref_slice %arg2[%add3A_37] : memref<321536xi32, #tpu.memory_space<hbm>> -> memref<64xi32, #tpu.memory_space<hbm>>
    tpu.enqueue_dma source(%dma_start3A_38 : memref<64xi32, #tpu.memory_space<hbm>>) target(%arg4 : memref<64xi32, #tpu.memory_space<vmem>>) target_semaphore(%arg10 : memref<!tpu.dma_semaphore, #tpu.memory_space<semaphore_mem>>)
    %dma_wait3A = arith.constant 0 : i32
    %dma_wait3A_39 = tpu.memref_slice %arg2[%dma_wait3A] : memref<321536xi32, #tpu.memory_space<hbm>> -> memref<64xi32, #tpu.memory_space<hbm>>
    %dma_wait3A_40 = arith.constant 0 : i32
    %dma_wait3A_41 = tpu.memref_slice %arg2[%dma_wait3A_40] : memref<321536xi32, #tpu.memory_space<hbm>> -> memref<64xi32, #tpu.memory_space<hbm>>
    tpu.wait_dma2 semaphore(%arg10 : memref<!tpu.dma_semaphore, #tpu.memory_space<semaphore_mem>>) src(%dma_wait3A_41 : memref<64xi32, #tpu.memory_space<hbm>>) dst(%arg4 : memref<64xi32, #tpu.memory_space<vmem>>)
    %get3A = arith.constant 0 : index
    %get3A_42 = tpu.vector_load %arg4[%get3A] {strides = array<i32>} : memref<64xi32, #tpu.memory_space<vmem>>, vector<16xi32>,
    %get3A_43 = vector.shape_cast %get3A_42 : vector<16xi32> to vector<16xi32>
    %ge3A = vector.broadcast %mul3A_0 : i32 to vector<16xi32>
    %ge3A_44 = arith.cmpi sge, %get3A_43, %ge3A : vector<16xi32>
    %add3A_45 = arith.constant 5120 : i32
    %add3A_46 = arith.addi %mul3A_0, %add3A_45 : i32
    %lt3A = vector.broadcast %add3A_46 : i32 to vector<16xi32>
    %lt3A_47 = arith.cmpi slt, %get3A_43, %lt3A : vector<16xi32>
    %and3A = arith.andi %ge3A_44, %lt3A_47 : vector<16xi1>
    %sub3A = vector.broadcast %mul3A_0 : i32 to vector<16xi32>
    %sub3A_48 = arith.subi %get3A_43, %sub3A : vector<16xi32>
    %broadcast_in_dim3A_49 = vector.broadcast %add3A_1 : i32 to vector<16xi32>
    %select_n3A = arith.select %and3A, %sub3A_48, %broadcast_in_dim3A_49 : vector<16xi1>, vector<16xi32>
    %swap3A = arith.constant 0 : index
    %swap3A_50 = tpu.vector_load %arg6[%swap3A] {strides = array<i32>} : memref<64xi32, #tpu.memory_space<vmem>>, vector<16xi32>,
    %swap3A_51 = vector.shape_cast %swap3A_50 : vector<16xi32> to vector<16xi32>
    %swap3A_52 = vector.shape_cast %select_n3A : vector<16xi32> to vector<16xi32>
    tpu.vector_store %arg6[%swap3A], %swap3A_52 {strides = array<i32>} : memref<64xi32, #tpu.memory_space<vmem>>, vector<16xi32>,
    %get3A_53 = arith.constant 16 : index
    %get3A_54 = tpu.vector_load %arg4[%get3A_53] {strides = array<i32>} : memref<64xi32, #tpu.memory_space<vmem>>, vector<16xi32>,
    %get3A_55 = vector.shape_cast %get3A_54 : vector<16xi32> to vector<16xi32>
    %ge3A_56 = vector.broadcast %mul3A_0 : i32 to vector<16xi32>
    %ge3A_57 = arith.cmpi sge, %get3A_55, %ge3A_56 : vector<16xi32>
    %add3A_58 = arith.constant 5120 : i32
    %add3A_59 = arith.addi %mul3A_0, %add3A_58 : i32
    %lt3A_60 = vector.broadcast %add3A_59 : i32 to vector<16xi32>
    %lt3A_61 = arith.cmpi slt, %get3A_55, %lt3A_60 : vector<16xi32>
    %and3A_62 = arith.andi %ge3A_57, %lt3A_61 : vector<16xi1>
    %sub3A_63 = vector.broadcast %mul3A_0 : i32 to vector<16xi32>
    %sub3A_64 = arith.subi %get3A_55, %sub3A_63 : vector<16xi32>
    %broadcast_in_dim3A_65 = vector.broadcast %add3A_1 : i32 to vector<16xi32>
    %select_n3A_66 = arith.select %and3A_62, %sub3A_64, %broadcast_in_dim3A_65 : vector<16xi1>, vector<16xi32>
    %swap3A_67 = arith.constant 16 : index
    %swap3A_68 = tpu.vector_load %arg6[%swap3A_67] {strides = array<i32>} : memref<64xi32, #tpu.memory_space<vmem>>, vector<16xi32>,
    %swap3A_69 = vector.shape_cast %swap3A_68 : vector<16xi32> to vector<16xi32>
    %swap3A_70 = vector.shape_cast %select_n3A_66 : vector<16xi32> to vector<16xi32>
    tpu.vector_store %arg6[%swap3A_67], %swap3A_70 {strides = array<i32>} : memref<64xi32, #tpu.memory_space<vmem>>, vector<16xi32>,
    %get3A_71 = arith.constant 32 : index
    %get3A_72 = tpu.vector_load %arg4[%get3A_71] {strides = array<i32>} : memref<64xi32, #tpu.memory_space<vmem>>, vector<16xi32>,
    %get3A_73 = vector.shape_cast %get3A_72 : vector<16xi32> to vector<16xi32>
    %ge3A_74 = vector.broadcast %mul3A_0 : i32 to vector<16xi32>
    %ge3A_75 = arith.cmpi sge, %get3A_73, %ge3A_74 : vector<16xi32>
    %add3A_76 = arith.constant 5120 : i32
    %add3A_77 = arith.addi %mul3A_0, %add3A_76 : i32
    %lt3A_78 = vector.broadcast %add3A_77 : i32 to vector<16xi32>
    %lt3A_79 = arith.cmpi slt, %get3A_73, %lt3A_78 : vector<16xi32>
    %and3A_80 = arith.andi %ge3A_75, %lt3A_79 : vector<16xi1>
    %sub3A_81 = vector.broadcast %mul3A_0 : i32 to vector<16xi32>
    %sub3A_82 = arith.subi %get3A_73, %sub3A_81 : vector<16xi32>
    %broadcast_in_dim3A_83 = vector.broadcast %add3A_1 : i32 to vector<16xi32>
    %select_n3A_84 = arith.select %and3A_80, %sub3A_82, %broadcast_in_dim3A_83 : vector<16xi1>, vector<16xi32>
    %swap3A_85 = arith.constant 32 : index
    %swap3A_86 = tpu.vector_load %arg6[%swap3A_85] {strides = array<i32>} : memref<64xi32, #tpu.memory_space<vmem>>, vector<16xi32>,
    %swap3A_87 = vector.shape_cast %swap3A_86 : vector<16xi32> to vector<16xi32>
    %swap3A_88 = vector.shape_cast %select_n3A_84 : vector<16xi32> to vector<16xi32>
    tpu.vector_store %arg6[%swap3A_85], %swap3A_88 {strides = array<i32>} : memref<64xi32, #tpu.memory_space<vmem>>, vector<16xi32>,
    %get3A_89 = arith.constant 48 : index
    %get3A_90 = tpu.vector_load %arg4[%get3A_89] {strides = array<i32>} : memref<64xi32, #tpu.memory_space<vmem>>, vector<16xi32>,
    %get3A_91 = vector.shape_cast %get3A_90 : vector<16xi32> to vector<16xi32>
    %ge3A_92 = vector.broadcast %mul3A_0 : i32 to vector<16xi32>
    %ge3A_93 = arith.cmpi sge, %get3A_91, %ge3A_92 : vector<16xi32>
    %add3A_94 = arith.constant 5120 : i32
    %add3A_95 = arith.addi %mul3A_0, %add3A_94 : i32
    %lt3A_96 = vector.broadcast %add3A_95 : i32 to vector<16xi32>
    %lt3A_97 = arith.cmpi slt, %get3A_91, %lt3A_96 : vector<16xi32>
    %and3A_98 = arith.andi %ge3A_93, %lt3A_97 : vector<16xi1>
    %sub3A_99 = vector.broadcast %mul3A_0 : i32 to vector<16xi32>
    %sub3A_100 = arith.subi %get3A_91, %sub3A_99 : vector<16xi32>
    %broadcast_in_dim3A_101 = vector.broadcast %add3A_1 : i32 to vector<16xi32>
    %select_n3A_102 = arith.select %and3A_98, %sub3A_100, %broadcast_in_dim3A_101 : vector<16xi1>, vector<16xi32>
    %swap3A_103 = arith.constant 48 : index
    %swap3A_104 = tpu.vector_load %arg6[%swap3A_103] {strides = array<i32>} : memref<64xi32, #tpu.memory_space<vmem>>, vector<16xi32>,
    %swap3A_105 = vector.shape_cast %swap3A_104 : vector<16xi32> to vector<16xi32>
    %swap3A_106 = vector.shape_cast %select_n3A_102 : vector<16xi32> to vector<16xi32>
    tpu.vector_store %arg6[%swap3A_103], %swap3A_106 {strides = array<i32>} : memref<64xi32, #tpu.memory_space<vmem>>, vector<16xi32>,
    %scan3A_107 = arith.constant 0 : i32
    %scan3A_108 = arith.constant 0 : i32
    %scan3A_109 = arith.constant 157 : i32
    %scan3A_110 = arith.addi %scan3A_108, %scan3A_109 : i32
    %scan3A_111 = arith.constant 1 : i32
    %scan3A_112 = scf.for %scan3A_124 = %scan3A_108 to %scan3A_110 step %scan3A_111 iter_args(%scan3A_125 = %scan3A_107) -> (i32)  : i32 {
      %mul3A_126 = arith.constant 2 : i32
      %mul3A_127 = arith.muli %mul3A_126, %scan3A_124 : i32
      %dma_start3A_128 = arith.constant 0 : i32
      %dma_start3A_129 = arith.constant 0 : i32
      %dma_start3A_130 = tpu.memref_slice %arg9[%dma_start3A_128, %dma_start3A_129] : memref<5248x128xf32, #tpu.memory_space<vmem_shared>> -> memref<5248x128xf32, #tpu.memory_space<vmem_shared>>
      tpu.enqueue_indirect_dma source(%arg8 : memref<64x128xf32, #tpu.memory_space<vmem>>) target(%dma_start3A_130 : memref<5248x128xf32, #tpu.memory_space<vmem_shared>>) offsets(%arg6 : memref<64xi32, #tpu.memory_space<vmem>>) semaphore(%arg11 : memref<!tpu.dma_semaphore, #tpu.memory_space<semaphore_mem>>) {add = true}
      %gt3A = arith.constant 0 : i32
      %gt3A_131 = arith.cmpi sgt, %scan3A_124, %gt3A : i32
      %convert_element_type3A = arith.extui %gt3A_131 : i1 to i32
      %cond3A = arith.constant 0 : i32
      %cond3A_132 = arith.cmpi ne, %convert_element_type3A, %cond3A : i32
      scf.if %cond3A_132 {
        %dma_wait3A_231 = arith.constant 0 : i32
        %dma_wait3A_232 = arith.constant 0 : i32
        %dma_wait3A_233 = tpu.memref_slice %arg3[%dma_wait3A_231, %dma_wait3A_232] : memref<10240x128xf32, #tpu.memory_space<hbm>> -> memref<64x128xf32, #tpu.memory_space<hbm>>
        %dma_wait3A_234 = arith.constant 0 : i32
        %dma_wait3A_235 = arith.constant 0 : i32
        %dma_wait3A_236 = tpu.memref_slice %arg3[%dma_wait3A_234, %dma_wait3A_235] : memref<10240x128xf32, #tpu.memory_space<hbm>> -> memref<64x128xf32, #tpu.memory_space<hbm>>
        tpu.wait_dma2 semaphore(%arg12 : memref<!tpu.dma_semaphore, #tpu.memory_space<semaphore_mem>>) src(%dma_wait3A_236 : memref<64x128xf32, #tpu.memory_space<hbm>>) dst(%arg8 : memref<64x128xf32, #tpu.memory_space<vmem>>)
      } else {
      }
      %add3A_133 = arith.constant 1 : i32
      %add3A_134 = arith.addi %mul3A_127, %add3A_133 : i32
      %mul3A_135 = arith.constant 64 : i32
      %mul3A_136 = arith.muli %add3A_134, %mul3A_135 : i32
      %add3A_137 = arith.addi %mul3A_35, %mul3A_136 : i32
      %dma_start3A_138 = tpu.memref_slice %arg2[%add3A_137] : memref<321536xi32, #tpu.memory_space<hbm>> -> memref<64xi32, #tpu.memory_space<hbm>>
      %dma_start3A_139 = tpu.memref_slice %arg2[%add3A_137] : memref<321536xi32, #tpu.memory_space<hbm>> -> memref<64xi32, #tpu.memory_space<hbm>>
      tpu.enqueue_dma source(%dma_start3A_139 : memref<64xi32, #tpu.memory_space<hbm>>) target(%arg5 : memref<64xi32, #tpu.memory_space<vmem>>) target_semaphore(%arg10 : memref<!tpu.dma_semaphore, #tpu.memory_space<semaphore_mem>>)
      %dma_wait3A_140 = arith.constant 0 : i32
      %dma_wait3A_141 = tpu.memref_slice %arg2[%dma_wait3A_140] : memref<321536xi32, #tpu.memory_space<hbm>> -> memref<64xi32, #tpu.memory_space<hbm>>
      %dma_wait3A_142 = arith.constant 0 : i32
      %dma_wait3A_143 = tpu.memref_slice %arg2[%dma_wait3A_142] : memref<321536xi32, #tpu.memory_space<hbm>> -> memref<64xi32, #tpu.memory_space<hbm>>
      tpu.wait_dma2 semaphore(%arg10 : memref<!tpu.dma_semaphore, #tpu.memory_space<semaphore_mem>>) src(%dma_wait3A_143 : memref<64xi32, #tpu.memory_space<hbm>>) dst(%arg5 : memref<64xi32, #tpu.memory_space<vmem>>)
      %get3A_144 = arith.constant 0 : index
      %get3A_145 = tpu.vector_load %arg5[%get3A_144] {strides = array<i32>} : memref<64xi32, #tpu.memory_space<vmem>>, vector<16xi32>,
      %get3A_146 = vector.shape_cast %get3A_145 : vector<16xi32> to vector<16xi32>
      %ge3A_147 = vector.broadcast %mul3A_0 : i32 to vector<16xi32>
      %ge3A_148 = arith.cmpi sge, %get3A_146, %ge3A_147 : vector<16xi32>
      %add3A_149 = arith.constant 5120 : i32
      %add3A_150 = arith.addi %mul3A_0, %add3A_149 : i32
      %lt3A_151 = vector.broadcast %add3A_150 : i32 to vector<16xi32>
      %lt3A_152 = arith.cmpi slt, %get3A_146, %lt3A_151 : vector<16xi32>
      %and3A_153 = arith.andi %ge3A_148, %lt3A_152 : vector<16xi1>
      %sub3A_154 = vector.broadcast %mul3A_0 : i32 to vector<16xi32>
      %sub3A_155 = arith.subi %get3A_146, %sub3A_154 : vector<16xi32>
      %broadcast_in_dim3A_156 = vector.broadcast %add3A_1 : i32 to vector<16xi32>
      %select_n3A_157 = arith.select %and3A_153, %sub3A_155, %broadcast_in_dim3A_156 : vector<16xi1>, vector<16xi32>
      %swap3A_158 = arith.constant 0 : index
      %swap3A_159 = tpu.vector_load %arg7[%swap3A_158] {strides = array<i32>} : memref<64xi32, #tpu.memory_space<vmem>>, vector<16xi32>,
      %swap3A_160 = vector.shape_cast %swap3A_159 : vector<16xi32> to vector<16xi32>
      %swap3A_161 = vector.shape_cast %select_n3A_157 : vector<16xi32> to vector<16xi32>
      tpu.vector_store %arg7[%swap3A_158], %swap3A_161 {strides = array<i32>} : memref<64xi32, #tpu.memory_space<vmem>>, vector<16xi32>,
      %get3A_162 = arith.constant 16 : index
      %get3A_163 = tpu.vector_load %arg5[%get3A_162] {strides = array<i32>} : memref<64xi32, #tpu.memory_space<vmem>>, vector<16xi32>,
      %get3A_164 = vector.shape_cast %get3A_163 : vector<16xi32> to vector<16xi32>
      %ge3A_165 = vector.broadcast %mul3A_0 : i32 to vector<16xi32>
      %ge3A_166 = arith.cmpi sge, %get3A_164, %ge3A_165 : vector<16xi32>
      %add3A_167 = arith.constant 5120 : i32
      %add3A_168 = arith.addi %mul3A_0, %add3A_167 : i32
      %lt3A_169 = vector.broadcast %add3A_168 : i32 to vector<16xi32>
      %lt3A_170 = arith.cmpi slt, %get3A_164, %lt3A_169 : vector<16xi32>
      %and3A_171 = arith.andi %ge3A_166, %lt3A_170 : vector<16xi1>
      %sub3A_172 = vector.broadcast %mul3A_0 : i32 to vector<16xi32>
      %sub3A_173 = arith.subi %get3A_164, %sub3A_172 : vector<16xi32>
      %broadcast_in_dim3A_174 = vector.broadcast %add3A_1 : i32 to vector<16xi32>
      %select_n3A_175 = arith.select %and3A_171, %sub3A_173, %broadcast_in_dim3A_174 : vector<16xi1>, vector<16xi32>
      %swap3A_176 = arith.constant 16 : index
      %swap3A_177 = tpu.vector_load %arg7[%swap3A_176] {strides = array<i32>} : memref<64xi32, #tpu.memory_space<vmem>>, vector<16xi32>,
      %swap3A_178 = vector.shape_cast %swap3A_177 : vector<16xi32> to vector<16xi32>
      %swap3A_179 = vector.shape_cast %select_n3A_175 : vector<16xi32> to vector<16xi32>
      tpu.vector_store %arg7[%swap3A_176], %swap3A_179 {strides = array<i32>} : memref<64xi32, #tpu.memory_space<vmem>>, vector<16xi32>,
      %get3A_180 = arith.constant 32 : index
      %get3A_181 = tpu.vector_load %arg5[%get3A_180] {strides = array<i32>} : memref<64xi32, #tpu.memory_space<vmem>>, vector<16xi32>,
      %get3A_182 = vector.shape_cast %get3A_181 : vector<16xi32> to vector<16xi32>
      %ge3A_183 = vector.broadcast %mul3A_0 : i32 to vector<16xi32>
      %ge3A_184 = arith.cmpi sge, %get3A_182, %ge3A_183 : vector<16xi32>
      %add3A_185 = arith.constant 5120 : i32
      %add3A_186 = arith.addi %mul3A_0, %add3A_185 : i32
      %lt3A_187 = vector.broadcast %add3A_186 : i32 to vector<16xi32>
      %lt3A_188 = arith.cmpi slt, %get3A_182, %lt3A_187 : vector<16xi32>
      %and3A_189 = arith.andi %ge3A_184, %lt3A_188 : vector<16xi1>
      %sub3A_190 = vector.broadcast %mul3A_0 : i32 to vector<16xi32>
      %sub3A_191 = arith.subi %get3A_182, %sub3A_190 : vector<16xi32>
      %broadcast_in_dim3A_192 = vector.broadcast %add3A_1 : i32 to vector<16xi32>
      %select_n3A_193 = arith.select %and3A_189, %sub3A_191, %broadcast_in_dim3A_192 : vector<16xi1>, vector<16xi32>
      %swap3A_194 = arith.constant 32 : index
      %swap3A_195 = tpu.vector_load %arg7[%swap3A_194] {strides = array<i32>} : memref<64xi32, #tpu.memory_space<vmem>>, vector<16xi32>,
      %swap3A_196 = vector.shape_cast %swap3A_195 : vector<16xi32> to vector<16xi32>
      %swap3A_197 = vector.shape_cast %select_n3A_193 : vector<16xi32> to vector<16xi32>
      tpu.vector_store %arg7[%swap3A_194], %swap3A_197 {strides = array<i32>} : memref<64xi32, #tpu.memory_space<vmem>>, vector<16xi32>,
      %get3A_198 = arith.constant 48 : index
      %get3A_199 = tpu.vector_load %arg5[%get3A_198] {strides = array<i32>} : memref<64xi32, #tpu.memory_space<vmem>>, vector<16xi32>,
      %get3A_200 = vector.shape_cast %get3A_199 : vector<16xi32> to vector<16xi32>
      %ge3A_201 = vector.broadcast %mul3A_0 : i32 to vector<16xi32>
      %ge3A_202 = arith.cmpi sge, %get3A_200, %ge3A_201 : vector<16xi32>
      %add3A_203 = arith.constant 5120 : i32
      %add3A_204 = arith.addi %mul3A_0, %add3A_203 : i32
      %lt3A_205 = vector.broadcast %add3A_204 : i32 to vector<16xi32>
      %lt3A_206 = arith.cmpi slt, %get3A_200, %lt3A_205 : vector<16xi32>
      %and3A_207 = arith.andi %ge3A_202, %lt3A_206 : vector<16xi1>
      %sub3A_208 = vector.broadcast %mul3A_0 : i32 to vector<16xi32>
      %sub3A_209 = arith.subi %get3A_200, %sub3A_208 : vector<16xi32>
      %broadcast_in_dim3A_210 = vector.broadcast %add3A_1 : i32 to vector<16xi32>
      %select_n3A_211 = arith.select %and3A_207, %sub3A_209, %broadcast_in_dim3A_210 : vector<16xi1>, vector<16xi32>
      %swap3A_212 = arith.constant 48 : index
      %swap3A_213 = tpu.vector_load %arg7[%swap3A_212] {strides = array<i32>} : memref<64xi32, #tpu.memory_space<vmem>>, vector<16xi32>,
      %swap3A_214 = vector.shape_cast %swap3A_213 : vector<16xi32> to vector<16xi32>
      %swap3A_215 = vector.shape_cast %select_n3A_211 : vector<16xi32> to vector<16xi32>
      tpu.vector_store %arg7[%swap3A_212], %swap3A_215 {strides = array<i32>} : memref<64xi32, #tpu.memory_space<vmem>>, vector<16xi32>,
      %dma_start3A_216 = arith.constant 0 : i32
      %dma_start3A_217 = arith.constant 0 : i32
      %dma_start3A_218 = tpu.memref_slice %arg9[%dma_start3A_216, %dma_start3A_217] : memref<5248x128xf32, #tpu.memory_space<vmem_shared>> -> memref<5248x128xf32, #tpu.memory_space<vmem_shared>>
      tpu.enqueue_indirect_dma source(%arg8 : memref<64x128xf32, #tpu.memory_space<vmem>>) target(%dma_start3A_218 : memref<5248x128xf32, #tpu.memory_space<vmem_shared>>) offsets(%arg7 : memref<64xi32, #tpu.memory_space<vmem>>) semaphore(%arg12 : memref<!tpu.dma_semaphore, #tpu.memory_space<semaphore_mem>>) {add = true}
      %dma_wait3A_219 = arith.constant 0 : i32
      %dma_wait3A_220 = arith.constant 0 : i32
      %dma_wait3A_221 = tpu.memref_slice %arg3[%dma_wait3A_219, %dma_wait3A_220] : memref<10240x128xf32, #tpu.memory_space<hbm>> -> memref<64x128xf32, #tpu.memory_space<hbm>>
      %dma_wait3A_222 = arith.constant 0 : i32
      %dma_wait3A_223 = arith.constant 0 : i32
      %dma_wait3A_224 = tpu.memref_slice %arg3[%dma_wait3A_222, %dma_wait3A_223] : memref<10240x128xf32, #tpu.memory_space<hbm>> -> memref<64x128xf32, #tpu.memory_space<hbm>>
      tpu.wait_dma2 semaphore(%arg11 : memref<!tpu.dma_semaphore, #tpu.memory_space<semaphore_mem>>) src(%dma_wait3A_224 : memref<64x128xf32, #tpu.memory_space<hbm>>) dst(%arg8 : memref<64x128xf32, #tpu.memory_space<vmem>>)
      %lt3A_225 = arith.constant 156 : i32
      %lt3A_226 = arith.cmpi slt, %scan3A_124, %lt3A_225 : i32
      %convert_element_type3A_227 = arith.extui %lt3A_226 : i1 to i32
      %cond3A_228 = arith.constant 0 : i32
      %cond3A_229 = arith.cmpi ne, %convert_element_type3A_227, %cond3A_228 : i32
      scf.if %cond3A_229 {
        %add3A_231 = arith.constant 2 : i32
        %add3A_232 = arith.addi %mul3A_127, %add3A_231 : i32
        %mul3A_233 = arith.constant 64 : i32
        %mul3A_234 = arith.muli %add3A_232, %mul3A_233 : i32
        %add3A_235 = arith.addi %mul3A_35, %mul3A_234 : i32
        %dma_start3A_236 = tpu.memref_slice %arg2[%add3A_235] : memref<321536xi32, #tpu.memory_space<hbm>> -> memref<64xi32, #tpu.memory_space<hbm>>
        %dma_start3A_237 = tpu.memref_slice %arg2[%add3A_235] : memref<321536xi32, #tpu.memory_space<hbm>> -> memref<64xi32, #tpu.memory_space<hbm>>
        tpu.enqueue_dma source(%dma_start3A_237 : memref<64xi32, #tpu.memory_space<hbm>>) target(%arg4 : memref<64xi32, #tpu.memory_space<vmem>>) target_semaphore(%arg10 : memref<!tpu.dma_semaphore, #tpu.memory_space<semaphore_mem>>)
        %dma_wait3A_238 = arith.constant 0 : i32
        %dma_wait3A_239 = tpu.memref_slice %arg2[%dma_wait3A_238] : memref<321536xi32, #tpu.memory_space<hbm>> -> memref<64xi32, #tpu.memory_space<hbm>>
        %dma_wait3A_240 = arith.constant 0 : i32
        %dma_wait3A_241 = tpu.memref_slice %arg2[%dma_wait3A_240] : memref<321536xi32, #tpu.memory_space<hbm>> -> memref<64xi32, #tpu.memory_space<hbm>>
        tpu.wait_dma2 semaphore(%arg10 : memref<!tpu.dma_semaphore, #tpu.memory_space<semaphore_mem>>) src(%dma_wait3A_241 : memref<64xi32, #tpu.memory_space<hbm>>) dst(%arg4 : memref<64xi32, #tpu.memory_space<vmem>>)
        %get3A_242 = arith.constant 0 : index
        %get3A_243 = tpu.vector_load %arg4[%get3A_242] {strides = array<i32>} : memref<64xi32, #tpu.memory_space<vmem>>, vector<16xi32>,
        %get3A_244 = vector.shape_cast %get3A_243 : vector<16xi32> to vector<16xi32>
        %ge3A_245 = vector.broadcast %mul3A_0 : i32 to vector<16xi32>
        %ge3A_246 = arith.cmpi sge, %get3A_244, %ge3A_245 : vector<16xi32>
        %add3A_247 = arith.constant 5120 : i32
        %add3A_248 = arith.addi %mul3A_0, %add3A_247 : i32
        %lt3A_249 = vector.broadcast %add3A_248 : i32 to vector<16xi32>
        %lt3A_250 = arith.cmpi slt, %get3A_244, %lt3A_249 : vector<16xi32>
        %and3A_251 = arith.andi %ge3A_246, %lt3A_250 : vector<16xi1>
        %sub3A_252 = vector.broadcast %mul3A_0 : i32 to vector<16xi32>
        %sub3A_253 = arith.subi %get3A_244, %sub3A_252 : vector<16xi32>
        %broadcast_in_dim3A_254 = vector.broadcast %add3A_1 : i32 to vector<16xi32>
        %select_n3A_255 = arith.select %and3A_251, %sub3A_253, %broadcast_in_dim3A_254 : vector<16xi1>, vector<16xi32>
        %swap3A_256 = arith.constant 0 : index
        %swap3A_257 = tpu.vector_load %arg6[%swap3A_256] {strides = array<i32>} : memref<64xi32, #tpu.memory_space<vmem>>, vector<16xi32>,
        %swap3A_258 = vector.shape_cast %swap3A_257 : vector<16xi32> to vector<16xi32>
        %swap3A_259 = vector.shape_cast %select_n3A_255 : vector<16xi32> to vector<16xi32>
        tpu.vector_store %arg6[%swap3A_256], %swap3A_259 {strides = array<i32>} : memref<64xi32, #tpu.memory_space<vmem>>, vector<16xi32>,
        %get3A_260 = arith.constant 16 : index
        %get3A_261 = tpu.vector_load %arg4[%get3A_260] {strides = array<i32>} : memref<64xi32, #tpu.memory_space<vmem>>, vector<16xi32>,
        %get3A_262 = vector.shape_cast %get3A_261 : vector<16xi32> to vector<16xi32>
        %ge3A_263 = vector.broadcast %mul3A_0 : i32 to vector<16xi32>
        %ge3A_264 = arith.cmpi sge, %get3A_262, %ge3A_263 : vector<16xi32>
        %add3A_265 = arith.constant 5120 : i32
        %add3A_266 = arith.addi %mul3A_0, %add3A_265 : i32
        %lt3A_267 = vector.broadcast %add3A_266 : i32 to vector<16xi32>
        %lt3A_268 = arith.cmpi slt, %get3A_262, %lt3A_267 : vector<16xi32>
        %and3A_269 = arith.andi %ge3A_264, %lt3A_268 : vector<16xi1>
        %sub3A_270 = vector.broadcast %mul3A_0 : i32 to vector<16xi32>
        %sub3A_271 = arith.subi %get3A_262, %sub3A_270 : vector<16xi32>
        %broadcast_in_dim3A_272 = vector.broadcast %add3A_1 : i32 to vector<16xi32>
        %select_n3A_273 = arith.select %and3A_269, %sub3A_271, %broadcast_in_dim3A_272 : vector<16xi1>, vector<16xi32>
        %swap3A_274 = arith.constant 16 : index
        %swap3A_275 = tpu.vector_load %arg6[%swap3A_274] {strides = array<i32>} : memref<64xi32, #tpu.memory_space<vmem>>, vector<16xi32>,
        %swap3A_276 = vector.shape_cast %swap3A_275 : vector<16xi32> to vector<16xi32>
        %swap3A_277 = vector.shape_cast %select_n3A_273 : vector<16xi32> to vector<16xi32>
        tpu.vector_store %arg6[%swap3A_274], %swap3A_277 {strides = array<i32>} : memref<64xi32, #tpu.memory_space<vmem>>, vector<16xi32>,
        %get3A_278 = arith.constant 32 : index
        %get3A_279 = tpu.vector_load %arg4[%get3A_278] {strides = array<i32>} : memref<64xi32, #tpu.memory_space<vmem>>, vector<16xi32>,
        %get3A_280 = vector.shape_cast %get3A_279 : vector<16xi32> to vector<16xi32>
        %ge3A_281 = vector.broadcast %mul3A_0 : i32 to vector<16xi32>
        %ge3A_282 = arith.cmpi sge, %get3A_280, %ge3A_281 : vector<16xi32>
        %add3A_283 = arith.constant 5120 : i32
        %add3A_284 = arith.addi %mul3A_0, %add3A_283 : i32
        %lt3A_285 = vector.broadcast %add3A_284 : i32 to vector<16xi32>
        %lt3A_286 = arith.cmpi slt, %get3A_280, %lt3A_285 : vector<16xi32>
        %and3A_287 = arith.andi %ge3A_282, %lt3A_286 : vector<16xi1>
        %sub3A_288 = vector.broadcast %mul3A_0 : i32 to vector<16xi32>
        %sub3A_289 = arith.subi %get3A_280, %sub3A_288 : vector<16xi32>
        %broadcast_in_dim3A_290 = vector.broadcast %add3A_1 : i32 to vector<16xi32>
        %select_n3A_291 = arith.select %and3A_287, %sub3A_289, %broadcast_in_dim3A_290 : vector<16xi1>, vector<16xi32>
        %swap3A_292 = arith.constant 32 : index
        %swap3A_293 = tpu.vector_load %arg6[%swap3A_292] {strides = array<i32>} : memref<64xi32, #tpu.memory_space<vmem>>, vector<16xi32>,
        %swap3A_294 = vector.shape_cast %swap3A_293 : vector<16xi32> to vector<16xi32>
        %swap3A_295 = vector.shape_cast %select_n3A_291 : vector<16xi32> to vector<16xi32>
        tpu.vector_store %arg6[%swap3A_292], %swap3A_295 {strides = array<i32>} : memref<64xi32, #tpu.memory_space<vmem>>, vector<16xi32>,
        %get3A_296 = arith.constant 48 : index
        %get3A_297 = tpu.vector_load %arg4[%get3A_296] {strides = array<i32>} : memref<64xi32, #tpu.memory_space<vmem>>, vector<16xi32>,
        %get3A_298 = vector.shape_cast %get3A_297 : vector<16xi32> to vector<16xi32>
        %ge3A_299 = vector.broadcast %mul3A_0 : i32 to vector<16xi32>
        %ge3A_300 = arith.cmpi sge, %get3A_298, %ge3A_299 : vector<16xi32>
        %add3A_301 = arith.constant 5120 : i32
        %add3A_302 = arith.addi %mul3A_0, %add3A_301 : i32
        %lt3A_303 = vector.broadcast %add3A_302 : i32 to vector<16xi32>
        %lt3A_304 = arith.cmpi slt, %get3A_298, %lt3A_303 : vector<16xi32>
        %and3A_305 = arith.andi %ge3A_300, %lt3A_304 : vector<16xi1>
        %sub3A_306 = vector.broadcast %mul3A_0 : i32 to vector<16xi32>
        %sub3A_307 = arith.subi %get3A_298, %sub3A_306 : vector<16xi32>
        %broadcast_in_dim3A_308 = vector.broadcast %add3A_1 : i32 to vector<16xi32>
        %select_n3A_309 = arith.select %and3A_305, %sub3A_307, %broadcast_in_dim3A_308 : vector<16xi1>, vector<16xi32>
        %swap3A_310 = arith.constant 48 : index
        %swap3A_311 = tpu.vector_load %arg6[%swap3A_310] {strides = array<i32>} : memref<64xi32, #tpu.memory_space<vmem>>, vector<16xi32>,
        %swap3A_312 = vector.shape_cast %swap3A_311 : vector<16xi32> to vector<16xi32>
        %swap3A_313 = vector.shape_cast %select_n3A_309 : vector<16xi32> to vector<16xi32>
        tpu.vector_store %arg6[%swap3A_310], %swap3A_313 {strides = array<i32>} : memref<64xi32, #tpu.memory_space<vmem>>, vector<16xi32>,
      } else {
      }
      %scan3A_230 = arith.constant 0 : i32
      scf.yield %scan3A_230 : i32
    }
    %scan3A_113 = arith.constant 157 : i32
    %dma_wait3A_114 = arith.constant 0 : i32
    %dma_wait3A_115 = arith.constant 0 : i32
    %dma_wait3A_116 = tpu.memref_slice %arg3[%dma_wait3A_114, %dma_wait3A_115] : memref<10240x128xf32, #tpu.memory_space<hbm>> -> memref<64x128xf32, #tpu.memory_space<hbm>>
    %dma_wait3A_117 = arith.constant 0 : i32
    %dma_wait3A_118 = arith.constant 0 : i32
    %dma_wait3A_119 = tpu.memref_slice %arg3[%dma_wait3A_117, %dma_wait3A_118] : memref<10240x128xf32, #tpu.memory_space<hbm>> -> memref<64x128xf32, #tpu.memory_space<hbm>>
    tpu.wait_dma2 semaphore(%arg12 : memref<!tpu.dma_semaphore, #tpu.memory_space<semaphore_mem>>) src(%dma_wait3A_119 : memref<64x128xf32, #tpu.memory_space<hbm>>) dst(%arg8 : memref<64x128xf32, #tpu.memory_space<vmem>>)
    %barrier3A_120 = arith.constant 0 : index
    tpu.barrier barrier_id(%barrier3A_120)
    %mul3A_121 = arith.constant 320 : i32
    %mul3A_122 = arith.muli %arg1, %mul3A_121 : i32
    %add3A_123 = arith.addi %mul3A_0, %mul3A_122 : i32
    "tpu.region"() ({
      %run_scoped3A = tpu.sem_alloc : memref<!tpu.dma_semaphore, #tpu.memory_space<semaphore_mem>>
      %dma_start3A_124 = arith.constant 0 : i32
      %dma_start3A_125 = tpu.memref_slice %arg3[%add3A_123, %dma_start3A_124] : memref<10240x128xf32, #tpu.memory_space<hbm>> -> memref<320x128xf32, #tpu.memory_space<hbm>>
      %dma_start3A_126 = arith.constant 0 : i32
      %dma_start3A_127 = tpu.memref_slice %arg9[%mul3A_122, %dma_start3A_126] : memref<5248x128xf32, #tpu.memory_space<vmem_shared>> -> memref<320x128xf32, #tpu.memory_space<vmem_shared>>
      tpu.enqueue_dma source(%dma_start3A_127 : memref<320x128xf32, #tpu.memory_space<vmem_shared>>) target(%dma_start3A_125 : memref<320x128xf32, #tpu.memory_space<hbm>>) target_semaphore(%run_scoped3A : memref<!tpu.dma_semaphore, #tpu.memory_space<semaphore_mem>>)
      %dma_wait3A_128 = arith.constant 0 : i32
      %dma_wait3A_129 = tpu.memref_slice %arg3[%add3A_123, %dma_wait3A_128] : memref<10240x128xf32, #tpu.memory_space<hbm>> -> memref<320x128xf32, #tpu.memory_space<hbm>>
      %dma_wait3A_130 = arith.constant 0 : i32
      %dma_wait3A_131 = tpu.memref_slice %arg9[%mul3A_122, %dma_wait3A_130] : memref<5248x128xf32, #tpu.memory_space<vmem_shared>> -> memref<320x128xf32, #tpu.memory_space<vmem_shared>>
      tpu.wait_dma2 semaphore(%run_scoped3A : memref<!tpu.dma_semaphore, #tpu.memory_space<semaphore_mem>>) src(%dma_wait3A_131 : memref<320x128xf32, #tpu.memory_space<vmem_shared>>) dst(%dma_wait3A_129 : memref<320x128xf32, #tpu.memory_space<hbm>>)
      tpu.yield
    }) : () -> ()
    return
  }
}

#map = affine_map<(d0, d1) -> (0, 0)>
#map1 = affine_map<(d0, d1) -> (0)>
module attributes {stable_mosaic.version = 14 : i64} {
  func.func @_agg_body(%arg0: i32, %arg1: i32, %arg2: memref<10240x128xf32, #tpu.memory_space<hbm>>, %arg3: memref<10240x128xf32, #tpu.memory_space<hbm>>, %arg4: memref<321536xi32, #tpu.memory_space<hbm>>, %arg5: memref<321536xi32, #tpu.memory_space<hbm>>, %arg6: memref<10240x128xf32, #tpu.memory_space<hbm>>, %arg7: memref<10240x128xf32, #tpu.memory_space<hbm>>, %arg8: memref<64xi32, #tpu.memory_space<vmem>>, %arg9: memref<64xi32, #tpu.memory_space<vmem>>, %arg10: memref<64xi32, #tpu.memory_space<vmem>>, %arg11: memref<64xi32, #tpu.memory_space<vmem>>, %arg12: memref<64xi32, #tpu.memory_space<vmem>>, %arg13: memref<64xi32, #tpu.memory_space<vmem>>, %arg14: memref<64x128xf32, #tpu.memory_space<vmem>>, %arg15: memref<64x128xf32, #tpu.memory_space<vmem>>, %arg16: memref<64x128xf32, #tpu.memory_space<vmem>>, %arg17: memref<64x128xf32, #tpu.memory_space<vmem>>, %arg18: memref<5248x128xf32, #tpu.memory_space<vmem_shared>>, %arg19: memref<5248x128xf32, #tpu.memory_space<vmem_shared>>, %arg20: memref<!tpu.dma_semaphore, #tpu.memory_space<semaphore_mem>>, %arg21: memref<!tpu.dma_semaphore, #tpu.memory_space<semaphore_mem>>, %arg22: memref<!tpu.dma_semaphore, #tpu.memory_space<semaphore_mem>>, %arg23: memref<!tpu.dma_semaphore, #tpu.memory_space<semaphore_mem>>, %arg24: memref<!tpu.dma_semaphore, #tpu.memory_space<semaphore_mem>>, %arg25: memref<!tpu.dma_semaphore, #tpu.memory_space<semaphore_mem>>, %arg26: memref<!tpu.dma_semaphore, #tpu.memory_space<semaphore_mem>>, %arg27: memref<!tpu.dma_semaphore, #tpu.memory_space<semaphore_mem>>, %arg28: memref<!tpu.dma_semaphore, #tpu.memory_space<semaphore_mem>>, %arg29: memref<!tpu.dma_semaphore, #tpu.memory_space<semaphore_mem>>) attributes {dimension_semantics = [#tpu.dimension_semantics<core_parallel>, #tpu.dimension_semantics<subcore_parallel>], iteration_bounds = array<i64: 2, 16>, scalar_prefetch = 0 : i64, scratch_operands = 22 : i64, tpu.core_type = #tpu.core_type<sc_vector_subcore>, window_params = [{transform_indices = #map}, {transform_indices = #map}, {transform_indices = #map1}, {transform_indices = #map1}, {transform_indices = #map}, {transform_indices = #map}]} {
    %mul3A = arith.constant 5120 : i32
    %mul3A_0 = arith.muli %arg0, %mul3A : i32
    %add3A = arith.constant 5120 : i32
    %add3A_1 = arith.addi %add3A, %arg1 : i32
    %broadcast_in_dim3A = arith.constant 0.000000e+00 : f32
    %broadcast_in_dim3A_2 = vector.broadcast %broadcast_in_dim3A : f32 to vector<16xf32>
    %scan3A = arith.constant 0 : i32
    %scan3A_3 = arith.constant 0 : i32
    %scan3A_4 = arith.constant 64 : i32
    %scan3A_5 = arith.addi %scan3A_3, %scan3A_4 : i32
    %scan3A_6 = arith.constant 1 : i32
    %scan3A_7 = scf.for %scan3A_146 = %scan3A_3 to %scan3A_5 step %scan3A_6 iter_args(%scan3A_147 = %scan3A) -> (i32)  : i32 {
      %swap3A_148 = arith.index_cast %scan3A_146 : i32 to index
      %swap3A_149 = arith.constant 0 : index
      %swap3A_150 = tpu.vector_load %arg14[%swap3A_148, %swap3A_149] {strides = array<i32>} : memref<64x128xf32, #tpu.memory_space<vmem>>, vector<1x16xf32>,
      %swap3A_151 = vector.shape_cast %swap3A_150 : vector<1x16xf32> to vector<16xf32>
      %swap3A_152 = vector.shape_cast %broadcast_in_dim3A_2 : vector<16xf32> to vector<1x16xf32>
      tpu.vector_store %arg14[%swap3A_148, %swap3A_149], %swap3A_152 {strides = array<i32>} : memref<64x128xf32, #tpu.memory_space<vmem>>, vector<1x16xf32>,
      %swap3A_153 = arith.index_cast %scan3A_146 : i32 to index
      %swap3A_154 = arith.constant 16 : index
      %swap3A_155 = tpu.vector_load %arg14[%swap3A_153, %swap3A_154] {strides = array<i32>} : memref<64x128xf32, #tpu.memory_space<vmem>>, vector<1x16xf32>,
      %swap3A_156 = vector.shape_cast %swap3A_155 : vector<1x16xf32> to vector<16xf32>
      %swap3A_157 = vector.shape_cast %broadcast_in_dim3A_2 : vector<16xf32> to vector<1x16xf32>
      tpu.vector_store %arg14[%swap3A_153, %swap3A_154], %swap3A_157 {strides = array<i32>} : memref<64x128xf32, #tpu.memory_space<vmem>>, vector<1x16xf32>,
      %swap3A_158 = arith.index_cast %scan3A_146 : i32 to index
      %swap3A_159 = arith.constant 32 : index
      %swap3A_160 = tpu.vector_load %arg14[%swap3A_158, %swap3A_159] {strides = array<i32>} : memref<64x128xf32, #tpu.memory_space<vmem>>, vector<1x16xf32>,
      %swap3A_161 = vector.shape_cast %swap3A_160 : vector<1x16xf32> to vector<16xf32>
      %swap3A_162 = vector.shape_cast %broadcast_in_dim3A_2 : vector<16xf32> to vector<1x16xf32>
      tpu.vector_store %arg14[%swap3A_158, %swap3A_159], %swap3A_162 {strides = array<i32>} : memref<64x128xf32, #tpu.memory_space<vmem>>, vector<1x16xf32>,
      %swap3A_163 = arith.index_cast %scan3A_146 : i32 to index
      %swap3A_164 = arith.constant 48 : index
      %swap3A_165 = tpu.vector_load %arg14[%swap3A_163, %swap3A_164] {strides = array<i32>} : memref<64x128xf32, #tpu.memory_space<vmem>>, vector<1x16xf32>,
      %swap3A_166 = vector.shape_cast %swap3A_165 : vector<1x16xf32> to vector<16xf32>
      %swap3A_167 = vector.shape_cast %broadcast_in_dim3A_2 : vector<16xf32> to vector<1x16xf32>
      tpu.vector_store %arg14[%swap3A_163, %swap3A_164], %swap3A_167 {strides = array<i32>} : memref<64x128xf32, #tpu.memory_space<vmem>>, vector<1x16xf32>,
      %swap3A_168 = arith.index_cast %scan3A_146 : i32 to index
      %swap3A_169 = arith.constant 64 : index
      %swap3A_170 = tpu.vector_load %arg14[%swap3A_168, %swap3A_169] {strides = array<i32>} : memref<64x128xf32, #tpu.memory_space<vmem>>, vector<1x16xf32>,
      %swap3A_171 = vector.shape_cast %swap3A_170 : vector<1x16xf32> to vector<16xf32>
      %swap3A_172 = vector.shape_cast %broadcast_in_dim3A_2 : vector<16xf32> to vector<1x16xf32>
      tpu.vector_store %arg14[%swap3A_168, %swap3A_169], %swap3A_172 {strides = array<i32>} : memref<64x128xf32, #tpu.memory_space<vmem>>, vector<1x16xf32>,
      %swap3A_173 = arith.index_cast %scan3A_146 : i32 to index
      %swap3A_174 = arith.constant 80 : index
      %swap3A_175 = tpu.vector_load %arg14[%swap3A_173, %swap3A_174] {strides = array<i32>} : memref<64x128xf32, #tpu.memory_space<vmem>>, vector<1x16xf32>,
      %swap3A_176 = vector.shape_cast %swap3A_175 : vector<1x16xf32> to vector<16xf32>
      %swap3A_177 = vector.shape_cast %broadcast_in_dim3A_2 : vector<16xf32> to vector<1x16xf32>
      tpu.vector_store %arg14[%swap3A_173, %swap3A_174], %swap3A_177 {strides = array<i32>} : memref<64x128xf32, #tpu.memory_space<vmem>>, vector<1x16xf32>,
      %swap3A_178 = arith.index_cast %scan3A_146 : i32 to index
      %swap3A_179 = arith.constant 96 : index
      %swap3A_180 = tpu.vector_load %arg14[%swap3A_178, %swap3A_179] {strides = array<i32>} : memref<64x128xf32, #tpu.memory_space<vmem>>, vector<1x16xf32>,
      %swap3A_181 = vector.shape_cast %swap3A_180 : vector<1x16xf32> to vector<16xf32>
      %swap3A_182 = vector.shape_cast %broadcast_in_dim3A_2 : vector<16xf32> to vector<1x16xf32>
      tpu.vector_store %arg14[%swap3A_178, %swap3A_179], %swap3A_182 {strides = array<i32>} : memref<64x128xf32, #tpu.memory_space<vmem>>, vector<1x16xf32>,
      %swap3A_183 = arith.index_cast %scan3A_146 : i32 to index
      %swap3A_184 = arith.constant 112 : index
      %swap3A_185 = tpu.vector_load %arg14[%swap3A_183, %swap3A_184] {strides = array<i32>} : memref<64x128xf32, #tpu.memory_space<vmem>>, vector<1x16xf32>,
      %swap3A_186 = vector.shape_cast %swap3A_185 : vector<1x16xf32> to vector<16xf32>
      %swap3A_187 = vector.shape_cast %broadcast_in_dim3A_2 : vector<16xf32> to vector<1x16xf32>
      tpu.vector_store %arg14[%swap3A_183, %swap3A_184], %swap3A_187 {strides = array<i32>} : memref<64x128xf32, #tpu.memory_space<vmem>>, vector<1x16xf32>,
      %scan3A_188 = arith.constant 0 : i32
      scf.yield %scan3A_188 : i32
    }
    %scan3A_8 = arith.constant 64 : i32
    %mul3A_9 = arith.constant 328 : i32
    %mul3A_10 = arith.muli %arg1, %mul3A_9 : i32
    %add3A_11 = arith.constant 0 : i32
    %add3A_12 = arith.addi %mul3A_10, %add3A_11 : i32
    "tpu.region"() ({
      %run_scoped3A = tpu.sem_alloc : memref<!tpu.dma_semaphore, #tpu.memory_space<semaphore_mem>>
      %dma_start3A_146 = arith.constant 0 : i32
      %dma_start3A_147 = tpu.memref_slice %arg18[%add3A_12, %dma_start3A_146] : memref<5248x128xf32, #tpu.memory_space<vmem_shared>> -> memref<64x128xf32, #tpu.memory_space<vmem_shared>>
      %dma_start3A_148 = arith.constant 0 : i32
      %dma_start3A_149 = tpu.memref_slice %arg18[%add3A_12, %dma_start3A_148] : memref<5248x128xf32, #tpu.memory_space<vmem_shared>> -> memref<64x128xf32, #tpu.memory_space<vmem_shared>>
      tpu.enqueue_dma source(%arg14 : memref<64x128xf32, #tpu.memory_space<vmem>>) target(%dma_start3A_149 : memref<64x128xf32, #tpu.memory_space<vmem_shared>>) target_semaphore(%run_scoped3A : memref<!tpu.dma_semaphore, #tpu.memory_space<semaphore_mem>>)
      %dma_wait3A_150 = arith.constant 0 : i32
      %dma_wait3A_151 = tpu.memref_slice %arg18[%add3A_12, %dma_wait3A_150] : memref<5248x128xf32, #tpu.memory_space<vmem_shared>> -> memref<64x128xf32, #tpu.memory_space<vmem_shared>>
      %dma_wait3A_152 = arith.constant 0 : i32
      %dma_wait3A_153 = tpu.memref_slice %arg18[%add3A_12, %dma_wait3A_152] : memref<5248x128xf32, #tpu.memory_space<vmem_shared>> -> memref<64x128xf32, #tpu.memory_space<vmem_shared>>
      tpu.wait_dma2 semaphore(%run_scoped3A : memref<!tpu.dma_semaphore, #tpu.memory_space<semaphore_mem>>) src(%arg14 : memref<64x128xf32, #tpu.memory_space<vmem>>) dst(%dma_wait3A_153 : memref<64x128xf32, #tpu.memory_space<vmem_shared>>)
      tpu.yield
    }) : () -> ()
    %add3A_13 = arith.constant 64 : i32
    %add3A_14 = arith.addi %mul3A_10, %add3A_13 : i32
    "tpu.region"() ({
      %run_scoped3A = tpu.sem_alloc : memref<!tpu.dma_semaphore, #tpu.memory_space<semaphore_mem>>
      %dma_start3A_146 = arith.constant 0 : i32
      %dma_start3A_147 = tpu.memref_slice %arg18[%add3A_14, %dma_start3A_146] : memref<5248x128xf32, #tpu.memory_space<vmem_shared>> -> memref<64x128xf32, #tpu.memory_space<vmem_shared>>
      %dma_start3A_148 = arith.constant 0 : i32
      %dma_start3A_149 = tpu.memref_slice %arg18[%add3A_14, %dma_start3A_148] : memref<5248x128xf32, #tpu.memory_space<vmem_shared>> -> memref<64x128xf32, #tpu.memory_space<vmem_shared>>
      tpu.enqueue_dma source(%arg14 : memref<64x128xf32, #tpu.memory_space<vmem>>) target(%dma_start3A_149 : memref<64x128xf32, #tpu.memory_space<vmem_shared>>) target_semaphore(%run_scoped3A : memref<!tpu.dma_semaphore, #tpu.memory_space<semaphore_mem>>)
      %dma_wait3A_150 = arith.constant 0 : i32
      %dma_wait3A_151 = tpu.memref_slice %arg18[%add3A_14, %dma_wait3A_150] : memref<5248x128xf32, #tpu.memory_space<vmem_shared>> -> memref<64x128xf32, #tpu.memory_space<vmem_shared>>
      %dma_wait3A_152 = arith.constant 0 : i32
      %dma_wait3A_153 = tpu.memref_slice %arg18[%add3A_14, %dma_wait3A_152] : memref<5248x128xf32, #tpu.memory_space<vmem_shared>> -> memref<64x128xf32, #tpu.memory_space<vmem_shared>>
      tpu.wait_dma2 semaphore(%run_scoped3A : memref<!tpu.dma_semaphore, #tpu.memory_space<semaphore_mem>>) src(%arg14 : memref<64x128xf32, #tpu.memory_space<vmem>>) dst(%dma_wait3A_153 : memref<64x128xf32, #tpu.memory_space<vmem_shared>>)
      tpu.yield
    }) : () -> ()
    %add3A_15 = arith.constant 128 : i32
    %add3A_16 = arith.addi %mul3A_10, %add3A_15 : i32
    "tpu.region"() ({
      %run_scoped3A = tpu.sem_alloc : memref<!tpu.dma_semaphore, #tpu.memory_space<semaphore_mem>>
      %dma_start3A_146 = arith.constant 0 : i32
      %dma_start3A_147 = tpu.memref_slice %arg18[%add3A_16, %dma_start3A_146] : memref<5248x128xf32, #tpu.memory_space<vmem_shared>> -> memref<64x128xf32, #tpu.memory_space<vmem_shared>>
      %dma_start3A_148 = arith.constant 0 : i32
      %dma_start3A_149 = tpu.memref_slice %arg18[%add3A_16, %dma_start3A_148] : memref<5248x128xf32, #tpu.memory_space<vmem_shared>> -> memref<64x128xf32, #tpu.memory_space<vmem_shared>>
      tpu.enqueue_dma source(%arg14 : memref<64x128xf32, #tpu.memory_space<vmem>>) target(%dma_start3A_149 : memref<64x128xf32, #tpu.memory_space<vmem_shared>>) target_semaphore(%run_scoped3A : memref<!tpu.dma_semaphore, #tpu.memory_space<semaphore_mem>>)
      %dma_wait3A_150 = arith.constant 0 : i32
      %dma_wait3A_151 = tpu.memref_slice %arg18[%add3A_16, %dma_wait3A_150] : memref<5248x128xf32, #tpu.memory_space<vmem_shared>> -> memref<64x128xf32, #tpu.memory_space<vmem_shared>>
      %dma_wait3A_152 = arith.constant 0 : i32
      %dma_wait3A_153 = tpu.memref_slice %arg18[%add3A_16, %dma_wait3A_152] : memref<5248x128xf32, #tpu.memory_space<vmem_shared>> -> memref<64x128xf32, #tpu.memory_space<vmem_shared>>
      tpu.wait_dma2 semaphore(%run_scoped3A : memref<!tpu.dma_semaphore, #tpu.memory_space<semaphore_mem>>) src(%arg14 : memref<64x128xf32, #tpu.memory_space<vmem>>) dst(%dma_wait3A_153 : memref<64x128xf32, #tpu.memory_space<vmem_shared>>)
      tpu.yield
    }) : () -> ()
    %add3A_17 = arith.constant 192 : i32
    %add3A_18 = arith.addi %mul3A_10, %add3A_17 : i32
    "tpu.region"() ({
      %run_scoped3A = tpu.sem_alloc : memref<!tpu.dma_semaphore, #tpu.memory_space<semaphore_mem>>
      %dma_start3A_146 = arith.constant 0 : i32
      %dma_start3A_147 = tpu.memref_slice %arg18[%add3A_18, %dma_start3A_146] : memref<5248x128xf32, #tpu.memory_space<vmem_shared>> -> memref<64x128xf32, #tpu.memory_space<vmem_shared>>
      %dma_start3A_148 = arith.constant 0 : i32
      %dma_start3A_149 = tpu.memref_slice %arg18[%add3A_18, %dma_start3A_148] : memref<5248x128xf32, #tpu.memory_space<vmem_shared>> -> memref<64x128xf32, #tpu.memory_space<vmem_shared>>
      tpu.enqueue_dma source(%arg14 : memref<64x128xf32, #tpu.memory_space<vmem>>) target(%dma_start3A_149 : memref<64x128xf32, #tpu.memory_space<vmem_shared>>) target_semaphore(%run_scoped3A : memref<!tpu.dma_semaphore, #tpu.memory_space<semaphore_mem>>)
      %dma_wait3A_150 = arith.constant 0 : i32
      %dma_wait3A_151 = tpu.memref_slice %arg18[%add3A_18, %dma_wait3A_150] : memref<5248x128xf32, #tpu.memory_space<vmem_shared>> -> memref<64x128xf32, #tpu.memory_space<vmem_shared>>
      %dma_wait3A_152 = arith.constant 0 : i32
      %dma_wait3A_153 = tpu.memref_slice %arg18[%add3A_18, %dma_wait3A_152] : memref<5248x128xf32, #tpu.memory_space<vmem_shared>> -> memref<64x128xf32, #tpu.memory_space<vmem_shared>>
      tpu.wait_dma2 semaphore(%run_scoped3A : memref<!tpu.dma_semaphore, #tpu.memory_space<semaphore_mem>>) src(%arg14 : memref<64x128xf32, #tpu.memory_space<vmem>>) dst(%dma_wait3A_153 : memref<64x128xf32, #tpu.memory_space<vmem_shared>>)
      tpu.yield
    }) : () -> ()
    %add3A_19 = arith.constant 256 : i32
    %add3A_20 = arith.addi %mul3A_10, %add3A_19 : i32
    "tpu.region"() ({
      %run_scoped3A = tpu.sem_alloc : memref<!tpu.dma_semaphore, #tpu.memory_space<semaphore_mem>>
      %dma_start3A_146 = arith.constant 0 : i32
      %dma_start3A_147 = tpu.memref_slice %arg18[%add3A_20, %dma_start3A_146] : memref<5248x128xf32, #tpu.memory_space<vmem_shared>> -> memref<64x128xf32, #tpu.memory_space<vmem_shared>>
      %dma_start3A_148 = arith.constant 0 : i32
      %dma_start3A_149 = tpu.memref_slice %arg18[%add3A_20, %dma_start3A_148] : memref<5248x128xf32, #tpu.memory_space<vmem_shared>> -> memref<64x128xf32, #tpu.memory_space<vmem_shared>>
      tpu.enqueue_dma source(%arg14 : memref<64x128xf32, #tpu.memory_space<vmem>>) target(%dma_start3A_149 : memref<64x128xf32, #tpu.memory_space<vmem_shared>>) target_semaphore(%run_scoped3A : memref<!tpu.dma_semaphore, #tpu.memory_space<semaphore_mem>>)
      %dma_wait3A_150 = arith.constant 0 : i32
      %dma_wait3A_151 = tpu.memref_slice %arg18[%add3A_20, %dma_wait3A_150] : memref<5248x128xf32, #tpu.memory_space<vmem_shared>> -> memref<64x128xf32, #tpu.memory_space<vmem_shared>>
      %dma_wait3A_152 = arith.constant 0 : i32
      %dma_wait3A_153 = tpu.memref_slice %arg18[%add3A_20, %dma_wait3A_152] : memref<5248x128xf32, #tpu.memory_space<vmem_shared>> -> memref<64x128xf32, #tpu.memory_space<vmem_shared>>
      tpu.wait_dma2 semaphore(%run_scoped3A : memref<!tpu.dma_semaphore, #tpu.memory_space<semaphore_mem>>) src(%arg14 : memref<64x128xf32, #tpu.memory_space<vmem>>) dst(%dma_wait3A_153 : memref<64x128xf32, #tpu.memory_space<vmem_shared>>)
      tpu.yield
    }) : () -> ()
    %add3A_21 = arith.constant 320 : i32
    %add3A_22 = arith.addi %mul3A_10, %add3A_21 : i32
    "tpu.region"() ({
      %run_scoped3A = tpu.sem_alloc : memref<!tpu.dma_semaphore, #tpu.memory_space<semaphore_mem>>
      %dma_start3A_146 = arith.constant 0 : i32
      %dma_start3A_147 = arith.constant 0 : i32
      %dma_start3A_148 = tpu.memref_slice %arg14[%dma_start3A_146, %dma_start3A_147] : memref<64x128xf32, #tpu.memory_space<vmem>> -> memref<8x128xf32, #tpu.memory_space<vmem>>
      %dma_start3A_149 = arith.constant 0 : i32
      %dma_start3A_150 = tpu.memref_slice %arg18[%add3A_22, %dma_start3A_149] : memref<5248x128xf32, #tpu.memory_space<vmem_shared>> -> memref<8x128xf32, #tpu.memory_space<vmem_shared>>
      %dma_start3A_151 = arith.constant 0 : i32
      %dma_start3A_152 = tpu.memref_slice %arg18[%add3A_22, %dma_start3A_151] : memref<5248x128xf32, #tpu.memory_space<vmem_shared>> -> memref<8x128xf32, #tpu.memory_space<vmem_shared>>
      %dma_start3A_153 = arith.constant 0 : i32
      %dma_start3A_154 = arith.constant 0 : i32
      %dma_start3A_155 = tpu.memref_slice %arg14[%dma_start3A_153, %dma_start3A_154] : memref<64x128xf32, #tpu.memory_space<vmem>> -> memref<8x128xf32, #tpu.memory_space<vmem>>
      tpu.enqueue_dma source(%dma_start3A_155 : memref<8x128xf32, #tpu.memory_space<vmem>>) target(%dma_start3A_152 : memref<8x128xf32, #tpu.memory_space<vmem_shared>>) target_semaphore(%run_scoped3A : memref<!tpu.dma_semaphore, #tpu.memory_space<semaphore_mem>>)
      %dma_wait3A_156 = arith.constant 0 : i32
      %dma_wait3A_157 = arith.constant 0 : i32
      %dma_wait3A_158 = tpu.memref_slice %arg14[%dma_wait3A_156, %dma_wait3A_157] : memref<64x128xf32, #tpu.memory_space<vmem>> -> memref<8x128xf32, #tpu.memory_space<vmem>>
      %dma_wait3A_159 = arith.constant 0 : i32
      %dma_wait3A_160 = tpu.memref_slice %arg18[%add3A_22, %dma_wait3A_159] : memref<5248x128xf32, #tpu.memory_space<vmem_shared>> -> memref<8x128xf32, #tpu.memory_space<vmem_shared>>
      %dma_wait3A_161 = arith.constant 0 : i32
      %dma_wait3A_162 = tpu.memref_slice %arg18[%add3A_22, %dma_wait3A_161] : memref<5248x128xf32, #tpu.memory_space<vmem_shared>> -> memref<8x128xf32, #tpu.memory_space<vmem_shared>>
      %dma_wait3A_163 = arith.constant 0 : i32
      %dma_wait3A_164 = arith.constant 0 : i32
      %dma_wait3A_165 = tpu.memref_slice %arg14[%dma_wait3A_163, %dma_wait3A_164] : memref<64x128xf32, #tpu.memory_space<vmem>> -> memref<8x128xf32, #tpu.memory_space<vmem>>
      tpu.wait_dma2 semaphore(%run_scoped3A : memref<!tpu.dma_semaphore, #tpu.memory_space<semaphore_mem>>) src(%dma_wait3A_165 : memref<8x128xf32, #tpu.memory_space<vmem>>) dst(%dma_wait3A_162 : memref<8x128xf32, #tpu.memory_space<vmem_shared>>)
      tpu.yield
    }) : () -> ()
    %add3A_23 = arith.constant 0 : i32
    %add3A_24 = arith.addi %mul3A_10, %add3A_23 : i32
    "tpu.region"() ({
      %run_scoped3A = tpu.sem_alloc : memref<!tpu.dma_semaphore, #tpu.memory_space<semaphore_mem>>
      %dma_start3A_146 = arith.constant 0 : i32
      %dma_start3A_147 = tpu.memref_slice %arg19[%add3A_24, %dma_start3A_146] : memref<5248x128xf32, #tpu.memory_space<vmem_shared>> -> memref<64x128xf32, #tpu.memory_space<vmem_shared>>
      %dma_start3A_148 = arith.constant 0 : i32
      %dma_start3A_149 = tpu.memref_slice %arg19[%add3A_24, %dma_start3A_148] : memref<5248x128xf32, #tpu.memory_space<vmem_shared>> -> memref<64x128xf32, #tpu.memory_space<vmem_shared>>
      tpu.enqueue_dma source(%arg14 : memref<64x128xf32, #tpu.memory_space<vmem>>) target(%dma_start3A_149 : memref<64x128xf32, #tpu.memory_space<vmem_shared>>) target_semaphore(%run_scoped3A : memref<!tpu.dma_semaphore, #tpu.memory_space<semaphore_mem>>)
      %dma_wait3A_150 = arith.constant 0 : i32
      %dma_wait3A_151 = tpu.memref_slice %arg19[%add3A_24, %dma_wait3A_150] : memref<5248x128xf32, #tpu.memory_space<vmem_shared>> -> memref<64x128xf32, #tpu.memory_space<vmem_shared>>
      %dma_wait3A_152 = arith.constant 0 : i32
      %dma_wait3A_153 = tpu.memref_slice %arg19[%add3A_24, %dma_wait3A_152] : memref<5248x128xf32, #tpu.memory_space<vmem_shared>> -> memref<64x128xf32, #tpu.memory_space<vmem_shared>>
      tpu.wait_dma2 semaphore(%run_scoped3A : memref<!tpu.dma_semaphore, #tpu.memory_space<semaphore_mem>>) src(%arg14 : memref<64x128xf32, #tpu.memory_space<vmem>>) dst(%dma_wait3A_153 : memref<64x128xf32, #tpu.memory_space<vmem_shared>>)
      tpu.yield
    }) : () -> ()
    %add3A_25 = arith.constant 64 : i32
    %add3A_26 = arith.addi %mul3A_10, %add3A_25 : i32
    "tpu.region"() ({
      %run_scoped3A = tpu.sem_alloc : memref<!tpu.dma_semaphore, #tpu.memory_space<semaphore_mem>>
      %dma_start3A_146 = arith.constant 0 : i32
      %dma_start3A_147 = tpu.memref_slice %arg19[%add3A_26, %dma_start3A_146] : memref<5248x128xf32, #tpu.memory_space<vmem_shared>> -> memref<64x128xf32, #tpu.memory_space<vmem_shared>>
      %dma_start3A_148 = arith.constant 0 : i32
      %dma_start3A_149 = tpu.memref_slice %arg19[%add3A_26, %dma_start3A_148] : memref<5248x128xf32, #tpu.memory_space<vmem_shared>> -> memref<64x128xf32, #tpu.memory_space<vmem_shared>>
      tpu.enqueue_dma source(%arg14 : memref<64x128xf32, #tpu.memory_space<vmem>>) target(%dma_start3A_149 : memref<64x128xf32, #tpu.memory_space<vmem_shared>>) target_semaphore(%run_scoped3A : memref<!tpu.dma_semaphore, #tpu.memory_space<semaphore_mem>>)
      %dma_wait3A_150 = arith.constant 0 : i32
      %dma_wait3A_151 = tpu.memref_slice %arg19[%add3A_26, %dma_wait3A_150] : memref<5248x128xf32, #tpu.memory_space<vmem_shared>> -> memref<64x128xf32, #tpu.memory_space<vmem_shared>>
      %dma_wait3A_152 = arith.constant 0 : i32
      %dma_wait3A_153 = tpu.memref_slice %arg19[%add3A_26, %dma_wait3A_152] : memref<5248x128xf32, #tpu.memory_space<vmem_shared>> -> memref<64x128xf32, #tpu.memory_space<vmem_shared>>
      tpu.wait_dma2 semaphore(%run_scoped3A : memref<!tpu.dma_semaphore, #tpu.memory_space<semaphore_mem>>) src(%arg14 : memref<64x128xf32, #tpu.memory_space<vmem>>) dst(%dma_wait3A_153 : memref<64x128xf32, #tpu.memory_space<vmem_shared>>)
      tpu.yield
    }) : () -> ()
    %add3A_27 = arith.constant 128 : i32
    %add3A_28 = arith.addi %mul3A_10, %add3A_27 : i32
    "tpu.region"() ({
      %run_scoped3A = tpu.sem_alloc : memref<!tpu.dma_semaphore, #tpu.memory_space<semaphore_mem>>
      %dma_start3A_146 = arith.constant 0 : i32
      %dma_start3A_147 = tpu.memref_slice %arg19[%add3A_28, %dma_start3A_146] : memref<5248x128xf32, #tpu.memory_space<vmem_shared>> -> memref<64x128xf32, #tpu.memory_space<vmem_shared>>
      %dma_start3A_148 = arith.constant 0 : i32
      %dma_start3A_149 = tpu.memref_slice %arg19[%add3A_28, %dma_start3A_148] : memref<5248x128xf32, #tpu.memory_space<vmem_shared>> -> memref<64x128xf32, #tpu.memory_space<vmem_shared>>
      tpu.enqueue_dma source(%arg14 : memref<64x128xf32, #tpu.memory_space<vmem>>) target(%dma_start3A_149 : memref<64x128xf32, #tpu.memory_space<vmem_shared>>) target_semaphore(%run_scoped3A : memref<!tpu.dma_semaphore, #tpu.memory_space<semaphore_mem>>)
      %dma_wait3A_150 = arith.constant 0 : i32
      %dma_wait3A_151 = tpu.memref_slice %arg19[%add3A_28, %dma_wait3A_150] : memref<5248x128xf32, #tpu.memory_space<vmem_shared>> -> memref<64x128xf32, #tpu.memory_space<vmem_shared>>
      %dma_wait3A_152 = arith.constant 0 : i32
      %dma_wait3A_153 = tpu.memref_slice %arg19[%add3A_28, %dma_wait3A_152] : memref<5248x128xf32, #tpu.memory_space<vmem_shared>> -> memref<64x128xf32, #tpu.memory_space<vmem_shared>>
      tpu.wait_dma2 semaphore(%run_scoped3A : memref<!tpu.dma_semaphore, #tpu.memory_space<semaphore_mem>>) src(%arg14 : memref<64x128xf32, #tpu.memory_space<vmem>>) dst(%dma_wait3A_153 : memref<64x128xf32, #tpu.memory_space<vmem_shared>>)
      tpu.yield
    }) : () -> ()
    %add3A_29 = arith.constant 192 : i32
    %add3A_30 = arith.addi %mul3A_10, %add3A_29 : i32
    "tpu.region"() ({
      %run_scoped3A = tpu.sem_alloc : memref<!tpu.dma_semaphore, #tpu.memory_space<semaphore_mem>>
      %dma_start3A_146 = arith.constant 0 : i32
      %dma_start3A_147 = tpu.memref_slice %arg19[%add3A_30, %dma_start3A_146] : memref<5248x128xf32, #tpu.memory_space<vmem_shared>> -> memref<64x128xf32, #tpu.memory_space<vmem_shared>>
      %dma_start3A_148 = arith.constant 0 : i32
      %dma_start3A_149 = tpu.memref_slice %arg19[%add3A_30, %dma_start3A_148] : memref<5248x128xf32, #tpu.memory_space<vmem_shared>> -> memref<64x128xf32, #tpu.memory_space<vmem_shared>>
      tpu.enqueue_dma source(%arg14 : memref<64x128xf32, #tpu.memory_space<vmem>>) target(%dma_start3A_149 : memref<64x128xf32, #tpu.memory_space<vmem_shared>>) target_semaphore(%run_scoped3A : memref<!tpu.dma_semaphore, #tpu.memory_space<semaphore_mem>>)
      %dma_wait3A_150 = arith.constant 0 : i32
      %dma_wait3A_151 = tpu.memref_slice %arg19[%add3A_30, %dma_wait3A_150] : memref<5248x128xf32, #tpu.memory_space<vmem_shared>> -> memref<64x128xf32, #tpu.memory_space<vmem_shared>>
      %dma_wait3A_152 = arith.constant 0 : i32
      %dma_wait3A_153 = tpu.memref_slice %arg19[%add3A_30, %dma_wait3A_152] : memref<5248x128xf32, #tpu.memory_space<vmem_shared>> -> memref<64x128xf32, #tpu.memory_space<vmem_shared>>
      tpu.wait_dma2 semaphore(%run_scoped3A : memref<!tpu.dma_semaphore, #tpu.memory_space<semaphore_mem>>) src(%arg14 : memref<64x128xf32, #tpu.memory_space<vmem>>) dst(%dma_wait3A_153 : memref<64x128xf32, #tpu.memory_space<vmem_shared>>)
      tpu.yield
    }) : () -> ()
    %add3A_31 = arith.constant 256 : i32
    %add3A_32 = arith.addi %mul3A_10, %add3A_31 : i32
    "tpu.region"() ({
      %run_scoped3A = tpu.sem_alloc : memref<!tpu.dma_semaphore, #tpu.memory_space<semaphore_mem>>
      %dma_start3A_146 = arith.constant 0 : i32
      %dma_start3A_147 = tpu.memref_slice %arg19[%add3A_32, %dma_start3A_146] : memref<5248x128xf32, #tpu.memory_space<vmem_shared>> -> memref<64x128xf32, #tpu.memory_space<vmem_shared>>
      %dma_start3A_148 = arith.constant 0 : i32
      %dma_start3A_149 = tpu.memref_slice %arg19[%add3A_32, %dma_start3A_148] : memref<5248x128xf32, #tpu.memory_space<vmem_shared>> -> memref<64x128xf32, #tpu.memory_space<vmem_shared>>
      tpu.enqueue_dma source(%arg14 : memref<64x128xf32, #tpu.memory_space<vmem>>) target(%dma_start3A_149 : memref<64x128xf32, #tpu.memory_space<vmem_shared>>) target_semaphore(%run_scoped3A : memref<!tpu.dma_semaphore, #tpu.memory_space<semaphore_mem>>)
      %dma_wait3A_150 = arith.constant 0 : i32
      %dma_wait3A_151 = tpu.memref_slice %arg19[%add3A_32, %dma_wait3A_150] : memref<5248x128xf32, #tpu.memory_space<vmem_shared>> -> memref<64x128xf32, #tpu.memory_space<vmem_shared>>
      %dma_wait3A_152 = arith.constant 0 : i32
      %dma_wait3A_153 = tpu.memref_slice %arg19[%add3A_32, %dma_wait3A_152] : memref<5248x128xf32, #tpu.memory_space<vmem_shared>> -> memref<64x128xf32, #tpu.memory_space<vmem_shared>>
      tpu.wait_dma2 semaphore(%run_scoped3A : memref<!tpu.dma_semaphore, #tpu.memory_space<semaphore_mem>>) src(%arg14 : memref<64x128xf32, #tpu.memory_space<vmem>>) dst(%dma_wait3A_153 : memref<64x128xf32, #tpu.memory_space<vmem_shared>>)
      tpu.yield
    }) : () -> ()
    %add3A_33 = arith.constant 320 : i32
    %add3A_34 = arith.addi %mul3A_10, %add3A_33 : i32
    "tpu.region"() ({
      %run_scoped3A = tpu.sem_alloc : memref<!tpu.dma_semaphore, #tpu.memory_space<semaphore_mem>>
      %dma_start3A_146 = arith.constant 0 : i32
      %dma_start3A_147 = arith.constant 0 : i32
      %dma_start3A_148 = tpu.memref_slice %arg14[%dma_start3A_146, %dma_start3A_147] : memref<64x128xf32, #tpu.memory_space<vmem>> -> memref<8x128xf32, #tpu.memory_space<vmem>>
      %dma_start3A_149 = arith.constant 0 : i32
      %dma_start3A_150 = tpu.memref_slice %arg19[%add3A_34, %dma_start3A_149] : memref<5248x128xf32, #tpu.memory_space<vmem_shared>> -> memref<8x128xf32, #tpu.memory_space<vmem_shared>>
      %dma_start3A_151 = arith.constant 0 : i32
      %dma_start3A_152 = tpu.memref_slice %arg19[%add3A_34, %dma_start3A_151] : memref<5248x128xf32, #tpu.memory_space<vmem_shared>> -> memref<8x128xf32, #tpu.memory_space<vmem_shared>>
      %dma_start3A_153 = arith.constant 0 : i32
      %dma_start3A_154 = arith.constant 0 : i32
      %dma_start3A_155 = tpu.memref_slice %arg14[%dma_start3A_153, %dma_start3A_154] : memref<64x128xf32, #tpu.memory_space<vmem>> -> memref<8x128xf32, #tpu.memory_space<vmem>>
      tpu.enqueue_dma source(%dma_start3A_155 : memref<8x128xf32, #tpu.memory_space<vmem>>) target(%dma_start3A_152 : memref<8x128xf32, #tpu.memory_space<vmem_shared>>) target_semaphore(%run_scoped3A : memref<!tpu.dma_semaphore, #tpu.memory_space<semaphore_mem>>)
      %dma_wait3A_156 = arith.constant 0 : i32
      %dma_wait3A_157 = arith.constant 0 : i32
      %dma_wait3A_158 = tpu.memref_slice %arg14[%dma_wait3A_156, %dma_wait3A_157] : memref<64x128xf32, #tpu.memory_space<vmem>> -> memref<8x128xf32, #tpu.memory_space<vmem>>
      %dma_wait3A_159 = arith.constant 0 : i32
      %dma_wait3A_160 = tpu.memref_slice %arg19[%add3A_34, %dma_wait3A_159] : memref<5248x128xf32, #tpu.memory_space<vmem_shared>> -> memref<8x128xf32, #tpu.memory_space<vmem_shared>>
      %dma_wait3A_161 = arith.constant 0 : i32
      %dma_wait3A_162 = tpu.memref_slice %arg19[%add3A_34, %dma_wait3A_161] : memref<5248x128xf32, #tpu.memory_space<vmem_shared>> -> memref<8x128xf32, #tpu.memory_space<vmem_shared>>
      %dma_wait3A_163 = arith.constant 0 : i32
      %dma_wait3A_164 = arith.constant 0 : i32
      %dma_wait3A_165 = tpu.memref_slice %arg14[%dma_wait3A_163, %dma_wait3A_164] : memref<64x128xf32, #tpu.memory_space<vmem>> -> memref<8x128xf32, #tpu.memory_space<vmem>>
      tpu.wait_dma2 semaphore(%run_scoped3A : memref<!tpu.dma_semaphore, #tpu.memory_space<semaphore_mem>>) src(%dma_wait3A_165 : memref<8x128xf32, #tpu.memory_space<vmem>>) dst(%dma_wait3A_162 : memref<8x128xf32, #tpu.memory_space<vmem_shared>>)
      tpu.yield
    }) : () -> ()
    %barrier3A = arith.constant 0 : index
    tpu.barrier barrier_id(%barrier3A)
    %mul3A_35 = arith.constant 314 : i32
    %mul3A_36 = arith.muli %arg1, %mul3A_35 : i32
    %mul3A_37 = arith.constant 64 : i32
    %mul3A_38 = arith.muli %mul3A_36, %mul3A_37 : i32
    %add3A_39 = arith.constant 0 : i32
    %add3A_40 = arith.addi %mul3A_38, %add3A_39 : i32
    %dma_start3A = tpu.memref_slice %arg4[%add3A_40] : memref<321536xi32, #tpu.memory_space<hbm>> -> memref<64xi32, #tpu.memory_space<hbm>>
    %dma_start3A_41 = tpu.memref_slice %arg4[%add3A_40] : memref<321536xi32, #tpu.memory_space<hbm>> -> memref<64xi32, #tpu.memory_space<hbm>>
    tpu.enqueue_dma source(%dma_start3A_41 : memref<64xi32, #tpu.memory_space<hbm>>) target(%arg8 : memref<64xi32, #tpu.memory_space<vmem>>) target_semaphore(%arg28 : memref<!tpu.dma_semaphore, #tpu.memory_space<semaphore_mem>>)
    %dma_start3A_42 = tpu.memref_slice %arg5[%add3A_40] : memref<321536xi32, #tpu.memory_space<hbm>> -> memref<64xi32, #tpu.memory_space<hbm>>
    %dma_start3A_43 = tpu.memref_slice %arg5[%add3A_40] : memref<321536xi32, #tpu.memory_space<hbm>> -> memref<64xi32, #tpu.memory_space<hbm>>
    tpu.enqueue_dma source(%dma_start3A_43 : memref<64xi32, #tpu.memory_space<hbm>>) target(%arg9 : memref<64xi32, #tpu.memory_space<vmem>>) target_semaphore(%arg29 : memref<!tpu.dma_semaphore, #tpu.memory_space<semaphore_mem>>)
    %dma_wait3A = arith.constant 0 : i32
    %dma_wait3A_44 = tpu.memref_slice %arg4[%dma_wait3A] : memref<321536xi32, #tpu.memory_space<hbm>> -> memref<64xi32, #tpu.memory_space<hbm>>
    %dma_wait3A_45 = arith.constant 0 : i32
    %dma_wait3A_46 = tpu.memref_slice %arg4[%dma_wait3A_45] : memref<321536xi32, #tpu.memory_space<hbm>> -> memref<64xi32, #tpu.memory_space<hbm>>
    tpu.wait_dma2 semaphore(%arg28 : memref<!tpu.dma_semaphore, #tpu.memory_space<semaphore_mem>>) src(%dma_wait3A_46 : memref<64xi32, #tpu.memory_space<hbm>>) dst(%arg8 : memref<64xi32, #tpu.memory_space<vmem>>)
    %dma_wait3A_47 = arith.constant 0 : i32
    %dma_wait3A_48 = tpu.memref_slice %arg5[%dma_wait3A_47] : memref<321536xi32, #tpu.memory_space<hbm>> -> memref<64xi32, #tpu.memory_space<hbm>>
    %dma_wait3A_49 = arith.constant 0 : i32
    %dma_wait3A_50 = tpu.memref_slice %arg5[%dma_wait3A_49] : memref<321536xi32, #tpu.memory_space<hbm>> -> memref<64xi32, #tpu.memory_space<hbm>>
    tpu.wait_dma2 semaphore(%arg29 : memref<!tpu.dma_semaphore, #tpu.memory_space<semaphore_mem>>) src(%dma_wait3A_50 : memref<64xi32, #tpu.memory_space<hbm>>) dst(%arg9 : memref<64xi32, #tpu.memory_space<vmem>>)
    %get3A = arith.constant 0 : index
    %get3A_51 = tpu.vector_load %arg9[%get3A] {strides = array<i32>} : memref<64xi32, #tpu.memory_space<vmem>>, vector<16xi32>,
    %get3A_52 = vector.shape_cast %get3A_51 : vector<16xi32> to vector<16xi32>
    %ge3A = vector.broadcast %mul3A_0 : i32 to vector<16xi32>
    %ge3A_53 = arith.cmpi sge, %get3A_52, %ge3A : vector<16xi32>
    %add3A_54 = arith.constant 5120 : i32
    %add3A_55 = arith.addi %mul3A_0, %add3A_54 : i32
    %lt3A = vector.broadcast %add3A_55 : i32 to vector<16xi32>
    %lt3A_56 = arith.cmpi slt, %get3A_52, %lt3A : vector<16xi32>
    %and3A = arith.andi %ge3A_53, %lt3A_56 : vector<16xi1>
    %sub3A = vector.broadcast %mul3A_0 : i32 to vector<16xi32>
    %sub3A_57 = arith.subi %get3A_52, %sub3A : vector<16xi32>
    %broadcast_in_dim3A_58 = vector.broadcast %add3A_1 : i32 to vector<16xi32>
    %select_n3A = arith.select %and3A, %sub3A_57, %broadcast_in_dim3A_58 : vector<16xi1>, vector<16xi32>
    %swap3A = arith.constant 0 : index
    %swap3A_59 = tpu.vector_load %arg10[%swap3A] {strides = array<i32>} : memref<64xi32, #tpu.memory_space<vmem>>, vector<16xi32>,
    %swap3A_60 = vector.shape_cast %swap3A_59 : vector<16xi32> to vector<16xi32>
    %swap3A_61 = vector.shape_cast %select_n3A : vector<16xi32> to vector<16xi32>
    tpu.vector_store %arg10[%swap3A], %swap3A_61 {strides = array<i32>} : memref<64xi32, #tpu.memory_space<vmem>>, vector<16xi32>,
    %get3A_62 = arith.constant 16 : index
    %get3A_63 = tpu.vector_load %arg9[%get3A_62] {strides = array<i32>} : memref<64xi32, #tpu.memory_space<vmem>>, vector<16xi32>,
    %get3A_64 = vector.shape_cast %get3A_63 : vector<16xi32> to vector<16xi32>
    %ge3A_65 = vector.broadcast %mul3A_0 : i32 to vector<16xi32>
    %ge3A_66 = arith.cmpi sge, %get3A_64, %ge3A_65 : vector<16xi32>
    %add3A_67 = arith.constant 5120 : i32
    %add3A_68 = arith.addi %mul3A_0, %add3A_67 : i32
    %lt3A_69 = vector.broadcast %add3A_68 : i32 to vector<16xi32>
    %lt3A_70 = arith.cmpi slt, %get3A_64, %lt3A_69 : vector<16xi32>
    %and3A_71 = arith.andi %ge3A_66, %lt3A_70 : vector<16xi1>
    %sub3A_72 = vector.broadcast %mul3A_0 : i32 to vector<16xi32>
    %sub3A_73 = arith.subi %get3A_64, %sub3A_72 : vector<16xi32>
    %broadcast_in_dim3A_74 = vector.broadcast %add3A_1 : i32 to vector<16xi32>
    %select_n3A_75 = arith.select %and3A_71, %sub3A_73, %broadcast_in_dim3A_74 : vector<16xi1>, vector<16xi32>
    %swap3A_76 = arith.constant 16 : index
    %swap3A_77 = tpu.vector_load %arg10[%swap3A_76] {strides = array<i32>} : memref<64xi32, #tpu.memory_space<vmem>>, vector<16xi32>,
    %swap3A_78 = vector.shape_cast %swap3A_77 : vector<16xi32> to vector<16xi32>
    %swap3A_79 = vector.shape_cast %select_n3A_75 : vector<16xi32> to vector<16xi32>
    tpu.vector_store %arg10[%swap3A_76], %swap3A_79 {strides = array<i32>} : memref<64xi32, #tpu.memory_space<vmem>>, vector<16xi32>,
    %get3A_80 = arith.constant 32 : index
    %get3A_81 = tpu.vector_load %arg9[%get3A_80] {strides = array<i32>} : memref<64xi32, #tpu.memory_space<vmem>>, vector<16xi32>,
    %get3A_82 = vector.shape_cast %get3A_81 : vector<16xi32> to vector<16xi32>
    %ge3A_83 = vector.broadcast %mul3A_0 : i32 to vector<16xi32>
    %ge3A_84 = arith.cmpi sge, %get3A_82, %ge3A_83 : vector<16xi32>
    %add3A_85 = arith.constant 5120 : i32
    %add3A_86 = arith.addi %mul3A_0, %add3A_85 : i32
    %lt3A_87 = vector.broadcast %add3A_86 : i32 to vector<16xi32>
    %lt3A_88 = arith.cmpi slt, %get3A_82, %lt3A_87 : vector<16xi32>
    %and3A_89 = arith.andi %ge3A_84, %lt3A_88 : vector<16xi1>
    %sub3A_90 = vector.broadcast %mul3A_0 : i32 to vector<16xi32>
    %sub3A_91 = arith.subi %get3A_82, %sub3A_90 : vector<16xi32>
    %broadcast_in_dim3A_92 = vector.broadcast %add3A_1 : i32 to vector<16xi32>
    %select_n3A_93 = arith.select %and3A_89, %sub3A_91, %broadcast_in_dim3A_92 : vector<16xi1>, vector<16xi32>
    %swap3A_94 = arith.constant 32 : index
    %swap3A_95 = tpu.vector_load %arg10[%swap3A_94] {strides = array<i32>} : memref<64xi32, #tpu.memory_space<vmem>>, vector<16xi32>,
    %swap3A_96 = vector.shape_cast %swap3A_95 : vector<16xi32> to vector<16xi32>
    %swap3A_97 = vector.shape_cast %select_n3A_93 : vector<16xi32> to vector<16xi32>
    tpu.vector_store %arg10[%swap3A_94], %swap3A_97 {strides = array<i32>} : memref<64xi32, #tpu.memory_space<vmem>>, vector<16xi32>,
    %get3A_98 = arith.constant 48 : index
    %get3A_99 = tpu.vector_load %arg9[%get3A_98] {strides = array<i32>} : memref<64xi32, #tpu.memory_space<vmem>>, vector<16xi32>,
    %get3A_100 = vector.shape_cast %get3A_99 : vector<16xi32> to vector<16xi32>
    %ge3A_101 = vector.broadcast %mul3A_0 : i32 to vector<16xi32>
    %ge3A_102 = arith.cmpi sge, %get3A_100, %ge3A_101 : vector<16xi32>
    %add3A_103 = arith.constant 5120 : i32
    %add3A_104 = arith.addi %mul3A_0, %add3A_103 : i32
    %lt3A_105 = vector.broadcast %add3A_104 : i32 to vector<16xi32>
    %lt3A_106 = arith.cmpi slt, %get3A_100, %lt3A_105 : vector<16xi32>
    %and3A_107 = arith.andi %ge3A_102, %lt3A_106 : vector<16xi1>
    %sub3A_108 = vector.broadcast %mul3A_0 : i32 to vector<16xi32>
    %sub3A_109 = arith.subi %get3A_100, %sub3A_108 : vector<16xi32>
    %broadcast_in_dim3A_110 = vector.broadcast %add3A_1 : i32 to vector<16xi32>
    %select_n3A_111 = arith.select %and3A_107, %sub3A_109, %broadcast_in_dim3A_110 : vector<16xi1>, vector<16xi32>
    %swap3A_112 = arith.constant 48 : index
    %swap3A_113 = tpu.vector_load %arg10[%swap3A_112] {strides = array<i32>} : memref<64xi32, #tpu.memory_space<vmem>>, vector<16xi32>,
    %swap3A_114 = vector.shape_cast %swap3A_113 : vector<16xi32> to vector<16xi32>
    %swap3A_115 = vector.shape_cast %select_n3A_111 : vector<16xi32> to vector<16xi32>
    tpu.vector_store %arg10[%swap3A_112], %swap3A_115 {strides = array<i32>} : memref<64xi32, #tpu.memory_space<vmem>>, vector<16xi32>,
    %dma_start3A_116 = arith.constant 0 : i32
    %dma_start3A_117 = arith.constant 0 : i32
    %dma_start3A_118 = tpu.memref_slice %arg2[%dma_start3A_116, %dma_start3A_117] : memref<10240x128xf32, #tpu.memory_space<hbm>> -> memref<10240x128xf32, #tpu.memory_space<hbm>>
    tpu.enqueue_indirect_dma source(%dma_start3A_118 : memref<10240x128xf32, #tpu.memory_space<hbm>>) target(%arg14 : memref<64x128xf32, #tpu.memory_space<vmem>>) offsets(%arg8 : memref<64xi32, #tpu.memory_space<vmem>>) semaphore(%arg20 : memref<!tpu.dma_semaphore, #tpu.memory_space<semaphore_mem>>)
    %dma_start3A_119 = arith.constant 0 : i32
    %dma_start3A_120 = arith.constant 0 : i32
    %dma_start3A_121 = tpu.memref_slice %arg3[%dma_start3A_119, %dma_start3A_120] : memref<10240x128xf32, #tpu.memory_space<hbm>> -> memref<10240x128xf32, #tpu.memory_space<hbm>>
    tpu.enqueue_indirect_dma source(%dma_start3A_121 : memref<10240x128xf32, #tpu.memory_space<hbm>>) target(%arg15 : memref<64x128xf32, #tpu.memory_space<vmem>>) offsets(%arg8 : memref<64xi32, #tpu.memory_space<vmem>>) semaphore(%arg21 : memref<!tpu.dma_semaphore, #tpu.memory_space<semaphore_mem>>)
    %scan3A_122 = arith.constant 0 : i32
    %scan3A_123 = arith.constant 0 : i32
    %scan3A_124 = arith.constant 157 : i32
    %scan3A_125 = arith.addi %scan3A_123, %scan3A_124 : i32
    %scan3A_126 = arith.constant 1 : i32
    %scan3A_127 = scf.for %scan3A_146 = %scan3A_123 to %scan3A_125 step %scan3A_126 iter_args(%scan3A_147 = %scan3A_122) -> (i32)  : i32 {
      %mul3A_148 = arith.constant 2 : i32
      %mul3A_149 = arith.muli %mul3A_148, %scan3A_146 : i32
      %dma_wait3A_150 = arith.constant 0 : i32
      %dma_wait3A_151 = arith.constant 0 : i32
      %dma_wait3A_152 = tpu.memref_slice %arg2[%dma_wait3A_150, %dma_wait3A_151] : memref<10240x128xf32, #tpu.memory_space<hbm>> -> memref<64x128xf32, #tpu.memory_space<hbm>>
      %dma_wait3A_153 = arith.constant 0 : i32
      %dma_wait3A_154 = arith.constant 0 : i32
      %dma_wait3A_155 = tpu.memref_slice %arg2[%dma_wait3A_153, %dma_wait3A_154] : memref<10240x128xf32, #tpu.memory_space<hbm>> -> memref<64x128xf32, #tpu.memory_space<hbm>>
      tpu.wait_dma2 semaphore(%arg20 : memref<!tpu.dma_semaphore, #tpu.memory_space<semaphore_mem>>) src(%dma_wait3A_155 : memref<64x128xf32, #tpu.memory_space<hbm>>) dst(%arg14 : memref<64x128xf32, #tpu.memory_space<vmem>>)
      %dma_wait3A_156 = arith.constant 0 : i32
      %dma_wait3A_157 = arith.constant 0 : i32
      %dma_wait3A_158 = tpu.memref_slice %arg3[%dma_wait3A_156, %dma_wait3A_157] : memref<10240x128xf32, #tpu.memory_space<hbm>> -> memref<64x128xf32, #tpu.memory_space<hbm>>
      %dma_wait3A_159 = arith.constant 0 : i32
      %dma_wait3A_160 = arith.constant 0 : i32
      %dma_wait3A_161 = tpu.memref_slice %arg3[%dma_wait3A_159, %dma_wait3A_160] : memref<10240x128xf32, #tpu.memory_space<hbm>> -> memref<64x128xf32, #tpu.memory_space<hbm>>
      tpu.wait_dma2 semaphore(%arg21 : memref<!tpu.dma_semaphore, #tpu.memory_space<semaphore_mem>>) src(%dma_wait3A_161 : memref<64x128xf32, #tpu.memory_space<hbm>>) dst(%arg15 : memref<64x128xf32, #tpu.memory_space<vmem>>)
      %dma_start3A_162 = arith.constant 0 : i32
      %dma_start3A_163 = arith.constant 0 : i32
      %dma_start3A_164 = tpu.memref_slice %arg18[%dma_start3A_162, %dma_start3A_163] : memref<5248x128xf32, #tpu.memory_space<vmem_shared>> -> memref<5248x128xf32, #tpu.memory_space<vmem_shared>>
      tpu.enqueue_indirect_dma source(%arg14 : memref<64x128xf32, #tpu.memory_space<vmem>>) target(%dma_start3A_164 : memref<5248x128xf32, #tpu.memory_space<vmem_shared>>) offsets(%arg10 : memref<64xi32, #tpu.memory_space<vmem>>) semaphore(%arg24 : memref<!tpu.dma_semaphore, #tpu.memory_space<semaphore_mem>>) {add = true}
      %dma_start3A_165 = arith.constant 0 : i32
      %dma_start3A_166 = arith.constant 0 : i32
      %dma_start3A_167 = tpu.memref_slice %arg19[%dma_start3A_165, %dma_start3A_166] : memref<5248x128xf32, #tpu.memory_space<vmem_shared>> -> memref<5248x128xf32, #tpu.memory_space<vmem_shared>>
      tpu.enqueue_indirect_dma source(%arg15 : memref<64x128xf32, #tpu.memory_space<vmem>>) target(%dma_start3A_167 : memref<5248x128xf32, #tpu.memory_space<vmem_shared>>) offsets(%arg10 : memref<64xi32, #tpu.memory_space<vmem>>) semaphore(%arg25 : memref<!tpu.dma_semaphore, #tpu.memory_space<semaphore_mem>>) {add = true}
      %gt3A = arith.constant 0 : i32
      %gt3A_168 = arith.cmpi sgt, %scan3A_146, %gt3A : i32
      %convert_element_type3A = arith.extui %gt3A_168 : i1 to i32
      %cond3A = arith.constant 0 : i32
      %cond3A_169 = arith.cmpi ne, %convert_element_type3A, %cond3A : i32
      scf.if %cond3A_169 {
        %dma_wait3A_301 = arith.constant 0 : i32
        %dma_wait3A_302 = arith.constant 0 : i32
        %dma_wait3A_303 = tpu.memref_slice %arg2[%dma_wait3A_301, %dma_wait3A_302] : memref<10240x128xf32, #tpu.memory_space<hbm>> -> memref<64x128xf32, #tpu.memory_space<hbm>>
        %dma_wait3A_304 = arith.constant 0 : i32
        %dma_wait3A_305 = arith.constant 0 : i32
        %dma_wait3A_306 = tpu.memref_slice %arg2[%dma_wait3A_304, %dma_wait3A_305] : memref<10240x128xf32, #tpu.memory_space<hbm>> -> memref<64x128xf32, #tpu.memory_space<hbm>>
        tpu.wait_dma2 semaphore(%arg26 : memref<!tpu.dma_semaphore, #tpu.memory_space<semaphore_mem>>) src(%dma_wait3A_306 : memref<64x128xf32, #tpu.memory_space<hbm>>) dst(%arg16 : memref<64x128xf32, #tpu.memory_space<vmem>>)
        %dma_wait3A_307 = arith.constant 0 : i32
        %dma_wait3A_308 = arith.constant 0 : i32
        %dma_wait3A_309 = tpu.memref_slice %arg3[%dma_wait3A_307, %dma_wait3A_308] : memref<10240x128xf32, #tpu.memory_space<hbm>> -> memref<64x128xf32, #tpu.memory_space<hbm>>
        %dma_wait3A_310 = arith.constant 0 : i32
        %dma_wait3A_311 = arith.constant 0 : i32
        %dma_wait3A_312 = tpu.memref_slice %arg3[%dma_wait3A_310, %dma_wait3A_311] : memref<10240x128xf32, #tpu.memory_space<hbm>> -> memref<64x128xf32, #tpu.memory_space<hbm>>
        tpu.wait_dma2 semaphore(%arg27 : memref<!tpu.dma_semaphore, #tpu.memory_space<semaphore_mem>>) src(%dma_wait3A_312 : memref<64x128xf32, #tpu.memory_space<hbm>>) dst(%arg17 : memref<64x128xf32, #tpu.memory_space<vmem>>)
      } else {
      }
      %add3A_170 = arith.constant 1 : i32
      %add3A_171 = arith.addi %mul3A_149, %add3A_170 : i32
      %mul3A_172 = arith.constant 64 : i32
      %mul3A_173 = arith.muli %add3A_171, %mul3A_172 : i32
      %add3A_174 = arith.addi %mul3A_38, %mul3A_173 : i32
      %dma_start3A_175 = tpu.memref_slice %arg4[%add3A_174] : memref<321536xi32, #tpu.memory_space<hbm>> -> memref<64xi32, #tpu.memory_space<hbm>>
      %dma_start3A_176 = tpu.memref_slice %arg4[%add3A_174] : memref<321536xi32, #tpu.memory_space<hbm>> -> memref<64xi32, #tpu.memory_space<hbm>>
      tpu.enqueue_dma source(%dma_start3A_176 : memref<64xi32, #tpu.memory_space<hbm>>) target(%arg11 : memref<64xi32, #tpu.memory_space<vmem>>) target_semaphore(%arg28 : memref<!tpu.dma_semaphore, #tpu.memory_space<semaphore_mem>>)
      %dma_start3A_177 = tpu.memref_slice %arg5[%add3A_174] : memref<321536xi32, #tpu.memory_space<hbm>> -> memref<64xi32, #tpu.memory_space<hbm>>
      %dma_start3A_178 = tpu.memref_slice %arg5[%add3A_174] : memref<321536xi32, #tpu.memory_space<hbm>> -> memref<64xi32, #tpu.memory_space<hbm>>
      tpu.enqueue_dma source(%dma_start3A_178 : memref<64xi32, #tpu.memory_space<hbm>>) target(%arg12 : memref<64xi32, #tpu.memory_space<vmem>>) target_semaphore(%arg29 : memref<!tpu.dma_semaphore, #tpu.memory_space<semaphore_mem>>)
      %dma_wait3A_179 = arith.constant 0 : i32
      %dma_wait3A_180 = tpu.memref_slice %arg4[%dma_wait3A_179] : memref<321536xi32, #tpu.memory_space<hbm>> -> memref<64xi32, #tpu.memory_space<hbm>>
      %dma_wait3A_181 = arith.constant 0 : i32
      %dma_wait3A_182 = tpu.memref_slice %arg4[%dma_wait3A_181] : memref<321536xi32, #tpu.memory_space<hbm>> -> memref<64xi32, #tpu.memory_space<hbm>>
      tpu.wait_dma2 semaphore(%arg28 : memref<!tpu.dma_semaphore, #tpu.memory_space<semaphore_mem>>) src(%dma_wait3A_182 : memref<64xi32, #tpu.memory_space<hbm>>) dst(%arg11 : memref<64xi32, #tpu.memory_space<vmem>>)
      %dma_wait3A_183 = arith.constant 0 : i32
      %dma_wait3A_184 = tpu.memref_slice %arg5[%dma_wait3A_183] : memref<321536xi32, #tpu.memory_space<hbm>> -> memref<64xi32, #tpu.memory_space<hbm>>
      %dma_wait3A_185 = arith.constant 0 : i32
      %dma_wait3A_186 = tpu.memref_slice %arg5[%dma_wait3A_185] : memref<321536xi32, #tpu.memory_space<hbm>> -> memref<64xi32, #tpu.memory_space<hbm>>
      tpu.wait_dma2 semaphore(%arg29 : memref<!tpu.dma_semaphore, #tpu.memory_space<semaphore_mem>>) src(%dma_wait3A_186 : memref<64xi32, #tpu.memory_space<hbm>>) dst(%arg12 : memref<64xi32, #tpu.memory_space<vmem>>)
      %get3A_187 = arith.constant 0 : index
      %get3A_188 = tpu.vector_load %arg12[%get3A_187] {strides = array<i32>} : memref<64xi32, #tpu.memory_space<vmem>>, vector<16xi32>,
      %get3A_189 = vector.shape_cast %get3A_188 : vector<16xi32> to vector<16xi32>
      %ge3A_190 = vector.broadcast %mul3A_0 : i32 to vector<16xi32>
      %ge3A_191 = arith.cmpi sge, %get3A_189, %ge3A_190 : vector<16xi32>
      %add3A_192 = arith.constant 5120 : i32
      %add3A_193 = arith.addi %mul3A_0, %add3A_192 : i32
      %lt3A_194 = vector.broadcast %add3A_193 : i32 to vector<16xi32>
      %lt3A_195 = arith.cmpi slt, %get3A_189, %lt3A_194 : vector<16xi32>
      %and3A_196 = arith.andi %ge3A_191, %lt3A_195 : vector<16xi1>
      %sub3A_197 = vector.broadcast %mul3A_0 : i32 to vector<16xi32>
      %sub3A_198 = arith.subi %get3A_189, %sub3A_197 : vector<16xi32>
      %broadcast_in_dim3A_199 = vector.broadcast %add3A_1 : i32 to vector<16xi32>
      %select_n3A_200 = arith.select %and3A_196, %sub3A_198, %broadcast_in_dim3A_199 : vector<16xi1>, vector<16xi32>
      %swap3A_201 = arith.constant 0 : index
      %swap3A_202 = tpu.vector_load %arg13[%swap3A_201] {strides = array<i32>} : memref<64xi32, #tpu.memory_space<vmem>>, vector<16xi32>,
      %swap3A_203 = vector.shape_cast %swap3A_202 : vector<16xi32> to vector<16xi32>
      %swap3A_204 = vector.shape_cast %select_n3A_200 : vector<16xi32> to vector<16xi32>
      tpu.vector_store %arg13[%swap3A_201], %swap3A_204 {strides = array<i32>} : memref<64xi32, #tpu.memory_space<vmem>>, vector<16xi32>,
      %get3A_205 = arith.constant 16 : index
      %get3A_206 = tpu.vector_load %arg12[%get3A_205] {strides = array<i32>} : memref<64xi32, #tpu.memory_space<vmem>>, vector<16xi32>,
      %get3A_207 = vector.shape_cast %get3A_206 : vector<16xi32> to vector<16xi32>
      %ge3A_208 = vector.broadcast %mul3A_0 : i32 to vector<16xi32>
      %ge3A_209 = arith.cmpi sge, %get3A_207, %ge3A_208 : vector<16xi32>
      %add3A_210 = arith.constant 5120 : i32
      %add3A_211 = arith.addi %mul3A_0, %add3A_210 : i32
      %lt3A_212 = vector.broadcast %add3A_211 : i32 to vector<16xi32>
      %lt3A_213 = arith.cmpi slt, %get3A_207, %lt3A_212 : vector<16xi32>
      %and3A_214 = arith.andi %ge3A_209, %lt3A_213 : vector<16xi1>
      %sub3A_215 = vector.broadcast %mul3A_0 : i32 to vector<16xi32>
      %sub3A_216 = arith.subi %get3A_207, %sub3A_215 : vector<16xi32>
      %broadcast_in_dim3A_217 = vector.broadcast %add3A_1 : i32 to vector<16xi32>
      %select_n3A_218 = arith.select %and3A_214, %sub3A_216, %broadcast_in_dim3A_217 : vector<16xi1>, vector<16xi32>
      %swap3A_219 = arith.constant 16 : index
      %swap3A_220 = tpu.vector_load %arg13[%swap3A_219] {strides = array<i32>} : memref<64xi32, #tpu.memory_space<vmem>>, vector<16xi32>,
      %swap3A_221 = vector.shape_cast %swap3A_220 : vector<16xi32> to vector<16xi32>
      %swap3A_222 = vector.shape_cast %select_n3A_218 : vector<16xi32> to vector<16xi32>
      tpu.vector_store %arg13[%swap3A_219], %swap3A_222 {strides = array<i32>} : memref<64xi32, #tpu.memory_space<vmem>>, vector<16xi32>,
      %get3A_223 = arith.constant 32 : index
      %get3A_224 = tpu.vector_load %arg12[%get3A_223] {strides = array<i32>} : memref<64xi32, #tpu.memory_space<vmem>>, vector<16xi32>,
      %get3A_225 = vector.shape_cast %get3A_224 : vector<16xi32> to vector<16xi32>
      %ge3A_226 = vector.broadcast %mul3A_0 : i32 to vector<16xi32>
      %ge3A_227 = arith.cmpi sge, %get3A_225, %ge3A_226 : vector<16xi32>
      %add3A_228 = arith.constant 5120 : i32
      %add3A_229 = arith.addi %mul3A_0, %add3A_228 : i32
      %lt3A_230 = vector.broadcast %add3A_229 : i32 to vector<16xi32>
      %lt3A_231 = arith.cmpi slt, %get3A_225, %lt3A_230 : vector<16xi32>
      %and3A_232 = arith.andi %ge3A_227, %lt3A_231 : vector<16xi1>
      %sub3A_233 = vector.broadcast %mul3A_0 : i32 to vector<16xi32>
      %sub3A_234 = arith.subi %get3A_225, %sub3A_233 : vector<16xi32>
      %broadcast_in_dim3A_235 = vector.broadcast %add3A_1 : i32 to vector<16xi32>
      %select_n3A_236 = arith.select %and3A_232, %sub3A_234, %broadcast_in_dim3A_235 : vector<16xi1>, vector<16xi32>
      %swap3A_237 = arith.constant 32 : index
      %swap3A_238 = tpu.vector_load %arg13[%swap3A_237] {strides = array<i32>} : memref<64xi32, #tpu.memory_space<vmem>>, vector<16xi32>,
      %swap3A_239 = vector.shape_cast %swap3A_238 : vector<16xi32> to vector<16xi32>
      %swap3A_240 = vector.shape_cast %select_n3A_236 : vector<16xi32> to vector<16xi32>
      tpu.vector_store %arg13[%swap3A_237], %swap3A_240 {strides = array<i32>} : memref<64xi32, #tpu.memory_space<vmem>>, vector<16xi32>,
      %get3A_241 = arith.constant 48 : index
      %get3A_242 = tpu.vector_load %arg12[%get3A_241] {strides = array<i32>} : memref<64xi32, #tpu.memory_space<vmem>>, vector<16xi32>,
      %get3A_243 = vector.shape_cast %get3A_242 : vector<16xi32> to vector<16xi32>
      %ge3A_244 = vector.broadcast %mul3A_0 : i32 to vector<16xi32>
      %ge3A_245 = arith.cmpi sge, %get3A_243, %ge3A_244 : vector<16xi32>
      %add3A_246 = arith.constant 5120 : i32
      %add3A_247 = arith.addi %mul3A_0, %add3A_246 : i32
      %lt3A_248 = vector.broadcast %add3A_247 : i32 to vector<16xi32>
      %lt3A_249 = arith.cmpi slt, %get3A_243, %lt3A_248 : vector<16xi32>
      %and3A_250 = arith.andi %ge3A_245, %lt3A_249 : vector<16xi1>
      %sub3A_251 = vector.broadcast %mul3A_0 : i32 to vector<16xi32>
      %sub3A_252 = arith.subi %get3A_243, %sub3A_251 : vector<16xi32>
      %broadcast_in_dim3A_253 = vector.broadcast %add3A_1 : i32 to vector<16xi32>
      %select_n3A_254 = arith.select %and3A_250, %sub3A_252, %broadcast_in_dim3A_253 : vector<16xi1>, vector<16xi32>
      %swap3A_255 = arith.constant 48 : index
      %swap3A_256 = tpu.vector_load %arg13[%swap3A_255] {strides = array<i32>} : memref<64xi32, #tpu.memory_space<vmem>>, vector<16xi32>,
      %swap3A_257 = vector.shape_cast %swap3A_256 : vector<16xi32> to vector<16xi32>
      %swap3A_258 = vector.shape_cast %select_n3A_254 : vector<16xi32> to vector<16xi32>
      tpu.vector_store %arg13[%swap3A_255], %swap3A_258 {strides = array<i32>} : memref<64xi32, #tpu.memory_space<vmem>>, vector<16xi32>,
      %dma_start3A_259 = arith.constant 0 : i32
      %dma_start3A_260 = arith.constant 0 : i32
      %dma_start3A_261 = tpu.memref_slice %arg2[%dma_start3A_259, %dma_start3A_260] : memref<10240x128xf32, #tpu.memory_space<hbm>> -> memref<10240x128xf32, #tpu.memory_space<hbm>>
      tpu.enqueue_indirect_dma source(%dma_start3A_261 : memref<10240x128xf32, #tpu.memory_space<hbm>>) target(%arg16 : memref<64x128xf32, #tpu.memory_space<vmem>>) offsets(%arg11 : memref<64xi32, #tpu.memory_space<vmem>>) semaphore(%arg22 : memref<!tpu.dma_semaphore, #tpu.memory_space<semaphore_mem>>)
      %dma_start3A_262 = arith.constant 0 : i32
      %dma_start3A_263 = arith.constant 0 : i32
      %dma_start3A_264 = tpu.memref_slice %arg3[%dma_start3A_262, %dma_start3A_263] : memref<10240x128xf32, #tpu.memory_space<hbm>> -> memref<10240x128xf32, #tpu.memory_space<hbm>>
      tpu.enqueue_indirect_dma source(%dma_start3A_264 : memref<10240x128xf32, #tpu.memory_space<hbm>>) target(%arg17 : memref<64x128xf32, #tpu.memory_space<vmem>>) offsets(%arg11 : memref<64xi32, #tpu.memory_space<vmem>>) semaphore(%arg23 : memref<!tpu.dma_semaphore, #tpu.memory_space<semaphore_mem>>)
      %dma_wait3A_265 = arith.constant 0 : i32
      %dma_wait3A_266 = arith.constant 0 : i32
      %dma_wait3A_267 = tpu.memref_slice %arg2[%dma_wait3A_265, %dma_wait3A_266] : memref<10240x128xf32, #tpu.memory_space<hbm>> -> memref<64x128xf32, #tpu.memory_space<hbm>>
      %dma_wait3A_268 = arith.constant 0 : i32
      %dma_wait3A_269 = arith.constant 0 : i32
      %dma_wait3A_270 = tpu.memref_slice %arg2[%dma_wait3A_268, %dma_wait3A_269] : memref<10240x128xf32, #tpu.memory_space<hbm>> -> memref<64x128xf32, #tpu.memory_space<hbm>>
      tpu.wait_dma2 semaphore(%arg22 : memref<!tpu.dma_semaphore, #tpu.memory_space<semaphore_mem>>) src(%dma_wait3A_270 : memref<64x128xf32, #tpu.memory_space<hbm>>) dst(%arg16 : memref<64x128xf32, #tpu.memory_space<vmem>>)
      %dma_wait3A_271 = arith.constant 0 : i32
      %dma_wait3A_272 = arith.constant 0 : i32
      %dma_wait3A_273 = tpu.memref_slice %arg3[%dma_wait3A_271, %dma_wait3A_272] : memref<10240x128xf32, #tpu.memory_space<hbm>> -> memref<64x128xf32, #tpu.memory_space<hbm>>
      %dma_wait3A_274 = arith.constant 0 : i32
      %dma_wait3A_275 = arith.constant 0 : i32
      %dma_wait3A_276 = tpu.memref_slice %arg3[%dma_wait3A_274, %dma_wait3A_275] : memref<10240x128xf32, #tpu.memory_space<hbm>> -> memref<64x128xf32, #tpu.memory_space<hbm>>
      tpu.wait_dma2 semaphore(%arg23 : memref<!tpu.dma_semaphore, #tpu.memory_space<semaphore_mem>>) src(%dma_wait3A_276 : memref<64x128xf32, #tpu.memory_space<hbm>>) dst(%arg17 : memref<64x128xf32, #tpu.memory_space<vmem>>)
      %dma_start3A_277 = arith.constant 0 : i32
      %dma_start3A_278 = arith.constant 0 : i32
      %dma_start3A_279 = tpu.memref_slice %arg18[%dma_start3A_277, %dma_start3A_278] : memref<5248x128xf32, #tpu.memory_space<vmem_shared>> -> memref<5248x128xf32, #tpu.memory_space<vmem_shared>>
      tpu.enqueue_indirect_dma source(%arg16 : memref<64x128xf32, #tpu.memory_space<vmem>>) target(%dma_start3A_279 : memref<5248x128xf32, #tpu.memory_space<vmem_shared>>) offsets(%arg13 : memref<64xi32, #tpu.memory_space<vmem>>) semaphore(%arg26 : memref<!tpu.dma_semaphore, #tpu.memory_space<semaphore_mem>>) {add = true}
      %dma_start3A_280 = arith.constant 0 : i32
      %dma_start3A_281 = arith.constant 0 : i32
      %dma_start3A_282 = tpu.memref_slice %arg19[%dma_start3A_280, %dma_start3A_281] : memref<5248x128xf32, #tpu.memory_space<vmem_shared>> -> memref<5248x128xf32, #tpu.memory_space<vmem_shared>>
      tpu.enqueue_indirect_dma source(%arg17 : memref<64x128xf32, #tpu.memory_space<vmem>>) target(%dma_start3A_282 : memref<5248x128xf32, #tpu.memory_space<vmem_shared>>) offsets(%arg13 : memref<64xi32, #tpu.memory_space<vmem>>) semaphore(%arg27 : memref<!tpu.dma_semaphore, #tpu.memory_space<semaphore_mem>>) {add = true}
      %dma_wait3A_283 = arith.constant 0 : i32
      %dma_wait3A_284 = arith.constant 0 : i32
      %dma_wait3A_285 = tpu.memref_slice %arg2[%dma_wait3A_283, %dma_wait3A_284] : memref<10240x128xf32, #tpu.memory_space<hbm>> -> memref<64x128xf32, #tpu.memory_space<hbm>>
      %dma_wait3A_286 = arith.constant 0 : i32
      %dma_wait3A_287 = arith.constant 0 : i32
      %dma_wait3A_288 = tpu.memref_slice %arg2[%dma_wait3A_286, %dma_wait3A_287] : memref<10240x128xf32, #tpu.memory_space<hbm>> -> memref<64x128xf32, #tpu.memory_space<hbm>>
      tpu.wait_dma2 semaphore(%arg24 : memref<!tpu.dma_semaphore, #tpu.memory_space<semaphore_mem>>) src(%dma_wait3A_288 : memref<64x128xf32, #tpu.memory_space<hbm>>) dst(%arg14 : memref<64x128xf32, #tpu.memory_space<vmem>>)
      %dma_wait3A_289 = arith.constant 0 : i32
      %dma_wait3A_290 = arith.constant 0 : i32
      %dma_wait3A_291 = tpu.memref_slice %arg3[%dma_wait3A_289, %dma_wait3A_290] : memref<10240x128xf32, #tpu.memory_space<hbm>> -> memref<64x128xf32, #tpu.memory_space<hbm>>
      %dma_wait3A_292 = arith.constant 0 : i32
      %dma_wait3A_293 = arith.constant 0 : i32
      %dma_wait3A_294 = tpu.memref_slice %arg3[%dma_wait3A_292, %dma_wait3A_293] : memref<10240x128xf32, #tpu.memory_space<hbm>> -> memref<64x128xf32, #tpu.memory_space<hbm>>
      tpu.wait_dma2 semaphore(%arg25 : memref<!tpu.dma_semaphore, #tpu.memory_space<semaphore_mem>>) src(%dma_wait3A_294 : memref<64x128xf32, #tpu.memory_space<hbm>>) dst(%arg15 : memref<64x128xf32, #tpu.memory_space<vmem>>)
      %lt3A_295 = arith.constant 156 : i32
      %lt3A_296 = arith.cmpi slt, %scan3A_146, %lt3A_295 : i32
      %convert_element_type3A_297 = arith.extui %lt3A_296 : i1 to i32
      %cond3A_298 = arith.constant 0 : i32
      %cond3A_299 = arith.cmpi ne, %convert_element_type3A_297, %cond3A_298 : i32
      scf.if %cond3A_299 {
        %add3A_301 = arith.constant 2 : i32
        %add3A_302 = arith.addi %mul3A_149, %add3A_301 : i32
        %mul3A_303 = arith.constant 64 : i32
        %mul3A_304 = arith.muli %add3A_302, %mul3A_303 : i32
        %add3A_305 = arith.addi %mul3A_38, %mul3A_304 : i32
        %dma_start3A_306 = tpu.memref_slice %arg4[%add3A_305] : memref<321536xi32, #tpu.memory_space<hbm>> -> memref<64xi32, #tpu.memory_space<hbm>>
        %dma_start3A_307 = tpu.memref_slice %arg4[%add3A_305] : memref<321536xi32, #tpu.memory_space<hbm>> -> memref<64xi32, #tpu.memory_space<hbm>>
        tpu.enqueue_dma source(%dma_start3A_307 : memref<64xi32, #tpu.memory_space<hbm>>) target(%arg8 : memref<64xi32, #tpu.memory_space<vmem>>) target_semaphore(%arg28 : memref<!tpu.dma_semaphore, #tpu.memory_space<semaphore_mem>>)
        %dma_start3A_308 = tpu.memref_slice %arg5[%add3A_305] : memref<321536xi32, #tpu.memory_space<hbm>> -> memref<64xi32, #tpu.memory_space<hbm>>
        %dma_start3A_309 = tpu.memref_slice %arg5[%add3A_305] : memref<321536xi32, #tpu.memory_space<hbm>> -> memref<64xi32, #tpu.memory_space<hbm>>
        tpu.enqueue_dma source(%dma_start3A_309 : memref<64xi32, #tpu.memory_space<hbm>>) target(%arg9 : memref<64xi32, #tpu.memory_space<vmem>>) target_semaphore(%arg29 : memref<!tpu.dma_semaphore, #tpu.memory_space<semaphore_mem>>)
        %dma_wait3A_310 = arith.constant 0 : i32
        %dma_wait3A_311 = tpu.memref_slice %arg4[%dma_wait3A_310] : memref<321536xi32, #tpu.memory_space<hbm>> -> memref<64xi32, #tpu.memory_space<hbm>>
        %dma_wait3A_312 = arith.constant 0 : i32
        %dma_wait3A_313 = tpu.memref_slice %arg4[%dma_wait3A_312] : memref<321536xi32, #tpu.memory_space<hbm>> -> memref<64xi32, #tpu.memory_space<hbm>>
        tpu.wait_dma2 semaphore(%arg28 : memref<!tpu.dma_semaphore, #tpu.memory_space<semaphore_mem>>) src(%dma_wait3A_313 : memref<64xi32, #tpu.memory_space<hbm>>) dst(%arg8 : memref<64xi32, #tpu.memory_space<vmem>>)
        %dma_wait3A_314 = arith.constant 0 : i32
        %dma_wait3A_315 = tpu.memref_slice %arg5[%dma_wait3A_314] : memref<321536xi32, #tpu.memory_space<hbm>> -> memref<64xi32, #tpu.memory_space<hbm>>
        %dma_wait3A_316 = arith.constant 0 : i32
        %dma_wait3A_317 = tpu.memref_slice %arg5[%dma_wait3A_316] : memref<321536xi32, #tpu.memory_space<hbm>> -> memref<64xi32, #tpu.memory_space<hbm>>
        tpu.wait_dma2 semaphore(%arg29 : memref<!tpu.dma_semaphore, #tpu.memory_space<semaphore_mem>>) src(%dma_wait3A_317 : memref<64xi32, #tpu.memory_space<hbm>>) dst(%arg9 : memref<64xi32, #tpu.memory_space<vmem>>)
        %get3A_318 = arith.constant 0 : index
        %get3A_319 = tpu.vector_load %arg9[%get3A_318] {strides = array<i32>} : memref<64xi32, #tpu.memory_space<vmem>>, vector<16xi32>,
        %get3A_320 = vector.shape_cast %get3A_319 : vector<16xi32> to vector<16xi32>
        %ge3A_321 = vector.broadcast %mul3A_0 : i32 to vector<16xi32>
        %ge3A_322 = arith.cmpi sge, %get3A_320, %ge3A_321 : vector<16xi32>
        %add3A_323 = arith.constant 5120 : i32
        %add3A_324 = arith.addi %mul3A_0, %add3A_323 : i32
        %lt3A_325 = vector.broadcast %add3A_324 : i32 to vector<16xi32>
        %lt3A_326 = arith.cmpi slt, %get3A_320, %lt3A_325 : vector<16xi32>
        %and3A_327 = arith.andi %ge3A_322, %lt3A_326 : vector<16xi1>
        %sub3A_328 = vector.broadcast %mul3A_0 : i32 to vector<16xi32>
        %sub3A_329 = arith.subi %get3A_320, %sub3A_328 : vector<16xi32>
        %broadcast_in_dim3A_330 = vector.broadcast %add3A_1 : i32 to vector<16xi32>
        %select_n3A_331 = arith.select %and3A_327, %sub3A_329, %broadcast_in_dim3A_330 : vector<16xi1>, vector<16xi32>
        %swap3A_332 = arith.constant 0 : index
        %swap3A_333 = tpu.vector_load %arg10[%swap3A_332] {strides = array<i32>} : memref<64xi32, #tpu.memory_space<vmem>>, vector<16xi32>,
        %swap3A_334 = vector.shape_cast %swap3A_333 : vector<16xi32> to vector<16xi32>
        %swap3A_335 = vector.shape_cast %select_n3A_331 : vector<16xi32> to vector<16xi32>
        tpu.vector_store %arg10[%swap3A_332], %swap3A_335 {strides = array<i32>} : memref<64xi32, #tpu.memory_space<vmem>>, vector<16xi32>,
        %get3A_336 = arith.constant 16 : index
        %get3A_337 = tpu.vector_load %arg9[%get3A_336] {strides = array<i32>} : memref<64xi32, #tpu.memory_space<vmem>>, vector<16xi32>,
        %get3A_338 = vector.shape_cast %get3A_337 : vector<16xi32> to vector<16xi32>
        %ge3A_339 = vector.broadcast %mul3A_0 : i32 to vector<16xi32>
        %ge3A_340 = arith.cmpi sge, %get3A_338, %ge3A_339 : vector<16xi32>
        %add3A_341 = arith.constant 5120 : i32
        %add3A_342 = arith.addi %mul3A_0, %add3A_341 : i32
        %lt3A_343 = vector.broadcast %add3A_342 : i32 to vector<16xi32>
        %lt3A_344 = arith.cmpi slt, %get3A_338, %lt3A_343 : vector<16xi32>
        %and3A_345 = arith.andi %ge3A_340, %lt3A_344 : vector<16xi1>
        %sub3A_346 = vector.broadcast %mul3A_0 : i32 to vector<16xi32>
        %sub3A_347 = arith.subi %get3A_338, %sub3A_346 : vector<16xi32>
        %broadcast_in_dim3A_348 = vector.broadcast %add3A_1 : i32 to vector<16xi32>
        %select_n3A_349 = arith.select %and3A_345, %sub3A_347, %broadcast_in_dim3A_348 : vector<16xi1>, vector<16xi32>
        %swap3A_350 = arith.constant 16 : index
        %swap3A_351 = tpu.vector_load %arg10[%swap3A_350] {strides = array<i32>} : memref<64xi32, #tpu.memory_space<vmem>>, vector<16xi32>,
        %swap3A_352 = vector.shape_cast %swap3A_351 : vector<16xi32> to vector<16xi32>
        %swap3A_353 = vector.shape_cast %select_n3A_349 : vector<16xi32> to vector<16xi32>
        tpu.vector_store %arg10[%swap3A_350], %swap3A_353 {strides = array<i32>} : memref<64xi32, #tpu.memory_space<vmem>>, vector<16xi32>,
        %get3A_354 = arith.constant 32 : index
        %get3A_355 = tpu.vector_load %arg9[%get3A_354] {strides = array<i32>} : memref<64xi32, #tpu.memory_space<vmem>>, vector<16xi32>,
        %get3A_356 = vector.shape_cast %get3A_355 : vector<16xi32> to vector<16xi32>
        %ge3A_357 = vector.broadcast %mul3A_0 : i32 to vector<16xi32>
        %ge3A_358 = arith.cmpi sge, %get3A_356, %ge3A_357 : vector<16xi32>
        %add3A_359 = arith.constant 5120 : i32
        %add3A_360 = arith.addi %mul3A_0, %add3A_359 : i32
        %lt3A_361 = vector.broadcast %add3A_360 : i32 to vector<16xi32>
        %lt3A_362 = arith.cmpi slt, %get3A_356, %lt3A_361 : vector<16xi32>
        %and3A_363 = arith.andi %ge3A_358, %lt3A_362 : vector<16xi1>
        %sub3A_364 = vector.broadcast %mul3A_0 : i32 to vector<16xi32>
        %sub3A_365 = arith.subi %get3A_356, %sub3A_364 : vector<16xi32>
        %broadcast_in_dim3A_366 = vector.broadcast %add3A_1 : i32 to vector<16xi32>
        %select_n3A_367 = arith.select %and3A_363, %sub3A_365, %broadcast_in_dim3A_366 : vector<16xi1>, vector<16xi32>
        %swap3A_368 = arith.constant 32 : index
        %swap3A_369 = tpu.vector_load %arg10[%swap3A_368] {strides = array<i32>} : memref<64xi32, #tpu.memory_space<vmem>>, vector<16xi32>,
        %swap3A_370 = vector.shape_cast %swap3A_369 : vector<16xi32> to vector<16xi32>
        %swap3A_371 = vector.shape_cast %select_n3A_367 : vector<16xi32> to vector<16xi32>
        tpu.vector_store %arg10[%swap3A_368], %swap3A_371 {strides = array<i32>} : memref<64xi32, #tpu.memory_space<vmem>>, vector<16xi32>,
        %get3A_372 = arith.constant 48 : index
        %get3A_373 = tpu.vector_load %arg9[%get3A_372] {strides = array<i32>} : memref<64xi32, #tpu.memory_space<vmem>>, vector<16xi32>,
        %get3A_374 = vector.shape_cast %get3A_373 : vector<16xi32> to vector<16xi32>
        %ge3A_375 = vector.broadcast %mul3A_0 : i32 to vector<16xi32>
        %ge3A_376 = arith.cmpi sge, %get3A_374, %ge3A_375 : vector<16xi32>
        %add3A_377 = arith.constant 5120 : i32
        %add3A_378 = arith.addi %mul3A_0, %add3A_377 : i32
        %lt3A_379 = vector.broadcast %add3A_378 : i32 to vector<16xi32>
        %lt3A_380 = arith.cmpi slt, %get3A_374, %lt3A_379 : vector<16xi32>
        %and3A_381 = arith.andi %ge3A_376, %lt3A_380 : vector<16xi1>
        %sub3A_382 = vector.broadcast %mul3A_0 : i32 to vector<16xi32>
        %sub3A_383 = arith.subi %get3A_374, %sub3A_382 : vector<16xi32>
        %broadcast_in_dim3A_384 = vector.broadcast %add3A_1 : i32 to vector<16xi32>
        %select_n3A_385 = arith.select %and3A_381, %sub3A_383, %broadcast_in_dim3A_384 : vector<16xi1>, vector<16xi32>
        %swap3A_386 = arith.constant 48 : index
        %swap3A_387 = tpu.vector_load %arg10[%swap3A_386] {strides = array<i32>} : memref<64xi32, #tpu.memory_space<vmem>>, vector<16xi32>,
        %swap3A_388 = vector.shape_cast %swap3A_387 : vector<16xi32> to vector<16xi32>
        %swap3A_389 = vector.shape_cast %select_n3A_385 : vector<16xi32> to vector<16xi32>
        tpu.vector_store %arg10[%swap3A_386], %swap3A_389 {strides = array<i32>} : memref<64xi32, #tpu.memory_space<vmem>>, vector<16xi32>,
        %dma_start3A_390 = arith.constant 0 : i32
        %dma_start3A_391 = arith.constant 0 : i32
        %dma_start3A_392 = tpu.memref_slice %arg2[%dma_start3A_390, %dma_start3A_391] : memref<10240x128xf32, #tpu.memory_space<hbm>> -> memref<10240x128xf32, #tpu.memory_space<hbm>>
        tpu.enqueue_indirect_dma source(%dma_start3A_392 : memref<10240x128xf32, #tpu.memory_space<hbm>>) target(%arg14 : memref<64x128xf32, #tpu.memory_space<vmem>>) offsets(%arg8 : memref<64xi32, #tpu.memory_space<vmem>>) semaphore(%arg20 : memref<!tpu.dma_semaphore, #tpu.memory_space<semaphore_mem>>)
        %dma_start3A_393 = arith.constant 0 : i32
        %dma_start3A_394 = arith.constant 0 : i32
        %dma_start3A_395 = tpu.memref_slice %arg3[%dma_start3A_393, %dma_start3A_394] : memref<10240x128xf32, #tpu.memory_space<hbm>> -> memref<10240x128xf32, #tpu.memory_space<hbm>>
        tpu.enqueue_indirect_dma source(%dma_start3A_395 : memref<10240x128xf32, #tpu.memory_space<hbm>>) target(%arg15 : memref<64x128xf32, #tpu.memory_space<vmem>>) offsets(%arg8 : memref<64xi32, #tpu.memory_space<vmem>>) semaphore(%arg21 : memref<!tpu.dma_semaphore, #tpu.memory_space<semaphore_mem>>)
      } else {
      }
      %scan3A_300 = arith.constant 0 : i32
      scf.yield %scan3A_300 : i32
    }
    %scan3A_128 = arith.constant 157 : i32
    %dma_wait3A_129 = arith.constant 0 : i32
    %dma_wait3A_130 = arith.constant 0 : i32
    %dma_wait3A_131 = tpu.memref_slice %arg2[%dma_wait3A_129, %dma_wait3A_130] : memref<10240x128xf32, #tpu.memory_space<hbm>> -> memref<64x128xf32, #tpu.memory_space<hbm>>
    %dma_wait3A_132 = arith.constant 0 : i32
    %dma_wait3A_133 = arith.constant 0 : i32
    %dma_wait3A_134 = tpu.memref_slice %arg2[%dma_wait3A_132, %dma_wait3A_133] : memref<10240x128xf32, #tpu.memory_space<hbm>> -> memref<64x128xf32, #tpu.memory_space<hbm>>
    tpu.wait_dma2 semaphore(%arg26 : memref<!tpu.dma_semaphore, #tpu.memory_space<semaphore_mem>>) src(%dma_wait3A_134 : memref<64x128xf32, #tpu.memory_space<hbm>>) dst(%arg16 : memref<64x128xf32, #tpu.memory_space<vmem>>)
    %dma_wait3A_135 = arith.constant 0 : i32
    %dma_wait3A_136 = arith.constant 0 : i32
    %dma_wait3A_137 = tpu.memref_slice %arg3[%dma_wait3A_135, %dma_wait3A_136] : memref<10240x128xf32, #tpu.memory_space<hbm>> -> memref<64x128xf32, #tpu.memory_space<hbm>>
    %dma_wait3A_138 = arith.constant 0 : i32
    %dma_wait3A_139 = arith.constant 0 : i32
    %dma_wait3A_140 = tpu.memref_slice %arg3[%dma_wait3A_138, %dma_wait3A_139] : memref<10240x128xf32, #tpu.memory_space<hbm>> -> memref<64x128xf32, #tpu.memory_space<hbm>>
    tpu.wait_dma2 semaphore(%arg27 : memref<!tpu.dma_semaphore, #tpu.memory_space<semaphore_mem>>) src(%dma_wait3A_140 : memref<64x128xf32, #tpu.memory_space<hbm>>) dst(%arg17 : memref<64x128xf32, #tpu.memory_space<vmem>>)
    %barrier3A_141 = arith.constant 0 : index
    tpu.barrier barrier_id(%barrier3A_141)
    %mul3A_142 = arith.constant 320 : i32
    %mul3A_143 = arith.muli %arg1, %mul3A_142 : i32
    %add3A_144 = arith.addi %mul3A_0, %mul3A_143 : i32
    "tpu.region"() ({
      %run_scoped3A = tpu.sem_alloc : memref<!tpu.dma_semaphore, #tpu.memory_space<semaphore_mem>>
      %dma_start3A_146 = arith.constant 0 : i32
      %dma_start3A_147 = tpu.memref_slice %arg6[%add3A_144, %dma_start3A_146] : memref<10240x128xf32, #tpu.memory_space<hbm>> -> memref<320x128xf32, #tpu.memory_space<hbm>>
      %dma_start3A_148 = arith.constant 0 : i32
      %dma_start3A_149 = tpu.memref_slice %arg18[%mul3A_143, %dma_start3A_148] : memref<5248x128xf32, #tpu.memory_space<vmem_shared>> -> memref<320x128xf32, #tpu.memory_space<vmem_shared>>
      tpu.enqueue_dma source(%dma_start3A_149 : memref<320x128xf32, #tpu.memory_space<vmem_shared>>) target(%dma_start3A_147 : memref<320x128xf32, #tpu.memory_space<hbm>>) target_semaphore(%run_scoped3A : memref<!tpu.dma_semaphore, #tpu.memory_space<semaphore_mem>>)
      %dma_wait3A_150 = arith.constant 0 : i32
      %dma_wait3A_151 = tpu.memref_slice %arg6[%add3A_144, %dma_wait3A_150] : memref<10240x128xf32, #tpu.memory_space<hbm>> -> memref<320x128xf32, #tpu.memory_space<hbm>>
      %dma_wait3A_152 = arith.constant 0 : i32
      %dma_wait3A_153 = tpu.memref_slice %arg18[%mul3A_143, %dma_wait3A_152] : memref<5248x128xf32, #tpu.memory_space<vmem_shared>> -> memref<320x128xf32, #tpu.memory_space<vmem_shared>>
      tpu.wait_dma2 semaphore(%run_scoped3A : memref<!tpu.dma_semaphore, #tpu.memory_space<semaphore_mem>>) src(%dma_wait3A_153 : memref<320x128xf32, #tpu.memory_space<vmem_shared>>) dst(%dma_wait3A_151 : memref<320x128xf32, #tpu.memory_space<hbm>>)
      tpu.yield
    }) : () -> ()
    %add3A_145 = arith.addi %mul3A_0, %mul3A_143 : i32
    "tpu.region"() ({
      %run_scoped3A = tpu.sem_alloc : memref<!tpu.dma_semaphore, #tpu.memory_space<semaphore_mem>>
      %dma_start3A_146 = arith.constant 0 : i32
      %dma_start3A_147 = tpu.memref_slice %arg7[%add3A_145, %dma_start3A_146] : memref<10240x128xf32, #tpu.memory_space<hbm>> -> memref<320x128xf32, #tpu.memory_space<hbm>>
      %dma_start3A_148 = arith.constant 0 : i32
      %dma_start3A_149 = tpu.memref_slice %arg19[%mul3A_143, %dma_start3A_148] : memref<5248x128xf32, #tpu.memory_space<vmem_shared>> -> memref<320x128xf32, #tpu.memory_space<vmem_shared>>
      tpu.enqueue_dma source(%dma_start3A_149 : memref<320x128xf32, #tpu.memory_space<vmem_shared>>) target(%dma_start3A_147 : memref<320x128xf32, #tpu.memory_space<hbm>>) target_semaphore(%run_scoped3A : memref<!tpu.dma_semaphore, #tpu.memory_space<semaphore_mem>>)
      %dma_wait3A_150 = arith.constant 0 : i32
      %dma_wait3A_151 = tpu.memref_slice %arg7[%add3A_145, %dma_wait3A_150] : memref<10240x128xf32, #tpu.memory_space<hbm>> -> memref<320x128xf32, #tpu.memory_space<hbm>>
      %dma_wait3A_152 = arith.constant 0 : i32
      %dma_wait3A_153 = tpu.memref_slice %arg19[%mul3A_143, %dma_wait3A_152] : memref<5248x128xf32, #tpu.memory_space<vmem_shared>> -> memref<320x128xf32, #tpu.memory_space<vmem_shared>>
      tpu.wait_dma2 semaphore(%run_scoped3A : memref<!tpu.dma_semaphore, #tpu.memory_space<semaphore_mem>>) src(%dma_wait3A_153 : memref<320x128xf32, #tpu.memory_space<vmem_shared>>) dst(%dma_wait3A_151 : memref<320x128xf32, #tpu.memory_space<hbm>>)
      tpu.yield
    }) : () -> ()
    return
  }
}

module attributes {stable_mosaic.version = 14 : i64} {
  func.func @_proj0_body(%arg0: i32, %arg1: memref<256x256xf32, #tpu.memory_space<vmem>>, %arg2: memref<256x256xf32, #tpu.memory_space<vmem>>, %arg3: memref<256x256xf32, #tpu.memory_space<vmem>>, %arg4: memref<1x256xf32, #tpu.memory_space<vmem>>, %arg5: memref<256x256xf32, #tpu.memory_space<vmem>>, %arg6: memref<256x128xf32, #tpu.memory_space<vmem>>, %arg7: memref<256x128xf32, #tpu.memory_space<vmem>>) attributes {dimension_semantics = [#tpu.dimension_semantics<arbitrary>], iteration_bounds = array<i64: 40>, scalar_prefetch = 0 : i64, scratch_operands = 0 : i64, tpu.core_type = #tpu.core_type<tc>, window_params = [{transform_indices = @transform_0, window_bounds = array<i64: 256, 256>}, {pipeline_mode = #tpu.pipeline_mode<synchronous>, transform_indices = @transform_1, window_bounds = array<i64: 256, 256>}, {pipeline_mode = #tpu.pipeline_mode<synchronous>, transform_indices = @transform_2, window_bounds = array<i64: 256, 256>}, {pipeline_mode = #tpu.pipeline_mode<synchronous>, transform_indices = @transform_3, window_bounds = array<i64: 1, 256>}, {transform_indices = @transform_4, window_bounds = array<i64: 256, 256>}, {transform_indices = @transform_5, window_bounds = array<i64: 256, 128>}, {transform_indices = @transform_6, window_bounds = array<i64: 256, 128>}]} {
    %get3A = arith.constant 0 : index
    %get3A_0 = arith.constant 0 : index
    %get3A_1 = vector.load %arg1[%get3A, %get3A_0] : memref<256x256xf32, #tpu.memory_space<vmem>>, vector<256x256xf32>
    %get3A_2 = arith.constant 0 : index
    %get3A_3 = arith.constant 0 : index
    %get3A_4 = vector.load %arg2[%get3A_2, %get3A_3] : memref<256x256xf32, #tpu.memory_space<vmem>>, vector<256x256xf32>
    %dot_general3A = arith.constant dense<0.000000e+00> : vector<256x256xf32>
    %dot_general3A_5 = tpu.matmul %get3A_1, %get3A_4, %dot_general3A {dimension_numbers = #tpu.dot_dimension_numbers<[1], [0], [0], [1], [0, 0, 1, 1], [], []>, transpose_lhs_hint = false} : vector<256x256xf32>, vector<256x256xf32>, vector<256x256xf32> -> vector<256x256xf32>
    %get3A_6 = arith.constant 0 : index
    %get3A_7 = arith.constant 0 : index
    %get3A_8 = vector.load %arg4[%get3A_6, %get3A_7] : memref<1x256xf32, #tpu.memory_space<vmem>>, vector<1x256xf32>
    %add3A = vector.broadcast %get3A_8 : vector<1x256xf32> to vector<256x256xf32>
    %add3A_9 = arith.addf %dot_general3A_5, %add3A : vector<256x256xf32>
    %swap3A = arith.constant 0 : index
    %swap3A_10 = arith.constant 0 : index
    %swap3A_11 = vector.load %arg5[%swap3A, %swap3A_10] : memref<256x256xf32, #tpu.memory_space<vmem>>, vector<256x256xf32>
    tpu.vector_store %arg5[%swap3A, %swap3A_10], %add3A_9 {strides = array<i32>} : memref<256x256xf32, #tpu.memory_space<vmem>>, vector<256x256xf32>,
    %get3A_12 = arith.constant 0 : index
    %get3A_13 = arith.constant 0 : index
    %get3A_14 = vector.load %arg3[%get3A_12, %get3A_13] : memref<256x256xf32, #tpu.memory_space<vmem>>, vector<256x256xf32>
    %dot_general3A_15 = arith.constant dense<0.000000e+00> : vector<256x256xf32>
    %dot_general3A_16 = tpu.matmul %get3A_1, %get3A_14, %dot_general3A_15 {dimension_numbers = #tpu.dot_dimension_numbers<[1], [0], [0], [1], [0, 0, 1, 1], [], []>, transpose_lhs_hint = false} : vector<256x256xf32>, vector<256x256xf32>, vector<256x256xf32> -> vector<256x256xf32>
    %slice3A = vector.extract_strided_slice %dot_general3A_16 {offsets = [0, 0], sizes = [256, 128], strides = [1, 1]} : vector<256x256xf32> to vector<256x128xf32>
    %swap3A_17 = arith.constant 0 : index
    %swap3A_18 = arith.constant 0 : index
    %swap3A_19 = vector.load %arg6[%swap3A_17, %swap3A_18] : memref<256x128xf32, #tpu.memory_space<vmem>>, vector<256x128xf32>
    tpu.vector_store %arg6[%swap3A_17, %swap3A_18], %slice3A {strides = array<i32>} : memref<256x128xf32, #tpu.memory_space<vmem>>, vector<256x128xf32>,
    %slice3A_20 = vector.extract_strided_slice %dot_general3A_16 {offsets = [0, 128], sizes = [256, 128], strides = [1, 1]} : vector<256x256xf32> to vector<256x128xf32>
    %swap3A_21 = arith.constant 0 : index
    %swap3A_22 = arith.constant 0 : index
    %swap3A_23 = vector.load %arg7[%swap3A_21, %swap3A_22] : memref<256x128xf32, #tpu.memory_space<vmem>>, vector<256x128xf32>
    tpu.vector_store %arg7[%swap3A_21, %swap3A_22], %slice3A_20 {strides = array<i32>} : memref<256x128xf32, #tpu.memory_space<vmem>>, vector<256x128xf32>,
    return
  }
  func.func @transform_0(%arg0: i32) -> (i32, i32) {
    %c0_i32 = arith.constant 0 : i32
    %c0_i32_0 = arith.constant 0 : i32
    return %arg0, %c0_i32 : i32, i32
  }
  func.func @transform_1(%arg0: i32) -> (i32, i32) {
    %c0_i32 = arith.constant 0 : i32
    %c0_i32_0 = arith.constant 0 : i32
    %c0_i32_1 = arith.constant 0 : i32
    return %c0_i32, %c0_i32_0 : i32, i32
  }
  func.func @transform_2(%arg0: i32) -> (i32, i32) {
    %c0_i32 = arith.constant 0 : i32
    %c0_i32_0 = arith.constant 0 : i32
    %c0_i32_1 = arith.constant 0 : i32
    return %c0_i32, %c0_i32_0 : i32, i32
  }
  func.func @transform_3(%arg0: i32) -> (i32, i32) {
    %c0_i32 = arith.constant 0 : i32
    %c0_i32_0 = arith.constant 0 : i32
    %c0_i32_1 = arith.constant 0 : i32
    return %c0_i32, %c0_i32_0 : i32, i32
  }
  func.func @transform_4(%arg0: i32) -> (i32, i32) {
    %c0_i32 = arith.constant 0 : i32
    %c0_i32_0 = arith.constant 0 : i32
    return %arg0, %c0_i32 : i32, i32
  }
  func.func @transform_5(%arg0: i32) -> (i32, i32) {
    %c0_i32 = arith.constant 0 : i32
    %c0_i32_0 = arith.constant 0 : i32
    return %arg0, %c0_i32 : i32, i32
  }
  func.func @transform_6(%arg0: i32) -> (i32, i32) {
    %c0_i32 = arith.constant 0 : i32
    %c0_i32_0 = arith.constant 0 : i32
    return %arg0, %c0_i32 : i32, i32
  }
}

module attributes {stable_mosaic.version = 14 : i64} {
  func.func @_combine_body(%arg0: i32, %arg1: memref<256x256xf32, #tpu.memory_space<vmem>>, %arg2: memref<256x128xf32, #tpu.memory_space<vmem>>, %arg3: memref<256x128xf32, #tpu.memory_space<vmem>>, %arg4: memref<256x1xf32, #tpu.memory_space<vmem>>, %arg5: memref<256x256xf32, #tpu.memory_space<vmem>>, %arg6: memref<256x256xf32, #tpu.memory_space<vmem>>, %arg7: memref<1x256xf32, #tpu.memory_space<vmem>>, %arg8: memref<256x256xf32, #tpu.memory_space<vmem>>, %arg9: memref<256x128xf32, #tpu.memory_space<vmem>>, %arg10: memref<256x128xf32, #tpu.memory_space<vmem>>) attributes {dimension_semantics = [#tpu.dimension_semantics<arbitrary>], iteration_bounds = array<i64: 40>, scalar_prefetch = 0 : i64, scratch_operands = 0 : i64, tpu.core_type = #tpu.core_type<tc>, window_params = [{transform_indices = @transform_0, window_bounds = array<i64: 256, 256>}, {transform_indices = @transform_1, window_bounds = array<i64: 256, 128>}, {transform_indices = @transform_2, window_bounds = array<i64: 256, 128>}, {transform_indices = @transform_3, window_bounds = array<i64: 256, 1>}, {pipeline_mode = #tpu.pipeline_mode<synchronous>, transform_indices = @transform_4, window_bounds = array<i64: 256, 256>}, {pipeline_mode = #tpu.pipeline_mode<synchronous>, transform_indices = @transform_5, window_bounds = array<i64: 256, 256>}, {pipeline_mode = #tpu.pipeline_mode<synchronous>, transform_indices = @transform_6, window_bounds = array<i64: 1, 256>}, {transform_indices = @transform_7, window_bounds = array<i64: 256, 256>}, {transform_indices = @transform_8, window_bounds = array<i64: 256, 128>}, {transform_indices = @transform_9, window_bounds = array<i64: 256, 128>}]} {
    %get3A = arith.constant 0 : index
    %get3A_0 = arith.constant 0 : index
    %get3A_1 = vector.load %arg4[%get3A, %get3A_0] : memref<256x1xf32, #tpu.memory_space<vmem>>, vector<256x1xf32>
    %max3A = arith.constant 1.000000e+00 : f32
    %max3A_2 = vector.broadcast %max3A : f32 to vector<256x1xf32>
    %max3A_3 = arith.maximumf %get3A_1, %max3A_2 : vector<256x1xf32>
    %div3A = arith.constant 1.000000e+00 : f32
    %div3A_4 = vector.broadcast %div3A : f32 to vector<256x1xf32>
    %div3A_5 = arith.divf %div3A_4, %max3A_3 : vector<256x1xf32>
    %get3A_6 = arith.constant 0 : index
    %get3A_7 = arith.constant 0 : index
    %get3A_8 = vector.load %arg2[%get3A_6, %get3A_7] : memref<256x128xf32, #tpu.memory_space<vmem>>, vector<256x128xf32>
    %get3A_9 = arith.constant 0 : index
    %get3A_10 = arith.constant 0 : index
    %get3A_11 = vector.load %arg3[%get3A_9, %get3A_10] : memref<256x128xf32, #tpu.memory_space<vmem>>, vector<256x128xf32>
    %concatenate3A = tpu.concatenate %get3A_8, %get3A_11 in 1 : vector<256x128xf32>, vector<256x128xf32> -> vector<256x256xf32>
    %get3A_12 = arith.constant 0 : index
    %get3A_13 = arith.constant 0 : index
    %get3A_14 = vector.load %arg1[%get3A_12, %get3A_13] : memref<256x256xf32, #tpu.memory_space<vmem>>, vector<256x256xf32>
    %mul3A = vector.broadcast %div3A_5 : vector<256x1xf32> to vector<256x256xf32>
    %mul3A_15 = arith.mulf %concatenate3A, %mul3A : vector<256x256xf32>
    %add3A = arith.addf %get3A_14, %mul3A_15 : vector<256x256xf32>
    %max3A_16 = arith.constant 0.000000e+00 : f32
    %max3A_17 = vector.broadcast %max3A_16 : f32 to vector<256x256xf32>
    %max3A_18 = arith.maximumf %add3A, %max3A_17 : vector<256x256xf32>
    %get3A_19 = arith.constant 0 : index
    %get3A_20 = arith.constant 0 : index
    %get3A_21 = vector.load %arg5[%get3A_19, %get3A_20] : memref<256x256xf32, #tpu.memory_space<vmem>>, vector<256x256xf32>
    %dot_general3A = arith.constant dense<0.000000e+00> : vector<256x256xf32>
    %dot_general3A_22 = tpu.matmul %max3A_18, %get3A_21, %dot_general3A {dimension_numbers = #tpu.dot_dimension_numbers<[1], [0], [0], [1], [0, 0, 1, 1], [], []>, transpose_lhs_hint = false} : vector<256x256xf32>, vector<256x256xf32>, vector<256x256xf32> -> vector<256x256xf32>
    %get3A_23 = arith.constant 0 : index
    %get3A_24 = arith.constant 0 : index
    %get3A_25 = vector.load %arg7[%get3A_23, %get3A_24] : memref<1x256xf32, #tpu.memory_space<vmem>>, vector<1x256xf32>
    %add3A_26 = vector.broadcast %get3A_25 : vector<1x256xf32> to vector<256x256xf32>
    %add3A_27 = arith.addf %dot_general3A_22, %add3A_26 : vector<256x256xf32>
    %swap3A = arith.constant 0 : index
    %swap3A_28 = arith.constant 0 : index
    %swap3A_29 = vector.load %arg8[%swap3A, %swap3A_28] : memref<256x256xf32, #tpu.memory_space<vmem>>, vector<256x256xf32>
    tpu.vector_store %arg8[%swap3A, %swap3A_28], %add3A_27 {strides = array<i32>} : memref<256x256xf32, #tpu.memory_space<vmem>>, vector<256x256xf32>,
    %get3A_30 = arith.constant 0 : index
    %get3A_31 = arith.constant 0 : index
    %get3A_32 = vector.load %arg6[%get3A_30, %get3A_31] : memref<256x256xf32, #tpu.memory_space<vmem>>, vector<256x256xf32>
    %dot_general3A_33 = arith.constant dense<0.000000e+00> : vector<256x256xf32>
    %dot_general3A_34 = tpu.matmul %max3A_18, %get3A_32, %dot_general3A_33 {dimension_numbers = #tpu.dot_dimension_numbers<[1], [0], [0], [1], [0, 0, 1, 1], [], []>, transpose_lhs_hint = false} : vector<256x256xf32>, vector<256x256xf32>, vector<256x256xf32> -> vector<256x256xf32>
    %slice3A = vector.extract_strided_slice %dot_general3A_34 {offsets = [0, 0], sizes = [256, 128], strides = [1, 1]} : vector<256x256xf32> to vector<256x128xf32>
    %swap3A_35 = arith.constant 0 : index
    %swap3A_36 = arith.constant 0 : index
    %swap3A_37 = vector.load %arg9[%swap3A_35, %swap3A_36] : memref<256x128xf32, #tpu.memory_space<vmem>>, vector<256x128xf32>
    tpu.vector_store %arg9[%swap3A_35, %swap3A_36], %slice3A {strides = array<i32>} : memref<256x128xf32, #tpu.memory_space<vmem>>, vector<256x128xf32>,
    %slice3A_38 = vector.extract_strided_slice %dot_general3A_34 {offsets = [0, 128], sizes = [256, 128], strides = [1, 1]} : vector<256x256xf32> to vector<256x128xf32>
    %swap3A_39 = arith.constant 0 : index
    %swap3A_40 = arith.constant 0 : index
    %swap3A_41 = vector.load %arg10[%swap3A_39, %swap3A_40] : memref<256x128xf32, #tpu.memory_space<vmem>>, vector<256x128xf32>
    tpu.vector_store %arg10[%swap3A_39, %swap3A_40], %slice3A_38 {strides = array<i32>} : memref<256x128xf32, #tpu.memory_space<vmem>>, vector<256x128xf32>,
    return
  }
  func.func @transform_0(%arg0: i32) -> (i32, i32) {
    %c0_i32 = arith.constant 0 : i32
    %c0_i32_0 = arith.constant 0 : i32
    return %arg0, %c0_i32 : i32, i32
  }
  func.func @transform_1(%arg0: i32) -> (i32, i32) {
    %c0_i32 = arith.constant 0 : i32
    %c0_i32_0 = arith.constant 0 : i32
    return %arg0, %c0_i32 : i32, i32
  }
  func.func @transform_2(%arg0: i32) -> (i32, i32) {
    %c0_i32 = arith.constant 0 : i32
    %c0_i32_0 = arith.constant 0 : i32
    return %arg0, %c0_i32 : i32, i32
  }
  func.func @transform_3(%arg0: i32) -> (i32, i32) {
    %c0_i32 = arith.constant 0 : i32
    %c0_i32_0 = arith.constant 0 : i32
    return %arg0, %c0_i32 : i32, i32
  }
  func.func @transform_4(%arg0: i32) -> (i32, i32) {
    %c0_i32 = arith.constant 0 : i32
    %c0_i32_0 = arith.constant 0 : i32
    %c0_i32_1 = arith.constant 0 : i32
    return %c0_i32, %c0_i32_0 : i32, i32
  }
  func.func @transform_5(%arg0: i32) -> (i32, i32) {
    %c0_i32 = arith.constant 0 : i32
    %c0_i32_0 = arith.constant 0 : i32
    %c0_i32_1 = arith.constant 0 : i32
    return %c0_i32, %c0_i32_0 : i32, i32
  }
  func.func @transform_6(%arg0: i32) -> (i32, i32) {
    %c0_i32 = arith.constant 0 : i32
    %c0_i32_0 = arith.constant 0 : i32
    %c0_i32_1 = arith.constant 0 : i32
    return %c0_i32, %c0_i32_0 : i32, i32
  }
  func.func @transform_7(%arg0: i32) -> (i32, i32) {
    %c0_i32 = arith.constant 0 : i32
    %c0_i32_0 = arith.constant 0 : i32
    return %arg0, %c0_i32 : i32, i32
  }
  func.func @transform_8(%arg0: i32) -> (i32, i32) {
    %c0_i32 = arith.constant 0 : i32
    %c0_i32_0 = arith.constant 0 : i32
    return %arg0, %c0_i32 : i32, i32
  }
  func.func @transform_9(%arg0: i32) -> (i32, i32) {
    %c0_i32 = arith.constant 0 : i32
    %c0_i32_0 = arith.constant 0 : i32
    return %arg0, %c0_i32 : i32, i32
  }
}

module attributes {stable_mosaic.version = 14 : i64} {
  func.func @_combine_h_body(%arg0: i32, %arg1: memref<256x256xf32, #tpu.memory_space<vmem>>, %arg2: memref<256x128xf32, #tpu.memory_space<vmem>>, %arg3: memref<256x128xf32, #tpu.memory_space<vmem>>, %arg4: memref<256x1xf32, #tpu.memory_space<vmem>>, %arg5: memref<256x64xf32, #tpu.memory_space<vmem>>, %arg6: memref<1x64xf32, #tpu.memory_space<vmem>>, %arg7: memref<256x64xf32, #tpu.memory_space<vmem>>, %arg8: memref<256x128xf32, #tpu.memory_space<vmem>>, %arg9: memref<256x128xf32, #tpu.memory_space<vmem>>) attributes {dimension_semantics = [#tpu.dimension_semantics<arbitrary>], iteration_bounds = array<i64: 40>, scalar_prefetch = 0 : i64, scratch_operands = 0 : i64, tpu.core_type = #tpu.core_type<tc>, window_params = [{transform_indices = @transform_0, window_bounds = array<i64: 256, 256>}, {transform_indices = @transform_1, window_bounds = array<i64: 256, 128>}, {transform_indices = @transform_2, window_bounds = array<i64: 256, 128>}, {transform_indices = @transform_3, window_bounds = array<i64: 256, 1>}, {pipeline_mode = #tpu.pipeline_mode<synchronous>, transform_indices = @transform_4, window_bounds = array<i64: 256, 64>}, {pipeline_mode = #tpu.pipeline_mode<synchronous>, transform_indices = @transform_5, window_bounds = array<i64: 1, 64>}, {transform_indices = @transform_6, window_bounds = array<i64: 256, 64>}, {transform_indices = @transform_7, window_bounds = array<i64: 256, 128>}, {transform_indices = @transform_8, window_bounds = array<i64: 256, 128>}]} {
    %get3A = arith.constant 0 : index
    %get3A_0 = arith.constant 0 : index
    %get3A_1 = vector.load %arg4[%get3A, %get3A_0] : memref<256x1xf32, #tpu.memory_space<vmem>>, vector<256x1xf32>
    %max3A = arith.constant 1.000000e+00 : f32
    %max3A_2 = vector.broadcast %max3A : f32 to vector<256x1xf32>
    %max3A_3 = arith.maximumf %get3A_1, %max3A_2 : vector<256x1xf32>
    %div3A = arith.constant 1.000000e+00 : f32
    %div3A_4 = vector.broadcast %div3A : f32 to vector<256x1xf32>
    %div3A_5 = arith.divf %div3A_4, %max3A_3 : vector<256x1xf32>
    %get3A_6 = arith.constant 0 : index
    %get3A_7 = arith.constant 0 : index
    %get3A_8 = vector.load %arg2[%get3A_6, %get3A_7] : memref<256x128xf32, #tpu.memory_space<vmem>>, vector<256x128xf32>
    %get3A_9 = arith.constant 0 : index
    %get3A_10 = arith.constant 0 : index
    %get3A_11 = vector.load %arg3[%get3A_9, %get3A_10] : memref<256x128xf32, #tpu.memory_space<vmem>>, vector<256x128xf32>
    %concatenate3A = tpu.concatenate %get3A_8, %get3A_11 in 1 : vector<256x128xf32>, vector<256x128xf32> -> vector<256x256xf32>
    %get3A_12 = arith.constant 0 : index
    %get3A_13 = arith.constant 0 : index
    %get3A_14 = vector.load %arg1[%get3A_12, %get3A_13] : memref<256x256xf32, #tpu.memory_space<vmem>>, vector<256x256xf32>
    %mul3A = vector.broadcast %div3A_5 : vector<256x1xf32> to vector<256x256xf32>
    %mul3A_15 = arith.mulf %concatenate3A, %mul3A : vector<256x256xf32>
    %add3A = arith.addf %get3A_14, %mul3A_15 : vector<256x256xf32>
    %max3A_16 = arith.constant 0.000000e+00 : f32
    %max3A_17 = vector.broadcast %max3A_16 : f32 to vector<256x256xf32>
    %max3A_18 = arith.maximumf %add3A, %max3A_17 : vector<256x256xf32>
    %get3A_19 = arith.constant 0 : index
    %get3A_20 = arith.constant 0 : index
    %get3A_21 = vector.load %arg5[%get3A_19, %get3A_20] : memref<256x64xf32, #tpu.memory_space<vmem>>, vector<256x64xf32>
    %dot_general3A = arith.constant dense<0.000000e+00> : vector<256x64xf32>
    %dot_general3A_22 = tpu.matmul %max3A_18, %get3A_21, %dot_general3A {dimension_numbers = #tpu.dot_dimension_numbers<[1], [0], [0], [1], [0, 0, 1, 1], [], []>, transpose_lhs_hint = false} : vector<256x256xf32>, vector<256x64xf32>, vector<256x64xf32> -> vector<256x64xf32>
    %get3A_23 = arith.constant 0 : index
    %get3A_24 = arith.constant 0 : index
    %get3A_25 = vector.load %arg6[%get3A_23, %get3A_24] : memref<1x64xf32, #tpu.memory_space<vmem>>, vector<1x64xf32>
    %add3A_26 = vector.broadcast %get3A_25 : vector<1x64xf32> to vector<256x64xf32>
    %add3A_27 = arith.addf %dot_general3A_22, %add3A_26 : vector<256x64xf32>
    %swap3A = arith.constant 0 : index
    %swap3A_28 = arith.constant 0 : index
    %swap3A_29 = vector.load %arg7[%swap3A, %swap3A_28] : memref<256x64xf32, #tpu.memory_space<vmem>>, vector<256x64xf32>
    tpu.vector_store %arg7[%swap3A, %swap3A_28], %add3A_27 {strides = array<i32>} : memref<256x64xf32, #tpu.memory_space<vmem>>, vector<256x64xf32>,
    %slice3A = vector.extract_strided_slice %max3A_18 {offsets = [0, 0], sizes = [256, 128], strides = [1, 1]} : vector<256x256xf32> to vector<256x128xf32>
    %swap3A_30 = arith.constant 0 : index
    %swap3A_31 = arith.constant 0 : index
    %swap3A_32 = vector.load %arg8[%swap3A_30, %swap3A_31] : memref<256x128xf32, #tpu.memory_space<vmem>>, vector<256x128xf32>
    tpu.vector_store %arg8[%swap3A_30, %swap3A_31], %slice3A {strides = array<i32>} : memref<256x128xf32, #tpu.memory_space<vmem>>, vector<256x128xf32>,
    %slice3A_33 = vector.extract_strided_slice %max3A_18 {offsets = [0, 128], sizes = [256, 128], strides = [1, 1]} : vector<256x256xf32> to vector<256x128xf32>
    %swap3A_34 = arith.constant 0 : index
    %swap3A_35 = arith.constant 0 : index
    %swap3A_36 = vector.load %arg9[%swap3A_34, %swap3A_35] : memref<256x128xf32, #tpu.memory_space<vmem>>, vector<256x128xf32>
    tpu.vector_store %arg9[%swap3A_34, %swap3A_35], %slice3A_33 {strides = array<i32>} : memref<256x128xf32, #tpu.memory_space<vmem>>, vector<256x128xf32>,
    return
  }
  func.func @transform_0(%arg0: i32) -> (i32, i32) {
    %c0_i32 = arith.constant 0 : i32
    %c0_i32_0 = arith.constant 0 : i32
    return %arg0, %c0_i32 : i32, i32
  }
  func.func @transform_1(%arg0: i32) -> (i32, i32) {
    %c0_i32 = arith.constant 0 : i32
    %c0_i32_0 = arith.constant 0 : i32
    return %arg0, %c0_i32 : i32, i32
  }
  func.func @transform_2(%arg0: i32) -> (i32, i32) {
    %c0_i32 = arith.constant 0 : i32
    %c0_i32_0 = arith.constant 0 : i32
    return %arg0, %c0_i32 : i32, i32
  }
  func.func @transform_3(%arg0: i32) -> (i32, i32) {
    %c0_i32 = arith.constant 0 : i32
    %c0_i32_0 = arith.constant 0 : i32
    return %arg0, %c0_i32 : i32, i32
  }
  func.func @transform_4(%arg0: i32) -> (i32, i32) {
    %c0_i32 = arith.constant 0 : i32
    %c0_i32_0 = arith.constant 0 : i32
    %c0_i32_1 = arith.constant 0 : i32
    return %c0_i32, %c0_i32_0 : i32, i32
  }
  func.func @transform_5(%arg0: i32) -> (i32, i32) {
    %c0_i32 = arith.constant 0 : i32
    %c0_i32_0 = arith.constant 0 : i32
    %c0_i32_1 = arith.constant 0 : i32
    return %c0_i32, %c0_i32_0 : i32, i32
  }
  func.func @transform_6(%arg0: i32) -> (i32, i32) {
    %c0_i32 = arith.constant 0 : i32
    %c0_i32_0 = arith.constant 0 : i32
    return %arg0, %c0_i32 : i32, i32
  }
  func.func @transform_7(%arg0: i32) -> (i32, i32) {
    %c0_i32 = arith.constant 0 : i32
    %c0_i32_0 = arith.constant 0 : i32
    return %arg0, %c0_i32 : i32, i32
  }
  func.func @transform_8(%arg0: i32) -> (i32, i32) {
    %c0_i32 = arith.constant 0 : i32
    %c0_i32_0 = arith.constant 0 : i32
    return %arg0, %c0_i32 : i32, i32
  }
}

module attributes {stable_mosaic.version = 14 : i64} {
  func.func @_final_body(%arg0: i32, %arg1: memref<256x64xf32, #tpu.memory_space<vmem>>, %arg2: memref<256x128xf32, #tpu.memory_space<vmem>>, %arg3: memref<256x128xf32, #tpu.memory_space<vmem>>, %arg4: memref<256x1xf32, #tpu.memory_space<vmem>>, %arg5: memref<256x64xf32, #tpu.memory_space<vmem>>, %arg6: memref<256x64xf32, #tpu.memory_space<vmem>>) attributes {dimension_semantics = [#tpu.dimension_semantics<arbitrary>], iteration_bounds = array<i64: 40>, scalar_prefetch = 0 : i64, scratch_operands = 0 : i64, tpu.core_type = #tpu.core_type<tc>, window_params = [{transform_indices = @transform_0, window_bounds = array<i64: 256, 64>}, {transform_indices = @transform_1, window_bounds = array<i64: 256, 128>}, {transform_indices = @transform_2, window_bounds = array<i64: 256, 128>}, {transform_indices = @transform_3, window_bounds = array<i64: 256, 1>}, {pipeline_mode = #tpu.pipeline_mode<synchronous>, transform_indices = @transform_4, window_bounds = array<i64: 256, 64>}, {transform_indices = @transform_5, window_bounds = array<i64: 256, 64>}]} {
    %get3A = arith.constant 0 : index
    %get3A_0 = arith.constant 0 : index
    %get3A_1 = vector.load %arg4[%get3A, %get3A_0] : memref<256x1xf32, #tpu.memory_space<vmem>>, vector<256x1xf32>
    %max3A = arith.constant 1.000000e+00 : f32
    %max3A_2 = vector.broadcast %max3A : f32 to vector<256x1xf32>
    %max3A_3 = arith.maximumf %get3A_1, %max3A_2 : vector<256x1xf32>
    %div3A = arith.constant 1.000000e+00 : f32
    %div3A_4 = vector.broadcast %div3A : f32 to vector<256x1xf32>
    %div3A_5 = arith.divf %div3A_4, %max3A_3 : vector<256x1xf32>
    %get3A_6 = arith.constant 0 : index
    %get3A_7 = arith.constant 0 : index
    %get3A_8 = vector.load %arg2[%get3A_6, %get3A_7] : memref<256x128xf32, #tpu.memory_space<vmem>>, vector<256x128xf32>
    %get3A_9 = arith.constant 0 : index
    %get3A_10 = arith.constant 0 : index
    %get3A_11 = vector.load %arg3[%get3A_9, %get3A_10] : memref<256x128xf32, #tpu.memory_space<vmem>>, vector<256x128xf32>
    %concatenate3A = tpu.concatenate %get3A_8, %get3A_11 in 1 : vector<256x128xf32>, vector<256x128xf32> -> vector<256x256xf32>
    %get3A_12 = arith.constant 0 : index
    %get3A_13 = arith.constant 0 : index
    %get3A_14 = vector.load %arg1[%get3A_12, %get3A_13] : memref<256x64xf32, #tpu.memory_space<vmem>>, vector<256x64xf32>
    %mul3A = vector.broadcast %div3A_5 : vector<256x1xf32> to vector<256x256xf32>
    %mul3A_15 = arith.mulf %concatenate3A, %mul3A : vector<256x256xf32>
    %get3A_16 = arith.constant 0 : index
    %get3A_17 = arith.constant 0 : index
    %get3A_18 = vector.load %arg5[%get3A_16, %get3A_17] : memref<256x64xf32, #tpu.memory_space<vmem>>, vector<256x64xf32>
    %dot_general3A = arith.constant dense<0.000000e+00> : vector<256x64xf32>
    %dot_general3A_19 = tpu.matmul %mul3A_15, %get3A_18, %dot_general3A {dimension_numbers = #tpu.dot_dimension_numbers<[1], [0], [0], [1], [0, 0, 1, 1], [], []>, transpose_lhs_hint = false} : vector<256x256xf32>, vector<256x64xf32>, vector<256x64xf32> -> vector<256x64xf32>
    %add3A = arith.addf %get3A_14, %dot_general3A_19 : vector<256x64xf32>
    %swap3A = arith.constant 0 : index
    %swap3A_20 = arith.constant 0 : index
    %swap3A_21 = vector.load %arg6[%swap3A, %swap3A_20] : memref<256x64xf32, #tpu.memory_space<vmem>>, vector<256x64xf32>
    tpu.vector_store %arg6[%swap3A, %swap3A_20], %add3A {strides = array<i32>} : memref<256x64xf32, #tpu.memory_space<vmem>>, vector<256x64xf32>,
    return
  }
  func.func @transform_0(%arg0: i32) -> (i32, i32) {
    %c0_i32 = arith.constant 0 : i32
    %c0_i32_0 = arith.constant 0 : i32
    return %arg0, %c0_i32 : i32, i32
  }
  func.func @transform_1(%arg0: i32) -> (i32, i32) {
    %c0_i32 = arith.constant 0 : i32
    %c0_i32_0 = arith.constant 0 : i32
    return %arg0, %c0_i32 : i32, i32
  }
  func.func @transform_2(%arg0: i32) -> (i32, i32) {
    %c0_i32 = arith.constant 0 : i32
    %c0_i32_0 = arith.constant 0 : i32
    return %arg0, %c0_i32 : i32, i32
  }
  func.func @transform_3(%arg0: i32) -> (i32, i32) {
    %c0_i32 = arith.constant 0 : i32
    %c0_i32_0 = arith.constant 0 : i32
    return %arg0, %c0_i32 : i32, i32
  }
  func.func @transform_4(%arg0: i32) -> (i32, i32) {
    %c0_i32 = arith.constant 0 : i32
    %c0_i32_0 = arith.constant 0 : i32
    %c0_i32_1 = arith.constant 0 : i32
    return %c0_i32, %c0_i32_0 : i32, i32
  }
  func.func @transform_5(%arg0: i32) -> (i32, i32) {
    %c0_i32 = arith.constant 0 : i32
    %c0_i32_0 = arith.constant 0 : i32
    return %arg0, %c0_i32 : i32, i32
  }
}

</mosaic_0001>

<sc_bundles>
// kernel: kernel.10.cloned.1.call-start
scs
__scs_entry_jumppad:
0x0: {  	(pc) =	sbr.rel $0x88, $3  }
0x1: {  	(tag) =	ssettag $0x0;
	lr =	simm.s32 $0x1  }
0x2: {  	[smem:$0x3F96] =	sst lr;
	_ =	strace $0xD0000000  }
0x3: {  	_ = 	snop  }
0x4: {  	_ = 	snop  }
0x5: {  	_ = 	snop  }
0x6: {  	_ = 	snop  }
0x7: {  	_ = 	snop  }
__scs_overlays_trampoline_lowered:
0x8: {  	[smem:$0x3FA5] =	sst s0  }
0x9: {  	[smem:$0x3FA6] =	sst s1  }
0xa: {  	[smem:$0x3FA7] =	sst s2  }
0xb: {  	[smem:$0x3FA8] =	sst s3  }
0xc: {  	[smem:$0x3FA9] =	sst s4  }
0xd: {  	[smem:$0x3FAA] =	sst s5  }
0xe: {  	[smem:$0x3FAB] =	sst s6  }
0xf: {  	[smem:$0x3FAC] =	sst s7  }
0x10: {  	[smem:$0x3FAD] =	sst s8  }
0x11: {  	[smem:$0x3FAE] =	sst s9;
	s0 =	simm.s32 @!p0 $0x0  }
0x12: {  	s1 =	sld [smem:$0x3F94];
	s0 =	simm.s32 @p0 $0x1  }
0x13: {  	[smem:$0x3FAF] =	sst s0;
	s0 =	simm.s32 @!p1 $0x0  }
0x14: {  	s2 =	sld [smem:$0x3F93];
	s0 =	simm.s32 @p1 $0x1  }
0x15: {  	[smem:$0x3FB0] =	sst s0;
	s0 =	simm.s32 @!p2 $0x0  }
0x16: {  	s3 =	sld [smem:$0x3FDB];
	s0 =	simm.s32 @p2 $0x1  }
0x17: {  	s4 =	simm.s32 $0x1BF5;
	[smem:$0x3FB2] =	sst s0  }
0x18: {  	s0 =	sld [smem:$0x3F95];
	_ =	swait.ge [sflag:s4], $0x0  }
0x19: {  	s7 =	sld [smem:$0x3F96]  }
0x1a: {  	s8 =	sadd.s32 $0xFFFFE003, lr  }
0x1b: {  	s9 =	sadd.s32 $0xFFFFFEF7, lr;
	s5 =	simm.s32 $0xFFFFFFFF;
	p2 =	slt.u32 s8, $0xFFFFF086  }
0x1c: {  	p1 =	slt.u32 s9, $0xF7A;
	s5 =	simm.s32 @!p2 $0x0  }
0x1d: {  	s5 =	simm.s32 @p1 $0x1;
	p0 =	seq.s32 s7, s2  }
0x1e: {  	s7 =	smul.u32 @!p0 $0xF7A, s2;
	p2 =	seq.s32 @!p0 s5, $0x0  }
0x1f: {  	s9 =	smul.u32 $0xF7A, s1;
	s8 =	simm.s32 @!p0 $0x1BF5;
	p2 =	por !p2, p0  }
0x20: {  	[sflag:s8] =	ssyncset.s32 @!p0 $0xFFFFF086;
	s6 =	sadd.s32 @!p0 s3, s7;
	s7 =	simm.s32 @!p0 $0x108  }
0x21: {  	s3 =	sadd.s32 s3, s9;
	s6 =	sadd.s32 @!p0 $0x88, s6;
	s7 =	simm.s32 @p2 $0x1082  }
0x22: {  	[simem:s7], [sflag:s8] =	dma.local @!p0 [hbm:s6], $0xF7A  }
0x23: {  	s9 =	sor.u32 $0xD0000000, s2;
	s6 =	simm.s32 $0x108;
	_ =	swait.ge @!p0 [sflag:s8], $0x0  }
0x24: {  	s3 =	sadd.s32 $0x88, s3;
	s6 =	simm.s32 @!p1 $0x1082;
	[sflag:s4] =	ssyncset.s32 $0xFFFFF086  }
0x25: {  	[simem:s6], [sflag:s4] =	dma.local [hbm:s3], $0xF7A  }
0x26: {  	[smem:$0x3F96] =	sst s1;
	(tag) =	ssettag s2;
	_ =	strace s9  }
0x27: {  	s1 =	sld [smem:$0x3FA6]  }
0x28: {  	s2 =	sld [smem:$0x3FA7]  }
0x29: {  	s4 =	sld [smem:$0x3FA9]  }
0x2a: {  	p0 =	seq.s32 s5, $0x0;
	s5 =	sld [smem:$0x3FAA]  }
0x2b: {  	s6 =	sld [smem:$0x3FAB]  }
0x2c: {  	s7 =	sld [smem:$0x3FAC]  }
0x2d: {  	s3 =	simm.s32 $0x108;
	s8 =	sld [smem:$0x3FAD]  }
0x2e: {  	s3 =	simm.s32 @!p0 $0x1082;
	s9 =	sld [smem:$0x3FAE]  }
0x2f: {  	lr =	sadd.s32 s0, s3;
	s0 =	sld [smem:$0x3FA5]  }
0x30: {  	s3 =	sld [smem:$0x3FA8]  }
0x31: {  	[smem:$0x3FB1] =	sst s10  }
0x32: {  	s10 =	sld [smem:$0x3FAF];
	_ =	sdelay $0x3  }
0x33: {  	p0 =	seq.s32 s10, $0x1;
	s10 =	sld [smem:$0x3FB1];
	_ =	sdelay $0x3  }
0x34: {  	[smem:$0x3FB1] =	sst s10  }
0x35: {  	s10 =	sld [smem:$0x3FB0];
	_ =	sdelay $0x3  }
0x36: {  	p1 =	seq.s32 s10, $0x1;
	s10 =	sld [smem:$0x3FB1];
	_ =	sdelay $0x3  }
0x37: {  	[smem:$0x3FB1] =	sst s10  }
0x38: {  	s10 =	sld [smem:$0x3FB2]  }
0x39: {  	_ = 	snop;
	(pc) =	sbr.ind lr, $3  }
0x3a: {  	_ = 	snop  }
0x3b: {  	_ = 	snop  }
0x3c: {  	p2 =	seq.s32 s10, $0x1;
	s10 =	sld [smem:$0x3FB1]  }
0x3d: {  	_ =	shalt  }
0x3e: {  	_ =	shalt  }
0x3f: {  	_ =	shalt  }
0x40: {  	_ =	shalt  }
0x41: {  	_ =	shalt  }
0x42: {  	_ =	shalt  }
0x43: {  	_ =	shalt  }
0x44: {  	_ =	shalt  }
0x45: {  	_ =	shalt  }
0x46: {  	_ =	shalt  }
0x47: {  	_ =	shalt  }
0x48: {  	_ =	shalt  }
0x49: {  	_ =	shalt  }
0x4a: {  	_ =	shalt  }
0x4b: {  	_ =	shalt  }
0x4c: {  	_ =	shalt  }
0x4d: {  	_ =	shalt  }
0x4e: {  	_ =	shalt  }
0x4f: {  	_ =	shalt  }
0x50: {  	_ =	shalt  }
0x51: {  	_ =	shalt  }
0x52: {  	_ =	shalt  }
0x53: {  	_ =	shalt  }
0x54: {  	_ =	shalt  }
0x55: {  	_ =	shalt  }
0x56: {  	_ =	shalt  }
0x57: {  	_ =	shalt  }
0x58: {  	_ =	shalt  }
0x59: {  	_ =	shalt  }
0x5a: {  	_ =	shalt  }
0x5b: {  	_ =	shalt  }
0x5c: {  	_ =	shalt  }
0x5d: {  	_ =	shalt  }
0x5e: {  	_ =	shalt  }
0x5f: {  	_ =	shalt  }
0x60: {  	_ =	shalt  }
0x61: {  	_ =	shalt  }
0x62: {  	_ =	shalt  }
0x63: {  	_ =	shalt  }
0x64: {  	_ =	shalt  }
0x65: {  	_ =	shalt  }
0x66: {  	_ =	shalt  }
0x67: {  	_ =	shalt  }
0x68: {  	_ =	shalt  }
0x69: {  	_ =	shalt  }
0x6a: {  	_ =	shalt  }
0x6b: {  	_ =	shalt  }
0x6c: {  	_ =	shalt  }
0x6d: {  	_ =	shalt  }
0x6e: {  	_ =	shalt  }
0x6f: {  	_ =	shalt  }
0x70: {  	_ =	shalt  }
0x71: {  	_ =	shalt  }
0x72: {  	_ =	shalt  }
0x73: {  	_ =	shalt  }
0x74: {  	_ =	shalt  }
0x75: {  	_ =	shalt  }
0x76: {  	_ =	shalt  }
0x77: {  	_ =	shalt  }
0x78: {  	_ =	shalt  }
0x79: {  	_ =	shalt  }
0x7a: {  	_ =	shalt  }
0x7b: {  	_ =	shalt  }
0x7c: {  	_ =	shalt  }
0x7d: {  	_ =	shalt  }
0x7e: {  	_ =	shalt  }
0x7f: {  	_ =	shalt  }
0x80: {  	_ =	shalt  }
0x81: {  	_ =	shalt  }
0x82: {  	_ =	shalt  }
0x83: {  	_ =	shalt  }
0x84: {  	_ =	shalt  }
0x85: {  	_ =	shalt  }
0x86: {  	_ =	shalt  }
0x87: {  	_ =	shalt  }
.Lfunc_end0:
.L_simem_size_0:
called_computation_lowered:
.L_overlay_start_0:
0x88: {  	s2 =	sld [smem:$0x3FD9]  }
0x89: {  	s3 =	sld [smem:$0x3FFE];
	_ =	sdelay $0x1  }
0x8a: {  	s1 =	srdreg.scid  }
0x8b: {  	s0 =	sand.u32 $0x1, s1  }
0x8c: {  	s17 =	sshll.u32 s0, $0xA;
	s2 =	sadd.s32 s3, s2  }
0x8d: {  	s2 =	sadd.s32 s2, s17  }
0x8e: {  	[smem:$0x3FBD] =	sst s2  }
0x8f: {  	_ = 	snop  }
0x90: {  	(tm) =	ssettm $0x1  }
0x91: {  	s18 =	sld [smem:$0x3FFB];
	_ =	sdelay $0x3  }
0x92: {  	_ =	strace s18  }
0x93: {  	s2 =	sld [smem:$0x3FFC];
	_ =	sdelay $0x3  }
0x94: {  	_ =	strace s2  }
0x95: {  	s2 =	sld [smem:$0x3FFD];
	_ =	sdelay $0x3  }
0x96: {  	_ =	strace s2  }
0x97: {  	_ =	strace $0x8FFFFFFF  }
0x98: {  	s19 =	sld [smem:$0x3FDB];
	_ =	sdelay $0x1  }
0x99: {  	s20 =	simm.s32 $_scs_section_size  }
0x9a: {  	s4 =	simm.s32 $_size__tile_overlayer_lowered;
	s5 =	simm.s32 $_tile_overlayer_lowered  }
0x9b: {  	s6 =	simm.s32 $0x1BFF;
	s21 =	sshll.u32 s5, $0x1;
	s3 =	sadd.s32 s20, s19  }
0x9c: {  	s22 =	simm.s32 $0x0;
	s4 =	sshll.u32 s4, $0x1;
	s5 =	sadd.s32 s21, s3  }
0x9d: {  	[timem:s22], [sflag:s6] =	dma.local [hbm:s5], s4  }
0x9e: {  	_ =	swait.ge [sflag:s6], s4  }
0x9f: {  	s4 =	ssub.s32 $0x0, s4;
	[sflag:s6] =	ssyncset.done $0x0  }
0xa0: {  	[sflag:s6] =	ssyncadd.s32 s4;
	_ =	sdelay $0x1  }
0xa1: {  	s23 =	simm.s32 $0x1B8B  }
0xa2: {  	_ =	swait.ge [sflag:s23], $0x1  }
0xa3: {  	[sflag:s23] =	ssyncset.done $0x0  }
0xa4: {  	[sflag:s23] =	ssyncadd.s32 $0xFFFFFFFF  }
0xa5: {  	s4 =	sld [smem:$0x0]  }
0xa6: {  	s5 =	sand.u32 $0xFFFFFFFE, s1  }
0xa7: {  	p0 =	sne.s32 s1, s5  }
0xa8: {  	s5 =	sshll.u32 @p0 s5, $0xE  }
0xa9: {  	s5 =	sadd.s32 @p0 $0x11B8D, s5;
	s6 =	sshll.u32 @p0 s4, $0x11  }
0xaa: {  	s5 =	sor.u32 @p0 s6, s5  }
0xab: {  	[sflag:s5] =	ssyncadd.remote.s32 @p0 $0x1;
	_ =	sdelay $0x1  }
0xac: {  	s5 =	simm.s32 @p0 $0x1B8D  }
0xad: {  	_ =	swait.eq @p0 [sflag:s5], $0x1  }
0xae: {  	[sflag:s5] =	ssyncadd.s32 @p0 $0xFFFFFFFF  }
0xaf: {  	s6 =	sshll.u32 @!p0 s1, $0xE  }
0xb0: {  	s6 =	sor.u32 @!p0 $0x4000, s6;
	s5 =	simm.s32 @!p0 $0x1B8D  }
0xb1: {  	s4 =	sshll.u32 @!p0 s4, $0x11;
	s6 =	sadd.s32 @!p0 $0x11B8D, s6;
	_ =	swait.eq @!p0 [sflag:s5], $0x1  }
0xb2: {  	s4 =	sor.u32 @!p0 s4, s6;
	[sflag:s5] =	ssyncadd.s32 @!p0 $0xFFFFFFFF  }
0xb3: {  	s25 =	simm.s32 $0x1B8E;
	s24 =	sld [smem:$0x3FFE];
	[sflag:s4] =	ssyncadd.remote.s32 @!p0 $0x1  }
0xb4: {  	s26 =	simm.s32 $execute0_lowered;
	[smem:$0x3FD2] =	sst s25  }
0xb5: {  	s5 =	sshll.u32 s26, $0x1;
	_ =	strace $0x80000049;
	[dreg:$0x1] =	wrdreg $0xFFFFFFFF  }
0xb6: {  	s28 =	simm.s32 $_size_execute0_lowered;
	s3 =	sadd.s32 s3, s5;
	[dreg:$0x0] =	wrdreg $0x0  }
0xb7: {  	s5 =	sshll.u32 s28, $0x1;
	[dreg:$0x2] =	wrdreg s3  }
0xb8: {  	[dreg:$0x3] =	wrdreg s5  }
0xb9: {  	[dreg:$0x4] =	wrdreg $0xC0  }
0xba: {  	_ =	task [dreg:s22], $0x5FFFF  }
0xbb: {  	[dreg:$0x1] =	wrdreg $0xFFFFFFFF  }
0xbc: {  	[dreg:$0x0] =	wrdreg $0x60  }
0xbd: {  	[dreg:$0x2] =	wrdreg s24  }
0xbe: {  	[dreg:$0x3] =	wrdreg $0x22000  }
0xbf: {  	[dreg:$0x4] =	wrdreg $0x9  }
0xc0: {  	_ =	task.clear_ibuf [dreg:s22], $0x5FFFF;
	_ =	strace $0x90000049  }
0xc1: {  	s29 =	simm.s32 $0x9;
	_ =	strace $0x8000004B  }
0xc2: {  	_ =	swait.ge [sflag:s29], $0x1  }
0xc3: {  	[sflag:s29] =	ssyncadd.s32 $0xFFFFFFFF  }
0xc4: {  	_ =	strace $0x9000004B  }
0xc5: {  	_ =	sfence  }
0xc6: {  	s30 =	sld [smem:$0x0];
	_ =	sdelay $0x2  }
0xc7: {  	s31 =	sshll.u32 s1, $0xD;
	s1 =	sshrl.u32 s1, $0x2  }
0xc8: {  	s4 =	sand.u32 $0x4000, s31;
	s1 =	sadd.s32 s1, s30  }
0xc9: {  	s0 =	sor.u32 s4, s0;
	s1 =	sshll.u32 s1, $0x11  }
0xca: {  	s0 =	sor.u32 s1, s0  }
0xcb: {  	s0 =	sadd.s32 $0x8F2B, s0  }
0xcc: {  	[sflag:s0] =	ssyncadd.remote.s32 $0x1  }
0xcd: {  	_ =	sfence.sel $0xFFFF  }
0xce: {  	[dreg:$0x0] =	wrdreg $0xFFFFFFFF;
	(pc) =	sbr.abs _section_cstart, $3  }
0xcf: {  	[dreg:$0x1] =	wrdreg $0xFFFFFFFF  }
0xd0: {  	_ =	task.clear_ibuf [dreg:s22], $0x2FFFF;
	_ =	strace $0x9FFFFFFF  }
0xd1: {  	(tm) =	ssettm $0x7FFFFFFF  }
tec
execute0_lowered:
.L_overlay_start_1:
0x0: {  	(tag) =	ssettag $0x1  }
0x1: {  	s4 =	rddreg [dreg:$0x0];
	s0 =	srdreg.scid  }
0x2: {  	s2 =	rddreg [dreg:$0x1];
	s1 =	stileid.u32;
	s3 =	simm.s32 $0x0  }
0x3: {  	s16 =	simm.s32 $0x1;
	s17 =	simm.s32 $0x40;
	s6 =	smul.u32 $0x140, s1  }
0x4: {  	s18 =	simm.s32 $0x100;
	s21 =	simm.s32 $0x2;
	s7 =	smul.u32 $0x29000, s1  }
0x5: {  	s5 =	sand.u32 $0x1, s0;
	s0 =	rddreg [dreg:$0x2];
	s8 =	smul.u32 $0x4E80, s1  }
0x6: {  	s24 =	simm.s32 $0x0;
	[smem:$0x7FF] =	sst s3;
	s14 =	smul.u32 $0x28000, s1  }
0x7: {  	s13 =	sadd.s32 $0x4600, s4;
	s22 =	sor.u32 $0x1400, s1;
	s15 =	smul.u32 $0x9D0, s1  }
0x8: {  	s19 =	smul.u32 $0x1400, s5;
	_ =	strace $0x8000004A;
	s5 =	ssub.s32 $0x2, s5  }
0x9: {  	v2 =	vmov s22;
	s22 =	simm.s32 $0x3;
	s30 =	sshrl.u32 s5, $0x1;
	s31 =	sshrl.u32 s7, $0x2  }
0xa: {  	s10 =	sshrl.u32 s8, $0x3;
	s14 =	sshrl.u32 s14, $0x2;
	s6 =	sadd.s32 s6, s19  }
0xb: {  	s12 =	ssub.s32 s5, s30;
	s10 =	sadd.s32 s13, s10;
	s20 =	sadd.s32 $0x1400, s19  }
0xc: {  	s23 =	sadd.s32 s14, s2;
	s13 =	sadd.s32 s15, s13;
	s14 =	simm.s32 $0x200  }
.Ltmp0:
0xd: {  	s15 =	simm.s32 $0x4;
	v0 =	vmov s19;
	s19 =	simm.s32 $0x80;
	(pc) =	sbr.rel .LBB2_1-.Ltmp0, $4  }
0xe: {  	s6 =	sshll.u32 s6, $0x4;
	s12 =	smax.u32 s12, $0x1;
	v1 =	vmov s20;
	s20 =	simm.s32 $0x180  }
0xf: {  	s23 =	sshrl.u32 s23, $0x3;
	s11 =	sadd.s32 s6, s4;
	s4 =	sadd.s32 s31, s2  }
0x10: {  	s5 =	sadd.s32 $0x2000, s4;
	s6 =	sadd.s32 $0x4000, s4;
	s7 =	sadd.s32 $0x6000, s4  }
0x11: {  	v3 =	vimm.f32 $0.0e+00;
	v4 =	vimm.f32 $1.000000000e+00;
	s8 =	sadd.s32 $0x8000, s4;
	s9 =	sadd.s32 $0xA000, s4;
	s11 =	sadd.s32 $0xFE400, s11  }
.LBB2_8:
0x12: {  	_ =	swait.ge [sflag:s22], $0x2000  }
0x13: {  	s24 =	sadd.s32 $0x1, s24;
	[sflag:s22] =	ssyncset.done $0x0  }
0x14: {  	s25 =	sshll.u32 s1, $0x6;
	p0 =	sne.s32 s24, s12;
	[sflag:s22] =	ssyncadd.s32 $0xFFFFE000  }
.Ltmp1:
0x15: {  	s25 =	sor.u32 $0x1C04, s25;
	[bflag:$0x0] =	sbarrier.arrive $0xFFFF;
	(pc) =	sbr.rel @!p0 .LBB2_9-.Ltmp1, $4  }
0x16: {  	[hbm:s11], [sflag:s25] =	dma.local [spmem:s23], $0x1400  }
0x17: {  	_ =	swait.ge [sflag:s15], $0x1400  }
0x18: {  	[sflag:s15] =	ssyncset.done $0x0  }
0x19: {  	[sflag:s15] =	ssyncadd.s32 $0xFFFFEC00  }
.LBB2_1:
0x1a: {  	s25 =	simm.s32 $0x0;
	s26 =	simm.s32 $0x200  }
.LBB2_2:
0x1b: {  	p0 =	sne.s32 s26, $0x7E00;
	[tilespmem:s25+$0x270] =	vst v3  }
0x1c: {  	[tilespmem:s25+$0x200] =	vst v3  }
0x1d: {  	[tilespmem:s25+$0x210] =	vst v3  }
.Ltmp2:
0x1e: {  	[tilespmem:s25+$0x220] =	vst v3;
	(pc) =	sbr.rel @p0 .LBB2_2-.Ltmp2, $4  }
0x1f: {  	[tilespmem:s25+$0x230] =	vst v3  }
0x20: {  	[tilespmem:s25+$0x240] =	vst v3  }
0x21: {  	[tilespmem:s25+$0x250] =	vst v3  }
0x22: {  	[tilespmem:s25+$0x260] =	vst v3;
	s25 =	sshra.s32 s26, $0x2;
	s26 =	sadd.s32 $0x200, s26  }
0x23: {  	[tilespmem:s25+$0x270] =	vst v3  }
0x24: {  	[tilespmem:s25+$0x200] =	vst v3  }
0x25: {  	[tilespmem:s25+$0x210] =	vst v3  }
0x26: {  	[tilespmem:s25+$0x220] =	vst v3  }
0x27: {  	[tilespmem:s25+$0x230] =	vst v3  }
0x28: {  	[tilespmem:s25+$0x240] =	vst v3  }
0x29: {  	[tilespmem:s25+$0x250] =	vst v3  }
0x2a: {  	[tilespmem:s25+$0x260] =	vst v3  }
0x2b: {  	[spmem:s4] =	stream.linear.scatter [tilespmem:s14], [sflag:$0x4], $0x2000, $0x38;
	[tilespmem:$0xC600] =	vst v63  }
0x2c: {  	_ =	swait.ge [sflag:s15], $0x2000  }
0x2d: {  	[sflag:s15] =	ssyncset.done $0x0  }
0x2e: {  	[sflag:s15] =	ssyncadd.s32 $0xFFFFE000  }
0x2f: {  	[spmem:s5] =	stream.linear.scatter [tilespmem:s14], [sflag:$0x4], $0x2000, $0x38;
	[tilespmem:$0xC600] =	vst v63  }
0x30: {  	_ =	swait.ge [sflag:s15], $0x2000  }
0x31: {  	[sflag:s15] =	ssyncset.done $0x0  }
0x32: {  	[sflag:s15] =	ssyncadd.s32 $0xFFFFE000  }
0x33: {  	[spmem:s6] =	stream.linear.scatter [tilespmem:s14], [sflag:$0x4], $0x2000, $0x38;
	[tilespmem:$0xC600] =	vst v63  }
0x34: {  	_ =	swait.ge [sflag:s15], $0x2000  }
0x35: {  	[sflag:s15] =	ssyncset.done $0x0  }
0x36: {  	[sflag:s15] =	ssyncadd.s32 $0xFFFFE000  }
0x37: {  	[spmem:s7] =	stream.linear.scatter [tilespmem:s14], [sflag:$0x4], $0x2000, $0x38;
	[tilespmem:$0xC600] =	vst v63  }
0x38: {  	_ =	swait.ge [sflag:s15], $0x2000  }
0x39: {  	[sflag:s15] =	ssyncset.done $0x0  }
0x3a: {  	[sflag:s15] =	ssyncadd.s32 $0xFFFFE000  }
0x3b: {  	[spmem:s8] =	stream.linear.scatter [tilespmem:s14], [sflag:$0x4], $0x2000, $0x38;
	[tilespmem:$0xC600] =	vst v63  }
0x3c: {  	_ =	swait.ge [sflag:s15], $0x2000  }
0x3d: {  	[sflag:s15] =	ssyncset.done $0x0  }
0x3e: {  	[sflag:s15] =	ssyncadd.s32 $0xFFFFE000  }
0x3f: {  	[spmem:s9] =	stream.linear.scatter [tilespmem:s14], [sflag:$0x4], $0x400, $0x38;
	[tilespmem:$0xC600] =	vst v63  }
0x40: {  	_ =	swait.ge [sflag:s15], $0x400  }
0x41: {  	[sflag:s15] =	ssyncset.done $0x0  }
0x42: {  	s25 =	simm.s32 $0x0;
	s26 =	simm.s32 $0x200;
	[sflag:s15] =	ssyncadd.s32 $0xFFFFFC00  }
.LBB2_4:
0x43: {  	p0 =	sne.s32 s26, $0x7E00;
	[tilespmem:s25+$0x270] =	vst v4  }
0x44: {  	[tilespmem:s25+$0x200] =	vst v4  }
0x45: {  	[tilespmem:s25+$0x210] =	vst v4  }
.Ltmp3:
0x46: {  	[tilespmem:s25+$0x220] =	vst v4;
	(pc) =	sbr.rel @p0 .LBB2_4-.Ltmp3, $4  }
0x47: {  	[tilespmem:s25+$0x230] =	vst v4  }
0x48: {  	[tilespmem:s25+$0x240] =	vst v4  }
0x49: {  	[tilespmem:s25+$0x250] =	vst v4  }
0x4a: {  	[tilespmem:s25+$0x260] =	vst v4;
	s25 =	sshra.s32 s26, $0x2;
	s26 =	sadd.s32 $0x200, s26  }
0x4b: {  	[tilespmem:s25+$0x270] =	vst v4  }
0x4c: {  	[tilespmem:s25+$0x200] =	vst v4  }
0x4d: {  	[tilespmem:s25+$0x210] =	vst v4  }
0x4e: {  	[tilespmem:s25+$0x220] =	vst v4  }
0x4f: {  	[tilespmem:s25+$0x230] =	vst v4  }
0x50: {  	[tilespmem:s25+$0x240] =	vst v4  }
0x51: {  	[tilespmem:s25+$0x250] =	vst v4  }
0x52: {  	[tilespmem:s25+$0x260] =	vst v4  }
0x53: {  	[bflag:$0x0] =	sbarrier.arrive $0xFFFF  }
0x54: {  	[tilespmem:s3], [sflag:$0x1] =	stream.linear.gather [hbm4b:s10+s3], $0x40, $0x38;
	[tilespmem:$0xC600] =	vst v63  }
0x55: {  	_ =	swait.ge [sflag:s16], $0x40  }
0x56: {  	[sflag:s16] =	ssyncset.done $0x0  }
0x57: {  	[sflag:s16] =	ssyncadd.s32 $0xFFFFFFC0  }
0x58: {  	v5 =	vld [tilespmem:$0x0]  }
0x59: {  	v6 =	vld [tilespmem:$0x10]  }
0x5a: {  	v7 =	vld [tilespmem:$0x20]  }
0x5b: {  	v8 =	vld [tilespmem:$0x30];
	_ =	sdelay $0x1  }
0x5c: {  	vm0 =	vge.s32 v5, v0  }
0x5d: {  	vm1 =	vlt.s32 v5, v1;
	vm2 =	vge.s32 v6, v0;
	vm3 =	vlt.s32 v6, v1  }
0x5e: {  	v5 =	vsub.s32 v5, v0;
	v6 =	vsub.s32 v6, v0;
	vm10 =	vge.s32 v7, v0  }
0x5f: {  	vm11 =	vlt.s32 v7, v1;
	vm13 =	vge.s32 v8, v0;
	vm0 =	vmand vm0, vm1  }
0x60: {  	vm14 =	vlt.s32 v8, v1;
	vm9 =	vmand vm2, vm3;
	v5 =	vsel vm0, v5, v2  }
0x61: {  	vm12 =	vmand vm10, vm11;
	v6 =	vsel vm9, v6, v2;
	[tilespmem:$0x100] =	vst v5;
	v5 =	vsub.s32 v7, v0  }
0x62: {  	vm15 =	vmand vm13, vm14;
	[tilespmem:$0x110] =	vst v6;
	v6 =	vsub.s32 v8, v0;
	v5 =	vsel vm12, v5, v2  }
0x63: {  	[tilespmem:$0x120] =	vst v5;
	v5 =	vsel vm15, v6, v2  }
0x64: {  	s25 =	simm.s32 $0xFFFFF640;
	[tilespmem:$0x130] =	vst v5  }
.LBB2_6:
0x65: {  	[spmem:s2] =	stream.indirect.scatter.add.f32 [tilespmem:s14], [sflag:$0x2], $0x80, s18, s17, $0xb8;
	[tilespmem:$0xC600] =	vst v63  }
0x66: {  	p0 =	seq.s32 s25, $0xFFFFF640  }
0x67: {  	s28 =	simm.s32 @!p0 $0x3  }
0x68: {  	_ =	swait.ge @!p0 [sflag:s28], $0x2000  }
0x69: {  	s26 =	sadd.s32 s25, s13;
	[sflag:s28] =	ssyncset.done @!p0 $0x0  }
0x6a: {  	s31 =	sadd.s32 $0x9C8, s26;
	[sflag:s28] =	ssyncadd.s32 @!p0 $0xFFFFE000  }
0x6b: {  	[tilespmem:s19], [sflag:$0x1] =	stream.linear.gather [hbm4b:s31+s3], $0x40, $0x38;
	[tilespmem:$0xC600] =	vst v63  }
0x6c: {  	_ =	swait.ge [sflag:s16], $0x40  }
0x6d: {  	[sflag:s16] =	ssyncset.done $0x0  }
0x6e: {  	[sflag:s16] =	ssyncadd.s32 $0xFFFFFFC0  }
0x6f: {  	v5 =	vld [tilespmem:$0x80]  }
0x70: {  	v6 =	vld [tilespmem:$0x90]  }
0x71: {  	v7 =	vld [tilespmem:$0xA0]  }
0x72: {  	v8 =	vld [tilespmem:$0xB0];
	_ =	sdelay $0x1  }
0x73: {  	vm0 =	vge.s32 v5, v0  }
0x74: {  	vm1 =	vlt.s32 v5, v1;
	vm2 =	vge.s32 v6, v0;
	vm3 =	vlt.s32 v6, v1  }
0x75: {  	v5 =	vsub.s32 v5, v0;
	v6 =	vsub.s32 v6, v0;
	vm10 =	vge.s32 v7, v0  }
0x76: {  	vm11 =	vlt.s32 v7, v1;
	vm13 =	vge.s32 v8, v0;
	vm0 =	vmand vm0, vm1  }
0x77: {  	vm14 =	vlt.s32 v8, v1;
	vm9 =	vmand vm2, vm3;
	v5 =	vsel vm0, v5, v2  }
0x78: {  	vm12 =	vmand vm10, vm11;
	v6 =	vsel vm9, v6, v2;
	[tilespmem:$0x180] =	vst v5;
	v5 =	vsub.s32 v7, v0  }
0x79: {  	vm15 =	vmand vm13, vm14;
	[tilespmem:$0x190] =	vst v6;
	v6 =	vsub.s32 v8, v0;
	v5 =	vsel vm12, v5, v2  }
0x7a: {  	p0 =	seq.s32 s25, $0x0;
	[tilespmem:$0x1A0] =	vst v5;
	v5 =	vsel vm15, v6, v2  }
.Ltmp4:
0x7b: {  	[tilespmem:$0x1B0] =	vst v5;
	(pc) =	sbr.rel @p0 .LBB2_8-.Ltmp4, $4  }
0x7c: {  	[spmem:s2] =	stream.indirect.scatter.add.f32 [tilespmem:s14], [sflag:$0x3], $0x80, s20, s17, $0xb8;
	[tilespmem:$0xC600] =	vst v63  }
0x7d: {  	_ =	swait.ge [sflag:s21], $0x2000  }
0x7e: {  	[sflag:s21] =	ssyncset.done $0x0  }
0x7f: {  	[sflag:s21] =	ssyncadd.s32 $0xFFFFE000  }
0x80: {  	s26 =	sadd.s32 $0x9D0, s26  }
0x81: {  	[tilespmem:s3], [sflag:$0x1] =	stream.linear.gather [hbm4b:s26+s3], $0x40, $0x38;
	[tilespmem:$0xC600] =	vst v63  }
0x82: {  	_ =	swait.ge [sflag:s16], $0x40  }
0x83: {  	[sflag:s16] =	ssyncset.done $0x0  }
0x84: {  	[sflag:s16] =	ssyncadd.s32 $0xFFFFFFC0  }
0x85: {  	v5 =	vld [tilespmem:$0x0]  }
0x86: {  	v6 =	vld [tilespmem:$0x10]  }
0x87: {  	v7 =	vld [tilespmem:$0x20]  }
0x88: {  	v8 =	vld [tilespmem:$0x30];
	_ =	sdelay $0x1  }
0x89: {  	vm0 =	vge.s32 v5, v0  }
0x8a: {  	vm1 =	vlt.s32 v5, v1;
	vm2 =	vge.s32 v6, v0;
	vm3 =	vlt.s32 v6, v1  }
0x8b: {  	v5 =	vsub.s32 v5, v0;
	v6 =	vsub.s32 v6, v0;
	vm10 =	vge.s32 v7, v0  }
0x8c: {  	vm11 =	vlt.s32 v7, v1;
	vm13 =	vge.s32 v8, v0;
	vm0 =	vmand vm0, vm1  }
.Ltmp5:
0x8d: {  	vm14 =	vlt.s32 v8, v1;
	vm9 =	vmand vm2, vm3;
	v5 =	vsel vm0, v5, v2;
	(pc) =	sbr.rel .LBB2_6-.Ltmp5, $4  }
0x8e: {  	vm12 =	vmand vm10, vm11;
	v6 =	vsel vm9, v6, v2;
	[tilespmem:$0x100] =	vst v5;
	v5 =	vsub.s32 v7, v0  }
0x8f: {  	vm15 =	vmand vm13, vm14;
	[tilespmem:$0x110] =	vst v6;
	v6 =	vsub.s32 v8, v0;
	v5 =	vsel vm12, v5, v2  }
0x90: {  	[tilespmem:$0x120] =	vst v5;
	v5 =	vsel vm15, v6, v2  }
0x91: {  	s25 =	sadd.s32 $0x10, s25;
	[tilespmem:$0x130] =	vst v5  }
.LBB2_9:
0x92: {  	_ =	sfence.sel $0x180000  }
0x93: {  	[bflag:$0x0] =	sbarrier.arrive $0xFFFF  }
0x94: {  	p0 =	sne.s32 s1, $0x0;
	_ =	strace $0x9000004A  }
0x95: {  	s0 =	sadd.s32 @!p0 $0x100000, s0;
	[bflag:$0x2] =	sbarrier.arrive $0xFFFF  }
0x96: {  	[sflag:s0] =	ssyncadd.tile.s32 @!p0 $0x1;
	_ =	shalt  }
.Lfunc_end2:
_tile_overlayer_lowered:
.L_overlay_start_2:
0x97: {  	(tag) =	ssettag $0x2  }
0x98: {  	s0 =	rddreg [dreg:$0x0];
	s2 =	stileid.u32  }
0x99: {  	s1 =	rddreg [dreg:$0x1];
	p0 =	sne.s32 s2, $0x0  }
0x9a: {  	s3 =	rddreg [dreg:$0x2];
	[bflag:$0x3] =	sbarrier.arrive $0xFFFF;
	s2 =	simm.s32 @!p0 $0x1C04  }
0x9b: {  	[timem:s3], [sflag:s2] =	dma.local @!p0 [hbm:s0], s1  }
0x9c: {  	s0 =	simm.s32 @!p0 $0x4  }
0x9d: {  	_ =	swait.ge @!p0 [sflag:s0], s1  }
0x9e: {  	s1 =	ssub.s32 @!p0 $0x0, s1;
	[sflag:s0] =	ssyncset.done @!p0 $0x0  }
0x9f: {  	[sflag:s0] =	ssyncadd.s32 @!p0 s1  }
0xa0: {  	[bflag:$0x3] =	sbarrier.arrive $0xFFFF  }
0xa1: {  	_ =	shalt  }

// kernel: kernel.13.cloned.1.call-start
scs
__scs_entry_jumppad:
0x0: {  	(pc) =	sbr.rel $0x88, $3  }
0x1: {  	(tag) =	ssettag $0x0;
	lr =	simm.s32 $0x1  }
0x2: {  	[smem:$0x3F96] =	sst lr;
	_ =	strace $0xD0000000  }
0x3: {  	_ = 	snop  }
0x4: {  	_ = 	snop  }
0x5: {  	_ = 	snop  }
0x6: {  	_ = 	snop  }
0x7: {  	_ = 	snop  }
__scs_overlays_trampoline_lowered:
0x8: {  	[smem:$0x3FA5] =	sst s0  }
0x9: {  	[smem:$0x3FA6] =	sst s1  }
0xa: {  	[smem:$0x3FA7] =	sst s2  }
0xb: {  	[smem:$0x3FA8] =	sst s3  }
0xc: {  	[smem:$0x3FA9] =	sst s4  }
0xd: {  	[smem:$0x3FAA] =	sst s5  }
0xe: {  	[smem:$0x3FAB] =	sst s6  }
0xf: {  	[smem:$0x3FAC] =	sst s7  }
0x10: {  	[smem:$0x3FAD] =	sst s8  }
0x11: {  	[smem:$0x3FAE] =	sst s9;
	s0 =	simm.s32 @!p0 $0x0  }
0x12: {  	s1 =	sld [smem:$0x3F94];
	s0 =	simm.s32 @p0 $0x1  }
0x13: {  	[smem:$0x3FAF] =	sst s0;
	s0 =	simm.s32 @!p1 $0x0  }
0x14: {  	s2 =	sld [smem:$0x3F93];
	s0 =	simm.s32 @p1 $0x1  }
0x15: {  	[smem:$0x3FB0] =	sst s0;
	s0 =	simm.s32 @!p2 $0x0  }
0x16: {  	s3 =	sld [smem:$0x3FDB];
	s0 =	simm.s32 @p2 $0x1  }
0x17: {  	s4 =	simm.s32 $0x1BF5;
	[smem:$0x3FB2] =	sst s0  }
0x18: {  	s0 =	sld [smem:$0x3F95];
	_ =	swait.ge [sflag:s4], $0x0  }
0x19: {  	s7 =	sld [smem:$0x3F96]  }
0x1a: {  	s8 =	sadd.s32 $0xFFFFE003, lr  }
0x1b: {  	s9 =	sadd.s32 $0xFFFFFEF7, lr;
	s5 =	simm.s32 $0xFFFFFFFF;
	p2 =	slt.u32 s8, $0xFFFFF086  }
0x1c: {  	p1 =	slt.u32 s9, $0xF7A;
	s5 =	simm.s32 @!p2 $0x0  }
0x1d: {  	s5 =	simm.s32 @p1 $0x1;
	p0 =	seq.s32 s7, s2  }
0x1e: {  	s7 =	smul.u32 @!p0 $0xF7A, s2;
	p2 =	seq.s32 @!p0 s5, $0x0  }
0x1f: {  	s9 =	smul.u32 $0xF7A, s1;
	s8 =	simm.s32 @!p0 $0x1BF5;
	p2 =	por !p2, p0  }
0x20: {  	[sflag:s8] =	ssyncset.s32 @!p0 $0xFFFFF086;
	s6 =	sadd.s32 @!p0 s3, s7;
	s7 =	simm.s32 @!p0 $0x108  }
0x21: {  	s3 =	sadd.s32 s3, s9;
	s6 =	sadd.s32 @!p0 $0x88, s6;
	s7 =	simm.s32 @p2 $0x1082  }
0x22: {  	[simem:s7], [sflag:s8] =	dma.local @!p0 [hbm:s6], $0xF7A  }
0x23: {  	s9 =	sor.u32 $0xD0000000, s2;
	s6 =	simm.s32 $0x108;
	_ =	swait.ge @!p0 [sflag:s8], $0x0  }
0x24: {  	s3 =	sadd.s32 $0x88, s3;
	s6 =	simm.s32 @!p1 $0x1082;
	[sflag:s4] =	ssyncset.s32 $0xFFFFF086  }
0x25: {  	[simem:s6], [sflag:s4] =	dma.local [hbm:s3], $0xF7A  }
0x26: {  	[smem:$0x3F96] =	sst s1;
	(tag) =	ssettag s2;
	_ =	strace s9  }
0x27: {  	s1 =	sld [smem:$0x3FA6]  }
0x28: {  	s2 =	sld [smem:$0x3FA7]  }
0x29: {  	s4 =	sld [smem:$0x3FA9]  }
0x2a: {  	p0 =	seq.s32 s5, $0x0;
	s5 =	sld [smem:$0x3FAA]  }
0x2b: {  	s6 =	sld [smem:$0x3FAB]  }
0x2c: {  	s7 =	sld [smem:$0x3FAC]  }
0x2d: {  	s3 =	simm.s32 $0x108;
	s8 =	sld [smem:$0x3FAD]  }
0x2e: {  	s3 =	simm.s32 @!p0 $0x1082;
	s9 =	sld [smem:$0x3FAE]  }
0x2f: {  	lr =	sadd.s32 s0, s3;
	s0 =	sld [smem:$0x3FA5]  }
0x30: {  	s3 =	sld [smem:$0x3FA8]  }
0x31: {  	[smem:$0x3FB1] =	sst s10  }
0x32: {  	s10 =	sld [smem:$0x3FAF];
	_ =	sdelay $0x3  }
0x33: {  	p0 =	seq.s32 s10, $0x1;
	s10 =	sld [smem:$0x3FB1];
	_ =	sdelay $0x3  }
0x34: {  	[smem:$0x3FB1] =	sst s10  }
0x35: {  	s10 =	sld [smem:$0x3FB0];
	_ =	sdelay $0x3  }
0x36: {  	p1 =	seq.s32 s10, $0x1;
	s10 =	sld [smem:$0x3FB1];
	_ =	sdelay $0x3  }
0x37: {  	[smem:$0x3FB1] =	sst s10  }
0x38: {  	s10 =	sld [smem:$0x3FB2]  }
0x39: {  	_ = 	snop;
	(pc) =	sbr.ind lr, $3  }
0x3a: {  	_ = 	snop  }
0x3b: {  	_ = 	snop  }
0x3c: {  	p2 =	seq.s32 s10, $0x1;
	s10 =	sld [smem:$0x3FB1]  }
0x3d: {  	_ =	shalt  }
0x3e: {  	_ =	shalt  }
0x3f: {  	_ =	shalt  }
0x40: {  	_ =	shalt  }
0x41: {  	_ =	shalt  }
0x42: {  	_ =	shalt  }
0x43: {  	_ =	shalt  }
0x44: {  	_ =	shalt  }
0x45: {  	_ =	shalt  }
0x46: {  	_ =	shalt  }
0x47: {  	_ =	shalt  }
0x48: {  	_ =	shalt  }
0x49: {  	_ =	shalt  }
0x4a: {  	_ =	shalt  }
0x4b: {  	_ =	shalt  }
0x4c: {  	_ =	shalt  }
0x4d: {  	_ =	shalt  }
0x4e: {  	_ =	shalt  }
0x4f: {  	_ =	shalt  }
0x50: {  	_ =	shalt  }
0x51: {  	_ =	shalt  }
0x52: {  	_ =	shalt  }
0x53: {  	_ =	shalt  }
0x54: {  	_ =	shalt  }
0x55: {  	_ =	shalt  }
0x56: {  	_ =	shalt  }
0x57: {  	_ =	shalt  }
0x58: {  	_ =	shalt  }
0x59: {  	_ =	shalt  }
0x5a: {  	_ =	shalt  }
0x5b: {  	_ =	shalt  }
0x5c: {  	_ =	shalt  }
0x5d: {  	_ =	shalt  }
0x5e: {  	_ =	shalt  }
0x5f: {  	_ =	shalt  }
0x60: {  	_ =	shalt  }
0x61: {  	_ =	shalt  }
0x62: {  	_ =	shalt  }
0x63: {  	_ =	shalt  }
0x64: {  	_ =	shalt  }
0x65: {  	_ =	shalt  }
0x66: {  	_ =	shalt  }
0x67: {  	_ =	shalt  }
0x68: {  	_ =	shalt  }
0x69: {  	_ =	shalt  }
0x6a: {  	_ =	shalt  }
0x6b: {  	_ =	shalt  }
0x6c: {  	_ =	shalt  }
0x6d: {  	_ =	shalt  }
0x6e: {  	_ =	shalt  }
0x6f: {  	_ =	shalt  }
0x70: {  	_ =	shalt  }
0x71: {  	_ =	shalt  }
0x72: {  	_ =	shalt  }
0x73: {  	_ =	shalt  }
0x74: {  	_ =	shalt  }
0x75: {  	_ =	shalt  }
0x76: {  	_ =	shalt  }
0x77: {  	_ =	shalt  }
0x78: {  	_ =	shalt  }
0x79: {  	_ =	shalt  }
0x7a: {  	_ =	shalt  }
0x7b: {  	_ =	shalt  }
0x7c: {  	_ =	shalt  }
0x7d: {  	_ =	shalt  }
0x7e: {  	_ =	shalt  }
0x7f: {  	_ =	shalt  }
0x80: {  	_ =	shalt  }
0x81: {  	_ =	shalt  }
0x82: {  	_ =	shalt  }
0x83: {  	_ =	shalt  }
0x84: {  	_ =	shalt  }
0x85: {  	_ =	shalt  }
0x86: {  	_ =	shalt  }
0x87: {  	_ =	shalt  }
.Lfunc_end0:
.L_simem_size_0:
called_computation.1_lowered:
.L_overlay_start_0:
0x88: {  	s2 =	sld [smem:$0x3FD9]  }
0x89: {  	s3 =	sld [smem:$0x3FFE];
	_ =	sdelay $0x1  }
0x8a: {  	s1 =	srdreg.scid  }
0x8b: {  	s0 =	sand.u32 $0x1, s1  }
0x8c: {  	s17 =	sshll.u32 s0, $0xA;
	s2 =	sadd.s32 s3, s2  }
0x8d: {  	s2 =	sadd.s32 s2, s17  }
0x8e: {  	[smem:$0x3FBD] =	sst s2  }
0x8f: {  	_ = 	snop  }
0x90: {  	s2 =	sld [smem:$0x3FD0];
	(tm) =	ssettm $0x1  }
0x91: {  	s18 =	sld [smem:$0x3FFB];
	_ =	sdelay $0x3  }
0x92: {  	_ =	strace s18  }
0x93: {  	s3 =	sld [smem:$0x3FFC];
	_ =	sdelay $0x3  }
0x94: {  	_ =	strace s3  }
0x95: {  	s3 =	sld [smem:$0x3FFD];
	_ =	sdelay $0x3  }
0x96: {  	_ =	strace s3  }
0x97: {  	_ =	strace $0x8FFFFFFF  }
0x98: {  	s19 =	sld [smem:$0x3FDB];
	_ =	sdelay $0x1  }
0x99: {  	s4 =	simm.s32 $_scs_section_size  }
0x9a: {  	s5 =	simm.s32 $_size__tile_overlayer_lowered;
	s6 =	simm.s32 $_tile_overlayer_lowered  }
0x9b: {  	s22 =	simm.s32 $0x1BFF;
	s21 =	sshll.u32 s6, $0x1;
	s3 =	sadd.s32 s4, s19  }
0x9c: {  	s7 =	simm.s32 $0x0;
	s20 =	sshll.u32 s5, $0x1;
	s5 =	sadd.s32 s21, s3  }
0x9d: {  	[timem:s7], [sflag:s22] =	dma.local [hbm:s5], s20  }
0x9e: {  	_ =	swait.ge [sflag:s22], s20  }
0x9f: {  	s4 =	ssub.s32 $0x0, s20;
	[sflag:s22] =	ssyncset.done $0x0  }
0xa0: {  	[sflag:s22] =	ssyncadd.s32 s4;
	_ =	sdelay $0x1  }
0xa1: {  	s23 =	simm.s32 $0x1B8B  }
0xa2: {  	_ =	swait.ge [sflag:s23], $0x1  }
0xa3: {  	[sflag:s23] =	ssyncset.done $0x0  }
0xa4: {  	s25 =	simm.s32 $0x1B8E;
	s24 =	sld [smem:$0x3FFE];
	[sflag:s23] =	ssyncadd.s32 $0xFFFFFFFF  }
0xa5: {  	s26 =	simm.s32 $execute0_lowered;
	[smem:$0x3FD2] =	sst s25  }
0xa6: {  	s5 =	sshll.u32 s26, $0x1;
	_ =	strace $0x80000046;
	[dreg:$0x1] =	wrdreg $0xFFFFFFFF  }
0xa7: {  	s28 =	simm.s32 $_size_execute0_lowered;
	s3 =	sadd.s32 s3, s5;
	[dreg:$0x0] =	wrdreg $0x0  }
0xa8: {  	s5 =	sshll.u32 s28, $0x1;
	[dreg:$0x2] =	wrdreg s3  }
0xa9: {  	[dreg:$0x3] =	wrdreg s5  }
0xaa: {  	[dreg:$0x4] =	wrdreg $0xC0  }
0xab: {  	_ =	task [dreg:s7], $0x5FFFF  }
0xac: {  	[dreg:$0x1] =	wrdreg $0xFFFFFFFF  }
0xad: {  	[dreg:$0x0] =	wrdreg $0x60  }
0xae: {  	[dreg:$0x2] =	wrdreg s24  }
0xaf: {  	[dreg:$0x3] =	wrdreg s2  }
0xb0: {  	[dreg:$0x4] =	wrdreg $0x83000  }
0xb1: {  	[dreg:$0x5] =	wrdreg $0x127000  }
0xb2: {  	[dreg:$0x6] =	wrdreg $0xA  }
0xb3: {  	_ =	task.clear_ibuf [dreg:s7], $0x7FFFF;
	_ =	strace $0x90000046  }
0xb4: {  	s29 =	simm.s32 $0xA;
	_ =	strace $0x80000048  }
0xb5: {  	_ =	swait.ge [sflag:s29], $0x1  }
0xb6: {  	[sflag:s29] =	ssyncadd.s32 $0xFFFFFFFF  }
0xb7: {  	_ =	strace $0x90000048  }
0xb8: {  	_ =	sfence  }
0xb9: {  	s30 =	sld [smem:$0x0];
	_ =	sdelay $0x2  }
0xba: {  	s31 =	sshll.u32 s1, $0xD;
	s1 =	sshrl.u32 s1, $0x2  }
0xbb: {  	s3 =	sand.u32 $0x4000, s31;
	s1 =	sadd.s32 s1, s30  }
0xbc: {  	s0 =	sor.u32 s3, s0;
	s1 =	sshll.u32 s1, $0x11  }
0xbd: {  	s0 =	sor.u32 s1, s0  }
0xbe: {  	s0 =	sadd.s32 $0x8F2B, s0  }
0xbf: {  	[sflag:s0] =	ssyncadd.remote.s32 $0x1  }
0xc0: {  	_ =	sfence.sel $0xFFFF  }
0xc1: {  	[dreg:$0x0] =	wrdreg $0xFFFFFFFF;
	(pc) =	sbr.abs _section_cstart, $3  }
0xc2: {  	[dreg:$0x1] =	wrdreg $0xFFFFFFFF  }
0xc3: {  	_ =	task.clear_ibuf [dreg:s7], $0x2FFFF;
	_ =	strace $0x9FFFFFFF  }
0xc4: {  	(tm) =	ssettm $0x7FFFFFFF  }
0xc5: {  	_ =	shalt  }
tec
execute0_lowered:
.L_overlay_start_1:
0x0: {  	(tag) =	ssettag $0x1  }
0x1: {  	s0 =	rddreg [dreg:$0x0]  }
0x2: {  	s3 =	rddreg [dreg:$0x1]  }
0x3: {  	s1 =	rddreg [dreg:$0x2]  }
0x4: {  	s2 =	rddreg [dreg:$0x3]  }
0x5: {  	s4 =	srdreg.scid;
	s18 =	stileid.u32  }
0x6: {  	s29 =	simm.s32 $0x300;
	s30 =	simm.s32 $0xB;
	s8 =	smul.u32 $0x140, s18  }
0x7: {  	s31 =	simm.s32 $0x80;
	s7 =	sand.u32 $0x1, s4;
	s9 =	smul.u32 $0xA400, s18  }
0x8: {  	s4 =	simm.s32 $0x0;
	s5 =	sadd.s32 $0xE400, s0;
	s14 =	smul.u32 $0x4E80, s18  }
0x9: {  	s6 =	sadd.s32 $0x36400, s0;
	s10 =	sadd.s32 $0x4600, s0;
	s26 =	smul.u32 $0x9D0, s18  }
0xa: {  	s20 =	smul.u32 $0x1400, s7;
	[smem:$0x7FF] =	sst s4;
	s7 =	ssub.s32 $0x2, s7  }
0xb: {  	_ =	strace $0x80000047;
	s17 =	sadd.s32 $0x2000, s9;
	s11 =	sadd.s32 $0x4000, s9  }
0xc: {  	s12 =	sadd.s32 s9, s1;
	s22 =	sadd.s32 $0x6000, s9;
	s13 =	sadd.s32 $0x8000, s9  }
0xd: {  	s24 =	sadd.s32 $0xA000, s9;
	s9 =	sadd.s32 s9, s2;
	[dreg:$0x5] =	wrdreg s12  }
0xe: {  	s16 =	sshrl.u32 s7, $0x1;
	s19 =	sadd.s32 s17, s1;
	[dreg:$0xa] =	wrdreg s9  }
0xf: {  	s25 =	sshrl.u32 s14, $0x3;
	s21 =	sadd.s32 s11, s1;
	[dreg:$0x6] =	wrdreg s19  }
0x10: {  	s8 =	sadd.s32 s8, s20;
	s15 =	sadd.s32 s22, s1;
	[dreg:$0x7] =	wrdreg s21  }
0x11: {  	s7 =	ssub.s32 s7, s16;
	s23 =	sadd.s32 s13, s1;
	[dreg:$0x8] =	wrdreg s15  }
0x12: {  	s28 =	sadd.s32 s3, s25;
	s9 =	sadd.s32 s10, s25;
	[dreg:$0x9] =	wrdreg s23  }
0x13: {  	s16 =	sadd.s32 s26, s10;
	s10 =	smul.u32 $0xA000, s18;
	[dreg:$0xc] =	wrdreg s28  }
0x14: {  	s11 =	sadd.s32 s11, s2;
	s14 =	sadd.s32 s22, s2;
	[dreg:$0xd] =	wrdreg s9  }
0x15: {  	s22 =	sadd.s32 s24, s2;
	s12 =	simm.s32 $0x180;
	[dreg:$0xe] =	wrdreg s11  }
0x16: {  	s8 =	sshll.u32 s8, $0x4;
	[dreg:$0xf] =	wrdreg s14;
	s19 =	sadd.s32 s13, s2  }
0x17: {  	s21 =	sadd.s32 s24, s1;
	[dreg:$0x12] =	wrdreg s22;
	s25 =	smax.u32 s7, $0x1  }
0x18: {  	s7 =	simm.s32 $0x40;
	s9 =	simm.s32 $0x1;
	s11 =	simm.s32 $0x100  }
0x19: {  	s13 =	simm.s32 $0x200;
	s14 =	simm.s32 $0x4300;
	s15 =	simm.s32 $0x6300  }
0x1a: {  	s22 =	simm.s32 $0x6;
	s0 =	sadd.s32 s8, s0;
	[dreg:$0x10] =	wrdreg s19  }
0x1b: {  	s8 =	sadd.s32 s17, s2;
	s17 =	sadd.s32 s26, s3;
	[dreg:$0x11] =	wrdreg s21  }
0x1c: {  	s23 =	sadd.s32 s10, s1;
	s3 =	sadd.s32 s10, s2;
	[dreg:$0x15] =	wrdreg s25  }
0x1d: {  	s10 =	simm.s32 $0x2;
	s19 =	simm.s32 $0x4;
	s21 =	simm.s32 $0x5  }
0x1e: {  	s25 =	simm.s32 $0x0;
	[dreg:$0xb] =	wrdreg s8;
	s24 =	sadd.s32 $0xAE400, s0  }
.Ltmp0:
0x1f: {  	s0 =	sadd.s32 $0xD6400, s0;
	s26 =	sshrl.u32 s23, $0x3;
	(pc) =	sbr.rel .LBB2_1-.Ltmp0, $4  }
0x20: {  	s28 =	sshrl.u32 s3, $0x3;
	s23 =	sor.u32 $0x1400, s18;
	[dreg:$0x13] =	wrdreg s24  }
0x21: {  	s3 =	simm.s32 $0xA;
	s8 =	simm.s32 $0x2300;
	[dreg:$0x14] =	wrdreg s0  }
0x22: {  	v3 =	vimm.f32 $0.0e+00;
	s18 =	simm.s32 $0x3;
	[dreg:$0x16] =	wrdreg s26;
	s24 =	sadd.s32 $0x1400, s20  }
0x23: {  	v0 =	vmov s20;
	[dreg:$0x17] =	wrdreg s28;
	s0 =	simm.s32 $0x9;
	s20 =	simm.s32 $0x280;
	v2 =	vmov s23;
	v1 =	vmov s24  }
.LBB2_6:
0x24: {  	s23 =	simm.s32 $0x7  }
0x25: {  	_ =	swait.ge [sflag:s23], $0x2000  }
0x26: {  	[sflag:s23] =	ssyncset.done $0x0  }
0x27: {  	s28 =	simm.s32 $0x8;
	[sflag:s23] =	ssyncadd.s32 $0xFFFFE000  }
0x28: {  	_ =	swait.ge [sflag:s28], $0x2000  }
0x29: {  	[sflag:s28] =	ssyncset.done $0x0  }
0x2a: {  	[sflag:s28] =	ssyncadd.s32 $0xFFFFE000  }
0x2b: {  	s24 =	stileid.u32;
	[bflag:$0x0] =	sbarrier.arrive $0xFFFF  }
0x2c: {  	s23 =	sshll.u32 s24, $0x6;
	s24 =	rddreg [dreg:$0x13]  }
0x2d: {  	s23 =	sor.u32 $0x1C0B, s23;
	s26 =	rddreg [dreg:$0x16]  }
0x2e: {  	[hbm:s24], [sflag:s23] =	dma.local [spmem:s26], $0x1400  }
0x2f: {  	_ =	swait.ge [sflag:s30], $0x1400  }
0x30: {  	[sflag:s30] =	ssyncset.done $0x0;
	s26 =	rddreg [dreg:$0x14]  }
0x31: {  	s28 =	rddreg [dreg:$0x17];
	[sflag:s30] =	ssyncadd.s32 $0xFFFFEC00  }
0x32: {  	[hbm:s26], [sflag:s23] =	dma.local [spmem:s28], $0x1400  }
0x33: {  	_ =	swait.ge [sflag:s30], $0x1400  }
0x34: {  	s25 =	sadd.s32 $0x1, s25;
	s28 =	rddreg [dreg:$0x15]  }
0x35: {  	p0 =	sne.s32 s25, s28  }
.Ltmp1:
0x36: {  	_ = 	snop;
	(pc) =	sbr.rel @!p0 .LBB2_7-.Ltmp1, $3  }
0x37: {  	_ =	sdelay $0x1  }
0x38: {  	[sflag:s30] =	ssyncset.done $0x0  }
0x39: {  	[sflag:s30] =	ssyncadd.s32 $0xFFFFEC00  }
.LBB2_1:
0x3a: {  	s23 =	simm.s32 $0x0;
	s26 =	simm.s32 $0x200  }
.LBB2_2:
0x3b: {  	p0 =	sne.s32 s26, $0x7E00;
	[tilespmem:s23+$0x370] =	vst v3  }
0x3c: {  	[tilespmem:s23+$0x300] =	vst v3  }
0x3d: {  	[tilespmem:s23+$0x310] =	vst v3  }
.Ltmp2:
0x3e: {  	[tilespmem:s23+$0x320] =	vst v3;
	(pc) =	sbr.rel @p0 .LBB2_2-.Ltmp2, $4  }
0x3f: {  	[tilespmem:s23+$0x330] =	vst v3  }
0x40: {  	[tilespmem:s23+$0x340] =	vst v3  }
0x41: {  	[tilespmem:s23+$0x350] =	vst v3  }
0x42: {  	[tilespmem:s23+$0x360] =	vst v3;
	s23 =	sshra.s32 s26, $0x2;
	s26 =	sadd.s32 $0x200, s26  }
0x43: {  	[tilespmem:s23+$0x370] =	vst v3  }
0x44: {  	[tilespmem:s23+$0x300] =	vst v3  }
0x45: {  	[tilespmem:s23+$0x310] =	vst v3  }
0x46: {  	[tilespmem:s23+$0x320] =	vst v3  }
0x47: {  	[tilespmem:s23+$0x330] =	vst v3  }
0x48: {  	[tilespmem:s23+$0x340] =	vst v3  }
0x49: {  	[tilespmem:s23+$0x350] =	vst v3  }
0x4a: {  	[tilespmem:s23+$0x360] =	vst v3;
	s24 =	rddreg [dreg:$0x5]  }
0x4b: {  	[spmem:s24] =	stream.linear.scatter [tilespmem:s29], [sflag:$0xB], $0x2000, $0x38;
	[tilespmem:$0x1CB00] =	vst v63  }
0x4c: {  	_ =	swait.ge [sflag:s30], $0x2000  }
0x4d: {  	[sflag:s30] =	ssyncset.done $0x0  }
0x4e: {  	s26 =	rddreg [dreg:$0x6];
	[sflag:s30] =	ssyncadd.s32 $0xFFFFE000  }
0x4f: {  	[spmem:s26] =	stream.linear.scatter [tilespmem:s29], [sflag:$0xB], $0x2000, $0x38;
	[tilespmem:$0x1CB00] =	vst v63  }
0x50: {  	_ =	swait.ge [sflag:s30], $0x2000  }
0x51: {  	[sflag:s30] =	ssyncset.done $0x0  }
0x52: {  	s28 =	rddreg [dreg:$0x7];
	[sflag:s30] =	ssyncadd.s32 $0xFFFFE000  }
0x53: {  	[spmem:s28] =	stream.linear.scatter [tilespmem:s29], [sflag:$0xB], $0x2000, $0x38;
	[tilespmem:$0x1CB00] =	vst v63  }
0x54: {  	_ =	swait.ge [sflag:s30], $0x2000  }
0x55: {  	[sflag:s30] =	ssyncset.done $0x0  }
0x56: {  	s24 =	rddreg [dreg:$0x8];
	[sflag:s30] =	ssyncadd.s32 $0xFFFFE000  }
0x57: {  	[spmem:s24] =	stream.linear.scatter [tilespmem:s29], [sflag:$0xB], $0x2000, $0x38;
	[tilespmem:$0x1CB00] =	vst v63  }
0x58: {  	_ =	swait.ge [sflag:s30], $0x2000  }
0x59: {  	[sflag:s30] =	ssyncset.done $0x0  }
0x5a: {  	s26 =	rddreg [dreg:$0x9];
	[sflag:s30] =	ssyncadd.s32 $0xFFFFE000  }
0x5b: {  	[spmem:s26] =	stream.linear.scatter [tilespmem:s29], [sflag:$0xB], $0x2000, $0x38;
	[tilespmem:$0x1CB00] =	vst v63  }
0x5c: {  	_ =	swait.ge [sflag:s30], $0x2000  }
0x5d: {  	[sflag:s30] =	ssyncset.done $0x0  }
0x5e: {  	s28 =	rddreg [dreg:$0x11];
	[sflag:s30] =	ssyncadd.s32 $0xFFFFE000  }
0x5f: {  	[spmem:s28] =	stream.linear.scatter [tilespmem:s29], [sflag:$0xB], $0x400, $0x38;
	[tilespmem:$0x1CB00] =	vst v63  }
0x60: {  	_ =	swait.ge [sflag:s30], $0x400  }
0x61: {  	[sflag:s30] =	ssyncset.done $0x0  }
0x62: {  	s24 =	rddreg [dreg:$0xa];
	[sflag:s30] =	ssyncadd.s32 $0xFFFFFC00  }
0x63: {  	[spmem:s24] =	stream.linear.scatter [tilespmem:s29], [sflag:$0xB], $0x2000, $0x38;
	[tilespmem:$0x1CB00] =	vst v63  }
0x64: {  	_ =	swait.ge [sflag:s30], $0x2000  }
0x65: {  	[sflag:s30] =	ssyncset.done $0x0  }
0x66: {  	s26 =	rddreg [dreg:$0xb];
	[sflag:s30] =	ssyncadd.s32 $0xFFFFE000  }
0x67: {  	[spmem:s26] =	stream.linear.scatter [tilespmem:s29], [sflag:$0xB], $0x2000, $0x38;
	[tilespmem:$0x1CB00] =	vst v63  }
0x68: {  	_ =	swait.ge [sflag:s30], $0x2000  }
0x69: {  	[sflag:s30] =	ssyncset.done $0x0  }
0x6a: {  	s28 =	rddreg [dreg:$0xe];
	[sflag:s30] =	ssyncadd.s32 $0xFFFFE000  }
0x6b: {  	[spmem:s28] =	stream.linear.scatter [tilespmem:s29], [sflag:$0xB], $0x2000, $0x38;
	[tilespmem:$0x1CB00] =	vst v63  }
0x6c: {  	_ =	swait.ge [sflag:s30], $0x2000  }
0x6d: {  	[sflag:s30] =	ssyncset.done $0x0  }
0x6e: {  	s24 =	rddreg [dreg:$0xf];
	[sflag:s30] =	ssyncadd.s32 $0xFFFFE000  }
0x6f: {  	[spmem:s24] =	stream.linear.scatter [tilespmem:s29], [sflag:$0xB], $0x2000, $0x38;
	[tilespmem:$0x1CB00] =	vst v63  }
0x70: {  	_ =	swait.ge [sflag:s30], $0x2000  }
0x71: {  	[sflag:s30] =	ssyncset.done $0x0  }
0x72: {  	s26 =	rddreg [dreg:$0x10];
	[sflag:s30] =	ssyncadd.s32 $0xFFFFE000  }
0x73: {  	[spmem:s26] =	stream.linear.scatter [tilespmem:s29], [sflag:$0xB], $0x2000, $0x38;
	[tilespmem:$0x1CB00] =	vst v63  }
0x74: {  	_ =	swait.ge [sflag:s30], $0x2000  }
0x75: {  	[sflag:s30] =	ssyncset.done $0x0  }
0x76: {  	s28 =	rddreg [dreg:$0x12];
	[sflag:s30] =	ssyncadd.s32 $0xFFFFE000  }
0x77: {  	[spmem:s28] =	stream.linear.scatter [tilespmem:s29], [sflag:$0xB], $0x400, $0x38;
	[tilespmem:$0x1CB00] =	vst v63  }
0x78: {  	_ =	swait.ge [sflag:s30], $0x400  }
0x79: {  	[sflag:s30] =	ssyncset.done $0x0  }
0x7a: {  	[sflag:s30] =	ssyncadd.s32 $0xFFFFFC00  }
0x7b: {  	[bflag:$0x0] =	sbarrier.arrive $0xFFFF  }
0x7c: {  	s26 =	simm.s32 $0x0;
	s24 =	rddreg [dreg:$0xc]  }
0x7d: {  	[tilespmem:s26], [sflag:$0x9] =	stream.linear.gather [hbm4b:s24+s26], $0x40, $0x38;
	[tilespmem:$0x1CB00] =	vst v63  }
0x7e: {  	s28 =	rddreg [dreg:$0xd]  }
0x7f: {  	[tilespmem:s31], [sflag:$0xA] =	stream.linear.gather [hbm4b:s28+s26], $0x40, $0x38;
	[tilespmem:$0x1CB00] =	vst v63  }
0x80: {  	_ =	swait.ge [sflag:s0], $0x40  }
0x81: {  	[sflag:s0] =	ssyncset.done $0x0  }
0x82: {  	[sflag:s0] =	ssyncadd.s32 $0xFFFFFFC0  }
0x83: {  	_ =	swait.ge [sflag:s3], $0x40  }
0x84: {  	[sflag:s3] =	ssyncset.done $0x0  }
0x85: {  	[sflag:s3] =	ssyncadd.s32 $0xFFFFFFC0  }
0x86: {  	v4 =	vld [tilespmem:$0x80]  }
0x87: {  	v5 =	vld [tilespmem:$0x90]  }
0x88: {  	v6 =	vld [tilespmem:$0xA0]  }
0x89: {  	v7 =	vld [tilespmem:$0xB0];
	_ =	sdelay $0x1  }
0x8a: {  	vm0 =	vge.s32 v4, v0  }
0x8b: {  	vm1 =	vlt.s32 v4, v1;
	vm2 =	vge.s32 v5, v0;
	vm3 =	vlt.s32 v5, v1  }
0x8c: {  	v4 =	vsub.s32 v4, v0;
	v5 =	vsub.s32 v5, v0;
	vm10 =	vge.s32 v6, v0  }
0x8d: {  	vm11 =	vlt.s32 v6, v1;
	vm13 =	vge.s32 v7, v0;
	vm0 =	vmand vm0, vm1  }
0x8e: {  	vm14 =	vlt.s32 v7, v1;
	vm9 =	vmand vm2, vm3;
	v4 =	vsel vm0, v4, v2  }
0x8f: {  	vm12 =	vmand vm10, vm11;
	v5 =	vsel vm9, v5, v2;
	[tilespmem:$0x100] =	vst v4;
	v4 =	vsub.s32 v6, v0  }
0x90: {  	vm15 =	vmand vm13, vm14;
	[tilespmem:$0x110] =	vst v5;
	v5 =	vsub.s32 v7, v0;
	v4 =	vsel vm12, v4, v2  }
0x91: {  	[tilespmem:$0x120] =	vst v4;
	v4 =	vsel vm15, v5, v2  }
0x92: {  	[tilespmem:$0x130] =	vst v4  }
0x93: {  	[tilespmem:s29], [sflag:$0x1] =	stream.indirect.gather [hbm4b:s5+s7], $0x80, s26, s7, $0xb8;
	[tilespmem:$0x1CB00] =	vst v63  }
0x94: {  	_ = 	snop  }
0x95: {  	[tilespmem:s8], [sflag:$0x2] =	stream.indirect.gather [hbm4b:s6+s7], $0x80, s26, s7, $0xb8;
	[tilespmem:$0x1CB00] =	vst v63  }
.LBB2_4:
0x96: {  	_ =	swait.ge [sflag:s9], $0x2000  }
0x97: {  	[sflag:s9] =	ssyncset.done $0x0  }
0x98: {  	[sflag:s9] =	ssyncadd.s32 $0xFFFFE000  }
0x99: {  	_ =	swait.ge [sflag:s10], $0x2000  }
0x9a: {  	[sflag:s10] =	ssyncset.done $0x0  }
0x9b: {  	p0 =	seq.s32 s26, $0x0;
	[sflag:s10] =	ssyncadd.s32 $0xFFFFE000  }
0x9c: {  	[spmem:s1] =	stream.indirect.scatter.add.f32 [tilespmem:s29], [sflag:$0x5], $0x80, s11, s7, $0xb8;
	[tilespmem:$0x1CB00] =	vst v63  }
0x9d: {  	s23 =	simm.s32 @!p0 $0x7  }
0x9e: {  	[spmem:s2] =	stream.indirect.scatter.add.f32 [tilespmem:s8], [sflag:$0x6], $0x80, s11, s7, $0xb8;
	[tilespmem:$0x1CB00] =	vst v63  }
0x9f: {  	_ =	swait.ge @!p0 [sflag:s23], $0x2000  }
0xa0: {  	[sflag:s23] =	ssyncset.done @!p0 $0x0  }
0xa1: {  	[sflag:s23] =	ssyncadd.s32 @!p0 $0xFFFFE000;
	s23 =	simm.s32 @!p0 $0x8  }
0xa2: {  	_ =	swait.ge @!p0 [sflag:s23], $0x2000  }
0xa3: {  	s28 =	sadd.s32 s26, s17;
	[sflag:s23] =	ssyncset.done @!p0 $0x0  }
0xa4: {  	s24 =	sadd.s32 $0x8, s28;
	[sflag:s23] =	ssyncadd.s32 @!p0 $0xFFFFE000;
	s23 =	sadd.s32 s26, s16  }
0xa5: {  	[tilespmem:s12], [sflag:$0x9] =	stream.linear.gather [hbm4b:s24+s4], $0x40, $0x38;
	[tilespmem:$0x1CB00] =	vst v63  }
0xa6: {  	s24 =	sadd.s32 $0x8, s23  }
0xa7: {  	[tilespmem:s13], [sflag:$0xA] =	stream.linear.gather [hbm4b:s24+s4], $0x40, $0x38;
	[tilespmem:$0x1CB00] =	vst v63  }
0xa8: {  	_ =	swait.ge [sflag:s0], $0x40  }
0xa9: {  	[sflag:s0] =	ssyncset.done $0x0  }
0xaa: {  	[sflag:s0] =	ssyncadd.s32 $0xFFFFFFC0  }
0xab: {  	_ =	swait.ge [sflag:s3], $0x40  }
0xac: {  	[sflag:s3] =	ssyncset.done $0x0  }
0xad: {  	[sflag:s3] =	ssyncadd.s32 $0xFFFFFFC0  }
0xae: {  	v4 =	vld [tilespmem:$0x200]  }
0xaf: {  	v5 =	vld [tilespmem:$0x210]  }
0xb0: {  	v6 =	vld [tilespmem:$0x220]  }
0xb1: {  	v7 =	vld [tilespmem:$0x230];
	_ =	sdelay $0x1  }
0xb2: {  	vm0 =	vge.s32 v4, v0  }
0xb3: {  	vm1 =	vlt.s32 v4, v1;
	vm2 =	vge.s32 v5, v0;
	vm3 =	vlt.s32 v5, v1  }
0xb4: {  	v4 =	vsub.s32 v4, v0;
	v5 =	vsub.s32 v5, v0;
	vm10 =	vge.s32 v6, v0  }
0xb5: {  	vm11 =	vlt.s32 v6, v1;
	vm13 =	vge.s32 v7, v0;
	vm0 =	vmand vm0, vm1  }
0xb6: {  	vm14 =	vlt.s32 v7, v1;
	vm9 =	vmand vm2, vm3;
	v4 =	vsel vm0, v4, v2  }
0xb7: {  	vm12 =	vmand vm10, vm11;
	v5 =	vsel vm9, v5, v2;
	[tilespmem:$0x280] =	vst v4;
	v4 =	vsub.s32 v6, v0  }
0xb8: {  	vm15 =	vmand vm13, vm14;
	[tilespmem:$0x290] =	vst v5;
	v5 =	vsub.s32 v7, v0;
	v4 =	vsel vm12, v4, v2  }
0xb9: {  	[tilespmem:$0x2A0] =	vst v4;
	v4 =	vsel vm15, v5, v2  }
0xba: {  	[tilespmem:$0x2B0] =	vst v4  }
0xbb: {  	[tilespmem:s14], [sflag:$0x3] =	stream.indirect.gather [hbm4b:s5+s7], $0x80, s12, s7, $0xb8;
	[tilespmem:$0x1CB00] =	vst v63  }
0xbc: {  	_ = 	snop  }
0xbd: {  	[tilespmem:s15], [sflag:$0x4] =	stream.indirect.gather [hbm4b:s6+s7], $0x80, s12, s7, $0xb8;
	[tilespmem:$0x1CB00] =	vst v63  }
0xbe: {  	_ =	swait.ge [sflag:s18], $0x2000  }
0xbf: {  	[sflag:s18] =	ssyncset.done $0x0  }
0xc0: {  	[sflag:s18] =	ssyncadd.s32 $0xFFFFE000  }
0xc1: {  	_ =	swait.ge [sflag:s19], $0x2000  }
0xc2: {  	[sflag:s19] =	ssyncset.done $0x0  }
0xc3: {  	[sflag:s19] =	ssyncadd.s32 $0xFFFFE000  }
0xc4: {  	[spmem:s1] =	stream.indirect.scatter.add.f32 [tilespmem:s14], [sflag:$0x7], $0x80, s20, s7, $0xb8;
	[tilespmem:$0x1CB00] =	vst v63  }
0xc5: {  	_ = 	snop  }
0xc6: {  	[spmem:s2] =	stream.indirect.scatter.add.f32 [tilespmem:s15], [sflag:$0x8], $0x80, s20, s7, $0xb8;
	[tilespmem:$0x1CB00] =	vst v63  }
0xc7: {  	p0 =	seq.s32 s26, $0x9C0;
	_ =	swait.ge [sflag:s21], $0x2000  }
.Ltmp3:
0xc8: {  	[sflag:s21] =	ssyncset.done $0x0;
	(pc) =	sbr.rel @p0 .LBB2_6-.Ltmp3, $4  }
0xc9: {  	[sflag:s21] =	ssyncadd.s32 $0xFFFFE000  }
0xca: {  	_ =	swait.ge [sflag:s22], $0x2000  }
0xcb: {  	[sflag:s22] =	ssyncset.done $0x0  }
0xcc: {  	[sflag:s22] =	ssyncadd.s32 $0xFFFFE000  }
0xcd: {  	s24 =	sadd.s32 $0x10, s28  }
0xce: {  	[tilespmem:s4], [sflag:$0x9] =	stream.linear.gather [hbm4b:s24+s4], $0x40, $0x38;
	[tilespmem:$0x1CB00] =	vst v63  }
0xcf: {  	s23 =	sadd.s32 $0x10, s23  }
0xd0: {  	[tilespmem:s31], [sflag:$0xA] =	stream.linear.gather [hbm4b:s23+s4], $0x40, $0x38;
	[tilespmem:$0x1CB00] =	vst v63  }
0xd1: {  	_ =	swait.ge [sflag:s0], $0x40  }
0xd2: {  	[sflag:s0] =	ssyncset.done $0x0  }
0xd3: {  	[sflag:s0] =	ssyncadd.s32 $0xFFFFFFC0  }
0xd4: {  	_ =	swait.ge [sflag:s3], $0x40  }
0xd5: {  	[sflag:s3] =	ssyncset.done $0x0  }
0xd6: {  	[sflag:s3] =	ssyncadd.s32 $0xFFFFFFC0  }
0xd7: {  	v4 =	vld [tilespmem:$0x80]  }
0xd8: {  	v5 =	vld [tilespmem:$0x90]  }
0xd9: {  	v6 =	vld [tilespmem:$0xA0]  }
0xda: {  	v7 =	vld [tilespmem:$0xB0];
	_ =	sdelay $0x1  }
0xdb: {  	vm0 =	vge.s32 v4, v0  }
0xdc: {  	vm1 =	vlt.s32 v4, v1;
	vm2 =	vge.s32 v5, v0;
	vm3 =	vlt.s32 v5, v1  }
0xdd: {  	v4 =	vsub.s32 v4, v0;
	v5 =	vsub.s32 v5, v0;
	vm10 =	vge.s32 v6, v0  }
0xde: {  	vm11 =	vlt.s32 v6, v1;
	vm13 =	vge.s32 v7, v0;
	vm0 =	vmand vm0, vm1  }
0xdf: {  	vm14 =	vlt.s32 v7, v1;
	vm9 =	vmand vm2, vm3;
	v4 =	vsel vm0, v4, v2  }
0xe0: {  	vm12 =	vmand vm10, vm11;
	v5 =	vsel vm9, v5, v2;
	[tilespmem:$0x100] =	vst v4;
	v4 =	vsub.s32 v6, v0  }
0xe1: {  	vm15 =	vmand vm13, vm14;
	[tilespmem:$0x110] =	vst v5;
	v5 =	vsub.s32 v7, v0;
	v4 =	vsel vm12, v4, v2  }
.Ltmp4:
0xe2: {  	[tilespmem:$0x120] =	vst v4;
	v4 =	vsel vm15, v5, v2;
	(pc) =	sbr.rel .LBB2_4-.Ltmp4, $4  }
0xe3: {  	[tilespmem:$0x130] =	vst v4  }
0xe4: {  	[tilespmem:s29], [sflag:$0x1] =	stream.indirect.gather [hbm4b:s5+s7], $0x80, s4, s7, $0xb8;
	[tilespmem:$0x1CB00] =	vst v63  }
0xe5: {  	s26 =	sadd.s32 $0x10, s26  }
0xe6: {  	[tilespmem:s8], [sflag:$0x2] =	stream.indirect.gather [hbm4b:s6+s7], $0x80, s4, s7, $0xb8;
	[tilespmem:$0x1CB00] =	vst v63  }
.LBB2_7:
0xe7: {  	_ =	sfence.sel $0x180000  }
0xe8: {  	[bflag:$0x0] =	sbarrier.arrive $0xFFFF  }
0xe9: {  	_ =	strace $0x90000047  }
0xea: {  	s0 =	stileid.u32;
	[bflag:$0x2] =	sbarrier.arrive $0xFFFF  }
0xeb: {  	p0 =	sne.s32 s0, $0x0;
	s0 =	rddreg [dreg:$0x4]  }
0xec: {  	s0 =	sadd.s32 @!p0 $0x100000, s0  }
0xed: {  	[sflag:s0] =	ssyncadd.tile.s32 @!p0 $0x1;
	_ =	shalt  }
.Lfunc_end2:
_tile_overlayer_lowered:
.L_overlay_start_2:
0xee: {  	(tag) =	ssettag $0x2  }
0xef: {  	s0 =	rddreg [dreg:$0x0];
	s2 =	stileid.u32  }
0xf0: {  	s1 =	rddreg [dreg:$0x1];
	p0 =	sne.s32 s2, $0x0  }
0xf1: {  	s3 =	rddreg [dreg:$0x2];
	[bflag:$0x3] =	sbarrier.arrive $0xFFFF;
	s2 =	simm.s32 @!p0 $0x1C0B  }
0xf2: {  	[timem:s3], [sflag:s2] =	dma.local @!p0 [hbm:s0], s1  }
0xf3: {  	s0 =	simm.s32 @!p0 $0xB  }
0xf4: {  	_ =	swait.ge @!p0 [sflag:s0], s1  }
0xf5: {  	s1 =	ssub.s32 @!p0 $0x0, s1;
	[sflag:s0] =	ssyncset.done @!p0 $0x0  }
0xf6: {  	[sflag:s0] =	ssyncadd.s32 @!p0 s1  }
0xf7: {  	[bflag:$0x3] =	sbarrier.arrive $0xFFFF  }
0xf8: {  	_ =	shalt  }

// kernel: kernel.16.cloned.1.call-start
scs
__scs_entry_jumppad:
0x0: {  	(pc) =	sbr.rel $0x88, $3  }
0x1: {  	(tag) =	ssettag $0x0;
	lr =	simm.s32 $0x1  }
0x2: {  	[smem:$0x3F96] =	sst lr;
	_ =	strace $0xD0000000  }
0x3: {  	_ = 	snop  }
0x4: {  	_ = 	snop  }
0x5: {  	_ = 	snop  }
0x6: {  	_ = 	snop  }
0x7: {  	_ = 	snop  }
__scs_overlays_trampoline_lowered:
0x8: {  	[smem:$0x3FA5] =	sst s0  }
0x9: {  	[smem:$0x3FA6] =	sst s1  }
0xa: {  	[smem:$0x3FA7] =	sst s2  }
0xb: {  	[smem:$0x3FA8] =	sst s3  }
0xc: {  	[smem:$0x3FA9] =	sst s4  }
0xd: {  	[smem:$0x3FAA] =	sst s5  }
0xe: {  	[smem:$0x3FAB] =	sst s6  }
0xf: {  	[smem:$0x3FAC] =	sst s7  }
0x10: {  	[smem:$0x3FAD] =	sst s8  }
0x11: {  	[smem:$0x3FAE] =	sst s9;
	s0 =	simm.s32 @!p0 $0x0  }
0x12: {  	s1 =	sld [smem:$0x3F94];
	s0 =	simm.s32 @p0 $0x1  }
0x13: {  	[smem:$0x3FAF] =	sst s0;
	s0 =	simm.s32 @!p1 $0x0  }
0x14: {  	s2 =	sld [smem:$0x3F93];
	s0 =	simm.s32 @p1 $0x1  }
0x15: {  	[smem:$0x3FB0] =	sst s0;
	s0 =	simm.s32 @!p2 $0x0  }
0x16: {  	s3 =	sld [smem:$0x3FDB];
	s0 =	simm.s32 @p2 $0x1  }
0x17: {  	s4 =	simm.s32 $0x1BF5;
	[smem:$0x3FB2] =	sst s0  }
0x18: {  	s0 =	sld [smem:$0x3F95];
	_ =	swait.ge [sflag:s4], $0x0  }
0x19: {  	s7 =	sld [smem:$0x3F96]  }
0x1a: {  	s8 =	sadd.s32 $0xFFFFE003, lr  }
0x1b: {  	s9 =	sadd.s32 $0xFFFFFEF7, lr;
	s5 =	simm.s32 $0xFFFFFFFF;
	p2 =	slt.u32 s8, $0xFFFFF086  }
0x1c: {  	p1 =	slt.u32 s9, $0xF7A;
	s5 =	simm.s32 @!p2 $0x0  }
0x1d: {  	s5 =	simm.s32 @p1 $0x1;
	p0 =	seq.s32 s7, s2  }
0x1e: {  	s7 =	smul.u32 @!p0 $0xF7A, s2;
	p2 =	seq.s32 @!p0 s5, $0x0  }
0x1f: {  	s9 =	smul.u32 $0xF7A, s1;
	s8 =	simm.s32 @!p0 $0x1BF5;
	p2 =	por !p2, p0  }
0x20: {  	[sflag:s8] =	ssyncset.s32 @!p0 $0xFFFFF086;
	s6 =	sadd.s32 @!p0 s3, s7;
	s7 =	simm.s32 @!p0 $0x108  }
0x21: {  	s3 =	sadd.s32 s3, s9;
	s6 =	sadd.s32 @!p0 $0x88, s6;
	s7 =	simm.s32 @p2 $0x1082  }
0x22: {  	[simem:s7], [sflag:s8] =	dma.local @!p0 [hbm:s6], $0xF7A  }
0x23: {  	s9 =	sor.u32 $0xD0000000, s2;
	s6 =	simm.s32 $0x108;
	_ =	swait.ge @!p0 [sflag:s8], $0x0  }
0x24: {  	s3 =	sadd.s32 $0x88, s3;
	s6 =	simm.s32 @!p1 $0x1082;
	[sflag:s4] =	ssyncset.s32 $0xFFFFF086  }
0x25: {  	[simem:s6], [sflag:s4] =	dma.local [hbm:s3], $0xF7A  }
0x26: {  	[smem:$0x3F96] =	sst s1;
	(tag) =	ssettag s2;
	_ =	strace s9  }
0x27: {  	s1 =	sld [smem:$0x3FA6]  }
0x28: {  	s2 =	sld [smem:$0x3FA7]  }
0x29: {  	s4 =	sld [smem:$0x3FA9]  }
0x2a: {  	p0 =	seq.s32 s5, $0x0;
	s5 =	sld [smem:$0x3FAA]  }
0x2b: {  	s6 =	sld [smem:$0x3FAB]  }
0x2c: {  	s7 =	sld [smem:$0x3FAC]  }
0x2d: {  	s3 =	simm.s32 $0x108;
	s8 =	sld [smem:$0x3FAD]  }
0x2e: {  	s3 =	simm.s32 @!p0 $0x1082;
	s9 =	sld [smem:$0x3FAE]  }
0x2f: {  	lr =	sadd.s32 s0, s3;
	s0 =	sld [smem:$0x3FA5]  }
0x30: {  	s3 =	sld [smem:$0x3FA8]  }
0x31: {  	[smem:$0x3FB1] =	sst s10  }
0x32: {  	s10 =	sld [smem:$0x3FAF];
	_ =	sdelay $0x3  }
0x33: {  	p0 =	seq.s32 s10, $0x1;
	s10 =	sld [smem:$0x3FB1];
	_ =	sdelay $0x3  }
0x34: {  	[smem:$0x3FB1] =	sst s10  }
0x35: {  	s10 =	sld [smem:$0x3FB0];
	_ =	sdelay $0x3  }
0x36: {  	p1 =	seq.s32 s10, $0x1;
	s10 =	sld [smem:$0x3FB1];
	_ =	sdelay $0x3  }
0x37: {  	[smem:$0x3FB1] =	sst s10  }
0x38: {  	s10 =	sld [smem:$0x3FB2]  }
0x39: {  	_ = 	snop;
	(pc) =	sbr.ind lr, $3  }
0x3a: {  	_ = 	snop  }
0x3b: {  	_ = 	snop  }
0x3c: {  	p2 =	seq.s32 s10, $0x1;
	s10 =	sld [smem:$0x3FB1]  }
0x3d: {  	_ =	shalt  }
0x3e: {  	_ =	shalt  }
0x3f: {  	_ =	shalt  }
0x40: {  	_ =	shalt  }
0x41: {  	_ =	shalt  }
0x42: {  	_ =	shalt  }
0x43: {  	_ =	shalt  }
0x44: {  	_ =	shalt  }
0x45: {  	_ =	shalt  }
0x46: {  	_ =	shalt  }
0x47: {  	_ =	shalt  }
0x48: {  	_ =	shalt  }
0x49: {  	_ =	shalt  }
0x4a: {  	_ =	shalt  }
0x4b: {  	_ =	shalt  }
0x4c: {  	_ =	shalt  }
0x4d: {  	_ =	shalt  }
0x4e: {  	_ =	shalt  }
0x4f: {  	_ =	shalt  }
0x50: {  	_ =	shalt  }
0x51: {  	_ =	shalt  }
0x52: {  	_ =	shalt  }
0x53: {  	_ =	shalt  }
0x54: {  	_ =	shalt  }
0x55: {  	_ =	shalt  }
0x56: {  	_ =	shalt  }
0x57: {  	_ =	shalt  }
0x58: {  	_ =	shalt  }
0x59: {  	_ =	shalt  }
0x5a: {  	_ =	shalt  }
0x5b: {  	_ =	shalt  }
0x5c: {  	_ =	shalt  }
0x5d: {  	_ =	shalt  }
0x5e: {  	_ =	shalt  }
0x5f: {  	_ =	shalt  }
0x60: {  	_ =	shalt  }
0x61: {  	_ =	shalt  }
0x62: {  	_ =	shalt  }
0x63: {  	_ =	shalt  }
0x64: {  	_ =	shalt  }
0x65: {  	_ =	shalt  }
0x66: {  	_ =	shalt  }
0x67: {  	_ =	shalt  }
0x68: {  	_ =	shalt  }
0x69: {  	_ =	shalt  }
0x6a: {  	_ =	shalt  }
0x6b: {  	_ =	shalt  }
0x6c: {  	_ =	shalt  }
0x6d: {  	_ =	shalt  }
0x6e: {  	_ =	shalt  }
0x6f: {  	_ =	shalt  }
0x70: {  	_ =	shalt  }
0x71: {  	_ =	shalt  }
0x72: {  	_ =	shalt  }
0x73: {  	_ =	shalt  }
0x74: {  	_ =	shalt  }
0x75: {  	_ =	shalt  }
0x76: {  	_ =	shalt  }
0x77: {  	_ =	shalt  }
0x78: {  	_ =	shalt  }
0x79: {  	_ =	shalt  }
0x7a: {  	_ =	shalt  }
0x7b: {  	_ =	shalt  }
0x7c: {  	_ =	shalt  }
0x7d: {  	_ =	shalt  }
0x7e: {  	_ =	shalt  }
0x7f: {  	_ =	shalt  }
0x80: {  	_ =	shalt  }
0x81: {  	_ =	shalt  }
0x82: {  	_ =	shalt  }
0x83: {  	_ =	shalt  }
0x84: {  	_ =	shalt  }
0x85: {  	_ =	shalt  }
0x86: {  	_ =	shalt  }
0x87: {  	_ =	shalt  }
.Lfunc_end0:
.L_simem_size_0:
called_computation.2_lowered:
.L_overlay_start_0:
0x88: {  	s2 =	sld [smem:$0x3FD9]  }
0x89: {  	s3 =	sld [smem:$0x3FFE];
	_ =	sdelay $0x1  }
0x8a: {  	s1 =	srdreg.scid  }
0x8b: {  	s0 =	sand.u32 $0x1, s1  }
0x8c: {  	s17 =	sshll.u32 s0, $0xA;
	s2 =	sadd.s32 s3, s2  }
0x8d: {  	s2 =	sadd.s32 s2, s17  }
0x8e: {  	[smem:$0x3FBD] =	sst s2  }
0x8f: {  	_ = 	snop  }
0x90: {  	s2 =	sld [smem:$0x3FD0];
	(tm) =	ssettm $0x1  }
0x91: {  	s18 =	sld [smem:$0x3FFB];
	_ =	sdelay $0x3  }
0x92: {  	_ =	strace s18  }
0x93: {  	s3 =	sld [smem:$0x3FFC];
	_ =	sdelay $0x3  }
0x94: {  	_ =	strace s3  }
0x95: {  	s3 =	sld [smem:$0x3FFD];
	_ =	sdelay $0x3  }
0x96: {  	_ =	strace s3  }
0x97: {  	_ =	strace $0x8FFFFFFF  }
0x98: {  	s19 =	sld [smem:$0x3FDB];
	_ =	sdelay $0x1  }
0x99: {  	s4 =	simm.s32 $_scs_section_size  }
0x9a: {  	s5 =	simm.s32 $_size__tile_overlayer_lowered;
	s6 =	simm.s32 $_tile_overlayer_lowered  }
0x9b: {  	s22 =	simm.s32 $0x1BFF;
	s21 =	sshll.u32 s6, $0x1;
	s3 =	sadd.s32 s4, s19  }
0x9c: {  	s7 =	simm.s32 $0x0;
	s20 =	sshll.u32 s5, $0x1;
	s5 =	sadd.s32 s21, s3  }
0x9d: {  	[timem:s7], [sflag:s22] =	dma.local [hbm:s5], s20  }
0x9e: {  	_ =	swait.ge [sflag:s22], s20  }
0x9f: {  	s4 =	ssub.s32 $0x0, s20;
	[sflag:s22] =	ssyncset.done $0x0  }
0xa0: {  	[sflag:s22] =	ssyncadd.s32 s4;
	_ =	sdelay $0x1  }
0xa1: {  	s23 =	simm.s32 $0x1B8B  }
0xa2: {  	_ =	swait.ge [sflag:s23], $0x1  }
0xa3: {  	[sflag:s23] =	ssyncset.done $0x0  }
0xa4: {  	s25 =	simm.s32 $0x1B8E;
	s24 =	sld [smem:$0x3FFE];
	[sflag:s23] =	ssyncadd.s32 $0xFFFFFFFF  }
0xa5: {  	s26 =	simm.s32 $execute0_lowered;
	[smem:$0x3FD2] =	sst s25  }
0xa6: {  	s5 =	sshll.u32 s26, $0x1;
	_ =	strace $0x8000004C;
	[dreg:$0x1] =	wrdreg $0xFFFFFFFF  }
0xa7: {  	s28 =	simm.s32 $_size_execute0_lowered;
	s3 =	sadd.s32 s3, s5;
	[dreg:$0x0] =	wrdreg $0x0  }
0xa8: {  	s5 =	sshll.u32 s28, $0x1;
	[dreg:$0x2] =	wrdreg s3  }
0xa9: {  	[dreg:$0x3] =	wrdreg s5  }
0xaa: {  	[dreg:$0x4] =	wrdreg $0xC0  }
0xab: {  	_ =	task [dreg:s7], $0x5FFFF  }
0xac: {  	[dreg:$0x1] =	wrdreg $0xFFFFFFFF  }
0xad: {  	[dreg:$0x0] =	wrdreg $0x60  }
0xae: {  	[dreg:$0x2] =	wrdreg s24  }
0xaf: {  	[dreg:$0x3] =	wrdreg s2  }
0xb0: {  	[dreg:$0x4] =	wrdreg $0x83000  }
0xb1: {  	[dreg:$0x5] =	wrdreg $0x127000  }
0xb2: {  	[dreg:$0x6] =	wrdreg $0x9  }
0xb3: {  	_ =	task.clear_ibuf [dreg:s7], $0x7FFFF;
	_ =	strace $0x9000004C  }
0xb4: {  	s29 =	simm.s32 $0x9;
	_ =	strace $0x8000004E  }
0xb5: {  	_ =	swait.ge [sflag:s29], $0x1  }
0xb6: {  	[sflag:s29] =	ssyncadd.s32 $0xFFFFFFFF  }
0xb7: {  	_ =	strace $0x9000004E  }
0xb8: {  	_ =	sfence  }
0xb9: {  	s30 =	sld [smem:$0x0];
	_ =	sdelay $0x2  }
0xba: {  	s31 =	sshll.u32 s1, $0xD;
	s1 =	sshrl.u32 s1, $0x2  }
0xbb: {  	s3 =	sand.u32 $0x4000, s31;
	s1 =	sadd.s32 s1, s30  }
0xbc: {  	s0 =	sor.u32 s3, s0;
	s1 =	sshll.u32 s1, $0x11  }
0xbd: {  	s0 =	sor.u32 s1, s0  }
0xbe: {  	s0 =	sadd.s32 $0x8F2B, s0  }
0xbf: {  	[sflag:s0] =	ssyncadd.remote.s32 $0x1  }
0xc0: {  	_ =	sfence.sel $0xFFFF  }
0xc1: {  	[dreg:$0x0] =	wrdreg $0xFFFFFFFF;
	(pc) =	sbr.abs _section_cstart, $3  }
0xc2: {  	[dreg:$0x1] =	wrdreg $0xFFFFFFFF  }
0xc3: {  	_ =	task.clear_ibuf [dreg:s7], $0x2FFFF;
	_ =	strace $0x9FFFFFFF  }
0xc4: {  	(tm) =	ssettm $0x7FFFFFFF  }
0xc5: {  	_ =	shalt  }
tec
execute0_lowered:
.L_overlay_start_1:
0x0: {  	(tag) =	ssettag $0x1  }
0x1: {  	s0 =	rddreg [dreg:$0x0]  }
0x2: {  	s3 =	rddreg [dreg:$0x1]  }
0x3: {  	s1 =	rddreg [dreg:$0x2]  }
0x4: {  	s2 =	rddreg [dreg:$0x3]  }
0x5: {  	s4 =	srdreg.scid;
	s18 =	stileid.u32  }
0x6: {  	s29 =	simm.s32 $0x300;
	s30 =	simm.s32 $0xB;
	s8 =	smul.u32 $0x140, s18  }
0x7: {  	s31 =	simm.s32 $0x80;
	s7 =	sand.u32 $0x1, s4;
	s9 =	smul.u32 $0xA400, s18  }
0x8: {  	s4 =	simm.s32 $0x0;
	s5 =	sadd.s32 $0x5E400, s0;
	s14 =	smul.u32 $0x4E80, s18  }
0x9: {  	s6 =	sadd.s32 $0x86400, s0;
	s10 =	sadd.s32 $0x4600, s0;
	s26 =	smul.u32 $0x9D0, s18  }
0xa: {  	s20 =	smul.u32 $0x1400, s7;
	[smem:$0x7FF] =	sst s4;
	s7 =	ssub.s32 $0x2, s7  }
0xb: {  	_ =	strace $0x8000004D;
	s17 =	sadd.s32 $0x2000, s9;
	s11 =	sadd.s32 $0x4000, s9  }
0xc: {  	s12 =	sadd.s32 s9, s1;
	s22 =	sadd.s32 $0x6000, s9;
	s13 =	sadd.s32 $0x8000, s9  }
0xd: {  	s24 =	sadd.s32 $0xA000, s9;
	s9 =	sadd.s32 s9, s2;
	[dreg:$0x5] =	wrdreg s12  }
0xe: {  	s16 =	sshrl.u32 s7, $0x1;
	s19 =	sadd.s32 s17, s1;
	[dreg:$0xa] =	wrdreg s9  }
0xf: {  	s25 =	sshrl.u32 s14, $0x3;
	s21 =	sadd.s32 s11, s1;
	[dreg:$0x6] =	wrdreg s19  }
0x10: {  	s8 =	sadd.s32 s8, s20;
	s15 =	sadd.s32 s22, s1;
	[dreg:$0x7] =	wrdreg s21  }
0x11: {  	s7 =	ssub.s32 s7, s16;
	s23 =	sadd.s32 s13, s1;
	[dreg:$0x8] =	wrdreg s15  }
0x12: {  	s28 =	sadd.s32 s3, s25;
	s9 =	sadd.s32 s10, s25;
	[dreg:$0x9] =	wrdreg s23  }
0x13: {  	s16 =	sadd.s32 s26, s10;
	s10 =	smul.u32 $0xA000, s18;
	[dreg:$0xc] =	wrdreg s28  }
0x14: {  	s11 =	sadd.s32 s11, s2;
	s14 =	sadd.s32 s22, s2;
	[dreg:$0xd] =	wrdreg s9  }
0x15: {  	s22 =	sadd.s32 s24, s2;
	s12 =	simm.s32 $0x180;
	[dreg:$0xe] =	wrdreg s11  }
0x16: {  	s8 =	sshll.u32 s8, $0x4;
	[dreg:$0xf] =	wrdreg s14;
	s19 =	sadd.s32 s13, s2  }
0x17: {  	s21 =	sadd.s32 s24, s1;
	[dreg:$0x12] =	wrdreg s22;
	s25 =	smax.u32 s7, $0x1  }
0x18: {  	s7 =	simm.s32 $0x40;
	s9 =	simm.s32 $0x1;
	s11 =	simm.s32 $0x100  }
0x19: {  	s13 =	simm.s32 $0x200;
	s14 =	simm.s32 $0x4300;
	s15 =	simm.s32 $0x6300  }
0x1a: {  	s22 =	simm.s32 $0x6;
	s0 =	sadd.s32 s8, s0;
	[dreg:$0x10] =	wrdreg s19  }
0x1b: {  	s8 =	sadd.s32 s17, s2;
	s17 =	sadd.s32 s26, s3;
	[dreg:$0x11] =	wrdreg s21  }
0x1c: {  	s23 =	sadd.s32 s10, s1;
	s3 =	sadd.s32 s10, s2;
	[dreg:$0x15] =	wrdreg s25  }
0x1d: {  	s10 =	simm.s32 $0x2;
	s19 =	simm.s32 $0x4;
	s21 =	simm.s32 $0x5  }
0x1e: {  	s25 =	simm.s32 $0x0;
	[dreg:$0xb] =	wrdreg s8;
	s24 =	sadd.s32 $0xAE400, s0  }
.Ltmp0:
0x1f: {  	s0 =	sadd.s32 $0xD6400, s0;
	s26 =	sshrl.u32 s23, $0x3;
	(pc) =	sbr.rel .LBB2_1-.Ltmp0, $4  }
0x20: {  	s28 =	sshrl.u32 s3, $0x3;
	s23 =	sor.u32 $0x1400, s18;
	[dreg:$0x13] =	wrdreg s24  }
0x21: {  	s3 =	simm.s32 $0xA;
	s8 =	simm.s32 $0x2300;
	[dreg:$0x14] =	wrdreg s0  }
0x22: {  	v3 =	vimm.f32 $0.0e+00;
	s18 =	simm.s32 $0x3;
	[dreg:$0x16] =	wrdreg s26;
	s24 =	sadd.s32 $0x1400, s20  }
0x23: {  	v0 =	vmov s20;
	[dreg:$0x17] =	wrdreg s28;
	s0 =	simm.s32 $0x9;
	s20 =	simm.s32 $0x280;
	v2 =	vmov s23;
	v1 =	vmov s24  }
.LBB2_6:
0x24: {  	s23 =	simm.s32 $0x7  }
0x25: {  	_ =	swait.ge [sflag:s23], $0x2000  }
0x26: {  	[sflag:s23] =	ssyncset.done $0x0  }
0x27: {  	s28 =	simm.s32 $0x8;
	[sflag:s23] =	ssyncadd.s32 $0xFFFFE000  }
0x28: {  	_ =	swait.ge [sflag:s28], $0x2000  }
0x29: {  	[sflag:s28] =	ssyncset.done $0x0  }
0x2a: {  	[sflag:s28] =	ssyncadd.s32 $0xFFFFE000  }
0x2b: {  	s24 =	stileid.u32;
	[bflag:$0x0] =	sbarrier.arrive $0xFFFF  }
0x2c: {  	s23 =	sshll.u32 s24, $0x6;
	s24 =	rddreg [dreg:$0x13]  }
0x2d: {  	s23 =	sor.u32 $0x1C0B, s23;
	s26 =	rddreg [dreg:$0x16]  }
0x2e: {  	[hbm:s24], [sflag:s23] =	dma.local [spmem:s26], $0x1400  }
0x2f: {  	_ =	swait.ge [sflag:s30], $0x1400  }
0x30: {  	[sflag:s30] =	ssyncset.done $0x0;
	s26 =	rddreg [dreg:$0x14]  }
0x31: {  	s28 =	rddreg [dreg:$0x17];
	[sflag:s30] =	ssyncadd.s32 $0xFFFFEC00  }
0x32: {  	[hbm:s26], [sflag:s23] =	dma.local [spmem:s28], $0x1400  }
0x33: {  	_ =	swait.ge [sflag:s30], $0x1400  }
0x34: {  	s25 =	sadd.s32 $0x1, s25;
	s28 =	rddreg [dreg:$0x15]  }
0x35: {  	p0 =	sne.s32 s25, s28  }
.Ltmp1:
0x36: {  	_ = 	snop;
	(pc) =	sbr.rel @!p0 .LBB2_7-.Ltmp1, $3  }
0x37: {  	_ =	sdelay $0x1  }
0x38: {  	[sflag:s30] =	ssyncset.done $0x0  }
0x39: {  	[sflag:s30] =	ssyncadd.s32 $0xFFFFEC00  }
.LBB2_1:
0x3a: {  	s23 =	simm.s32 $0x0;
	s26 =	simm.s32 $0x200  }
.LBB2_2:
0x3b: {  	p0 =	sne.s32 s26, $0x7E00;
	[tilespmem:s23+$0x370] =	vst v3  }
0x3c: {  	[tilespmem:s23+$0x300] =	vst v3  }
0x3d: {  	[tilespmem:s23+$0x310] =	vst v3  }
.Ltmp2:
0x3e: {  	[tilespmem:s23+$0x320] =	vst v3;
	(pc) =	sbr.rel @p0 .LBB2_2-.Ltmp2, $4  }
0x3f: {  	[tilespmem:s23+$0x330] =	vst v3  }
0x40: {  	[tilespmem:s23+$0x340] =	vst v3  }
0x41: {  	[tilespmem:s23+$0x350] =	vst v3  }
0x42: {  	[tilespmem:s23+$0x360] =	vst v3;
	s23 =	sshra.s32 s26, $0x2;
	s26 =	sadd.s32 $0x200, s26  }
0x43: {  	[tilespmem:s23+$0x370] =	vst v3  }
0x44: {  	[tilespmem:s23+$0x300] =	vst v3  }
0x45: {  	[tilespmem:s23+$0x310] =	vst v3  }
0x46: {  	[tilespmem:s23+$0x320] =	vst v3  }
0x47: {  	[tilespmem:s23+$0x330] =	vst v3  }
0x48: {  	[tilespmem:s23+$0x340] =	vst v3  }
0x49: {  	[tilespmem:s23+$0x350] =	vst v3  }
0x4a: {  	[tilespmem:s23+$0x360] =	vst v3;
	s24 =	rddreg [dreg:$0x5]  }
0x4b: {  	[spmem:s24] =	stream.linear.scatter [tilespmem:s29], [sflag:$0xB], $0x2000, $0x38;
	[tilespmem:$0x1CB00] =	vst v63  }
0x4c: {  	_ =	swait.ge [sflag:s30], $0x2000  }
0x4d: {  	[sflag:s30] =	ssyncset.done $0x0  }
0x4e: {  	s26 =	rddreg [dreg:$0x6];
	[sflag:s30] =	ssyncadd.s32 $0xFFFFE000  }
0x4f: {  	[spmem:s26] =	stream.linear.scatter [tilespmem:s29], [sflag:$0xB], $0x2000, $0x38;
	[tilespmem:$0x1CB00] =	vst v63  }
0x50: {  	_ =	swait.ge [sflag:s30], $0x2000  }
0x51: {  	[sflag:s30] =	ssyncset.done $0x0  }
0x52: {  	s28 =	rddreg [dreg:$0x7];
	[sflag:s30] =	ssyncadd.s32 $0xFFFFE000  }
0x53: {  	[spmem:s28] =	stream.linear.scatter [tilespmem:s29], [sflag:$0xB], $0x2000, $0x38;
	[tilespmem:$0x1CB00] =	vst v63  }
0x54: {  	_ =	swait.ge [sflag:s30], $0x2000  }
0x55: {  	[sflag:s30] =	ssyncset.done $0x0  }
0x56: {  	s24 =	rddreg [dreg:$0x8];
	[sflag:s30] =	ssyncadd.s32 $0xFFFFE000  }
0x57: {  	[spmem:s24] =	stream.linear.scatter [tilespmem:s29], [sflag:$0xB], $0x2000, $0x38;
	[tilespmem:$0x1CB00] =	vst v63  }
0x58: {  	_ =	swait.ge [sflag:s30], $0x2000  }
0x59: {  	[sflag:s30] =	ssyncset.done $0x0  }
0x5a: {  	s26 =	rddreg [dreg:$0x9];
	[sflag:s30] =	ssyncadd.s32 $0xFFFFE000  }
0x5b: {  	[spmem:s26] =	stream.linear.scatter [tilespmem:s29], [sflag:$0xB], $0x2000, $0x38;
	[tilespmem:$0x1CB00] =	vst v63  }
0x5c: {  	_ =	swait.ge [sflag:s30], $0x2000  }
0x5d: {  	[sflag:s30] =	ssyncset.done $0x0  }
0x5e: {  	s28 =	rddreg [dreg:$0x11];
	[sflag:s30] =	ssyncadd.s32 $0xFFFFE000  }
0x5f: {  	[spmem:s28] =	stream.linear.scatter [tilespmem:s29], [sflag:$0xB], $0x400, $0x38;
	[tilespmem:$0x1CB00] =	vst v63  }
0x60: {  	_ =	swait.ge [sflag:s30], $0x400  }
0x61: {  	[sflag:s30] =	ssyncset.done $0x0  }
0x62: {  	s24 =	rddreg [dreg:$0xa];
	[sflag:s30] =	ssyncadd.s32 $0xFFFFFC00  }
0x63: {  	[spmem:s24] =	stream.linear.scatter [tilespmem:s29], [sflag:$0xB], $0x2000, $0x38;
	[tilespmem:$0x1CB00] =	vst v63  }
0x64: {  	_ =	swait.ge [sflag:s30], $0x2000  }
0x65: {  	[sflag:s30] =	ssyncset.done $0x0  }
0x66: {  	s26 =	rddreg [dreg:$0xb];
	[sflag:s30] =	ssyncadd.s32 $0xFFFFE000  }
0x67: {  	[spmem:s26] =	stream.linear.scatter [tilespmem:s29], [sflag:$0xB], $0x2000, $0x38;
	[tilespmem:$0x1CB00] =	vst v63  }
0x68: {  	_ =	swait.ge [sflag:s30], $0x2000  }
0x69: {  	[sflag:s30] =	ssyncset.done $0x0  }
0x6a: {  	s28 =	rddreg [dreg:$0xe];
	[sflag:s30] =	ssyncadd.s32 $0xFFFFE000  }
0x6b: {  	[spmem:s28] =	stream.linear.scatter [tilespmem:s29], [sflag:$0xB], $0x2000, $0x38;
	[tilespmem:$0x1CB00] =	vst v63  }
0x6c: {  	_ =	swait.ge [sflag:s30], $0x2000  }
0x6d: {  	[sflag:s30] =	ssyncset.done $0x0  }
0x6e: {  	s24 =	rddreg [dreg:$0xf];
	[sflag:s30] =	ssyncadd.s32 $0xFFFFE000  }
0x6f: {  	[spmem:s24] =	stream.linear.scatter [tilespmem:s29], [sflag:$0xB], $0x2000, $0x38;
	[tilespmem:$0x1CB00] =	vst v63  }
0x70: {  	_ =	swait.ge [sflag:s30], $0x2000  }
0x71: {  	[sflag:s30] =	ssyncset.done $0x0  }
0x72: {  	s26 =	rddreg [dreg:$0x10];
	[sflag:s30] =	ssyncadd.s32 $0xFFFFE000  }
0x73: {  	[spmem:s26] =	stream.linear.scatter [tilespmem:s29], [sflag:$0xB], $0x2000, $0x38;
	[tilespmem:$0x1CB00] =	vst v63  }
0x74: {  	_ =	swait.ge [sflag:s30], $0x2000  }
0x75: {  	[sflag:s30] =	ssyncset.done $0x0  }
0x76: {  	s28 =	rddreg [dreg:$0x12];
	[sflag:s30] =	ssyncadd.s32 $0xFFFFE000  }
0x77: {  	[spmem:s28] =	stream.linear.scatter [tilespmem:s29], [sflag:$0xB], $0x400, $0x38;
	[tilespmem:$0x1CB00] =	vst v63  }
0x78: {  	_ =	swait.ge [sflag:s30], $0x400  }
0x79: {  	[sflag:s30] =	ssyncset.done $0x0  }
0x7a: {  	[sflag:s30] =	ssyncadd.s32 $0xFFFFFC00  }
0x7b: {  	[bflag:$0x0] =	sbarrier.arrive $0xFFFF  }
0x7c: {  	s26 =	simm.s32 $0x0;
	s24 =	rddreg [dreg:$0xc]  }
0x7d: {  	[tilespmem:s26], [sflag:$0x9] =	stream.linear.gather [hbm4b:s24+s26], $0x40, $0x38;
	[tilespmem:$0x1CB00] =	vst v63  }
0x7e: {  	s28 =	rddreg [dreg:$0xd]  }
0x7f: {  	[tilespmem:s31], [sflag:$0xA] =	stream.linear.gather [hbm4b:s28+s26], $0x40, $0x38;
	[tilespmem:$0x1CB00] =	vst v63  }
0x80: {  	_ =	swait.ge [sflag:s0], $0x40  }
0x81: {  	[sflag:s0] =	ssyncset.done $0x0  }
0x82: {  	[sflag:s0] =	ssyncadd.s32 $0xFFFFFFC0  }
0x83: {  	_ =	swait.ge [sflag:s3], $0x40  }
0x84: {  	[sflag:s3] =	ssyncset.done $0x0  }
0x85: {  	[sflag:s3] =	ssyncadd.s32 $0xFFFFFFC0  }
0x86: {  	v4 =	vld [tilespmem:$0x80]  }
0x87: {  	v5 =	vld [tilespmem:$0x90]  }
0x88: {  	v6 =	vld [tilespmem:$0xA0]  }
0x89: {  	v7 =	vld [tilespmem:$0xB0];
	_ =	sdelay $0x1  }
0x8a: {  	vm0 =	vge.s32 v4, v0  }
0x8b: {  	vm1 =	vlt.s32 v4, v1;
	vm2 =	vge.s32 v5, v0;
	vm3 =	vlt.s32 v5, v1  }
0x8c: {  	v4 =	vsub.s32 v4, v0;
	v5 =	vsub.s32 v5, v0;
	vm10 =	vge.s32 v6, v0  }
0x8d: {  	vm11 =	vlt.s32 v6, v1;
	vm13 =	vge.s32 v7, v0;
	vm0 =	vmand vm0, vm1  }
0x8e: {  	vm14 =	vlt.s32 v7, v1;
	vm9 =	vmand vm2, vm3;
	v4 =	vsel vm0, v4, v2  }
0x8f: {  	vm12 =	vmand vm10, vm11;
	v5 =	vsel vm9, v5, v2;
	[tilespmem:$0x100] =	vst v4;
	v4 =	vsub.s32 v6, v0  }
0x90: {  	vm15 =	vmand vm13, vm14;
	[tilespmem:$0x110] =	vst v5;
	v5 =	vsub.s32 v7, v0;
	v4 =	vsel vm12, v4, v2  }
0x91: {  	[tilespmem:$0x120] =	vst v4;
	v4 =	vsel vm15, v5, v2  }
0x92: {  	[tilespmem:$0x130] =	vst v4  }
0x93: {  	[tilespmem:s29], [sflag:$0x1] =	stream.indirect.gather [hbm4b:s5+s7], $0x80, s26, s7, $0xb8;
	[tilespmem:$0x1CB00] =	vst v63  }
0x94: {  	_ = 	snop  }
0x95: {  	[tilespmem:s8], [sflag:$0x2] =	stream.indirect.gather [hbm4b:s6+s7], $0x80, s26, s7, $0xb8;
	[tilespmem:$0x1CB00] =	vst v63  }
.LBB2_4:
0x96: {  	_ =	swait.ge [sflag:s9], $0x2000  }
0x97: {  	[sflag:s9] =	ssyncset.done $0x0  }
0x98: {  	[sflag:s9] =	ssyncadd.s32 $0xFFFFE000  }
0x99: {  	_ =	swait.ge [sflag:s10], $0x2000  }
0x9a: {  	[sflag:s10] =	ssyncset.done $0x0  }
0x9b: {  	p0 =	seq.s32 s26, $0x0;
	[sflag:s10] =	ssyncadd.s32 $0xFFFFE000  }
0x9c: {  	[spmem:s1] =	stream.indirect.scatter.add.f32 [tilespmem:s29], [sflag:$0x5], $0x80, s11, s7, $0xb8;
	[tilespmem:$0x1CB00] =	vst v63  }
0x9d: {  	s23 =	simm.s32 @!p0 $0x7  }
0x9e: {  	[spmem:s2] =	stream.indirect.scatter.add.f32 [tilespmem:s8], [sflag:$0x6], $0x80, s11, s7, $0xb8;
	[tilespmem:$0x1CB00] =	vst v63  }
0x9f: {  	_ =	swait.ge @!p0 [sflag:s23], $0x2000  }
0xa0: {  	[sflag:s23] =	ssyncset.done @!p0 $0x0  }
0xa1: {  	[sflag:s23] =	ssyncadd.s32 @!p0 $0xFFFFE000;
	s23 =	simm.s32 @!p0 $0x8  }
0xa2: {  	_ =	swait.ge @!p0 [sflag:s23], $0x2000  }
0xa3: {  	s28 =	sadd.s32 s26, s17;
	[sflag:s23] =	ssyncset.done @!p0 $0x0  }
0xa4: {  	s24 =	sadd.s32 $0x8, s28;
	[sflag:s23] =	ssyncadd.s32 @!p0 $0xFFFFE000;
	s23 =	sadd.s32 s26, s16  }
0xa5: {  	[tilespmem:s12], [sflag:$0x9] =	stream.linear.gather [hbm4b:s24+s4], $0x40, $0x38;
	[tilespmem:$0x1CB00] =	vst v63  }
0xa6: {  	s24 =	sadd.s32 $0x8, s23  }
0xa7: {  	[tilespmem:s13], [sflag:$0xA] =	stream.linear.gather [hbm4b:s24+s4], $0x40, $0x38;
	[tilespmem:$0x1CB00] =	vst v63  }
0xa8: {  	_ =	swait.ge [sflag:s0], $0x40  }
0xa9: {  	[sflag:s0] =	ssyncset.done $0x0  }
0xaa: {  	[sflag:s0] =	ssyncadd.s32 $0xFFFFFFC0  }
0xab: {  	_ =	swait.ge [sflag:s3], $0x40  }
0xac: {  	[sflag:s3] =	ssyncset.done $0x0  }
0xad: {  	[sflag:s3] =	ssyncadd.s32 $0xFFFFFFC0  }
0xae: {  	v4 =	vld [tilespmem:$0x200]  }
0xaf: {  	v5 =	vld [tilespmem:$0x210]  }
0xb0: {  	v6 =	vld [tilespmem:$0x220]  }
0xb1: {  	v7 =	vld [tilespmem:$0x230];
	_ =	sdelay $0x1  }
0xb2: {  	vm0 =	vge.s32 v4, v0  }
0xb3: {  	vm1 =	vlt.s32 v4, v1;
	vm2 =	vge.s32 v5, v0;
	vm3 =	vlt.s32 v5, v1  }
0xb4: {  	v4 =	vsub.s32 v4, v0;
	v5 =	vsub.s32 v5, v0;
	vm10 =	vge.s32 v6, v0  }
0xb5: {  	vm11 =	vlt.s32 v6, v1;
	vm13 =	vge.s32 v7, v0;
	vm0 =	vmand vm0, vm1  }
0xb6: {  	vm14 =	vlt.s32 v7, v1;
	vm9 =	vmand vm2, vm3;
	v4 =	vsel vm0, v4, v2  }
0xb7: {  	vm12 =	vmand vm10, vm11;
	v5 =	vsel vm9, v5, v2;
	[tilespmem:$0x280] =	vst v4;
	v4 =	vsub.s32 v6, v0  }
0xb8: {  	vm15 =	vmand vm13, vm14;
	[tilespmem:$0x290] =	vst v5;
	v5 =	vsub.s32 v7, v0;
	v4 =	vsel vm12, v4, v2  }
0xb9: {  	[tilespmem:$0x2A0] =	vst v4;
	v4 =	vsel vm15, v5, v2  }
0xba: {  	[tilespmem:$0x2B0] =	vst v4  }
0xbb: {  	[tilespmem:s14], [sflag:$0x3] =	stream.indirect.gather [hbm4b:s5+s7], $0x80, s12, s7, $0xb8;
	[tilespmem:$0x1CB00] =	vst v63  }
0xbc: {  	_ = 	snop  }
0xbd: {  	[tilespmem:s15], [sflag:$0x4] =	stream.indirect.gather [hbm4b:s6+s7], $0x80, s12, s7, $0xb8;
	[tilespmem:$0x1CB00] =	vst v63  }
0xbe: {  	_ =	swait.ge [sflag:s18], $0x2000  }
0xbf: {  	[sflag:s18] =	ssyncset.done $0x0  }
0xc0: {  	[sflag:s18] =	ssyncadd.s32 $0xFFFFE000  }
0xc1: {  	_ =	swait.ge [sflag:s19], $0x2000  }
0xc2: {  	[sflag:s19] =	ssyncset.done $0x0  }
0xc3: {  	[sflag:s19] =	ssyncadd.s32 $0xFFFFE000  }
0xc4: {  	[spmem:s1] =	stream.indirect.scatter.add.f32 [tilespmem:s14], [sflag:$0x7], $0x80, s20, s7, $0xb8;
	[tilespmem:$0x1CB00] =	vst v63  }
0xc5: {  	_ = 	snop  }
0xc6: {  	[spmem:s2] =	stream.indirect.scatter.add.f32 [tilespmem:s15], [sflag:$0x8], $0x80, s20, s7, $0xb8;
	[tilespmem:$0x1CB00] =	vst v63  }
0xc7: {  	p0 =	seq.s32 s26, $0x9C0;
	_ =	swait.ge [sflag:s21], $0x2000  }
.Ltmp3:
0xc8: {  	[sflag:s21] =	ssyncset.done $0x0;
	(pc) =	sbr.rel @p0 .LBB2_6-.Ltmp3, $4  }
0xc9: {  	[sflag:s21] =	ssyncadd.s32 $0xFFFFE000  }
0xca: {  	_ =	swait.ge [sflag:s22], $0x2000  }
0xcb: {  	[sflag:s22] =	ssyncset.done $0x0  }
0xcc: {  	[sflag:s22] =	ssyncadd.s32 $0xFFFFE000  }
0xcd: {  	s24 =	sadd.s32 $0x10, s28  }
0xce: {  	[tilespmem:s4], [sflag:$0x9] =	stream.linear.gather [hbm4b:s24+s4], $0x40, $0x38;
	[tilespmem:$0x1CB00] =	vst v63  }
0xcf: {  	s23 =	sadd.s32 $0x10, s23  }
0xd0: {  	[tilespmem:s31], [sflag:$0xA] =	stream.linear.gather [hbm4b:s23+s4], $0x40, $0x38;
	[tilespmem:$0x1CB00] =	vst v63  }
0xd1: {  	_ =	swait.ge [sflag:s0], $0x40  }
0xd2: {  	[sflag:s0] =	ssyncset.done $0x0  }
0xd3: {  	[sflag:s0] =	ssyncadd.s32 $0xFFFFFFC0  }
0xd4: {  	_ =	swait.ge [sflag:s3], $0x40  }
0xd5: {  	[sflag:s3] =	ssyncset.done $0x0  }
0xd6: {  	[sflag:s3] =	ssyncadd.s32 $0xFFFFFFC0  }
0xd7: {  	v4 =	vld [tilespmem:$0x80]  }
0xd8: {  	v5 =	vld [tilespmem:$0x90]  }
0xd9: {  	v6 =	vld [tilespmem:$0xA0]  }
0xda: {  	v7 =	vld [tilespmem:$0xB0];
	_ =	sdelay $0x1  }
0xdb: {  	vm0 =	vge.s32 v4, v0  }
0xdc: {  	vm1 =	vlt.s32 v4, v1;
	vm2 =	vge.s32 v5, v0;
	vm3 =	vlt.s32 v5, v1  }
0xdd: {  	v4 =	vsub.s32 v4, v0;
	v5 =	vsub.s32 v5, v0;
	vm10 =	vge.s32 v6, v0  }
0xde: {  	vm11 =	vlt.s32 v6, v1;
	vm13 =	vge.s32 v7, v0;
	vm0 =	vmand vm0, vm1  }
0xdf: {  	vm14 =	vlt.s32 v7, v1;
	vm9 =	vmand vm2, vm3;
	v4 =	vsel vm0, v4, v2  }
0xe0: {  	vm12 =	vmand vm10, vm11;
	v5 =	vsel vm9, v5, v2;
	[tilespmem:$0x100] =	vst v4;
	v4 =	vsub.s32 v6, v0  }
0xe1: {  	vm15 =	vmand vm13, vm14;
	[tilespmem:$0x110] =	vst v5;
	v5 =	vsub.s32 v7, v0;
	v4 =	vsel vm12, v4, v2  }
.Ltmp4:
0xe2: {  	[tilespmem:$0x120] =	vst v4;
	v4 =	vsel vm15, v5, v2;
	(pc) =	sbr.rel .LBB2_4-.Ltmp4, $4  }
0xe3: {  	[tilespmem:$0x130] =	vst v4  }
0xe4: {  	[tilespmem:s29], [sflag:$0x1] =	stream.indirect.gather [hbm4b:s5+s7], $0x80, s4, s7, $0xb8;
	[tilespmem:$0x1CB00] =	vst v63  }
0xe5: {  	s26 =	sadd.s32 $0x10, s26  }
0xe6: {  	[tilespmem:s8], [sflag:$0x2] =	stream.indirect.gather [hbm4b:s6+s7], $0x80, s4, s7, $0xb8;
	[tilespmem:$0x1CB00] =	vst v63  }
.LBB2_7:
0xe7: {  	_ =	sfence.sel $0x180000  }
0xe8: {  	[bflag:$0x0] =	sbarrier.arrive $0xFFFF  }
0xe9: {  	_ =	strace $0x9000004D  }
0xea: {  	s0 =	stileid.u32;
	[bflag:$0x2] =	sbarrier.arrive $0xFFFF  }
0xeb: {  	p0 =	sne.s32 s0, $0x0;
	s0 =	rddreg [dreg:$0x4]  }
0xec: {  	s0 =	sadd.s32 @!p0 $0x100000, s0  }
0xed: {  	[sflag:s0] =	ssyncadd.tile.s32 @!p0 $0x1;
	_ =	shalt  }
.Lfunc_end2:
_tile_overlayer_lowered:
.L_overlay_start_2:
0xee: {  	(tag) =	ssettag $0x2  }
0xef: {  	s0 =	rddreg [dreg:$0x0];
	s2 =	stileid.u32  }
0xf0: {  	s1 =	rddreg [dreg:$0x1];
	p0 =	sne.s32 s2, $0x0  }
0xf1: {  	s3 =	rddreg [dreg:$0x2];
	[bflag:$0x3] =	sbarrier.arrive $0xFFFF;
	s2 =	simm.s32 @!p0 $0x1C0B  }
0xf2: {  	[timem:s3], [sflag:s2] =	dma.local @!p0 [hbm:s0], s1  }
0xf3: {  	s0 =	simm.s32 @!p0 $0xB  }
0xf4: {  	_ =	swait.ge @!p0 [sflag:s0], s1  }
0xf5: {  	s1 =	ssub.s32 @!p0 $0x0, s1;
	[sflag:s0] =	ssyncset.done @!p0 $0x0  }
0xf6: {  	[sflag:s0] =	ssyncadd.s32 @!p0 s1  }
0xf7: {  	[bflag:$0x3] =	sbarrier.arrive $0xFFFF  }
0xf8: {  	_ =	shalt  }

// kernel: kernel.19.cloned.1.call-start
scs
__scs_entry_jumppad:
0x0: {  	(pc) =	sbr.rel $0x88, $3  }
0x1: {  	(tag) =	ssettag $0x0;
	lr =	simm.s32 $0x1  }
0x2: {  	[smem:$0x3F96] =	sst lr;
	_ =	strace $0xD0000000  }
0x3: {  	_ = 	snop  }
0x4: {  	_ = 	snop  }
0x5: {  	_ = 	snop  }
0x6: {  	_ = 	snop  }
0x7: {  	_ = 	snop  }
__scs_overlays_trampoline_lowered:
0x8: {  	[smem:$0x3FA5] =	sst s0  }
0x9: {  	[smem:$0x3FA6] =	sst s1  }
0xa: {  	[smem:$0x3FA7] =	sst s2  }
0xb: {  	[smem:$0x3FA8] =	sst s3  }
0xc: {  	[smem:$0x3FA9] =	sst s4  }
0xd: {  	[smem:$0x3FAA] =	sst s5  }
0xe: {  	[smem:$0x3FAB] =	sst s6  }
0xf: {  	[smem:$0x3FAC] =	sst s7  }
0x10: {  	[smem:$0x3FAD] =	sst s8  }
0x11: {  	[smem:$0x3FAE] =	sst s9;
	s0 =	simm.s32 @!p0 $0x0  }
0x12: {  	s1 =	sld [smem:$0x3F94];
	s0 =	simm.s32 @p0 $0x1  }
0x13: {  	[smem:$0x3FAF] =	sst s0;
	s0 =	simm.s32 @!p1 $0x0  }
0x14: {  	s2 =	sld [smem:$0x3F93];
	s0 =	simm.s32 @p1 $0x1  }
0x15: {  	[smem:$0x3FB0] =	sst s0;
	s0 =	simm.s32 @!p2 $0x0  }
0x16: {  	s3 =	sld [smem:$0x3FDB];
	s0 =	simm.s32 @p2 $0x1  }
0x17: {  	s4 =	simm.s32 $0x1BF5;
	[smem:$0x3FB2] =	sst s0  }
0x18: {  	s0 =	sld [smem:$0x3F95];
	_ =	swait.ge [sflag:s4], $0x0  }
0x19: {  	s7 =	sld [smem:$0x3F96]  }
0x1a: {  	s8 =	sadd.s32 $0xFFFFE003, lr  }
0x1b: {  	s9 =	sadd.s32 $0xFFFFFEF7, lr;
	s5 =	simm.s32 $0xFFFFFFFF;
	p2 =	slt.u32 s8, $0xFFFFF086  }
0x1c: {  	p1 =	slt.u32 s9, $0xF7A;
	s5 =	simm.s32 @!p2 $0x0  }
0x1d: {  	s5 =	simm.s32 @p1 $0x1;
	p0 =	seq.s32 s7, s2  }
0x1e: {  	s7 =	smul.u32 @!p0 $0xF7A, s2;
	p2 =	seq.s32 @!p0 s5, $0x0  }
0x1f: {  	s9 =	smul.u32 $0xF7A, s1;
	s8 =	simm.s32 @!p0 $0x1BF5;
	p2 =	por !p2, p0  }
0x20: {  	[sflag:s8] =	ssyncset.s32 @!p0 $0xFFFFF086;
	s6 =	sadd.s32 @!p0 s3, s7;
	s7 =	simm.s32 @!p0 $0x108  }
0x21: {  	s3 =	sadd.s32 s3, s9;
	s6 =	sadd.s32 @!p0 $0x88, s6;
	s7 =	simm.s32 @p2 $0x1082  }
0x22: {  	[simem:s7], [sflag:s8] =	dma.local @!p0 [hbm:s6], $0xF7A  }
0x23: {  	s9 =	sor.u32 $0xD0000000, s2;
	s6 =	simm.s32 $0x108;
	_ =	swait.ge @!p0 [sflag:s8], $0x0  }
0x24: {  	s3 =	sadd.s32 $0x88, s3;
	s6 =	simm.s32 @!p1 $0x1082;
	[sflag:s4] =	ssyncset.s32 $0xFFFFF086  }
0x25: {  	[simem:s6], [sflag:s4] =	dma.local [hbm:s3], $0xF7A  }
0x26: {  	[smem:$0x3F96] =	sst s1;
	(tag) =	ssettag s2;
	_ =	strace s9  }
0x27: {  	s1 =	sld [smem:$0x3FA6]  }
0x28: {  	s2 =	sld [smem:$0x3FA7]  }
0x29: {  	s4 =	sld [smem:$0x3FA9]  }
0x2a: {  	p0 =	seq.s32 s5, $0x0;
	s5 =	sld [smem:$0x3FAA]  }
0x2b: {  	s6 =	sld [smem:$0x3FAB]  }
0x2c: {  	s7 =	sld [smem:$0x3FAC]  }
0x2d: {  	s3 =	simm.s32 $0x108;
	s8 =	sld [smem:$0x3FAD]  }
0x2e: {  	s3 =	simm.s32 @!p0 $0x1082;
	s9 =	sld [smem:$0x3FAE]  }
0x2f: {  	lr =	sadd.s32 s0, s3;
	s0 =	sld [smem:$0x3FA5]  }
0x30: {  	s3 =	sld [smem:$0x3FA8]  }
0x31: {  	[smem:$0x3FB1] =	sst s10  }
0x32: {  	s10 =	sld [smem:$0x3FAF];
	_ =	sdelay $0x3  }
0x33: {  	p0 =	seq.s32 s10, $0x1;
	s10 =	sld [smem:$0x3FB1];
	_ =	sdelay $0x3  }
0x34: {  	[smem:$0x3FB1] =	sst s10  }
0x35: {  	s10 =	sld [smem:$0x3FB0];
	_ =	sdelay $0x3  }
0x36: {  	p1 =	seq.s32 s10, $0x1;
	s10 =	sld [smem:$0x3FB1];
	_ =	sdelay $0x3  }
0x37: {  	[smem:$0x3FB1] =	sst s10  }
0x38: {  	s10 =	sld [smem:$0x3FB2]  }
0x39: {  	_ = 	snop;
	(pc) =	sbr.ind lr, $3  }
0x3a: {  	_ = 	snop  }
0x3b: {  	_ = 	snop  }
0x3c: {  	p2 =	seq.s32 s10, $0x1;
	s10 =	sld [smem:$0x3FB1]  }
0x3d: {  	_ =	shalt  }
0x3e: {  	_ =	shalt  }
0x3f: {  	_ =	shalt  }
0x40: {  	_ =	shalt  }
0x41: {  	_ =	shalt  }
0x42: {  	_ =	shalt  }
0x43: {  	_ =	shalt  }
0x44: {  	_ =	shalt  }
0x45: {  	_ =	shalt  }
0x46: {  	_ =	shalt  }
0x47: {  	_ =	shalt  }
0x48: {  	_ =	shalt  }
0x49: {  	_ =	shalt  }
0x4a: {  	_ =	shalt  }
0x4b: {  	_ =	shalt  }
0x4c: {  	_ =	shalt  }
0x4d: {  	_ =	shalt  }
0x4e: {  	_ =	shalt  }
0x4f: {  	_ =	shalt  }
0x50: {  	_ =	shalt  }
0x51: {  	_ =	shalt  }
0x52: {  	_ =	shalt  }
0x53: {  	_ =	shalt  }
0x54: {  	_ =	shalt  }
0x55: {  	_ =	shalt  }
0x56: {  	_ =	shalt  }
0x57: {  	_ =	shalt  }
0x58: {  	_ =	shalt  }
0x59: {  	_ =	shalt  }
0x5a: {  	_ =	shalt  }
0x5b: {  	_ =	shalt  }
0x5c: {  	_ =	shalt  }
0x5d: {  	_ =	shalt  }
0x5e: {  	_ =	shalt  }
0x5f: {  	_ =	shalt  }
0x60: {  	_ =	shalt  }
0x61: {  	_ =	shalt  }
0x62: {  	_ =	shalt  }
0x63: {  	_ =	shalt  }
0x64: {  	_ =	shalt  }
0x65: {  	_ =	shalt  }
0x66: {  	_ =	shalt  }
0x67: {  	_ =	shalt  }
0x68: {  	_ =	shalt  }
0x69: {  	_ =	shalt  }
0x6a: {  	_ =	shalt  }
0x6b: {  	_ =	shalt  }
0x6c: {  	_ =	shalt  }
0x6d: {  	_ =	shalt  }
0x6e: {  	_ =	shalt  }
0x6f: {  	_ =	shalt  }
0x70: {  	_ =	shalt  }
0x71: {  	_ =	shalt  }
0x72: {  	_ =	shalt  }
0x73: {  	_ =	shalt  }
0x74: {  	_ =	shalt  }
0x75: {  	_ =	shalt  }
0x76: {  	_ =	shalt  }
0x77: {  	_ =	shalt  }
0x78: {  	_ =	shalt  }
0x79: {  	_ =	shalt  }
0x7a: {  	_ =	shalt  }
0x7b: {  	_ =	shalt  }
0x7c: {  	_ =	shalt  }
0x7d: {  	_ =	shalt  }
0x7e: {  	_ =	shalt  }
0x7f: {  	_ =	shalt  }
0x80: {  	_ =	shalt  }
0x81: {  	_ =	shalt  }
0x82: {  	_ =	shalt  }
0x83: {  	_ =	shalt  }
0x84: {  	_ =	shalt  }
0x85: {  	_ =	shalt  }
0x86: {  	_ =	shalt  }
0x87: {  	_ =	shalt  }
.Lfunc_end0:
.L_simem_size_0:
called_computation.3_lowered:
.L_overlay_start_0:
0x88: {  	s2 =	sld [smem:$0x3FD9]  }
0x89: {  	s3 =	sld [smem:$0x3FFE];
	_ =	sdelay $0x1  }
0x8a: {  	s1 =	srdreg.scid  }
0x8b: {  	s0 =	sand.u32 $0x1, s1  }
0x8c: {  	s17 =	sshll.u32 s0, $0xA;
	s2 =	sadd.s32 s3, s2  }
0x8d: {  	s2 =	sadd.s32 s2, s17  }
0x8e: {  	[smem:$0x3FBD] =	sst s2  }
0x8f: {  	_ = 	snop  }
0x90: {  	s2 =	sld [smem:$0x3FD0];
	(tm) =	ssettm $0x1  }
0x91: {  	s18 =	sld [smem:$0x3FFB];
	_ =	sdelay $0x3  }
0x92: {  	_ =	strace s18  }
0x93: {  	s3 =	sld [smem:$0x3FFC];
	_ =	sdelay $0x3  }
0x94: {  	_ =	strace s3  }
0x95: {  	s3 =	sld [smem:$0x3FFD];
	_ =	sdelay $0x3  }
0x96: {  	_ =	strace s3  }
0x97: {  	_ =	strace $0x8FFFFFFF  }
0x98: {  	s19 =	sld [smem:$0x3FDB];
	_ =	sdelay $0x1  }
0x99: {  	s4 =	simm.s32 $_scs_section_size  }
0x9a: {  	s5 =	simm.s32 $_size__tile_overlayer_lowered;
	s6 =	simm.s32 $_tile_overlayer_lowered  }
0x9b: {  	s22 =	simm.s32 $0x1BFF;
	s21 =	sshll.u32 s6, $0x1;
	s3 =	sadd.s32 s4, s19  }
0x9c: {  	s7 =	simm.s32 $0x0;
	s20 =	sshll.u32 s5, $0x1;
	s5 =	sadd.s32 s21, s3  }
0x9d: {  	[timem:s7], [sflag:s22] =	dma.local [hbm:s5], s20  }
0x9e: {  	_ =	swait.ge [sflag:s22], s20  }
0x9f: {  	s4 =	ssub.s32 $0x0, s20;
	[sflag:s22] =	ssyncset.done $0x0  }
0xa0: {  	[sflag:s22] =	ssyncadd.s32 s4;
	_ =	sdelay $0x1  }
0xa1: {  	s23 =	simm.s32 $0x1B8B  }
0xa2: {  	_ =	swait.ge [sflag:s23], $0x1  }
0xa3: {  	[sflag:s23] =	ssyncset.done $0x0  }
0xa4: {  	s25 =	simm.s32 $0x1B8E;
	s24 =	sld [smem:$0x3FFE];
	[sflag:s23] =	ssyncadd.s32 $0xFFFFFFFF  }
0xa5: {  	s26 =	simm.s32 $execute0_lowered;
	[smem:$0x3FD2] =	sst s25  }
0xa6: {  	s5 =	sshll.u32 s26, $0x1;
	_ =	strace $0x8000004F;
	[dreg:$0x1] =	wrdreg $0xFFFFFFFF  }
0xa7: {  	s28 =	simm.s32 $_size_execute0_lowered;
	s3 =	sadd.s32 s3, s5;
	[dreg:$0x0] =	wrdreg $0x0  }
0xa8: {  	s5 =	sshll.u32 s28, $0x1;
	[dreg:$0x2] =	wrdreg s3  }
0xa9: {  	[dreg:$0x3] =	wrdreg s5  }
0xaa: {  	[dreg:$0x4] =	wrdreg $0xC0  }
0xab: {  	_ =	task [dreg:s7], $0x5FFFF  }
0xac: {  	[dreg:$0x1] =	wrdreg $0xFFFFFFFF  }
0xad: {  	[dreg:$0x0] =	wrdreg $0x60  }
0xae: {  	[dreg:$0x2] =	wrdreg s24  }
0xaf: {  	[dreg:$0x3] =	wrdreg s2  }
0xb0: {  	[dreg:$0x4] =	wrdreg $0x83000  }
0xb1: {  	[dreg:$0x5] =	wrdreg $0x127000  }
0xb2: {  	[dreg:$0x6] =	wrdreg $0x9  }
0xb3: {  	_ =	task.clear_ibuf [dreg:s7], $0x7FFFF;
	_ =	strace $0x9000004F  }
0xb4: {  	s29 =	simm.s32 $0x9;
	_ =	strace $0x80000051  }
0xb5: {  	_ =	swait.ge [sflag:s29], $0x1  }
0xb6: {  	[sflag:s29] =	ssyncadd.s32 $0xFFFFFFFF  }
0xb7: {  	_ =	strace $0x90000051  }
0xb8: {  	_ =	sfence  }
0xb9: {  	s30 =	sld [smem:$0x0];
	_ =	sdelay $0x2  }
0xba: {  	s31 =	sshll.u32 s1, $0xD;
	s1 =	sshrl.u32 s1, $0x2  }
0xbb: {  	s3 =	sand.u32 $0x4000, s31;
	s1 =	sadd.s32 s1, s30  }
0xbc: {  	s0 =	sor.u32 s3, s0;
	s1 =	sshll.u32 s1, $0x11  }
0xbd: {  	s0 =	sor.u32 s1, s0  }
0xbe: {  	s0 =	sadd.s32 $0x8F2B, s0  }
0xbf: {  	[sflag:s0] =	ssyncadd.remote.s32 $0x1  }
0xc0: {  	_ =	sfence.sel $0xFFFF  }
0xc1: {  	[dreg:$0x0] =	wrdreg $0xFFFFFFFF;
	(pc) =	sbr.abs _section_cstart, $3  }
0xc2: {  	[dreg:$0x1] =	wrdreg $0xFFFFFFFF  }
0xc3: {  	_ =	task.clear_ibuf [dreg:s7], $0x2FFFF;
	_ =	strace $0x9FFFFFFF  }
0xc4: {  	(tm) =	ssettm $0x7FFFFFFF  }
0xc5: {  	_ =	shalt  }
tec
execute0_lowered:
.L_overlay_start_1:
0x0: {  	(tag) =	ssettag $0x1  }
0x1: {  	s0 =	rddreg [dreg:$0x0]  }
0x2: {  	s3 =	rddreg [dreg:$0x1]  }
0x3: {  	s1 =	rddreg [dreg:$0x2]  }
0x4: {  	s2 =	rddreg [dreg:$0x3]  }
0x5: {  	s4 =	srdreg.scid;
	s18 =	stileid.u32  }
0x6: {  	s29 =	simm.s32 $0x300;
	s30 =	simm.s32 $0xB;
	s8 =	smul.u32 $0x140, s18  }
0x7: {  	s31 =	simm.s32 $0x80;
	s7 =	sand.u32 $0x1, s4;
	s9 =	smul.u32 $0xA400, s18  }
0x8: {  	s4 =	simm.s32 $0x0;
	s5 =	sadd.s32 $0xE400, s0;
	s14 =	smul.u32 $0x4E80, s18  }
0x9: {  	s6 =	sadd.s32 $0x36400, s0;
	s10 =	sadd.s32 $0x4600, s0;
	s26 =	smul.u32 $0x9D0, s18  }
0xa: {  	s20 =	smul.u32 $0x1400, s7;
	[smem:$0x7FF] =	sst s4;
	s7 =	ssub.s32 $0x2, s7  }
0xb: {  	_ =	strace $0x80000050;
	s17 =	sadd.s32 $0x2000, s9;
	s11 =	sadd.s32 $0x4000, s9  }
0xc: {  	s12 =	sadd.s32 s9, s1;
	s22 =	sadd.s32 $0x6000, s9;
	s13 =	sadd.s32 $0x8000, s9  }
0xd: {  	s24 =	sadd.s32 $0xA000, s9;
	s9 =	sadd.s32 s9, s2;
	[dreg:$0x5] =	wrdreg s12  }
0xe: {  	s16 =	sshrl.u32 s7, $0x1;
	s19 =	sadd.s32 s17, s1;
	[dreg:$0xa] =	wrdreg s9  }
0xf: {  	s25 =	sshrl.u32 s14, $0x3;
	s21 =	sadd.s32 s11, s1;
	[dreg:$0x6] =	wrdreg s19  }
0x10: {  	s8 =	sadd.s32 s8, s20;
	s15 =	sadd.s32 s22, s1;
	[dreg:$0x7] =	wrdreg s21  }
0x11: {  	s7 =	ssub.s32 s7, s16;
	s23 =	sadd.s32 s13, s1;
	[dreg:$0x8] =	wrdreg s15  }
0x12: {  	s28 =	sadd.s32 s3, s25;
	s9 =	sadd.s32 s10, s25;
	[dreg:$0x9] =	wrdreg s23  }
0x13: {  	s16 =	sadd.s32 s26, s10;
	s10 =	smul.u32 $0xA000, s18;
	[dreg:$0xc] =	wrdreg s28  }
0x14: {  	s11 =	sadd.s32 s11, s2;
	s14 =	sadd.s32 s22, s2;
	[dreg:$0xd] =	wrdreg s9  }
0x15: {  	s22 =	sadd.s32 s24, s2;
	s12 =	simm.s32 $0x180;
	[dreg:$0xe] =	wrdreg s11  }
0x16: {  	s8 =	sshll.u32 s8, $0x4;
	[dreg:$0xf] =	wrdreg s14;
	s19 =	sadd.s32 s13, s2  }
0x17: {  	s21 =	sadd.s32 s24, s1;
	[dreg:$0x12] =	wrdreg s22;
	s25 =	smax.u32 s7, $0x1  }
0x18: {  	s7 =	simm.s32 $0x40;
	s9 =	simm.s32 $0x1;
	s11 =	simm.s32 $0x100  }
0x19: {  	s13 =	simm.s32 $0x200;
	s14 =	simm.s32 $0x4300;
	s15 =	simm.s32 $0x6300  }
0x1a: {  	s22 =	simm.s32 $0x6;
	s0 =	sadd.s32 s8, s0;
	[dreg:$0x10] =	wrdreg s19  }
0x1b: {  	s8 =	sadd.s32 s17, s2;
	s17 =	sadd.s32 s26, s3;
	[dreg:$0x11] =	wrdreg s21  }
0x1c: {  	s23 =	sadd.s32 s10, s1;
	s3 =	sadd.s32 s10, s2;
	[dreg:$0x15] =	wrdreg s25  }
0x1d: {  	s10 =	simm.s32 $0x2;
	s19 =	simm.s32 $0x4;
	s21 =	simm.s32 $0x5  }
0x1e: {  	s25 =	simm.s32 $0x0;
	[dreg:$0xb] =	wrdreg s8;
	s24 =	sadd.s32 $0x5E400, s0  }
.Ltmp0:
0x1f: {  	s0 =	sadd.s32 $0x86400, s0;
	s26 =	sshrl.u32 s23, $0x3;
	(pc) =	sbr.rel .LBB2_1-.Ltmp0, $4  }
0x20: {  	s28 =	sshrl.u32 s3, $0x3;
	s23 =	sor.u32 $0x1400, s18;
	[dreg:$0x13] =	wrdreg s24  }
0x21: {  	s3 =	simm.s32 $0xA;
	s8 =	simm.s32 $0x2300;
	[dreg:$0x14] =	wrdreg s0  }
0x22: {  	v3 =	vimm.f32 $0.0e+00;
	s18 =	simm.s32 $0x3;
	[dreg:$0x16] =	wrdreg s26;
	s24 =	sadd.s32 $0x1400, s20  }
0x23: {  	v0 =	vmov s20;
	[dreg:$0x17] =	wrdreg s28;
	s0 =	simm.s32 $0x9;
	s20 =	simm.s32 $0x280;
	v2 =	vmov s23;
	v1 =	vmov s24  }
.LBB2_6:
0x24: {  	s23 =	simm.s32 $0x7  }
0x25: {  	_ =	swait.ge [sflag:s23], $0x2000  }
0x26: {  	[sflag:s23] =	ssyncset.done $0x0  }
0x27: {  	s28 =	simm.s32 $0x8;
	[sflag:s23] =	ssyncadd.s32 $0xFFFFE000  }
0x28: {  	_ =	swait.ge [sflag:s28], $0x2000  }
0x29: {  	[sflag:s28] =	ssyncset.done $0x0  }
0x2a: {  	[sflag:s28] =	ssyncadd.s32 $0xFFFFE000  }
0x2b: {  	s24 =	stileid.u32;
	[bflag:$0x0] =	sbarrier.arrive $0xFFFF  }
0x2c: {  	s23 =	sshll.u32 s24, $0x6;
	s24 =	rddreg [dreg:$0x13]  }
0x2d: {  	s23 =	sor.u32 $0x1C0B, s23;
	s26 =	rddreg [dreg:$0x16]  }
0x2e: {  	[hbm:s24], [sflag:s23] =	dma.local [spmem:s26], $0x1400  }
0x2f: {  	_ =	swait.ge [sflag:s30], $0x1400  }
0x30: {  	[sflag:s30] =	ssyncset.done $0x0;
	s26 =	rddreg [dreg:$0x14]  }
0x31: {  	s28 =	rddreg [dreg:$0x17];
	[sflag:s30] =	ssyncadd.s32 $0xFFFFEC00  }
0x32: {  	[hbm:s26], [sflag:s23] =	dma.local [spmem:s28], $0x1400  }
0x33: {  	_ =	swait.ge [sflag:s30], $0x1400  }
0x34: {  	s25 =	sadd.s32 $0x1, s25;
	s28 =	rddreg [dreg:$0x15]  }
0x35: {  	p0 =	sne.s32 s25, s28  }
.Ltmp1:
0x36: {  	_ = 	snop;
	(pc) =	sbr.rel @!p0 .LBB2_7-.Ltmp1, $3  }
0x37: {  	_ =	sdelay $0x1  }
0x38: {  	[sflag:s30] =	ssyncset.done $0x0  }
0x39: {  	[sflag:s30] =	ssyncadd.s32 $0xFFFFEC00  }
.LBB2_1:
0x3a: {  	s23 =	simm.s32 $0x0;
	s26 =	simm.s32 $0x200  }
.LBB2_2:
0x3b: {  	p0 =	sne.s32 s26, $0x7E00;
	[tilespmem:s23+$0x370] =	vst v3  }
0x3c: {  	[tilespmem:s23+$0x300] =	vst v3  }
0x3d: {  	[tilespmem:s23+$0x310] =	vst v3  }
.Ltmp2:
0x3e: {  	[tilespmem:s23+$0x320] =	vst v3;
	(pc) =	sbr.rel @p0 .LBB2_2-.Ltmp2, $4  }
0x3f: {  	[tilespmem:s23+$0x330] =	vst v3  }
0x40: {  	[tilespmem:s23+$0x340] =	vst v3  }
0x41: {  	[tilespmem:s23+$0x350] =	vst v3  }
0x42: {  	[tilespmem:s23+$0x360] =	vst v3;
	s23 =	sshra.s32 s26, $0x2;
	s26 =	sadd.s32 $0x200, s26  }
0x43: {  	[tilespmem:s23+$0x370] =	vst v3  }
0x44: {  	[tilespmem:s23+$0x300] =	vst v3  }
0x45: {  	[tilespmem:s23+$0x310] =	vst v3  }
0x46: {  	[tilespmem:s23+$0x320] =	vst v3  }
0x47: {  	[tilespmem:s23+$0x330] =	vst v3  }
0x48: {  	[tilespmem:s23+$0x340] =	vst v3  }
0x49: {  	[tilespmem:s23+$0x350] =	vst v3  }
0x4a: {  	[tilespmem:s23+$0x360] =	vst v3;
	s24 =	rddreg [dreg:$0x5]  }
0x4b: {  	[spmem:s24] =	stream.linear.scatter [tilespmem:s29], [sflag:$0xB], $0x2000, $0x38;
	[tilespmem:$0x1CB00] =	vst v63  }
0x4c: {  	_ =	swait.ge [sflag:s30], $0x2000  }
0x4d: {  	[sflag:s30] =	ssyncset.done $0x0  }
0x4e: {  	s26 =	rddreg [dreg:$0x6];
	[sflag:s30] =	ssyncadd.s32 $0xFFFFE000  }
0x4f: {  	[spmem:s26] =	stream.linear.scatter [tilespmem:s29], [sflag:$0xB], $0x2000, $0x38;
	[tilespmem:$0x1CB00] =	vst v63  }
0x50: {  	_ =	swait.ge [sflag:s30], $0x2000  }
0x51: {  	[sflag:s30] =	ssyncset.done $0x0  }
0x52: {  	s28 =	rddreg [dreg:$0x7];
	[sflag:s30] =	ssyncadd.s32 $0xFFFFE000  }
0x53: {  	[spmem:s28] =	stream.linear.scatter [tilespmem:s29], [sflag:$0xB], $0x2000, $0x38;
	[tilespmem:$0x1CB00] =	vst v63  }
0x54: {  	_ =	swait.ge [sflag:s30], $0x2000  }
0x55: {  	[sflag:s30] =	ssyncset.done $0x0  }
0x56: {  	s24 =	rddreg [dreg:$0x8];
	[sflag:s30] =	ssyncadd.s32 $0xFFFFE000  }
0x57: {  	[spmem:s24] =	stream.linear.scatter [tilespmem:s29], [sflag:$0xB], $0x2000, $0x38;
	[tilespmem:$0x1CB00] =	vst v63  }
0x58: {  	_ =	swait.ge [sflag:s30], $0x2000  }
0x59: {  	[sflag:s30] =	ssyncset.done $0x0  }
0x5a: {  	s26 =	rddreg [dreg:$0x9];
	[sflag:s30] =	ssyncadd.s32 $0xFFFFE000  }
0x5b: {  	[spmem:s26] =	stream.linear.scatter [tilespmem:s29], [sflag:$0xB], $0x2000, $0x38;
	[tilespmem:$0x1CB00] =	vst v63  }
0x5c: {  	_ =	swait.ge [sflag:s30], $0x2000  }
0x5d: {  	[sflag:s30] =	ssyncset.done $0x0  }
0x5e: {  	s28 =	rddreg [dreg:$0x11];
	[sflag:s30] =	ssyncadd.s32 $0xFFFFE000  }
0x5f: {  	[spmem:s28] =	stream.linear.scatter [tilespmem:s29], [sflag:$0xB], $0x400, $0x38;
	[tilespmem:$0x1CB00] =	vst v63  }
0x60: {  	_ =	swait.ge [sflag:s30], $0x400  }
0x61: {  	[sflag:s30] =	ssyncset.done $0x0  }
0x62: {  	s24 =	rddreg [dreg:$0xa];
	[sflag:s30] =	ssyncadd.s32 $0xFFFFFC00  }
0x63: {  	[spmem:s24] =	stream.linear.scatter [tilespmem:s29], [sflag:$0xB], $0x2000, $0x38;
	[tilespmem:$0x1CB00] =	vst v63  }
0x64: {  	_ =	swait.ge [sflag:s30], $0x2000  }
0x65: {  	[sflag:s30] =	ssyncset.done $0x0  }
0x66: {  	s26 =	rddreg [dreg:$0xb];
	[sflag:s30] =	ssyncadd.s32 $0xFFFFE000  }
0x67: {  	[spmem:s26] =	stream.linear.scatter [tilespmem:s29], [sflag:$0xB], $0x2000, $0x38;
	[tilespmem:$0x1CB00] =	vst v63  }
0x68: {  	_ =	swait.ge [sflag:s30], $0x2000  }
0x69: {  	[sflag:s30] =	ssyncset.done $0x0  }
0x6a: {  	s28 =	rddreg [dreg:$0xe];
	[sflag:s30] =	ssyncadd.s32 $0xFFFFE000  }
0x6b: {  	[spmem:s28] =	stream.linear.scatter [tilespmem:s29], [sflag:$0xB], $0x2000, $0x38;
	[tilespmem:$0x1CB00] =	vst v63  }
0x6c: {  	_ =	swait.ge [sflag:s30], $0x2000  }
0x6d: {  	[sflag:s30] =	ssyncset.done $0x0  }
0x6e: {  	s24 =	rddreg [dreg:$0xf];
	[sflag:s30] =	ssyncadd.s32 $0xFFFFE000  }
0x6f: {  	[spmem:s24] =	stream.linear.scatter [tilespmem:s29], [sflag:$0xB], $0x2000, $0x38;
	[tilespmem:$0x1CB00] =	vst v63  }
0x70: {  	_ =	swait.ge [sflag:s30], $0x2000  }
0x71: {  	[sflag:s30] =	ssyncset.done $0x0  }
0x72: {  	s26 =	rddreg [dreg:$0x10];
	[sflag:s30] =	ssyncadd.s32 $0xFFFFE000  }
0x73: {  	[spmem:s26] =	stream.linear.scatter [tilespmem:s29], [sflag:$0xB], $0x2000, $0x38;
	[tilespmem:$0x1CB00] =	vst v63  }
0x74: {  	_ =	swait.ge [sflag:s30], $0x2000  }
0x75: {  	[sflag:s30] =	ssyncset.done $0x0  }
0x76: {  	s28 =	rddreg [dreg:$0x12];
	[sflag:s30] =	ssyncadd.s32 $0xFFFFE000  }
0x77: {  	[spmem:s28] =	stream.linear.scatter [tilespmem:s29], [sflag:$0xB], $0x400, $0x38;
	[tilespmem:$0x1CB00] =	vst v63  }
0x78: {  	_ =	swait.ge [sflag:s30], $0x400  }
0x79: {  	[sflag:s30] =	ssyncset.done $0x0  }
0x7a: {  	[sflag:s30] =	ssyncadd.s32 $0xFFFFFC00  }
0x7b: {  	[bflag:$0x0] =	sbarrier.arrive $0xFFFF  }
0x7c: {  	s26 =	simm.s32 $0x0;
	s24 =	rddreg [dreg:$0xc]  }
0x7d: {  	[tilespmem:s26], [sflag:$0x9] =	stream.linear.gather [hbm4b:s24+s26], $0x40, $0x38;
	[tilespmem:$0x1CB00] =	vst v63  }
0x7e: {  	s28 =	rddreg [dreg:$0xd]  }
0x7f: {  	[tilespmem:s31], [sflag:$0xA] =	stream.linear.gather [hbm4b:s28+s26], $0x40, $0x38;
	[tilespmem:$0x1CB00] =	vst v63  }
0x80: {  	_ =	swait.ge [sflag:s0], $0x40  }
0x81: {  	[sflag:s0] =	ssyncset.done $0x0  }
0x82: {  	[sflag:s0] =	ssyncadd.s32 $0xFFFFFFC0  }
0x83: {  	_ =	swait.ge [sflag:s3], $0x40  }
0x84: {  	[sflag:s3] =	ssyncset.done $0x0  }
0x85: {  	[sflag:s3] =	ssyncadd.s32 $0xFFFFFFC0  }
0x86: {  	v4 =	vld [tilespmem:$0x80]  }
0x87: {  	v5 =	vld [tilespmem:$0x90]  }
0x88: {  	v6 =	vld [tilespmem:$0xA0]  }
0x89: {  	v7 =	vld [tilespmem:$0xB0];
	_ =	sdelay $0x1  }
0x8a: {  	vm0 =	vge.s32 v4, v0  }
0x8b: {  	vm1 =	vlt.s32 v4, v1;
	vm2 =	vge.s32 v5, v0;
	vm3 =	vlt.s32 v5, v1  }
0x8c: {  	v4 =	vsub.s32 v4, v0;
	v5 =	vsub.s32 v5, v0;
	vm10 =	vge.s32 v6, v0  }
0x8d: {  	vm11 =	vlt.s32 v6, v1;
	vm13 =	vge.s32 v7, v0;
	vm0 =	vmand vm0, vm1  }
0x8e: {  	vm14 =	vlt.s32 v7, v1;
	vm9 =	vmand vm2, vm3;
	v4 =	vsel vm0, v4, v2  }
0x8f: {  	vm12 =	vmand vm10, vm11;
	v5 =	vsel vm9, v5, v2;
	[tilespmem:$0x100] =	vst v4;
	v4 =	vsub.s32 v6, v0  }
0x90: {  	vm15 =	vmand vm13, vm14;
	[tilespmem:$0x110] =	vst v5;
	v5 =	vsub.s32 v7, v0;
	v4 =	vsel vm12, v4, v2  }
0x91: {  	[tilespmem:$0x120] =	vst v4;
	v4 =	vsel vm15, v5, v2  }
0x92: {  	[tilespmem:$0x130] =	vst v4  }
0x93: {  	[tilespmem:s29], [sflag:$0x1] =	stream.indirect.gather [hbm4b:s5+s7], $0x80, s26, s7, $0xb8;
	[tilespmem:$0x1CB00] =	vst v63  }
0x94: {  	_ = 	snop  }
0x95: {  	[tilespmem:s8], [sflag:$0x2] =	stream.indirect.gather [hbm4b:s6+s7], $0x80, s26, s7, $0xb8;
	[tilespmem:$0x1CB00] =	vst v63  }
.LBB2_4:
0x96: {  	_ =	swait.ge [sflag:s9], $0x2000  }
0x97: {  	[sflag:s9] =	ssyncset.done $0x0  }
0x98: {  	[sflag:s9] =	ssyncadd.s32 $0xFFFFE000  }
0x99: {  	_ =	swait.ge [sflag:s10], $0x2000  }
0x9a: {  	[sflag:s10] =	ssyncset.done $0x0  }
0x9b: {  	p0 =	seq.s32 s26, $0x0;
	[sflag:s10] =	ssyncadd.s32 $0xFFFFE000  }
0x9c: {  	[spmem:s1] =	stream.indirect.scatter.add.f32 [tilespmem:s29], [sflag:$0x5], $0x80, s11, s7, $0xb8;
	[tilespmem:$0x1CB00] =	vst v63  }
0x9d: {  	s23 =	simm.s32 @!p0 $0x7  }
0x9e: {  	[spmem:s2] =	stream.indirect.scatter.add.f32 [tilespmem:s8], [sflag:$0x6], $0x80, s11, s7, $0xb8;
	[tilespmem:$0x1CB00] =	vst v63  }
0x9f: {  	_ =	swait.ge @!p0 [sflag:s23], $0x2000  }
0xa0: {  	[sflag:s23] =	ssyncset.done @!p0 $0x0  }
0xa1: {  	[sflag:s23] =	ssyncadd.s32 @!p0 $0xFFFFE000;
	s23 =	simm.s32 @!p0 $0x8  }
0xa2: {  	_ =	swait.ge @!p0 [sflag:s23], $0x2000  }
0xa3: {  	s28 =	sadd.s32 s26, s17;
	[sflag:s23] =	ssyncset.done @!p0 $0x0  }
0xa4: {  	s24 =	sadd.s32 $0x8, s28;
	[sflag:s23] =	ssyncadd.s32 @!p0 $0xFFFFE000;
	s23 =	sadd.s32 s26, s16  }
0xa5: {  	[tilespmem:s12], [sflag:$0x9] =	stream.linear.gather [hbm4b:s24+s4], $0x40, $0x38;
	[tilespmem:$0x1CB00] =	vst v63  }
0xa6: {  	s24 =	sadd.s32 $0x8, s23  }
0xa7: {  	[tilespmem:s13], [sflag:$0xA] =	stream.linear.gather [hbm4b:s24+s4], $0x40, $0x38;
	[tilespmem:$0x1CB00] =	vst v63  }
0xa8: {  	_ =	swait.ge [sflag:s0], $0x40  }
0xa9: {  	[sflag:s0] =	ssyncset.done $0x0  }
0xaa: {  	[sflag:s0] =	ssyncadd.s32 $0xFFFFFFC0  }
0xab: {  	_ =	swait.ge [sflag:s3], $0x40  }
0xac: {  	[sflag:s3] =	ssyncset.done $0x0  }
0xad: {  	[sflag:s3] =	ssyncadd.s32 $0xFFFFFFC0  }
0xae: {  	v4 =	vld [tilespmem:$0x200]  }
0xaf: {  	v5 =	vld [tilespmem:$0x210]  }
0xb0: {  	v6 =	vld [tilespmem:$0x220]  }
0xb1: {  	v7 =	vld [tilespmem:$0x230];
	_ =	sdelay $0x1  }
0xb2: {  	vm0 =	vge.s32 v4, v0  }
0xb3: {  	vm1 =	vlt.s32 v4, v1;
	vm2 =	vge.s32 v5, v0;
	vm3 =	vlt.s32 v5, v1  }
0xb4: {  	v4 =	vsub.s32 v4, v0;
	v5 =	vsub.s32 v5, v0;
	vm10 =	vge.s32 v6, v0  }
0xb5: {  	vm11 =	vlt.s32 v6, v1;
	vm13 =	vge.s32 v7, v0;
	vm0 =	vmand vm0, vm1  }
0xb6: {  	vm14 =	vlt.s32 v7, v1;
	vm9 =	vmand vm2, vm3;
	v4 =	vsel vm0, v4, v2  }
0xb7: {  	vm12 =	vmand vm10, vm11;
	v5 =	vsel vm9, v5, v2;
	[tilespmem:$0x280] =	vst v4;
	v4 =	vsub.s32 v6, v0  }
0xb8: {  	vm15 =	vmand vm13, vm14;
	[tilespmem:$0x290] =	vst v5;
	v5 =	vsub.s32 v7, v0;
	v4 =	vsel vm12, v4, v2  }
0xb9: {  	[tilespmem:$0x2A0] =	vst v4;
	v4 =	vsel vm15, v5, v2  }
0xba: {  	[tilespmem:$0x2B0] =	vst v4  }
0xbb: {  	[tilespmem:s14], [sflag:$0x3] =	stream.indirect.gather [hbm4b:s5+s7], $0x80, s12, s7, $0xb8;
	[tilespmem:$0x1CB00] =	vst v63  }
0xbc: {  	_ = 	snop  }
0xbd: {  	[tilespmem:s15], [sflag:$0x4] =	stream.indirect.gather [hbm4b:s6+s7], $0x80, s12, s7, $0xb8;
	[tilespmem:$0x1CB00] =	vst v63  }
0xbe: {  	_ =	swait.ge [sflag:s18], $0x2000  }
0xbf: {  	[sflag:s18] =	ssyncset.done $0x0  }
0xc0: {  	[sflag:s18] =	ssyncadd.s32 $0xFFFFE000  }
0xc1: {  	_ =	swait.ge [sflag:s19], $0x2000  }
0xc2: {  	[sflag:s19] =	ssyncset.done $0x0  }
0xc3: {  	[sflag:s19] =	ssyncadd.s32 $0xFFFFE000  }
0xc4: {  	[spmem:s1] =	stream.indirect.scatter.add.f32 [tilespmem:s14], [sflag:$0x7], $0x80, s20, s7, $0xb8;
	[tilespmem:$0x1CB00] =	vst v63  }
0xc5: {  	_ = 	snop  }
0xc6: {  	[spmem:s2] =	stream.indirect.scatter.add.f32 [tilespmem:s15], [sflag:$0x8], $0x80, s20, s7, $0xb8;
	[tilespmem:$0x1CB00] =	vst v63  }
0xc7: {  	p0 =	seq.s32 s26, $0x9C0;
	_ =	swait.ge [sflag:s21], $0x2000  }
.Ltmp3:
0xc8: {  	[sflag:s21] =	ssyncset.done $0x0;
	(pc) =	sbr.rel @p0 .LBB2_6-.Ltmp3, $4  }
0xc9: {  	[sflag:s21] =	ssyncadd.s32 $0xFFFFE000  }
0xca: {  	_ =	swait.ge [sflag:s22], $0x2000  }
0xcb: {  	[sflag:s22] =	ssyncset.done $0x0  }
0xcc: {  	[sflag:s22] =	ssyncadd.s32 $0xFFFFE000  }
0xcd: {  	s24 =	sadd.s32 $0x10, s28  }
0xce: {  	[tilespmem:s4], [sflag:$0x9] =	stream.linear.gather [hbm4b:s24+s4], $0x40, $0x38;
	[tilespmem:$0x1CB00] =	vst v63  }
0xcf: {  	s23 =	sadd.s32 $0x10, s23  }
0xd0: {  	[tilespmem:s31], [sflag:$0xA] =	stream.linear.gather [hbm4b:s23+s4], $0x40, $0x38;
	[tilespmem:$0x1CB00] =	vst v63  }
0xd1: {  	_ =	swait.ge [sflag:s0], $0x40  }
0xd2: {  	[sflag:s0] =	ssyncset.done $0x0  }
0xd3: {  	[sflag:s0] =	ssyncadd.s32 $0xFFFFFFC0  }
0xd4: {  	_ =	swait.ge [sflag:s3], $0x40  }
0xd5: {  	[sflag:s3] =	ssyncset.done $0x0  }
0xd6: {  	[sflag:s3] =	ssyncadd.s32 $0xFFFFFFC0  }
0xd7: {  	v4 =	vld [tilespmem:$0x80]  }
0xd8: {  	v5 =	vld [tilespmem:$0x90]  }
0xd9: {  	v6 =	vld [tilespmem:$0xA0]  }
0xda: {  	v7 =	vld [tilespmem:$0xB0];
	_ =	sdelay $0x1  }
0xdb: {  	vm0 =	vge.s32 v4, v0  }
0xdc: {  	vm1 =	vlt.s32 v4, v1;
	vm2 =	vge.s32 v5, v0;
	vm3 =	vlt.s32 v5, v1  }
0xdd: {  	v4 =	vsub.s32 v4, v0;
	v5 =	vsub.s32 v5, v0;
	vm10 =	vge.s32 v6, v0  }
0xde: {  	vm11 =	vlt.s32 v6, v1;
	vm13 =	vge.s32 v7, v0;
	vm0 =	vmand vm0, vm1  }
0xdf: {  	vm14 =	vlt.s32 v7, v1;
	vm9 =	vmand vm2, vm3;
	v4 =	vsel vm0, v4, v2  }
0xe0: {  	vm12 =	vmand vm10, vm11;
	v5 =	vsel vm9, v5, v2;
	[tilespmem:$0x100] =	vst v4;
	v4 =	vsub.s32 v6, v0  }
0xe1: {  	vm15 =	vmand vm13, vm14;
	[tilespmem:$0x110] =	vst v5;
	v5 =	vsub.s32 v7, v0;
	v4 =	vsel vm12, v4, v2  }
.Ltmp4:
0xe2: {  	[tilespmem:$0x120] =	vst v4;
	v4 =	vsel vm15, v5, v2;
	(pc) =	sbr.rel .LBB2_4-.Ltmp4, $4  }
0xe3: {  	[tilespmem:$0x130] =	vst v4  }
0xe4: {  	[tilespmem:s29], [sflag:$0x1] =	stream.indirect.gather [hbm4b:s5+s7], $0x80, s4, s7, $0xb8;
	[tilespmem:$0x1CB00] =	vst v63  }
0xe5: {  	s26 =	sadd.s32 $0x10, s26  }
0xe6: {  	[tilespmem:s8], [sflag:$0x2] =	stream.indirect.gather [hbm4b:s6+s7], $0x80, s4, s7, $0xb8;
	[tilespmem:$0x1CB00] =	vst v63  }
.LBB2_7:
0xe7: {  	_ =	sfence.sel $0x180000  }
0xe8: {  	[bflag:$0x0] =	sbarrier.arrive $0xFFFF  }
0xe9: {  	_ =	strace $0x90000050  }
0xea: {  	s0 =	stileid.u32;
	[bflag:$0x2] =	sbarrier.arrive $0xFFFF  }
0xeb: {  	p0 =	sne.s32 s0, $0x0;
	s0 =	rddreg [dreg:$0x4]  }
0xec: {  	s0 =	sadd.s32 @!p0 $0x100000, s0  }
0xed: {  	[sflag:s0] =	ssyncadd.tile.s32 @!p0 $0x1;
	_ =	shalt  }
.Lfunc_end2:
_tile_overlayer_lowered:
.L_overlay_start_2:
0xee: {  	(tag) =	ssettag $0x2  }
0xef: {  	s0 =	rddreg [dreg:$0x0];
	s2 =	stileid.u32  }
0xf0: {  	s1 =	rddreg [dreg:$0x1];
	p0 =	sne.s32 s2, $0x0  }
0xf1: {  	s3 =	rddreg [dreg:$0x2];
	[bflag:$0x3] =	sbarrier.arrive $0xFFFF;
	s2 =	simm.s32 @!p0 $0x1C0B  }
0xf2: {  	[timem:s3], [sflag:s2] =	dma.local @!p0 [hbm:s0], s1  }
0xf3: {  	s0 =	simm.s32 @!p0 $0xB  }
0xf4: {  	_ =	swait.ge @!p0 [sflag:s0], s1  }
0xf5: {  	s1 =	ssub.s32 @!p0 $0x0, s1;
	[sflag:s0] =	ssyncset.done @!p0 $0x0  }
0xf6: {  	[sflag:s0] =	ssyncadd.s32 @!p0 s1  }
0xf7: {  	[bflag:$0x3] =	sbarrier.arrive $0xFFFF  }
0xf8: {  	_ =	shalt  }

</sc_bundles>
